<compile_context>
chip_gen: v7x
topology: tpu7x:2x2x1
jax: 0.10.2.dev20260603
libtpu: 0.0.44.dev20260713+nightly
codegen_flags: <defaults>
</compile_context>

<pallas_src>
import functools

import jax
import jax.numpy as jnp
from jax import lax
from jax.experimental import pallas as pl
from jax.experimental.pallas import tpu as pltpu
from jax.experimental.pallas import tpu_sc as plsc

_RATE = 0.5
_NUM_CORES = 2
_NUM_SUBCORES = 16
_NUM_WORKERS = _NUM_CORES * _NUM_SUBCORES
_LANES = 16
_CHUNK = 8
_NBUF = 6
_LAG = 3


def kernel(x):
    B, old_len, D = x.shape
    new_len = int(old_len * _RATE)
    R = B * new_len
    x2 = x.reshape(B * old_len, D)

    rows_per_w = R // _NUM_WORKERS
    n_iter = rows_per_w // _CHUNK

    mesh = plsc.VectorSubcoreMesh(core_axis_name="c", subcore_axis_name="s")

    @functools.partial(
        pl.kernel,
        out_type=jax.ShapeDtypeStruct((R, D), jnp.float32),
        mesh=mesh,
        scratch_types=(
            [pltpu.VMEM((rows_per_w,), jnp.int32)]
            + [pltpu.VMEM((_CHUNK, D), jnp.float32) for _ in range(_NBUF)]
            + [pltpu.SemaphoreType.DMA for _ in range(2 * _NBUF)]
        ),
    )
    def run(x_hbm, o_hbm, idx_v, *scratch):
        bufs = scratch[:_NBUF]
        in_sems = scratch[_NBUF : 2 * _NBUF]
        out_sems = scratch[2 * _NBUF :]
        wid = lax.axis_index("s") * _NUM_CORES + lax.axis_index("c")
        base = wid * rows_per_w
        ramp = lax.iota(jnp.int32, _LANES) * 2
        for k in range(rows_per_w // _LANES):
            idx_v[pl.ds(k * _LANES, _LANES)] = ramp + 2 * (base + k * _LANES)

        def start_in(i):
            return pltpu.async_copy(
                x_hbm.at[idx_v.at[pl.ds(i * _CHUNK, _CHUNK)]],
                bufs[i % _NBUF],
                in_sems[i % _NBUF],
            )

        def start_out(i):
            return pltpu.async_copy(
                bufs[i % _NBUF],
                o_hbm.at[pl.ds(base + i * _CHUNK, _CHUNK)],
                out_sems[i % _NBUF],
            )

        h_in = {}
        h_out = {}
        waited = set()
        for j in range(min(_NBUF, n_iter)):
            h_in[j] = start_in(j)
        for i in range(n_iter):
            h_in[i].wait()
            h_out[i] = start_out(i)
            j = i - _LAG
            if j >= 0 and j + _NBUF < n_iter:
                h_out[j].wait()
                waited.add(j)
                h_in[j + _NBUF] = start_in(j + _NBUF)
        for i in range(n_iter):
            if i not in waited:
                h_out[i].wait()

    out = run(x2)
    return out.reshape(B, new_len, D)

# --- scband reference (transcript-rebuilt; emitter-appended) ---
"""Pipeline reference for scband-resample-nearest-rates-50921132261678 (READ-ONLY COPY).

The authoritative reference and input builder live on the scoring server;
editing this copy changes nothing except your own understanding.
"""

import jax, jax.numpy as jnp
import numpy as np

RATE = 0.5
DIM = 1

def setup_inputs(seed: int = 0) -> dict:
    key = jax.random.key(seed)
    x = jax.random.normal(key, (4, 8192, 2048), dtype=jnp.float32)
    return {"x": x}

def reference(x):
    # nearest-neighbor resampling along DIM with rate RATE, round_fn=floor
    old_len = x.shape[DIM]
    new_len = int(old_len * RATE)
    # target sample positions in source coordinates: i / rate
    idx = jnp.floor(jnp.arange(new_len, dtype=jnp.float32) / RATE).astype(jnp.int32)
    idx = jnp.clip(idx, 0, old_len - 1)
    out = jnp.take(x, idx, axis=DIM)
    return out

if __name__ == "__main__":
    import jax
    _d = setup_inputs()
    print(jax.jit(kernel)(*tuple(_d.values())))

</pallas_src>

<mosaic_0001>
#map = affine_map<(d0, d1) -> (0, 0)>
module attributes {stable_mosaic.version = 14 : i64} {
  func.func @run(%arg0: i32, %arg1: i32, %arg2: memref<32768x2048xf32, #tpu.memory_space<hbm>>, %arg3: memref<16384x2048xf32, #tpu.memory_space<hbm>>, %arg4: memref<512xi32, #tpu.memory_space<vmem>>, %arg5: memref<8x2048xf32, #tpu.memory_space<vmem>>, %arg6: memref<8x2048xf32, #tpu.memory_space<vmem>>, %arg7: memref<8x2048xf32, #tpu.memory_space<vmem>>, %arg8: memref<8x2048xf32, #tpu.memory_space<vmem>>, %arg9: memref<8x2048xf32, #tpu.memory_space<vmem>>, %arg10: memref<8x2048xf32, #tpu.memory_space<vmem>>, %arg11: memref<!tpu.dma_semaphore, #tpu.memory_space<semaphore_mem>>, %arg12: memref<!tpu.dma_semaphore, #tpu.memory_space<semaphore_mem>>, %arg13: memref<!tpu.dma_semaphore, #tpu.memory_space<semaphore_mem>>, %arg14: memref<!tpu.dma_semaphore, #tpu.memory_space<semaphore_mem>>, %arg15: memref<!tpu.dma_semaphore, #tpu.memory_space<semaphore_mem>>, %arg16: memref<!tpu.dma_semaphore, #tpu.memory_space<semaphore_mem>>, %arg17: memref<!tpu.dma_semaphore, #tpu.memory_space<semaphore_mem>>, %arg18: memref<!tpu.dma_semaphore, #tpu.memory_space<semaphore_mem>>, %arg19: memref<!tpu.dma_semaphore, #tpu.memory_space<semaphore_mem>>, %arg20: memref<!tpu.dma_semaphore, #tpu.memory_space<semaphore_mem>>, %arg21: memref<!tpu.dma_semaphore, #tpu.memory_space<semaphore_mem>>, %arg22: memref<!tpu.dma_semaphore, #tpu.memory_space<semaphore_mem>>) attributes {dimension_semantics = [#tpu.dimension_semantics<core_parallel>, #tpu.dimension_semantics<subcore_parallel>], iteration_bounds = array<i64: 2, 16>, scalar_prefetch = 0 : i64, scratch_operands = 19 : i64, tpu.core_type = #tpu.core_type<sc_vector_subcore>, window_params = [{transform_indices = #map}, {transform_indices = #map}]} {
    %mul3A = arith.constant 2 : i32
    %mul3A_0 = arith.muli %arg1, %mul3A : i32
    %add3A = arith.addi %mul3A_0, %arg0 : i32
    %mul3A_1 = arith.constant 512 : i32
    %mul3A_2 = arith.muli %add3A, %mul3A_1 : i32
    %iota3A = tpu.iota {dimensions = array<i32: 0>} : vector<16xi32>
    %mul3A_3 = arith.constant 2 : i32
    %mul3A_4 = vector.broadcast %mul3A_3 : i32 to vector<16xi32>
    %mul3A_5 = arith.muli %iota3A, %mul3A_4 : vector<16xi32>
    %add3A_6 = arith.constant 0 : i32
    %add3A_7 = arith.addi %mul3A_2, %add3A_6 : i32
    %mul3A_8 = arith.constant 2 : i32
    %mul3A_9 = arith.muli %mul3A_8, %add3A_7 : i32
    %add3A_10 = vector.broadcast %mul3A_9 : i32 to vector<16xi32>
    %add3A_11 = arith.addi %mul3A_5, %add3A_10 : vector<16xi32>
    %swap3A = arith.constant 0 : index
    %swap3A_12 = tpu.vector_load %arg4[%swap3A] {strides = array<i32>} : memref<512xi32, #tpu.memory_space<vmem>>, vector<16xi32>,
    %swap3A_13 = vector.shape_cast %swap3A_12 : vector<16xi32> to vector<16xi32>
    %swap3A_14 = vector.shape_cast %add3A_11 : vector<16xi32> to vector<16xi32>
    tpu.vector_store %arg4[%swap3A], %swap3A_14 {strides = array<i32>} : memref<512xi32, #tpu.memory_space<vmem>>, vector<16xi32>,
    %add3A_15 = arith.constant 16 : i32
    %add3A_16 = arith.addi %mul3A_2, %add3A_15 : i32
    %mul3A_17 = arith.constant 2 : i32
    %mul3A_18 = arith.muli %mul3A_17, %add3A_16 : i32
    %add3A_19 = vector.broadcast %mul3A_18 : i32 to vector<16xi32>
    %add3A_20 = arith.addi %mul3A_5, %add3A_19 : vector<16xi32>
    %swap3A_21 = arith.constant 16 : index
    %swap3A_22 = tpu.vector_load %arg4[%swap3A_21] {strides = array<i32>} : memref<512xi32, #tpu.memory_space<vmem>>, vector<16xi32>,
    %swap3A_23 = vector.shape_cast %swap3A_22 : vector<16xi32> to vector<16xi32>
    %swap3A_24 = vector.shape_cast %add3A_20 : vector<16xi32> to vector<16xi32>
    tpu.vector_store %arg4[%swap3A_21], %swap3A_24 {strides = array<i32>} : memref<512xi32, #tpu.memory_space<vmem>>, vector<16xi32>,
    %add3A_25 = arith.constant 32 : i32
    %add3A_26 = arith.addi %mul3A_2, %add3A_25 : i32
    %mul3A_27 = arith.constant 2 : i32
    %mul3A_28 = arith.muli %mul3A_27, %add3A_26 : i32
    %add3A_29 = vector.broadcast %mul3A_28 : i32 to vector<16xi32>
    %add3A_30 = arith.addi %mul3A_5, %add3A_29 : vector<16xi32>
    %swap3A_31 = arith.constant 32 : index
    %swap3A_32 = tpu.vector_load %arg4[%swap3A_31] {strides = array<i32>} : memref<512xi32, #tpu.memory_space<vmem>>, vector<16xi32>,
    %swap3A_33 = vector.shape_cast %swap3A_32 : vector<16xi32> to vector<16xi32>
    %swap3A_34 = vector.shape_cast %add3A_30 : vector<16xi32> to vector<16xi32>
    tpu.vector_store %arg4[%swap3A_31], %swap3A_34 {strides = array<i32>} : memref<512xi32, #tpu.memory_space<vmem>>, vector<16xi32>,
    %add3A_35 = arith.constant 48 : i32
    %add3A_36 = arith.addi %mul3A_2, %add3A_35 : i32
    %mul3A_37 = arith.constant 2 : i32
    %mul3A_38 = arith.muli %mul3A_37, %add3A_36 : i32
    %add3A_39 = vector.broadcast %mul3A_38 : i32 to vector<16xi32>
    %add3A_40 = arith.addi %mul3A_5, %add3A_39 : vector<16xi32>
    %swap3A_41 = arith.constant 48 : index
    %swap3A_42 = tpu.vector_load %arg4[%swap3A_41] {strides = array<i32>} : memref<512xi32, #tpu.memory_space<vmem>>, vector<16xi32>,
    %swap3A_43 = vector.shape_cast %swap3A_42 : vector<16xi32> to vector<16xi32>
    %swap3A_44 = vector.shape_cast %add3A_40 : vector<16xi32> to vector<16xi32>
    tpu.vector_store %arg4[%swap3A_41], %swap3A_44 {strides = array<i32>} : memref<512xi32, #tpu.memory_space<vmem>>, vector<16xi32>,
    %add3A_45 = arith.constant 64 : i32
    %add3A_46 = arith.addi %mul3A_2, %add3A_45 : i32
    %mul3A_47 = arith.constant 2 : i32
    %mul3A_48 = arith.muli %mul3A_47, %add3A_46 : i32
    %add3A_49 = vector.broadcast %mul3A_48 : i32 to vector<16xi32>
    %add3A_50 = arith.addi %mul3A_5, %add3A_49 : vector<16xi32>
    %swap3A_51 = arith.constant 64 : index
    %swap3A_52 = tpu.vector_load %arg4[%swap3A_51] {strides = array<i32>} : memref<512xi32, #tpu.memory_space<vmem>>, vector<16xi32>,
    %swap3A_53 = vector.shape_cast %swap3A_52 : vector<16xi32> to vector<16xi32>
    %swap3A_54 = vector.shape_cast %add3A_50 : vector<16xi32> to vector<16xi32>
    tpu.vector_store %arg4[%swap3A_51], %swap3A_54 {strides = array<i32>} : memref<512xi32, #tpu.memory_space<vmem>>, vector<16xi32>,
    %add3A_55 = arith.constant 80 : i32
    %add3A_56 = arith.addi %mul3A_2, %add3A_55 : i32
    %mul3A_57 = arith.constant 2 : i32
    %mul3A_58 = arith.muli %mul3A_57, %add3A_56 : i32
    %add3A_59 = vector.broadcast %mul3A_58 : i32 to vector<16xi32>
    %add3A_60 = arith.addi %mul3A_5, %add3A_59 : vector<16xi32>
    %swap3A_61 = arith.constant 80 : index
    %swap3A_62 = tpu.vector_load %arg4[%swap3A_61] {strides = array<i32>} : memref<512xi32, #tpu.memory_space<vmem>>, vector<16xi32>,
    %swap3A_63 = vector.shape_cast %swap3A_62 : vector<16xi32> to vector<16xi32>
    %swap3A_64 = vector.shape_cast %add3A_60 : vector<16xi32> to vector<16xi32>
    tpu.vector_store %arg4[%swap3A_61], %swap3A_64 {strides = array<i32>} : memref<512xi32, #tpu.memory_space<vmem>>, vector<16xi32>,
    %add3A_65 = arith.constant 96 : i32
    %add3A_66 = arith.addi %mul3A_2, %add3A_65 : i32
    %mul3A_67 = arith.constant 2 : i32
    %mul3A_68 = arith.muli %mul3A_67, %add3A_66 : i32
    %add3A_69 = vector.broadcast %mul3A_68 : i32 to vector<16xi32>
    %add3A_70 = arith.addi %mul3A_5, %add3A_69 : vector<16xi32>
    %swap3A_71 = arith.constant 96 : index
    %swap3A_72 = tpu.vector_load %arg4[%swap3A_71] {strides = array<i32>} : memref<512xi32, #tpu.memory_space<vmem>>, vector<16xi32>,
    %swap3A_73 = vector.shape_cast %swap3A_72 : vector<16xi32> to vector<16xi32>
    %swap3A_74 = vector.shape_cast %add3A_70 : vector<16xi32> to vector<16xi32>
    tpu.vector_store %arg4[%swap3A_71], %swap3A_74 {strides = array<i32>} : memref<512xi32, #tpu.memory_space<vmem>>, vector<16xi32>,
    %add3A_75 = arith.constant 112 : i32
    %add3A_76 = arith.addi %mul3A_2, %add3A_75 : i32
    %mul3A_77 = arith.constant 2 : i32
    %mul3A_78 = arith.muli %mul3A_77, %add3A_76 : i32
    %add3A_79 = vector.broadcast %mul3A_78 : i32 to vector<16xi32>
    %add3A_80 = arith.addi %mul3A_5, %add3A_79 : vector<16xi32>
    %swap3A_81 = arith.constant 112 : index
    %swap3A_82 = tpu.vector_load %arg4[%swap3A_81] {strides = array<i32>} : memref<512xi32, #tpu.memory_space<vmem>>, vector<16xi32>,
    %swap3A_83 = vector.shape_cast %swap3A_82 : vector<16xi32> to vector<16xi32>
    %swap3A_84 = vector.shape_cast %add3A_80 : vector<16xi32> to vector<16xi32>
    tpu.vector_store %arg4[%swap3A_81], %swap3A_84 {strides = array<i32>} : memref<512xi32, #tpu.memory_space<vmem>>, vector<16xi32>,
    %add3A_85 = arith.constant 128 : i32
    %add3A_86 = arith.addi %mul3A_2, %add3A_85 : i32
    %mul3A_87 = arith.constant 2 : i32
    %mul3A_88 = arith.muli %mul3A_87, %add3A_86 : i32
    %add3A_89 = vector.broadcast %mul3A_88 : i32 to vector<16xi32>
    %add3A_90 = arith.addi %mul3A_5, %add3A_89 : vector<16xi32>
    %swap3A_91 = arith.constant 128 : index
    %swap3A_92 = tpu.vector_load %arg4[%swap3A_91] {strides = array<i32>} : memref<512xi32, #tpu.memory_space<vmem>>, vector<16xi32>,
    %swap3A_93 = vector.shape_cast %swap3A_92 : vector<16xi32> to vector<16xi32>
    %swap3A_94 = vector.shape_cast %add3A_90 : vector<16xi32> to vector<16xi32>
    tpu.vector_store %arg4[%swap3A_91], %swap3A_94 {strides = array<i32>} : memref<512xi32, #tpu.memory_space<vmem>>, vector<16xi32>,
    %add3A_95 = arith.constant 144 : i32
    %add3A_96 = arith.addi %mul3A_2, %add3A_95 : i32
    %mul3A_97 = arith.constant 2 : i32
    %mul3A_98 = arith.muli %mul3A_97, %add3A_96 : i32
    %add3A_99 = vector.broadcast %mul3A_98 : i32 to vector<16xi32>
    %add3A_100 = arith.addi %mul3A_5, %add3A_99 : vector<16xi32>
    %swap3A_101 = arith.constant 144 : index
    %swap3A_102 = tpu.vector_load %arg4[%swap3A_101] {strides = array<i32>} : memref<512xi32, #tpu.memory_space<vmem>>, vector<16xi32>,
    %swap3A_103 = vector.shape_cast %swap3A_102 : vector<16xi32> to vector<16xi32>
    %swap3A_104 = vector.shape_cast %add3A_100 : vector<16xi32> to vector<16xi32>
    tpu.vector_store %arg4[%swap3A_101], %swap3A_104 {strides = array<i32>} : memref<512xi32, #tpu.memory_space<vmem>>, vector<16xi32>,
    %add3A_105 = arith.constant 160 : i32
    %add3A_106 = arith.addi %mul3A_2, %add3A_105 : i32
    %mul3A_107 = arith.constant 2 : i32
    %mul3A_108 = arith.muli %mul3A_107, %add3A_106 : i32
    %add3A_109 = vector.broadcast %mul3A_108 : i32 to vector<16xi32>
    %add3A_110 = arith.addi %mul3A_5, %add3A_109 : vector<16xi32>
    %swap3A_111 = arith.constant 160 : index
    %swap3A_112 = tpu.vector_load %arg4[%swap3A_111] {strides = array<i32>} : memref<512xi32, #tpu.memory_space<vmem>>, vector<16xi32>,
    %swap3A_113 = vector.shape_cast %swap3A_112 : vector<16xi32> to vector<16xi32>
    %swap3A_114 = vector.shape_cast %add3A_110 : vector<16xi32> to vector<16xi32>
    tpu.vector_store %arg4[%swap3A_111], %swap3A_114 {strides = array<i32>} : memref<512xi32, #tpu.memory_space<vmem>>, vector<16xi32>,
    %add3A_115 = arith.constant 176 : i32
    %add3A_116 = arith.addi %mul3A_2, %add3A_115 : i32
    %mul3A_117 = arith.constant 2 : i32
    %mul3A_118 = arith.muli %mul3A_117, %add3A_116 : i32
    %add3A_119 = vector.broadcast %mul3A_118 : i32 to vector<16xi32>
    %add3A_120 = arith.addi %mul3A_5, %add3A_119 : vector<16xi32>
    %swap3A_121 = arith.constant 176 : index
    %swap3A_122 = tpu.vector_load %arg4[%swap3A_121] {strides = array<i32>} : memref<512xi32, #tpu.memory_space<vmem>>, vector<16xi32>,
    %swap3A_123 = vector.shape_cast %swap3A_122 : vector<16xi32> to vector<16xi32>
    %swap3A_124 = vector.shape_cast %add3A_120 : vector<16xi32> to vector<16xi32>
    tpu.vector_store %arg4[%swap3A_121], %swap3A_124 {strides = array<i32>} : memref<512xi32, #tpu.memory_space<vmem>>, vector<16xi32>,
    %add3A_125 = arith.constant 192 : i32
    %add3A_126 = arith.addi %mul3A_2, %add3A_125 : i32
    %mul3A_127 = arith.constant 2 : i32
    %mul3A_128 = arith.muli %mul3A_127, %add3A_126 : i32
    %add3A_129 = vector.broadcast %mul3A_128 : i32 to vector<16xi32>
    %add3A_130 = arith.addi %mul3A_5, %add3A_129 : vector<16xi32>
    %swap3A_131 = arith.constant 192 : index
    %swap3A_132 = tpu.vector_load %arg4[%swap3A_131] {strides = array<i32>} : memref<512xi32, #tpu.memory_space<vmem>>, vector<16xi32>,
    %swap3A_133 = vector.shape_cast %swap3A_132 : vector<16xi32> to vector<16xi32>
    %swap3A_134 = vector.shape_cast %add3A_130 : vector<16xi32> to vector<16xi32>
    tpu.vector_store %arg4[%swap3A_131], %swap3A_134 {strides = array<i32>} : memref<512xi32, #tpu.memory_space<vmem>>, vector<16xi32>,
    %add3A_135 = arith.constant 208 : i32
    %add3A_136 = arith.addi %mul3A_2, %add3A_135 : i32
    %mul3A_137 = arith.constant 2 : i32
    %mul3A_138 = arith.muli %mul3A_137, %add3A_136 : i32
    %add3A_139 = vector.broadcast %mul3A_138 : i32 to vector<16xi32>
    %add3A_140 = arith.addi %mul3A_5, %add3A_139 : vector<16xi32>
    %swap3A_141 = arith.constant 208 : index
    %swap3A_142 = tpu.vector_load %arg4[%swap3A_141] {strides = array<i32>} : memref<512xi32, #tpu.memory_space<vmem>>, vector<16xi32>,
    %swap3A_143 = vector.shape_cast %swap3A_142 : vector<16xi32> to vector<16xi32>
    %swap3A_144 = vector.shape_cast %add3A_140 : vector<16xi32> to vector<16xi32>
    tpu.vector_store %arg4[%swap3A_141], %swap3A_144 {strides = array<i32>} : memref<512xi32, #tpu.memory_space<vmem>>, vector<16xi32>,
    %add3A_145 = arith.constant 224 : i32
    %add3A_146 = arith.addi %mul3A_2, %add3A_145 : i32
    %mul3A_147 = arith.constant 2 : i32
    %mul3A_148 = arith.muli %mul3A_147, %add3A_146 : i32
    %add3A_149 = vector.broadcast %mul3A_148 : i32 to vector<16xi32>
    %add3A_150 = arith.addi %mul3A_5, %add3A_149 : vector<16xi32>
    %swap3A_151 = arith.constant 224 : index
    %swap3A_152 = tpu.vector_load %arg4[%swap3A_151] {strides = array<i32>} : memref<512xi32, #tpu.memory_space<vmem>>, vector<16xi32>,
    %swap3A_153 = vector.shape_cast %swap3A_152 : vector<16xi32> to vector<16xi32>
    %swap3A_154 = vector.shape_cast %add3A_150 : vector<16xi32> to vector<16xi32>
    tpu.vector_store %arg4[%swap3A_151], %swap3A_154 {strides = array<i32>} : memref<512xi32, #tpu.memory_space<vmem>>, vector<16xi32>,
    %add3A_155 = arith.constant 240 : i32
    %add3A_156 = arith.addi %mul3A_2, %add3A_155 : i32
    %mul3A_157 = arith.constant 2 : i32
    %mul3A_158 = arith.muli %mul3A_157, %add3A_156 : i32
    %add3A_159 = vector.broadcast %mul3A_158 : i32 to vector<16xi32>
    %add3A_160 = arith.addi %mul3A_5, %add3A_159 : vector<16xi32>
    %swap3A_161 = arith.constant 240 : index
    %swap3A_162 = tpu.vector_load %arg4[%swap3A_161] {strides = array<i32>} : memref<512xi32, #tpu.memory_space<vmem>>, vector<16xi32>,
    %swap3A_163 = vector.shape_cast %swap3A_162 : vector<16xi32> to vector<16xi32>
    %swap3A_164 = vector.shape_cast %add3A_160 : vector<16xi32> to vector<16xi32>
    tpu.vector_store %arg4[%swap3A_161], %swap3A_164 {strides = array<i32>} : memref<512xi32, #tpu.memory_space<vmem>>, vector<16xi32>,
    %add3A_165 = arith.constant 256 : i32
    %add3A_166 = arith.addi %mul3A_2, %add3A_165 : i32
    %mul3A_167 = arith.constant 2 : i32
    %mul3A_168 = arith.muli %mul3A_167, %add3A_166 : i32
    %add3A_169 = vector.broadcast %mul3A_168 : i32 to vector<16xi32>
    %add3A_170 = arith.addi %mul3A_5, %add3A_169 : vector<16xi32>
    %swap3A_171 = arith.constant 256 : index
    %swap3A_172 = tpu.vector_load %arg4[%swap3A_171] {strides = array<i32>} : memref<512xi32, #tpu.memory_space<vmem>>, vector<16xi32>,
    %swap3A_173 = vector.shape_cast %swap3A_172 : vector<16xi32> to vector<16xi32>
    %swap3A_174 = vector.shape_cast %add3A_170 : vector<16xi32> to vector<16xi32>
    tpu.vector_store %arg4[%swap3A_171], %swap3A_174 {strides = array<i32>} : memref<512xi32, #tpu.memory_space<vmem>>, vector<16xi32>,
    %add3A_175 = arith.constant 272 : i32
    %add3A_176 = arith.addi %mul3A_2, %add3A_175 : i32
    %mul3A_177 = arith.constant 2 : i32
    %mul3A_178 = arith.muli %mul3A_177, %add3A_176 : i32
    %add3A_179 = vector.broadcast %mul3A_178 : i32 to vector<16xi32>
    %add3A_180 = arith.addi %mul3A_5, %add3A_179 : vector<16xi32>
    %swap3A_181 = arith.constant 272 : index
    %swap3A_182 = tpu.vector_load %arg4[%swap3A_181] {strides = array<i32>} : memref<512xi32, #tpu.memory_space<vmem>>, vector<16xi32>,
    %swap3A_183 = vector.shape_cast %swap3A_182 : vector<16xi32> to vector<16xi32>
    %swap3A_184 = vector.shape_cast %add3A_180 : vector<16xi32> to vector<16xi32>
    tpu.vector_store %arg4[%swap3A_181], %swap3A_184 {strides = array<i32>} : memref<512xi32, #tpu.memory_space<vmem>>, vector<16xi32>,
    %add3A_185 = arith.constant 288 : i32
    %add3A_186 = arith.addi %mul3A_2, %add3A_185 : i32
    %mul3A_187 = arith.constant 2 : i32
    %mul3A_188 = arith.muli %mul3A_187, %add3A_186 : i32
    %add3A_189 = vector.broadcast %mul3A_188 : i32 to vector<16xi32>
    %add3A_190 = arith.addi %mul3A_5, %add3A_189 : vector<16xi32>
    %swap3A_191 = arith.constant 288 : index
    %swap3A_192 = tpu.vector_load %arg4[%swap3A_191] {strides = array<i32>} : memref<512xi32, #tpu.memory_space<vmem>>, vector<16xi32>,
    %swap3A_193 = vector.shape_cast %swap3A_192 : vector<16xi32> to vector<16xi32>
    %swap3A_194 = vector.shape_cast %add3A_190 : vector<16xi32> to vector<16xi32>
    tpu.vector_store %arg4[%swap3A_191], %swap3A_194 {strides = array<i32>} : memref<512xi32, #tpu.memory_space<vmem>>, vector<16xi32>,
    %add3A_195 = arith.constant 304 : i32
    %add3A_196 = arith.addi %mul3A_2, %add3A_195 : i32
    %mul3A_197 = arith.constant 2 : i32
    %mul3A_198 = arith.muli %mul3A_197, %add3A_196 : i32
    %add3A_199 = vector.broadcast %mul3A_198 : i32 to vector<16xi32>
    %add3A_200 = arith.addi %mul3A_5, %add3A_199 : vector<16xi32>
    %swap3A_201 = arith.constant 304 : index
    %swap3A_202 = tpu.vector_load %arg4[%swap3A_201] {strides = array<i32>} : memref<512xi32, #tpu.memory_space<vmem>>, vector<16xi32>,
    %swap3A_203 = vector.shape_cast %swap3A_202 : vector<16xi32> to vector<16xi32>
    %swap3A_204 = vector.shape_cast %add3A_200 : vector<16xi32> to vector<16xi32>
    tpu.vector_store %arg4[%swap3A_201], %swap3A_204 {strides = array<i32>} : memref<512xi32, #tpu.memory_space<vmem>>, vector<16xi32>,
    %add3A_205 = arith.constant 320 : i32
    %add3A_206 = arith.addi %mul3A_2, %add3A_205 : i32
    %mul3A_207 = arith.constant 2 : i32
    %mul3A_208 = arith.muli %mul3A_207, %add3A_206 : i32
    %add3A_209 = vector.broadcast %mul3A_208 : i32 to vector<16xi32>
    %add3A_210 = arith.addi %mul3A_5, %add3A_209 : vector<16xi32>
    %swap3A_211 = arith.constant 320 : index
    %swap3A_212 = tpu.vector_load %arg4[%swap3A_211] {strides = array<i32>} : memref<512xi32, #tpu.memory_space<vmem>>, vector<16xi32>,
    %swap3A_213 = vector.shape_cast %swap3A_212 : vector<16xi32> to vector<16xi32>
    %swap3A_214 = vector.shape_cast %add3A_210 : vector<16xi32> to vector<16xi32>
    tpu.vector_store %arg4[%swap3A_211], %swap3A_214 {strides = array<i32>} : memref<512xi32, #tpu.memory_space<vmem>>, vector<16xi32>,
    %add3A_215 = arith.constant 336 : i32
    %add3A_216 = arith.addi %mul3A_2, %add3A_215 : i32
    %mul3A_217 = arith.constant 2 : i32
    %mul3A_218 = arith.muli %mul3A_217, %add3A_216 : i32
    %add3A_219 = vector.broadcast %mul3A_218 : i32 to vector<16xi32>
    %add3A_220 = arith.addi %mul3A_5, %add3A_219 : vector<16xi32>
    %swap3A_221 = arith.constant 336 : index
    %swap3A_222 = tpu.vector_load %arg4[%swap3A_221] {strides = array<i32>} : memref<512xi32, #tpu.memory_space<vmem>>, vector<16xi32>,
    %swap3A_223 = vector.shape_cast %swap3A_222 : vector<16xi32> to vector<16xi32>
    %swap3A_224 = vector.shape_cast %add3A_220 : vector<16xi32> to vector<16xi32>
    tpu.vector_store %arg4[%swap3A_221], %swap3A_224 {strides = array<i32>} : memref<512xi32, #tpu.memory_space<vmem>>, vector<16xi32>,
    %add3A_225 = arith.constant 352 : i32
    %add3A_226 = arith.addi %mul3A_2, %add3A_225 : i32
    %mul3A_227 = arith.constant 2 : i32
    %mul3A_228 = arith.muli %mul3A_227, %add3A_226 : i32
    %add3A_229 = vector.broadcast %mul3A_228 : i32 to vector<16xi32>
    %add3A_230 = arith.addi %mul3A_5, %add3A_229 : vector<16xi32>
    %swap3A_231 = arith.constant 352 : index
    %swap3A_232 = tpu.vector_load %arg4[%swap3A_231] {strides = array<i32>} : memref<512xi32, #tpu.memory_space<vmem>>, vector<16xi32>,
    %swap3A_233 = vector.shape_cast %swap3A_232 : vector<16xi32> to vector<16xi32>
    %swap3A_234 = vector.shape_cast %add3A_230 : vector<16xi32> to vector<16xi32>
    tpu.vector_store %arg4[%swap3A_231], %swap3A_234 {strides = array<i32>} : memref<512xi32, #tpu.memory_space<vmem>>, vector<16xi32>,
    %add3A_235 = arith.constant 368 : i32
    %add3A_236 = arith.addi %mul3A_2, %add3A_235 : i32
    %mul3A_237 = arith.constant 2 : i32
    %mul3A_238 = arith.muli %mul3A_237, %add3A_236 : i32
    %add3A_239 = vector.broadcast %mul3A_238 : i32 to vector<16xi32>
    %add3A_240 = arith.addi %mul3A_5, %add3A_239 : vector<16xi32>
    %swap3A_241 = arith.constant 368 : index
    %swap3A_242 = tpu.vector_load %arg4[%swap3A_241] {strides = array<i32>} : memref<512xi32, #tpu.memory_space<vmem>>, vector<16xi32>,
    %swap3A_243 = vector.shape_cast %swap3A_242 : vector<16xi32> to vector<16xi32>
    %swap3A_244 = vector.shape_cast %add3A_240 : vector<16xi32> to vector<16xi32>
    tpu.vector_store %arg4[%swap3A_241], %swap3A_244 {strides = array<i32>} : memref<512xi32, #tpu.memory_space<vmem>>, vector<16xi32>,
    %add3A_245 = arith.constant 384 : i32
    %add3A_246 = arith.addi %mul3A_2, %add3A_245 : i32
    %mul3A_247 = arith.constant 2 : i32
    %mul3A_248 = arith.muli %mul3A_247, %add3A_246 : i32
    %add3A_249 = vector.broadcast %mul3A_248 : i32 to vector<16xi32>
    %add3A_250 = arith.addi %mul3A_5, %add3A_249 : vector<16xi32>
    %swap3A_251 = arith.constant 384 : index
    %swap3A_252 = tpu.vector_load %arg4[%swap3A_251] {strides = array<i32>} : memref<512xi32, #tpu.memory_space<vmem>>, vector<16xi32>,
    %swap3A_253 = vector.shape_cast %swap3A_252 : vector<16xi32> to vector<16xi32>
    %swap3A_254 = vector.shape_cast %add3A_250 : vector<16xi32> to vector<16xi32>
    tpu.vector_store %arg4[%swap3A_251], %swap3A_254 {strides = array<i32>} : memref<512xi32, #tpu.memory_space<vmem>>, vector<16xi32>,
    %add3A_255 = arith.constant 400 : i32
    %add3A_256 = arith.addi %mul3A_2, %add3A_255 : i32
    %mul3A_257 = arith.constant 2 : i32
    %mul3A_258 = arith.muli %mul3A_257, %add3A_256 : i32
    %add3A_259 = vector.broadcast %mul3A_258 : i32 to vector<16xi32>
    %add3A_260 = arith.addi %mul3A_5, %add3A_259 : vector<16xi32>
    %swap3A_261 = arith.constant 400 : index
    %swap3A_262 = tpu.vector_load %arg4[%swap3A_261] {strides = array<i32>} : memref<512xi32, #tpu.memory_space<vmem>>, vector<16xi32>,
    %swap3A_263 = vector.shape_cast %swap3A_262 : vector<16xi32> to vector<16xi32>
    %swap3A_264 = vector.shape_cast %add3A_260 : vector<16xi32> to vector<16xi32>
    tpu.vector_store %arg4[%swap3A_261], %swap3A_264 {strides = array<i32>} : memref<512xi32, #tpu.memory_space<vmem>>, vector<16xi32>,
    %add3A_265 = arith.constant 416 : i32
    %add3A_266 = arith.addi %mul3A_2, %add3A_265 : i32
    %mul3A_267 = arith.constant 2 : i32
    %mul3A_268 = arith.muli %mul3A_267, %add3A_266 : i32
    %add3A_269 = vector.broadcast %mul3A_268 : i32 to vector<16xi32>
    %add3A_270 = arith.addi %mul3A_5, %add3A_269 : vector<16xi32>
    %swap3A_271 = arith.constant 416 : index
    %swap3A_272 = tpu.vector_load %arg4[%swap3A_271] {strides = array<i32>} : memref<512xi32, #tpu.memory_space<vmem>>, vector<16xi32>,
    %swap3A_273 = vector.shape_cast %swap3A_272 : vector<16xi32> to vector<16xi32>
    %swap3A_274 = vector.shape_cast %add3A_270 : vector<16xi32> to vector<16xi32>
    tpu.vector_store %arg4[%swap3A_271], %swap3A_274 {strides = array<i32>} : memref<512xi32, #tpu.memory_space<vmem>>, vector<16xi32>,
    %add3A_275 = arith.constant 432 : i32
    %add3A_276 = arith.addi %mul3A_2, %add3A_275 : i32
    %mul3A_277 = arith.constant 2 : i32
    %mul3A_278 = arith.muli %mul3A_277, %add3A_276 : i32
    %add3A_279 = vector.broadcast %mul3A_278 : i32 to vector<16xi32>
    %add3A_280 = arith.addi %mul3A_5, %add3A_279 : vector<16xi32>
    %swap3A_281 = arith.constant 432 : index
    %swap3A_282 = tpu.vector_load %arg4[%swap3A_281] {strides = array<i32>} : memref<512xi32, #tpu.memory_space<vmem>>, vector<16xi32>,
    %swap3A_283 = vector.shape_cast %swap3A_282 : vector<16xi32> to vector<16xi32>
    %swap3A_284 = vector.shape_cast %add3A_280 : vector<16xi32> to vector<16xi32>
    tpu.vector_store %arg4[%swap3A_281], %swap3A_284 {strides = array<i32>} : memref<512xi32, #tpu.memory_space<vmem>>, vector<16xi32>,
    %add3A_285 = arith.constant 448 : i32
    %add3A_286 = arith.addi %mul3A_2, %add3A_285 : i32
    %mul3A_287 = arith.constant 2 : i32
    %mul3A_288 = arith.muli %mul3A_287, %add3A_286 : i32
    %add3A_289 = vector.broadcast %mul3A_288 : i32 to vector<16xi32>
    %add3A_290 = arith.addi %mul3A_5, %add3A_289 : vector<16xi32>
    %swap3A_291 = arith.constant 448 : index
    %swap3A_292 = tpu.vector_load %arg4[%swap3A_291] {strides = array<i32>} : memref<512xi32, #tpu.memory_space<vmem>>, vector<16xi32>,
    %swap3A_293 = vector.shape_cast %swap3A_292 : vector<16xi32> to vector<16xi32>
    %swap3A_294 = vector.shape_cast %add3A_290 : vector<16xi32> to vector<16xi32>
    tpu.vector_store %arg4[%swap3A_291], %swap3A_294 {strides = array<i32>} : memref<512xi32, #tpu.memory_space<vmem>>, vector<16xi32>,
    %add3A_295 = arith.constant 464 : i32
    %add3A_296 = arith.addi %mul3A_2, %add3A_295 : i32
    %mul3A_297 = arith.constant 2 : i32
    %mul3A_298 = arith.muli %mul3A_297, %add3A_296 : i32
    %add3A_299 = vector.broadcast %mul3A_298 : i32 to vector<16xi32>
    %add3A_300 = arith.addi %mul3A_5, %add3A_299 : vector<16xi32>
    %swap3A_301 = arith.constant 464 : index
    %swap3A_302 = tpu.vector_load %arg4[%swap3A_301] {strides = array<i32>} : memref<512xi32, #tpu.memory_space<vmem>>, vector<16xi32>,
    %swap3A_303 = vector.shape_cast %swap3A_302 : vector<16xi32> to vector<16xi32>
    %swap3A_304 = vector.shape_cast %add3A_300 : vector<16xi32> to vector<16xi32>
    tpu.vector_store %arg4[%swap3A_301], %swap3A_304 {strides = array<i32>} : memref<512xi32, #tpu.memory_space<vmem>>, vector<16xi32>,
    %add3A_305 = arith.constant 480 : i32
    %add3A_306 = arith.addi %mul3A_2, %add3A_305 : i32
    %mul3A_307 = arith.constant 2 : i32
    %mul3A_308 = arith.muli %mul3A_307, %add3A_306 : i32
    %add3A_309 = vector.broadcast %mul3A_308 : i32 to vector<16xi32>
    %add3A_310 = arith.addi %mul3A_5, %add3A_309 : vector<16xi32>
    %swap3A_311 = arith.constant 480 : index
    %swap3A_312 = tpu.vector_load %arg4[%swap3A_311] {strides = array<i32>} : memref<512xi32, #tpu.memory_space<vmem>>, vector<16xi32>,
    %swap3A_313 = vector.shape_cast %swap3A_312 : vector<16xi32> to vector<16xi32>
    %swap3A_314 = vector.shape_cast %add3A_310 : vector<16xi32> to vector<16xi32>
    tpu.vector_store %arg4[%swap3A_311], %swap3A_314 {strides = array<i32>} : memref<512xi32, #tpu.memory_space<vmem>>, vector<16xi32>,
    %add3A_315 = arith.constant 496 : i32
    %add3A_316 = arith.addi %mul3A_2, %add3A_315 : i32
    %mul3A_317 = arith.constant 2 : i32
    %mul3A_318 = arith.muli %mul3A_317, %add3A_316 : i32
    %add3A_319 = vector.broadcast %mul3A_318 : i32 to vector<16xi32>
    %add3A_320 = arith.addi %mul3A_5, %add3A_319 : vector<16xi32>
    %swap3A_321 = arith.constant 496 : index
    %swap3A_322 = tpu.vector_load %arg4[%swap3A_321] {strides = array<i32>} : memref<512xi32, #tpu.memory_space<vmem>>, vector<16xi32>,
    %swap3A_323 = vector.shape_cast %swap3A_322 : vector<16xi32> to vector<16xi32>
    %swap3A_324 = vector.shape_cast %add3A_320 : vector<16xi32> to vector<16xi32>
    tpu.vector_store %arg4[%swap3A_321], %swap3A_324 {strides = array<i32>} : memref<512xi32, #tpu.memory_space<vmem>>, vector<16xi32>,
    %dma_start3A = arith.constant 0 : i32
    %dma_start3A_325 = tpu.memref_slice %arg4[%dma_start3A] : memref<512xi32, #tpu.memory_space<vmem>> -> memref<8xi32, #tpu.memory_space<vmem>>
    %dma_start3A_326 = arith.constant 0 : i32
    %dma_start3A_327 = arith.constant 0 : i32
    %dma_start3A_328 = tpu.memref_slice %arg2[%dma_start3A_326, %dma_start3A_327] : memref<32768x2048xf32, #tpu.memory_space<hbm>> -> memref<32768x2048xf32, #tpu.memory_space<hbm>>
    tpu.enqueue_indirect_dma source(%dma_start3A_328 : memref<32768x2048xf32, #tpu.memory_space<hbm>>) target(%arg5 : memref<8x2048xf32, #tpu.memory_space<vmem>>) offsets(%dma_start3A_325 : memref<8xi32, #tpu.memory_space<vmem>>) semaphore(%arg11 : memref<!tpu.dma_semaphore, #tpu.memory_space<semaphore_mem>>)
    %dma_start3A_329 = arith.constant 8 : i32
    %dma_start3A_330 = tpu.memref_slice %arg4[%dma_start3A_329] : memref<512xi32, #tpu.memory_space<vmem>> -> memref<8xi32, #tpu.memory_space<vmem>>
    %dma_start3A_331 = arith.constant 0 : i32
    %dma_start3A_332 = arith.constant 0 : i32
    %dma_start3A_333 = tpu.memref_slice %arg2[%dma_start3A_331, %dma_start3A_332] : memref<32768x2048xf32, #tpu.memory_space<hbm>> -> memref<32768x2048xf32, #tpu.memory_space<hbm>>
    tpu.enqueue_indirect_dma source(%dma_start3A_333 : memref<32768x2048xf32, #tpu.memory_space<hbm>>) target(%arg6 : memref<8x2048xf32, #tpu.memory_space<vmem>>) offsets(%dma_start3A_330 : memref<8xi32, #tpu.memory_space<vmem>>) semaphore(%arg12 : memref<!tpu.dma_semaphore, #tpu.memory_space<semaphore_mem>>)
    %dma_start3A_334 = arith.constant 16 : i32
    %dma_start3A_335 = tpu.memref_slice %arg4[%dma_start3A_334] : memref<512xi32, #tpu.memory_space<vmem>> -> memref<8xi32, #tpu.memory_space<vmem>>
    %dma_start3A_336 = arith.constant 0 : i32
    %dma_start3A_337 = arith.constant 0 : i32
    %dma_start3A_338 = tpu.memref_slice %arg2[%dma_start3A_336, %dma_start3A_337] : memref<32768x2048xf32, #tpu.memory_space<hbm>> -> memref<32768x2048xf32, #tpu.memory_space<hbm>>
    tpu.enqueue_indirect_dma source(%dma_start3A_338 : memref<32768x2048xf32, #tpu.memory_space<hbm>>) target(%arg7 : memref<8x2048xf32, #tpu.memory_space<vmem>>) offsets(%dma_start3A_335 : memref<8xi32, #tpu.memory_space<vmem>>) semaphore(%arg13 : memref<!tpu.dma_semaphore, #tpu.memory_space<semaphore_mem>>)
    %dma_start3A_339 = arith.constant 24 : i32
    %dma_start3A_340 = tpu.memref_slice %arg4[%dma_start3A_339] : memref<512xi32, #tpu.memory_space<vmem>> -> memref<8xi32, #tpu.memory_space<vmem>>
    %dma_start3A_341 = arith.constant 0 : i32
    %dma_start3A_342 = arith.constant 0 : i32
    %dma_start3A_343 = tpu.memref_slice %arg2[%dma_start3A_341, %dma_start3A_342] : memref<32768x2048xf32, #tpu.memory_space<hbm>> -> memref<32768x2048xf32, #tpu.memory_space<hbm>>
    tpu.enqueue_indirect_dma source(%dma_start3A_343 : memref<32768x2048xf32, #tpu.memory_space<hbm>>) target(%arg8 : memref<8x2048xf32, #tpu.memory_space<vmem>>) offsets(%dma_start3A_340 : memref<8xi32, #tpu.memory_space<vmem>>) semaphore(%arg14 : memref<!tpu.dma_semaphore, #tpu.memory_space<semaphore_mem>>)
    %dma_start3A_344 = arith.constant 32 : i32
    %dma_start3A_345 = tpu.memref_slice %arg4[%dma_start3A_344] : memref<512xi32, #tpu.memory_space<vmem>> -> memref<8xi32, #tpu.memory_space<vmem>>
    %dma_start3A_346 = arith.constant 0 : i32
    %dma_start3A_347 = arith.constant 0 : i32
    %dma_start3A_348 = tpu.memref_slice %arg2[%dma_start3A_346, %dma_start3A_347] : memref<32768x2048xf32, #tpu.memory_space<hbm>> -> memref<32768x2048xf32, #tpu.memory_space<hbm>>
    tpu.enqueue_indirect_dma source(%dma_start3A_348 : memref<32768x2048xf32, #tpu.memory_space<hbm>>) target(%arg9 : memref<8x2048xf32, #tpu.memory_space<vmem>>) offsets(%dma_start3A_345 : memref<8xi32, #tpu.memory_space<vmem>>) semaphore(%arg15 : memref<!tpu.dma_semaphore, #tpu.memory_space<semaphore_mem>>)
    %dma_start3A_349 = arith.constant 40 : i32
    %dma_start3A_350 = tpu.memref_slice %arg4[%dma_start3A_349] : memref<512xi32, #tpu.memory_space<vmem>> -> memref<8xi32, #tpu.memory_space<vmem>>
    %dma_start3A_351 = arith.constant 0 : i32
    %dma_start3A_352 = arith.constant 0 : i32
    %dma_start3A_353 = tpu.memref_slice %arg2[%dma_start3A_351, %dma_start3A_352] : memref<32768x2048xf32, #tpu.memory_space<hbm>> -> memref<32768x2048xf32, #tpu.memory_space<hbm>>
    tpu.enqueue_indirect_dma source(%dma_start3A_353 : memref<32768x2048xf32, #tpu.memory_space<hbm>>) target(%arg10 : memref<8x2048xf32, #tpu.memory_space<vmem>>) offsets(%dma_start3A_350 : memref<8xi32, #tpu.memory_space<vmem>>) semaphore(%arg16 : memref<!tpu.dma_semaphore, #tpu.memory_space<semaphore_mem>>)
    %dma_wait3A = arith.constant 0 : i32
    %dma_wait3A_354 = tpu.memref_slice %arg4[%dma_wait3A] : memref<512xi32, #tpu.memory_space<vmem>> -> memref<8xi32, #tpu.memory_space<vmem>>
    %dma_wait3A_355 = arith.constant 0 : i32
    %dma_wait3A_356 = arith.constant 0 : i32
    %dma_wait3A_357 = tpu.memref_slice %arg2[%dma_wait3A_355, %dma_wait3A_356] : memref<32768x2048xf32, #tpu.memory_space<hbm>> -> memref<32768x2048xf32, #tpu.memory_space<hbm>>
    tpu.wait_indirect_dma semaphore(%arg11 : memref<!tpu.dma_semaphore, #tpu.memory_space<semaphore_mem>>) src(%dma_wait3A_357 : memref<32768x2048xf32, #tpu.memory_space<hbm>>) dst(%arg5 : memref<8x2048xf32, #tpu.memory_space<vmem>>)
    %add3A_358 = arith.constant 0 : i32
    %add3A_359 = arith.addi %mul3A_2, %add3A_358 : i32
    %dma_start3A_360 = arith.constant 0 : i32
    %dma_start3A_361 = tpu.memref_slice %arg3[%add3A_359, %dma_start3A_360] : memref<16384x2048xf32, #tpu.memory_space<hbm>> -> memref<8x2048xf32, #tpu.memory_space<hbm>>
    %dma_start3A_362 = arith.constant 0 : i32
    %dma_start3A_363 = tpu.memref_slice %arg3[%add3A_359, %dma_start3A_362] : memref<16384x2048xf32, #tpu.memory_space<hbm>> -> memref<8x2048xf32, #tpu.memory_space<hbm>>
    tpu.enqueue_dma source(%arg5 : memref<8x2048xf32, #tpu.memory_space<vmem>>) target(%dma_start3A_363 : memref<8x2048xf32, #tpu.memory_space<hbm>>) target_semaphore(%arg17 : memref<!tpu.dma_semaphore, #tpu.memory_space<semaphore_mem>>)
    %dma_wait3A_364 = arith.constant 8 : i32
    %dma_wait3A_365 = tpu.memref_slice %arg4[%dma_wait3A_364] : memref<512xi32, #tpu.memory_space<vmem>> -> memref<8xi32, #tpu.memory_space<vmem>>
    %dma_wait3A_366 = arith.constant 0 : i32
    %dma_wait3A_367 = arith.constant 0 : i32
    %dma_wait3A_368 = tpu.memref_slice %arg2[%dma_wait3A_366, %dma_wait3A_367] : memref<32768x2048xf32, #tpu.memory_space<hbm>> -> memref<32768x2048xf32, #tpu.memory_space<hbm>>
    tpu.wait_indirect_dma semaphore(%arg12 : memref<!tpu.dma_semaphore, #tpu.memory_space<semaphore_mem>>) src(%dma_wait3A_368 : memref<32768x2048xf32, #tpu.memory_space<hbm>>) dst(%arg6 : memref<8x2048xf32, #tpu.memory_space<vmem>>)
    %add3A_369 = arith.constant 8 : i32
    %add3A_370 = arith.addi %mul3A_2, %add3A_369 : i32
    %dma_start3A_371 = arith.constant 0 : i32
    %dma_start3A_372 = tpu.memref_slice %arg3[%add3A_370, %dma_start3A_371] : memref<16384x2048xf32, #tpu.memory_space<hbm>> -> memref<8x2048xf32, #tpu.memory_space<hbm>>
    %dma_start3A_373 = arith.constant 0 : i32
    %dma_start3A_374 = tpu.memref_slice %arg3[%add3A_370, %dma_start3A_373] : memref<16384x2048xf32, #tpu.memory_space<hbm>> -> memref<8x2048xf32, #tpu.memory_space<hbm>>
    tpu.enqueue_dma source(%arg6 : memref<8x2048xf32, #tpu.memory_space<vmem>>) target(%dma_start3A_374 : memref<8x2048xf32, #tpu.memory_space<hbm>>) target_semaphore(%arg18 : memref<!tpu.dma_semaphore, #tpu.memory_space<semaphore_mem>>)
    %dma_wait3A_375 = arith.constant 16 : i32
    %dma_wait3A_376 = tpu.memref_slice %arg4[%dma_wait3A_375] : memref<512xi32, #tpu.memory_space<vmem>> -> memref<8xi32, #tpu.memory_space<vmem>>
    %dma_wait3A_377 = arith.constant 0 : i32
    %dma_wait3A_378 = arith.constant 0 : i32
    %dma_wait3A_379 = tpu.memref_slice %arg2[%dma_wait3A_377, %dma_wait3A_378] : memref<32768x2048xf32, #tpu.memory_space<hbm>> -> memref<32768x2048xf32, #tpu.memory_space<hbm>>
    tpu.wait_indirect_dma semaphore(%arg13 : memref<!tpu.dma_semaphore, #tpu.memory_space<semaphore_mem>>) src(%dma_wait3A_379 : memref<32768x2048xf32, #tpu.memory_space<hbm>>) dst(%arg7 : memref<8x2048xf32, #tpu.memory_space<vmem>>)
    %add3A_380 = arith.constant 16 : i32
    %add3A_381 = arith.addi %mul3A_2, %add3A_380 : i32
    %dma_start3A_382 = arith.constant 0 : i32
    %dma_start3A_383 = tpu.memref_slice %arg3[%add3A_381, %dma_start3A_382] : memref<16384x2048xf32, #tpu.memory_space<hbm>> -> memref<8x2048xf32, #tpu.memory_space<hbm>>
    %dma_start3A_384 = arith.constant 0 : i32
    %dma_start3A_385 = tpu.memref_slice %arg3[%add3A_381, %dma_start3A_384] : memref<16384x2048xf32, #tpu.memory_space<hbm>> -> memref<8x2048xf32, #tpu.memory_space<hbm>>
    tpu.enqueue_dma source(%arg7 : memref<8x2048xf32, #tpu.memory_space<vmem>>) target(%dma_start3A_385 : memref<8x2048xf32, #tpu.memory_space<hbm>>) target_semaphore(%arg19 : memref<!tpu.dma_semaphore, #tpu.memory_space<semaphore_mem>>)
    %dma_wait3A_386 = arith.constant 24 : i32
    %dma_wait3A_387 = tpu.memref_slice %arg4[%dma_wait3A_386] : memref<512xi32, #tpu.memory_space<vmem>> -> memref<8xi32, #tpu.memory_space<vmem>>
    %dma_wait3A_388 = arith.constant 0 : i32
    %dma_wait3A_389 = arith.constant 0 : i32
    %dma_wait3A_390 = tpu.memref_slice %arg2[%dma_wait3A_388, %dma_wait3A_389] : memref<32768x2048xf32, #tpu.memory_space<hbm>> -> memref<32768x2048xf32, #tpu.memory_space<hbm>>
    tpu.wait_indirect_dma semaphore(%arg14 : memref<!tpu.dma_semaphore, #tpu.memory_space<semaphore_mem>>) src(%dma_wait3A_390 : memref<32768x2048xf32, #tpu.memory_space<hbm>>) dst(%arg8 : memref<8x2048xf32, #tpu.memory_space<vmem>>)
    %add3A_391 = arith.constant 24 : i32
    %add3A_392 = arith.addi %mul3A_2, %add3A_391 : i32
    %dma_start3A_393 = arith.constant 0 : i32
    %dma_start3A_394 = tpu.memref_slice %arg3[%add3A_392, %dma_start3A_393] : memref<16384x2048xf32, #tpu.memory_space<hbm>> -> memref<8x2048xf32, #tpu.memory_space<hbm>>
    %dma_start3A_395 = arith.constant 0 : i32
    %dma_start3A_396 = tpu.memref_slice %arg3[%add3A_392, %dma_start3A_395] : memref<16384x2048xf32, #tpu.memory_space<hbm>> -> memref<8x2048xf32, #tpu.memory_space<hbm>>
    tpu.enqueue_dma source(%arg8 : memref<8x2048xf32, #tpu.memory_space<vmem>>) target(%dma_start3A_396 : memref<8x2048xf32, #tpu.memory_space<hbm>>) target_semaphore(%arg20 : memref<!tpu.dma_semaphore, #tpu.memory_space<semaphore_mem>>)
    %dma_wait3A_397 = arith.constant 0 : i32
    %dma_wait3A_398 = tpu.memref_slice %arg3[%add3A_359, %dma_wait3A_397] : memref<16384x2048xf32, #tpu.memory_space<hbm>> -> memref<8x2048xf32, #tpu.memory_space<hbm>>
    %dma_wait3A_399 = arith.constant 0 : i32
    %dma_wait3A_400 = tpu.memref_slice %arg3[%add3A_359, %dma_wait3A_399] : memref<16384x2048xf32, #tpu.memory_space<hbm>> -> memref<8x2048xf32, #tpu.memory_space<hbm>>
    tpu.wait_dma2 semaphore(%arg17 : memref<!tpu.dma_semaphore, #tpu.memory_space<semaphore_mem>>) src(%arg5 : memref<8x2048xf32, #tpu.memory_space<vmem>>) dst(%dma_wait3A_400 : memref<8x2048xf32, #tpu.memory_space<hbm>>)
    %dma_start3A_401 = arith.constant 48 : i32
    %dma_start3A_402 = tpu.memref_slice %arg4[%dma_start3A_401] : memref<512xi32, #tpu.memory_space<vmem>> -> memref<8xi32, #tpu.memory_space<vmem>>
    %dma_start3A_403 = arith.constant 0 : i32
    %dma_start3A_404 = arith.constant 0 : i32
    %dma_start3A_405 = tpu.memref_slice %arg2[%dma_start3A_403, %dma_start3A_404] : memref<32768x2048xf32, #tpu.memory_space<hbm>> -> memref<32768x2048xf32, #tpu.memory_space<hbm>>
    tpu.enqueue_indirect_dma source(%dma_start3A_405 : memref<32768x2048xf32, #tpu.memory_space<hbm>>) target(%arg5 : memref<8x2048xf32, #tpu.memory_space<vmem>>) offsets(%dma_start3A_402 : memref<8xi32, #tpu.memory_space<vmem>>) semaphore(%arg11 : memref<!tpu.dma_semaphore, #tpu.memory_space<semaphore_mem>>)
    %dma_wait3A_406 = arith.constant 32 : i32
    %dma_wait3A_407 = tpu.memref_slice %arg4[%dma_wait3A_406] : memref<512xi32, #tpu.memory_space<vmem>> -> memref<8xi32, #tpu.memory_space<vmem>>
    %dma_wait3A_408 = arith.constant 0 : i32
    %dma_wait3A_409 = arith.constant 0 : i32
    %dma_wait3A_410 = tpu.memref_slice %arg2[%dma_wait3A_408, %dma_wait3A_409] : memref<32768x2048xf32, #tpu.memory_space<hbm>> -> memref<32768x2048xf32, #tpu.memory_space<hbm>>
    tpu.wait_indirect_dma semaphore(%arg15 : memref<!tpu.dma_semaphore, #tpu.memory_space<semaphore_mem>>) src(%dma_wait3A_410 : memref<32768x2048xf32, #tpu.memory_space<hbm>>) dst(%arg9 : memref<8x2048xf32, #tpu.memory_space<vmem>>)
    %add3A_411 = arith.constant 32 : i32
    %add3A_412 = arith.addi %mul3A_2, %add3A_411 : i32
    %dma_start3A_413 = arith.constant 0 : i32
    %dma_start3A_414 = tpu.memref_slice %arg3[%add3A_412, %dma_start3A_413] : memref<16384x2048xf32, #tpu.memory_space<hbm>> -> memref<8x2048xf32, #tpu.memory_space<hbm>>
    %dma_start3A_415 = arith.constant 0 : i32
    %dma_start3A_416 = tpu.memref_slice %arg3[%add3A_412, %dma_start3A_415] : memref<16384x2048xf32, #tpu.memory_space<hbm>> -> memref<8x2048xf32, #tpu.memory_space<hbm>>
    tpu.enqueue_dma source(%arg9 : memref<8x2048xf32, #tpu.memory_space<vmem>>) target(%dma_start3A_416 : memref<8x2048xf32, #tpu.memory_space<hbm>>) target_semaphore(%arg21 : memref<!tpu.dma_semaphore, #tpu.memory_space<semaphore_mem>>)
    %dma_wait3A_417 = arith.constant 0 : i32
    %dma_wait3A_418 = tpu.memref_slice %arg3[%add3A_370, %dma_wait3A_417] : memref<16384x2048xf32, #tpu.memory_space<hbm>> -> memref<8x2048xf32, #tpu.memory_space<hbm>>
    %dma_wait3A_419 = arith.constant 0 : i32
    %dma_wait3A_420 = tpu.memref_slice %arg3[%add3A_370, %dma_wait3A_419] : memref<16384x2048xf32, #tpu.memory_space<hbm>> -> memref<8x2048xf32, #tpu.memory_space<hbm>>
    tpu.wait_dma2 semaphore(%arg18 : memref<!tpu.dma_semaphore, #tpu.memory_space<semaphore_mem>>) src(%arg6 : memref<8x2048xf32, #tpu.memory_space<vmem>>) dst(%dma_wait3A_420 : memref<8x2048xf32, #tpu.memory_space<hbm>>)
    %dma_start3A_421 = arith.constant 56 : i32
    %dma_start3A_422 = tpu.memref_slice %arg4[%dma_start3A_421] : memref<512xi32, #tpu.memory_space<vmem>> -> memref<8xi32, #tpu.memory_space<vmem>>
    %dma_start3A_423 = arith.constant 0 : i32
    %dma_start3A_424 = arith.constant 0 : i32
    %dma_start3A_425 = tpu.memref_slice %arg2[%dma_start3A_423, %dma_start3A_424] : memref<32768x2048xf32, #tpu.memory_space<hbm>> -> memref<32768x2048xf32, #tpu.memory_space<hbm>>
    tpu.enqueue_indirect_dma source(%dma_start3A_425 : memref<32768x2048xf32, #tpu.memory_space<hbm>>) target(%arg6 : memref<8x2048xf32, #tpu.memory_space<vmem>>) offsets(%dma_start3A_422 : memref<8xi32, #tpu.memory_space<vmem>>) semaphore(%arg12 : memref<!tpu.dma_semaphore, #tpu.memory_space<semaphore_mem>>)
    %dma_wait3A_426 = arith.constant 40 : i32
    %dma_wait3A_427 = tpu.memref_slice %arg4[%dma_wait3A_426] : memref<512xi32, #tpu.memory_space<vmem>> -> memref<8xi32, #tpu.memory_space<vmem>>
    %dma_wait3A_428 = arith.constant 0 : i32
    %dma_wait3A_429 = arith.constant 0 : i32
    %dma_wait3A_430 = tpu.memref_slice %arg2[%dma_wait3A_428, %dma_wait3A_429] : memref<32768x2048xf32, #tpu.memory_space<hbm>> -> memref<32768x2048xf32, #tpu.memory_space<hbm>>
    tpu.wait_indirect_dma semaphore(%arg16 : memref<!tpu.dma_semaphore, #tpu.memory_space<semaphore_mem>>) src(%dma_wait3A_430 : memref<32768x2048xf32, #tpu.memory_space<hbm>>) dst(%arg10 : memref<8x2048xf32, #tpu.memory_space<vmem>>)
    %add3A_431 = arith.constant 40 : i32
    %add3A_432 = arith.addi %mul3A_2, %add3A_431 : i32
    %dma_start3A_433 = arith.constant 0 : i32
    %dma_start3A_434 = tpu.memref_slice %arg3[%add3A_432, %dma_start3A_433] : memref<16384x2048xf32, #tpu.memory_space<hbm>> -> memref<8x2048xf32, #tpu.memory_space<hbm>>
    %dma_start3A_435 = arith.constant 0 : i32
    %dma_start3A_436 = tpu.memref_slice %arg3[%add3A_432, %dma_start3A_435] : memref<16384x2048xf32, #tpu.memory_space<hbm>> -> memref<8x2048xf32, #tpu.memory_space<hbm>>
    tpu.enqueue_dma source(%arg10 : memref<8x2048xf32, #tpu.memory_space<vmem>>) target(%dma_start3A_436 : memref<8x2048xf32, #tpu.memory_space<hbm>>) target_semaphore(%arg22 : memref<!tpu.dma_semaphore, #tpu.memory_space<semaphore_mem>>)
    %dma_wait3A_437 = arith.constant 0 : i32
    %dma_wait3A_438 = tpu.memref_slice %arg3[%add3A_381, %dma_wait3A_437] : memref<16384x2048xf32, #tpu.memory_space<hbm>> -> memref<8x2048xf32, #tpu.memory_space<hbm>>
    %dma_wait3A_439 = arith.constant 0 : i32
    %dma_wait3A_440 = tpu.memref_slice %arg3[%add3A_381, %dma_wait3A_439] : memref<16384x2048xf32, #tpu.memory_space<hbm>> -> memref<8x2048xf32, #tpu.memory_space<hbm>>
    tpu.wait_dma2 semaphore(%arg19 : memref<!tpu.dma_semaphore, #tpu.memory_space<semaphore_mem>>) src(%arg7 : memref<8x2048xf32, #tpu.memory_space<vmem>>) dst(%dma_wait3A_440 : memref<8x2048xf32, #tpu.memory_space<hbm>>)
    %dma_start3A_441 = arith.constant 64 : i32
    %dma_start3A_442 = tpu.memref_slice %arg4[%dma_start3A_441] : memref<512xi32, #tpu.memory_space<vmem>> -> memref<8xi32, #tpu.memory_space<vmem>>
    %dma_start3A_443 = arith.constant 0 : i32
    %dma_start3A_444 = arith.constant 0 : i32
    %dma_start3A_445 = tpu.memref_slice %arg2[%dma_start3A_443, %dma_start3A_444] : memref<32768x2048xf32, #tpu.memory_space<hbm>> -> memref<32768x2048xf32, #tpu.memory_space<hbm>>
    tpu.enqueue_indirect_dma source(%dma_start3A_445 : memref<32768x2048xf32, #tpu.memory_space<hbm>>) target(%arg7 : memref<8x2048xf32, #tpu.memory_space<vmem>>) offsets(%dma_start3A_442 : memref<8xi32, #tpu.memory_space<vmem>>) semaphore(%arg13 : memref<!tpu.dma_semaphore, #tpu.memory_space<semaphore_mem>>)
    %dma_wait3A_446 = arith.constant 48 : i32
    %dma_wait3A_447 = tpu.memref_slice %arg4[%dma_wait3A_446] : memref<512xi32, #tpu.memory_space<vmem>> -> memref<8xi32, #tpu.memory_space<vmem>>
    %dma_wait3A_448 = arith.constant 0 : i32
    %dma_wait3A_449 = arith.constant 0 : i32
    %dma_wait3A_450 = tpu.memref_slice %arg2[%dma_wait3A_448, %dma_wait3A_449] : memref<32768x2048xf32, #tpu.memory_space<hbm>> -> memref<32768x2048xf32, #tpu.memory_space<hbm>>
    tpu.wait_indirect_dma semaphore(%arg11 : memref<!tpu.dma_semaphore, #tpu.memory_space<semaphore_mem>>) src(%dma_wait3A_450 : memref<32768x2048xf32, #tpu.memory_space<hbm>>) dst(%arg5 : memref<8x2048xf32, #tpu.memory_space<vmem>>)
    %add3A_451 = arith.constant 48 : i32
    %add3A_452 = arith.addi %mul3A_2, %add3A_451 : i32
    %dma_start3A_453 = arith.constant 0 : i32
    %dma_start3A_454 = tpu.memref_slice %arg3[%add3A_452, %dma_start3A_453] : memref<16384x2048xf32, #tpu.memory_space<hbm>> -> memref<8x2048xf32, #tpu.memory_space<hbm>>
    %dma_start3A_455 = arith.constant 0 : i32
    %dma_start3A_456 = tpu.memref_slice %arg3[%add3A_452, %dma_start3A_455] : memref<16384x2048xf32, #tpu.memory_space<hbm>> -> memref<8x2048xf32, #tpu.memory_space<hbm>>
    tpu.enqueue_dma source(%arg5 : memref<8x2048xf32, #tpu.memory_space<vmem>>) target(%dma_start3A_456 : memref<8x2048xf32, #tpu.memory_space<hbm>>) target_semaphore(%arg17 : memref<!tpu.dma_semaphore, #tpu.memory_space<semaphore_mem>>)
    %dma_wait3A_457 = arith.constant 0 : i32
    %dma_wait3A_458 = tpu.memref_slice %arg3[%add3A_392, %dma_wait3A_457] : memref<16384x2048xf32, #tpu.memory_space<hbm>> -> memref<8x2048xf32, #tpu.memory_space<hbm>>
    %dma_wait3A_459 = arith.constant 0 : i32
    %dma_wait3A_460 = tpu.memref_slice %arg3[%add3A_392, %dma_wait3A_459] : memref<16384x2048xf32, #tpu.memory_space<hbm>> -> memref<8x2048xf32, #tpu.memory_space<hbm>>
    tpu.wait_dma2 semaphore(%arg20 : memref<!tpu.dma_semaphore, #tpu.memory_space<semaphore_mem>>) src(%arg8 : memref<8x2048xf32, #tpu.memory_space<vmem>>) dst(%dma_wait3A_460 : memref<8x2048xf32, #tpu.memory_space<hbm>>)
    %dma_start3A_461 = arith.constant 72 : i32
    %dma_start3A_462 = tpu.memref_slice %arg4[%dma_start3A_461] : memref<512xi32, #tpu.memory_space<vmem>> -> memref<8xi32, #tpu.memory_space<vmem>>
    %dma_start3A_463 = arith.constant 0 : i32
    %dma_start3A_464 = arith.constant 0 : i32
    %dma_start3A_465 = tpu.memref_slice %arg2[%dma_start3A_463, %dma_start3A_464] : memref<32768x2048xf32, #tpu.memory_space<hbm>> -> memref<32768x2048xf32, #tpu.memory_space<hbm>>
    tpu.enqueue_indirect_dma source(%dma_start3A_465 : memref<32768x2048xf32, #tpu.memory_space<hbm>>) target(%arg8 : memref<8x2048xf32, #tpu.memory_space<vmem>>) offsets(%dma_start3A_462 : memref<8xi32, #tpu.memory_space<vmem>>) semaphore(%arg14 : memref<!tpu.dma_semaphore, #tpu.memory_space<semaphore_mem>>)
    %dma_wait3A_466 = arith.constant 56 : i32
    %dma_wait3A_467 = tpu.memref_slice %arg4[%dma_wait3A_466] : memref<512xi32, #tpu.memory_space<vmem>> -> memref<8xi32, #tpu.memory_space<vmem>>
    %dma_wait3A_468 = arith.constant 0 : i32
    %dma_wait3A_469 = arith.constant 0 : i32
    %dma_wait3A_470 = tpu.memref_slice %arg2[%dma_wait3A_468, %dma_wait3A_469] : memref<32768x2048xf32, #tpu.memory_space<hbm>> -> memref<32768x2048xf32, #tpu.memory_space<hbm>>
    tpu.wait_indirect_dma semaphore(%arg12 : memref<!tpu.dma_semaphore, #tpu.memory_space<semaphore_mem>>) src(%dma_wait3A_470 : memref<32768x2048xf32, #tpu.memory_space<hbm>>) dst(%arg6 : memref<8x2048xf32, #tpu.memory_space<vmem>>)
    %add3A_471 = arith.constant 56 : i32
    %add3A_472 = arith.addi %mul3A_2, %add3A_471 : i32
    %dma_start3A_473 = arith.constant 0 : i32
    %dma_start3A_474 = tpu.memref_slice %arg3[%add3A_472, %dma_start3A_473] : memref<16384x2048xf32, #tpu.memory_space<hbm>> -> memref<8x2048xf32, #tpu.memory_space<hbm>>
    %dma_start3A_475 = arith.constant 0 : i32
    %dma_start3A_476 = tpu.memref_slice %arg3[%add3A_472, %dma_start3A_475] : memref<16384x2048xf32, #tpu.memory_space<hbm>> -> memref<8x2048xf32, #tpu.memory_space<hbm>>
    tpu.enqueue_dma source(%arg6 : memref<8x2048xf32, #tpu.memory_space<vmem>>) target(%dma_start3A_476 : memref<8x2048xf32, #tpu.memory_space<hbm>>) target_semaphore(%arg18 : memref<!tpu.dma_semaphore, #tpu.memory_space<semaphore_mem>>)
    %dma_wait3A_477 = arith.constant 0 : i32
    %dma_wait3A_478 = tpu.memref_slice %arg3[%add3A_412, %dma_wait3A_477] : memref<16384x2048xf32, #tpu.memory_space<hbm>> -> memref<8x2048xf32, #tpu.memory_space<hbm>>
    %dma_wait3A_479 = arith.constant 0 : i32
    %dma_wait3A_480 = tpu.memref_slice %arg3[%add3A_412, %dma_wait3A_479] : memref<16384x2048xf32, #tpu.memory_space<hbm>> -> memref<8x2048xf32, #tpu.memory_space<hbm>>
    tpu.wait_dma2 semaphore(%arg21 : memref<!tpu.dma_semaphore, #tpu.memory_space<semaphore_mem>>) src(%arg9 : memref<8x2048xf32, #tpu.memory_space<vmem>>) dst(%dma_wait3A_480 : memref<8x2048xf32, #tpu.memory_space<hbm>>)
    %dma_start3A_481 = arith.constant 80 : i32
    %dma_start3A_482 = tpu.memref_slice %arg4[%dma_start3A_481] : memref<512xi32, #tpu.memory_space<vmem>> -> memref<8xi32, #tpu.memory_space<vmem>>
    %dma_start3A_483 = arith.constant 0 : i32
    %dma_start3A_484 = arith.constant 0 : i32
    %dma_start3A_485 = tpu.memref_slice %arg2[%dma_start3A_483, %dma_start3A_484] : memref<32768x2048xf32, #tpu.memory_space<hbm>> -> memref<32768x2048xf32, #tpu.memory_space<hbm>>
    tpu.enqueue_indirect_dma source(%dma_start3A_485 : memref<32768x2048xf32, #tpu.memory_space<hbm>>) target(%arg9 : memref<8x2048xf32, #tpu.memory_space<vmem>>) offsets(%dma_start3A_482 : memref<8xi32, #tpu.memory_space<vmem>>) semaphore(%arg15 : memref<!tpu.dma_semaphore, #tpu.memory_space<semaphore_mem>>)
    %dma_wait3A_486 = arith.constant 64 : i32
    %dma_wait3A_487 = tpu.memref_slice %arg4[%dma_wait3A_486] : memref<512xi32, #tpu.memory_space<vmem>> -> memref<8xi32, #tpu.memory_space<vmem>>
    %dma_wait3A_488 = arith.constant 0 : i32
    %dma_wait3A_489 = arith.constant 0 : i32
    %dma_wait3A_490 = tpu.memref_slice %arg2[%dma_wait3A_488, %dma_wait3A_489] : memref<32768x2048xf32, #tpu.memory_space<hbm>> -> memref<32768x2048xf32, #tpu.memory_space<hbm>>
    tpu.wait_indirect_dma semaphore(%arg13 : memref<!tpu.dma_semaphore, #tpu.memory_space<semaphore_mem>>) src(%dma_wait3A_490 : memref<32768x2048xf32, #tpu.memory_space<hbm>>) dst(%arg7 : memref<8x2048xf32, #tpu.memory_space<vmem>>)
    %add3A_491 = arith.constant 64 : i32
    %add3A_492 = arith.addi %mul3A_2, %add3A_491 : i32
    %dma_start3A_493 = arith.constant 0 : i32
    %dma_start3A_494 = tpu.memref_slice %arg3[%add3A_492, %dma_start3A_493] : memref<16384x2048xf32, #tpu.memory_space<hbm>> -> memref<8x2048xf32, #tpu.memory_space<hbm>>
    %dma_start3A_495 = arith.constant 0 : i32
    %dma_start3A_496 = tpu.memref_slice %arg3[%add3A_492, %dma_start3A_495] : memref<16384x2048xf32, #tpu.memory_space<hbm>> -> memref<8x2048xf32, #tpu.memory_space<hbm>>
    tpu.enqueue_dma source(%arg7 : memref<8x2048xf32, #tpu.memory_space<vmem>>) target(%dma_start3A_496 : memref<8x2048xf32, #tpu.memory_space<hbm>>) target_semaphore(%arg19 : memref<!tpu.dma_semaphore, #tpu.memory_space<semaphore_mem>>)
    %dma_wait3A_497 = arith.constant 0 : i32
    %dma_wait3A_498 = tpu.memref_slice %arg3[%add3A_432, %dma_wait3A_497] : memref<16384x2048xf32, #tpu.memory_space<hbm>> -> memref<8x2048xf32, #tpu.memory_space<hbm>>
    %dma_wait3A_499 = arith.constant 0 : i32
    %dma_wait3A_500 = tpu.memref_slice %arg3[%add3A_432, %dma_wait3A_499] : memref<16384x2048xf32, #tpu.memory_space<hbm>> -> memref<8x2048xf32, #tpu.memory_space<hbm>>
    tpu.wait_dma2 semaphore(%arg22 : memref<!tpu.dma_semaphore, #tpu.memory_space<semaphore_mem>>) src(%arg10 : memref<8x2048xf32, #tpu.memory_space<vmem>>) dst(%dma_wait3A_500 : memref<8x2048xf32, #tpu.memory_space<hbm>>)
    %dma_start3A_501 = arith.constant 88 : i32
    %dma_start3A_502 = tpu.memref_slice %arg4[%dma_start3A_501] : memref<512xi32, #tpu.memory_space<vmem>> -> memref<8xi32, #tpu.memory_space<vmem>>
    %dma_start3A_503 = arith.constant 0 : i32
    %dma_start3A_504 = arith.constant 0 : i32
    %dma_start3A_505 = tpu.memref_slice %arg2[%dma_start3A_503, %dma_start3A_504] : memref<32768x2048xf32, #tpu.memory_space<hbm>> -> memref<32768x2048xf32, #tpu.memory_space<hbm>>
    tpu.enqueue_indirect_dma source(%dma_start3A_505 : memref<32768x2048xf32, #tpu.memory_space<hbm>>) target(%arg10 : memref<8x2048xf32, #tpu.memory_space<vmem>>) offsets(%dma_start3A_502 : memref<8xi32, #tpu.memory_space<vmem>>) semaphore(%arg16 : memref<!tpu.dma_semaphore, #tpu.memory_space<semaphore_mem>>)
    %dma_wait3A_506 = arith.constant 72 : i32
    %dma_wait3A_507 = tpu.memref_slice %arg4[%dma_wait3A_506] : memref<512xi32, #tpu.memory_space<vmem>> -> memref<8xi32, #tpu.memory_space<vmem>>
    %dma_wait3A_508 = arith.constant 0 : i32
    %dma_wait3A_509 = arith.constant 0 : i32
    %dma_wait3A_510 = tpu.memref_slice %arg2[%dma_wait3A_508, %dma_wait3A_509] : memref<32768x2048xf32, #tpu.memory_space<hbm>> -> memref<32768x2048xf32, #tpu.memory_space<hbm>>
    tpu.wait_indirect_dma semaphore(%arg14 : memref<!tpu.dma_semaphore, #tpu.memory_space<semaphore_mem>>) src(%dma_wait3A_510 : memref<32768x2048xf32, #tpu.memory_space<hbm>>) dst(%arg8 : memref<8x2048xf32, #tpu.memory_space<vmem>>)
    %add3A_511 = arith.constant 72 : i32
    %add3A_512 = arith.addi %mul3A_2, %add3A_511 : i32
    %dma_start3A_513 = arith.constant 0 : i32
    %dma_start3A_514 = tpu.memref_slice %arg3[%add3A_512, %dma_start3A_513] : memref<16384x2048xf32, #tpu.memory_space<hbm>> -> memref<8x2048xf32, #tpu.memory_space<hbm>>
    %dma_start3A_515 = arith.constant 0 : i32
    %dma_start3A_516 = tpu.memref_slice %arg3[%add3A_512, %dma_start3A_515] : memref<16384x2048xf32, #tpu.memory_space<hbm>> -> memref<8x2048xf32, #tpu.memory_space<hbm>>
    tpu.enqueue_dma source(%arg8 : memref<8x2048xf32, #tpu.memory_space<vmem>>) target(%dma_start3A_516 : memref<8x2048xf32, #tpu.memory_space<hbm>>) target_semaphore(%arg20 : memref<!tpu.dma_semaphore, #tpu.memory_space<semaphore_mem>>)
    %dma_wait3A_517 = arith.constant 0 : i32
    %dma_wait3A_518 = tpu.memref_slice %arg3[%add3A_452, %dma_wait3A_517] : memref<16384x2048xf32, #tpu.memory_space<hbm>> -> memref<8x2048xf32, #tpu.memory_space<hbm>>
    %dma_wait3A_519 = arith.constant 0 : i32
    %dma_wait3A_520 = tpu.memref_slice %arg3[%add3A_452, %dma_wait3A_519] : memref<16384x2048xf32, #tpu.memory_space<hbm>> -> memref<8x2048xf32, #tpu.memory_space<hbm>>
    tpu.wait_dma2 semaphore(%arg17 : memref<!tpu.dma_semaphore, #tpu.memory_space<semaphore_mem>>) src(%arg5 : memref<8x2048xf32, #tpu.memory_space<vmem>>) dst(%dma_wait3A_520 : memref<8x2048xf32, #tpu.memory_space<hbm>>)
    %dma_start3A_521 = arith.constant 96 : i32
    %dma_start3A_522 = tpu.memref_slice %arg4[%dma_start3A_521] : memref<512xi32, #tpu.memory_space<vmem>> -> memref<8xi32, #tpu.memory_space<vmem>>
    %dma_start3A_523 = arith.constant 0 : i32
    %dma_start3A_524 = arith.constant 0 : i32
    %dma_start3A_525 = tpu.memref_slice %arg2[%dma_start3A_523, %dma_start3A_524] : memref<32768x2048xf32, #tpu.memory_space<hbm>> -> memref<32768x2048xf32, #tpu.memory_space<hbm>>
    tpu.enqueue_indirect_dma source(%dma_start3A_525 : memref<32768x2048xf32, #tpu.memory_space<hbm>>) target(%arg5 : memref<8x2048xf32, #tpu.memory_space<vmem>>) offsets(%dma_start3A_522 : memref<8xi32, #tpu.memory_space<vmem>>) semaphore(%arg11 : memref<!tpu.dma_semaphore, #tpu.memory_space<semaphore_mem>>)
    %dma_wait3A_526 = arith.constant 80 : i32
    %dma_wait3A_527 = tpu.memref_slice %arg4[%dma_wait3A_526] : memref<512xi32, #tpu.memory_space<vmem>> -> memref<8xi32, #tpu.memory_space<vmem>>
    %dma_wait3A_528 = arith.constant 0 : i32
    %dma_wait3A_529 = arith.constant 0 : i32
    %dma_wait3A_530 = tpu.memref_slice %arg2[%dma_wait3A_528, %dma_wait3A_529] : memref<32768x2048xf32, #tpu.memory_space<hbm>> -> memref<32768x2048xf32, #tpu.memory_space<hbm>>
    tpu.wait_indirect_dma semaphore(%arg15 : memref<!tpu.dma_semaphore, #tpu.memory_space<semaphore_mem>>) src(%dma_wait3A_530 : memref<32768x2048xf32, #tpu.memory_space<hbm>>) dst(%arg9 : memref<8x2048xf32, #tpu.memory_space<vmem>>)
    %add3A_531 = arith.constant 80 : i32
    %add3A_532 = arith.addi %mul3A_2, %add3A_531 : i32
    %dma_start3A_533 = arith.constant 0 : i32
    %dma_start3A_534 = tpu.memref_slice %arg3[%add3A_532, %dma_start3A_533] : memref<16384x2048xf32, #tpu.memory_space<hbm>> -> memref<8x2048xf32, #tpu.memory_space<hbm>>
    %dma_start3A_535 = arith.constant 0 : i32
    %dma_start3A_536 = tpu.memref_slice %arg3[%add3A_532, %dma_start3A_535] : memref<16384x2048xf32, #tpu.memory_space<hbm>> -> memref<8x2048xf32, #tpu.memory_space<hbm>>
    tpu.enqueue_dma source(%arg9 : memref<8x2048xf32, #tpu.memory_space<vmem>>) target(%dma_start3A_536 : memref<8x2048xf32, #tpu.memory_space<hbm>>) target_semaphore(%arg21 : memref<!tpu.dma_semaphore, #tpu.memory_space<semaphore_mem>>)
    %dma_wait3A_537 = arith.constant 0 : i32
    %dma_wait3A_538 = tpu.memref_slice %arg3[%add3A_472, %dma_wait3A_537] : memref<16384x2048xf32, #tpu.memory_space<hbm>> -> memref<8x2048xf32, #tpu.memory_space<hbm>>
    %dma_wait3A_539 = arith.constant 0 : i32
    %dma_wait3A_540 = tpu.memref_slice %arg3[%add3A_472, %dma_wait3A_539] : memref<16384x2048xf32, #tpu.memory_space<hbm>> -> memref<8x2048xf32, #tpu.memory_space<hbm>>
    tpu.wait_dma2 semaphore(%arg18 : memref<!tpu.dma_semaphore, #tpu.memory_space<semaphore_mem>>) src(%arg6 : memref<8x2048xf32, #tpu.memory_space<vmem>>) dst(%dma_wait3A_540 : memref<8x2048xf32, #tpu.memory_space<hbm>>)
    %dma_start3A_541 = arith.constant 104 : i32
    %dma_start3A_542 = tpu.memref_slice %arg4[%dma_start3A_541] : memref<512xi32, #tpu.memory_space<vmem>> -> memref<8xi32, #tpu.memory_space<vmem>>
    %dma_start3A_543 = arith.constant 0 : i32
    %dma_start3A_544 = arith.constant 0 : i32
    %dma_start3A_545 = tpu.memref_slice %arg2[%dma_start3A_543, %dma_start3A_544] : memref<32768x2048xf32, #tpu.memory_space<hbm>> -> memref<32768x2048xf32, #tpu.memory_space<hbm>>
    tpu.enqueue_indirect_dma source(%dma_start3A_545 : memref<32768x2048xf32, #tpu.memory_space<hbm>>) target(%arg6 : memref<8x2048xf32, #tpu.memory_space<vmem>>) offsets(%dma_start3A_542 : memref<8xi32, #tpu.memory_space<vmem>>) semaphore(%arg12 : memref<!tpu.dma_semaphore, #tpu.memory_space<semaphore_mem>>)
    %dma_wait3A_546 = arith.constant 88 : i32
    %dma_wait3A_547 = tpu.memref_slice %arg4[%dma_wait3A_546] : memref<512xi32, #tpu.memory_space<vmem>> -> memref<8xi32, #tpu.memory_space<vmem>>
    %dma_wait3A_548 = arith.constant 0 : i32
    %dma_wait3A_549 = arith.constant 0 : i32
    %dma_wait3A_550 = tpu.memref_slice %arg2[%dma_wait3A_548, %dma_wait3A_549] : memref<32768x2048xf32, #tpu.memory_space<hbm>> -> memref<32768x2048xf32, #tpu.memory_space<hbm>>
    tpu.wait_indirect_dma semaphore(%arg16 : memref<!tpu.dma_semaphore, #tpu.memory_space<semaphore_mem>>) src(%dma_wait3A_550 : memref<32768x2048xf32, #tpu.memory_space<hbm>>) dst(%arg10 : memref<8x2048xf32, #tpu.memory_space<vmem>>)
    %add3A_551 = arith.constant 88 : i32
    %add3A_552 = arith.addi %mul3A_2, %add3A_551 : i32
    %dma_start3A_553 = arith.constant 0 : i32
    %dma_start3A_554 = tpu.memref_slice %arg3[%add3A_552, %dma_start3A_553] : memref<16384x2048xf32, #tpu.memory_space<hbm>> -> memref<8x2048xf32, #tpu.memory_space<hbm>>
    %dma_start3A_555 = arith.constant 0 : i32
    %dma_start3A_556 = tpu.memref_slice %arg3[%add3A_552, %dma_start3A_555] : memref<16384x2048xf32, #tpu.memory_space<hbm>> -> memref<8x2048xf32, #tpu.memory_space<hbm>>
    tpu.enqueue_dma source(%arg10 : memref<8x2048xf32, #tpu.memory_space<vmem>>) target(%dma_start3A_556 : memref<8x2048xf32, #tpu.memory_space<hbm>>) target_semaphore(%arg22 : memref<!tpu.dma_semaphore, #tpu.memory_space<semaphore_mem>>)
    %dma_wait3A_557 = arith.constant 0 : i32
    %dma_wait3A_558 = tpu.memref_slice %arg3[%add3A_492, %dma_wait3A_557] : memref<16384x2048xf32, #tpu.memory_space<hbm>> -> memref<8x2048xf32, #tpu.memory_space<hbm>>
    %dma_wait3A_559 = arith.constant 0 : i32
    %dma_wait3A_560 = tpu.memref_slice %arg3[%add3A_492, %dma_wait3A_559] : memref<16384x2048xf32, #tpu.memory_space<hbm>> -> memref<8x2048xf32, #tpu.memory_space<hbm>>
    tpu.wait_dma2 semaphore(%arg19 : memref<!tpu.dma_semaphore, #tpu.memory_space<semaphore_mem>>) src(%arg7 : memref<8x2048xf32, #tpu.memory_space<vmem>>) dst(%dma_wait3A_560 : memref<8x2048xf32, #tpu.memory_space<hbm>>)
    %dma_start3A_561 = arith.constant 112 : i32
    %dma_start3A_562 = tpu.memref_slice %arg4[%dma_start3A_561] : memref<512xi32, #tpu.memory_space<vmem>> -> memref<8xi32, #tpu.memory_space<vmem>>
    %dma_start3A_563 = arith.constant 0 : i32
    %dma_start3A_564 = arith.constant 0 : i32
    %dma_start3A_565 = tpu.memref_slice %arg2[%dma_start3A_563, %dma_start3A_564] : memref<32768x2048xf32, #tpu.memory_space<hbm>> -> memref<32768x2048xf32, #tpu.memory_space<hbm>>
    tpu.enqueue_indirect_dma source(%dma_start3A_565 : memref<32768x2048xf32, #tpu.memory_space<hbm>>) target(%arg7 : memref<8x2048xf32, #tpu.memory_space<vmem>>) offsets(%dma_start3A_562 : memref<8xi32, #tpu.memory_space<vmem>>) semaphore(%arg13 : memref<!tpu.dma_semaphore, #tpu.memory_space<semaphore_mem>>)
    %dma_wait3A_566 = arith.constant 96 : i32
    %dma_wait3A_567 = tpu.memref_slice %arg4[%dma_wait3A_566] : memref<512xi32, #tpu.memory_space<vmem>> -> memref<8xi32, #tpu.memory_space<vmem>>
    %dma_wait3A_568 = arith.constant 0 : i32
    %dma_wait3A_569 = arith.constant 0 : i32
    %dma_wait3A_570 = tpu.memref_slice %arg2[%dma_wait3A_568, %dma_wait3A_569] : memref<32768x2048xf32, #tpu.memory_space<hbm>> -> memref<32768x2048xf32, #tpu.memory_space<hbm>>
    tpu.wait_indirect_dma semaphore(%arg11 : memref<!tpu.dma_semaphore, #tpu.memory_space<semaphore_mem>>) src(%dma_wait3A_570 : memref<32768x2048xf32, #tpu.memory_space<hbm>>) dst(%arg5 : memref<8x2048xf32, #tpu.memory_space<vmem>>)
    %add3A_571 = arith.constant 96 : i32
    %add3A_572 = arith.addi %mul3A_2, %add3A_571 : i32
    %dma_start3A_573 = arith.constant 0 : i32
    %dma_start3A_574 = tpu.memref_slice %arg3[%add3A_572, %dma_start3A_573] : memref<16384x2048xf32, #tpu.memory_space<hbm>> -> memref<8x2048xf32, #tpu.memory_space<hbm>>
    %dma_start3A_575 = arith.constant 0 : i32
    %dma_start3A_576 = tpu.memref_slice %arg3[%add3A_572, %dma_start3A_575] : memref<16384x2048xf32, #tpu.memory_space<hbm>> -> memref<8x2048xf32, #tpu.memory_space<hbm>>
    tpu.enqueue_dma source(%arg5 : memref<8x2048xf32, #tpu.memory_space<vmem>>) target(%dma_start3A_576 : memref<8x2048xf32, #tpu.memory_space<hbm>>) target_semaphore(%arg17 : memref<!tpu.dma_semaphore, #tpu.memory_space<semaphore_mem>>)
    %dma_wait3A_577 = arith.constant 0 : i32
    %dma_wait3A_578 = tpu.memref_slice %arg3[%add3A_512, %dma_wait3A_577] : memref<16384x2048xf32, #tpu.memory_space<hbm>> -> memref<8x2048xf32, #tpu.memory_space<hbm>>
    %dma_wait3A_579 = arith.constant 0 : i32
    %dma_wait3A_580 = tpu.memref_slice %arg3[%add3A_512, %dma_wait3A_579] : memref<16384x2048xf32, #tpu.memory_space<hbm>> -> memref<8x2048xf32, #tpu.memory_space<hbm>>
    tpu.wait_dma2 semaphore(%arg20 : memref<!tpu.dma_semaphore, #tpu.memory_space<semaphore_mem>>) src(%arg8 : memref<8x2048xf32, #tpu.memory_space<vmem>>) dst(%dma_wait3A_580 : memref<8x2048xf32, #tpu.memory_space<hbm>>)
    %dma_start3A_581 = arith.constant 120 : i32
    %dma_start3A_582 = tpu.memref_slice %arg4[%dma_start3A_581] : memref<512xi32, #tpu.memory_space<vmem>> -> memref<8xi32, #tpu.memory_space<vmem>>
    %dma_start3A_583 = arith.constant 0 : i32
    %dma_start3A_584 = arith.constant 0 : i32
    %dma_start3A_585 = tpu.memref_slice %arg2[%dma_start3A_583, %dma_start3A_584] : memref<32768x2048xf32, #tpu.memory_space<hbm>> -> memref<32768x2048xf32, #tpu.memory_space<hbm>>
    tpu.enqueue_indirect_dma source(%dma_start3A_585 : memref<32768x2048xf32, #tpu.memory_space<hbm>>) target(%arg8 : memref<8x2048xf32, #tpu.memory_space<vmem>>) offsets(%dma_start3A_582 : memref<8xi32, #tpu.memory_space<vmem>>) semaphore(%arg14 : memref<!tpu.dma_semaphore, #tpu.memory_space<semaphore_mem>>)
    %dma_wait3A_586 = arith.constant 104 : i32
    %dma_wait3A_587 = tpu.memref_slice %arg4[%dma_wait3A_586] : memref<512xi32, #tpu.memory_space<vmem>> -> memref<8xi32, #tpu.memory_space<vmem>>
    %dma_wait3A_588 = arith.constant 0 : i32
    %dma_wait3A_589 = arith.constant 0 : i32
    %dma_wait3A_590 = tpu.memref_slice %arg2[%dma_wait3A_588, %dma_wait3A_589] : memref<32768x2048xf32, #tpu.memory_space<hbm>> -> memref<32768x2048xf32, #tpu.memory_space<hbm>>
    tpu.wait_indirect_dma semaphore(%arg12 : memref<!tpu.dma_semaphore, #tpu.memory_space<semaphore_mem>>) src(%dma_wait3A_590 : memref<32768x2048xf32, #tpu.memory_space<hbm>>) dst(%arg6 : memref<8x2048xf32, #tpu.memory_space<vmem>>)
    %add3A_591 = arith.constant 104 : i32
    %add3A_592 = arith.addi %mul3A_2, %add3A_591 : i32
    %dma_start3A_593 = arith.constant 0 : i32
    %dma_start3A_594 = tpu.memref_slice %arg3[%add3A_592, %dma_start3A_593] : memref<16384x2048xf32, #tpu.memory_space<hbm>> -> memref<8x2048xf32, #tpu.memory_space<hbm>>
    %dma_start3A_595 = arith.constant 0 : i32
    %dma_start3A_596 = tpu.memref_slice %arg3[%add3A_592, %dma_start3A_595] : memref<16384x2048xf32, #tpu.memory_space<hbm>> -> memref<8x2048xf32, #tpu.memory_space<hbm>>
    tpu.enqueue_dma source(%arg6 : memref<8x2048xf32, #tpu.memory_space<vmem>>) target(%dma_start3A_596 : memref<8x2048xf32, #tpu.memory_space<hbm>>) target_semaphore(%arg18 : memref<!tpu.dma_semaphore, #tpu.memory_space<semaphore_mem>>)
    %dma_wait3A_597 = arith.constant 0 : i32
    %dma_wait3A_598 = tpu.memref_slice %arg3[%add3A_532, %dma_wait3A_597] : memref<16384x2048xf32, #tpu.memory_space<hbm>> -> memref<8x2048xf32, #tpu.memory_space<hbm>>
    %dma_wait3A_599 = arith.constant 0 : i32
    %dma_wait3A_600 = tpu.memref_slice %arg3[%add3A_532, %dma_wait3A_599] : memref<16384x2048xf32, #tpu.memory_space<hbm>> -> memref<8x2048xf32, #tpu.memory_space<hbm>>
    tpu.wait_dma2 semaphore(%arg21 : memref<!tpu.dma_semaphore, #tpu.memory_space<semaphore_mem>>) src(%arg9 : memref<8x2048xf32, #tpu.memory_space<vmem>>) dst(%dma_wait3A_600 : memref<8x2048xf32, #tpu.memory_space<hbm>>)
    %dma_start3A_601 = arith.constant 128 : i32
    %dma_start3A_602 = tpu.memref_slice %arg4[%dma_start3A_601] : memref<512xi32, #tpu.memory_space<vmem>> -> memref<8xi32, #tpu.memory_space<vmem>>
    %dma_start3A_603 = arith.constant 0 : i32
    %dma_start3A_604 = arith.constant 0 : i32
    %dma_start3A_605 = tpu.memref_slice %arg2[%dma_start3A_603, %dma_start3A_604] : memref<32768x2048xf32, #tpu.memory_space<hbm>> -> memref<32768x2048xf32, #tpu.memory_space<hbm>>
    tpu.enqueue_indirect_dma source(%dma_start3A_605 : memref<32768x2048xf32, #tpu.memory_space<hbm>>) target(%arg9 : memref<8x2048xf32, #tpu.memory_space<vmem>>) offsets(%dma_start3A_602 : memref<8xi32, #tpu.memory_space<vmem>>) semaphore(%arg15 : memref<!tpu.dma_semaphore, #tpu.memory_space<semaphore_mem>>)
    %dma_wait3A_606 = arith.constant 112 : i32
    %dma_wait3A_607 = tpu.memref_slice %arg4[%dma_wait3A_606] : memref<512xi32, #tpu.memory_space<vmem>> -> memref<8xi32, #tpu.memory_space<vmem>>
    %dma_wait3A_608 = arith.constant 0 : i32
    %dma_wait3A_609 = arith.constant 0 : i32
    %dma_wait3A_610 = tpu.memref_slice %arg2[%dma_wait3A_608, %dma_wait3A_609] : memref<32768x2048xf32, #tpu.memory_space<hbm>> -> memref<32768x2048xf32, #tpu.memory_space<hbm>>
    tpu.wait_indirect_dma semaphore(%arg13 : memref<!tpu.dma_semaphore, #tpu.memory_space<semaphore_mem>>) src(%dma_wait3A_610 : memref<32768x2048xf32, #tpu.memory_space<hbm>>) dst(%arg7 : memref<8x2048xf32, #tpu.memory_space<vmem>>)
    %add3A_611 = arith.constant 112 : i32
    %add3A_612 = arith.addi %mul3A_2, %add3A_611 : i32
    %dma_start3A_613 = arith.constant 0 : i32
    %dma_start3A_614 = tpu.memref_slice %arg3[%add3A_612, %dma_start3A_613] : memref<16384x2048xf32, #tpu.memory_space<hbm>> -> memref<8x2048xf32, #tpu.memory_space<hbm>>
    %dma_start3A_615 = arith.constant 0 : i32
    %dma_start3A_616 = tpu.memref_slice %arg3[%add3A_612, %dma_start3A_615] : memref<16384x2048xf32, #tpu.memory_space<hbm>> -> memref<8x2048xf32, #tpu.memory_space<hbm>>
    tpu.enqueue_dma source(%arg7 : memref<8x2048xf32, #tpu.memory_space<vmem>>) target(%dma_start3A_616 : memref<8x2048xf32, #tpu.memory_space<hbm>>) target_semaphore(%arg19 : memref<!tpu.dma_semaphore, #tpu.memory_space<semaphore_mem>>)
    %dma_wait3A_617 = arith.constant 0 : i32
    %dma_wait3A_618 = tpu.memref_slice %arg3[%add3A_552, %dma_wait3A_617] : memref<16384x2048xf32, #tpu.memory_space<hbm>> -> memref<8x2048xf32, #tpu.memory_space<hbm>>
    %dma_wait3A_619 = arith.constant 0 : i32
    %dma_wait3A_620 = tpu.memref_slice %arg3[%add3A_552, %dma_wait3A_619] : memref<16384x2048xf32, #tpu.memory_space<hbm>> -> memref<8x2048xf32, #tpu.memory_space<hbm>>
    tpu.wait_dma2 semaphore(%arg22 : memref<!tpu.dma_semaphore, #tpu.memory_space<semaphore_mem>>) src(%arg10 : memref<8x2048xf32, #tpu.memory_space<vmem>>) dst(%dma_wait3A_620 : memref<8x2048xf32, #tpu.memory_space<hbm>>)
    %dma_start3A_621 = arith.constant 136 : i32
    %dma_start3A_622 = tpu.memref_slice %arg4[%dma_start3A_621] : memref<512xi32, #tpu.memory_space<vmem>> -> memref<8xi32, #tpu.memory_space<vmem>>
    %dma_start3A_623 = arith.constant 0 : i32
    %dma_start3A_624 = arith.constant 0 : i32
    %dma_start3A_625 = tpu.memref_slice %arg2[%dma_start3A_623, %dma_start3A_624] : memref<32768x2048xf32, #tpu.memory_space<hbm>> -> memref<32768x2048xf32, #tpu.memory_space<hbm>>
    tpu.enqueue_indirect_dma source(%dma_start3A_625 : memref<32768x2048xf32, #tpu.memory_space<hbm>>) target(%arg10 : memref<8x2048xf32, #tpu.memory_space<vmem>>) offsets(%dma_start3A_622 : memref<8xi32, #tpu.memory_space<vmem>>) semaphore(%arg16 : memref<!tpu.dma_semaphore, #tpu.memory_space<semaphore_mem>>)
    %dma_wait3A_626 = arith.constant 120 : i32
    %dma_wait3A_627 = tpu.memref_slice %arg4[%dma_wait3A_626] : memref<512xi32, #tpu.memory_space<vmem>> -> memref<8xi32, #tpu.memory_space<vmem>>
    %dma_wait3A_628 = arith.constant 0 : i32
    %dma_wait3A_629 = arith.constant 0 : i32
    %dma_wait3A_630 = tpu.memref_slice %arg2[%dma_wait3A_628, %dma_wait3A_629] : memref<32768x2048xf32, #tpu.memory_space<hbm>> -> memref<32768x2048xf32, #tpu.memory_space<hbm>>
    tpu.wait_indirect_dma semaphore(%arg14 : memref<!tpu.dma_semaphore, #tpu.memory_space<semaphore_mem>>) src(%dma_wait3A_630 : memref<32768x2048xf32, #tpu.memory_space<hbm>>) dst(%arg8 : memref<8x2048xf32, #tpu.memory_space<vmem>>)
    %add3A_631 = arith.constant 120 : i32
    %add3A_632 = arith.addi %mul3A_2, %add3A_631 : i32
    %dma_start3A_633 = arith.constant 0 : i32
    %dma_start3A_634 = tpu.memref_slice %arg3[%add3A_632, %dma_start3A_633] : memref<16384x2048xf32, #tpu.memory_space<hbm>> -> memref<8x2048xf32, #tpu.memory_space<hbm>>
    %dma_start3A_635 = arith.constant 0 : i32
    %dma_start3A_636 = tpu.memref_slice %arg3[%add3A_632, %dma_start3A_635] : memref<16384x2048xf32, #tpu.memory_space<hbm>> -> memref<8x2048xf32, #tpu.memory_space<hbm>>
    tpu.enqueue_dma source(%arg8 : memref<8x2048xf32, #tpu.memory_space<vmem>>) target(%dma_start3A_636 : memref<8x2048xf32, #tpu.memory_space<hbm>>) target_semaphore(%arg20 : memref<!tpu.dma_semaphore, #tpu.memory_space<semaphore_mem>>)
    %dma_wait3A_637 = arith.constant 0 : i32
    %dma_wait3A_638 = tpu.memref_slice %arg3[%add3A_572, %dma_wait3A_637] : memref<16384x2048xf32, #tpu.memory_space<hbm>> -> memref<8x2048xf32, #tpu.memory_space<hbm>>
    %dma_wait3A_639 = arith.constant 0 : i32
    %dma_wait3A_640 = tpu.memref_slice %arg3[%add3A_572, %dma_wait3A_639] : memref<16384x2048xf32, #tpu.memory_space<hbm>> -> memref<8x2048xf32, #tpu.memory_space<hbm>>
    tpu.wait_dma2 semaphore(%arg17 : memref<!tpu.dma_semaphore, #tpu.memory_space<semaphore_mem>>) src(%arg5 : memref<8x2048xf32, #tpu.memory_space<vmem>>) dst(%dma_wait3A_640 : memref<8x2048xf32, #tpu.memory_space<hbm>>)
    %dma_start3A_641 = arith.constant 144 : i32
    %dma_start3A_642 = tpu.memref_slice %arg4[%dma_start3A_641] : memref<512xi32, #tpu.memory_space<vmem>> -> memref<8xi32, #tpu.memory_space<vmem>>
    %dma_start3A_643 = arith.constant 0 : i32
    %dma_start3A_644 = arith.constant 0 : i32
    %dma_start3A_645 = tpu.memref_slice %arg2[%dma_start3A_643, %dma_start3A_644] : memref<32768x2048xf32, #tpu.memory_space<hbm>> -> memref<32768x2048xf32, #tpu.memory_space<hbm>>
    tpu.enqueue_indirect_dma source(%dma_start3A_645 : memref<32768x2048xf32, #tpu.memory_space<hbm>>) target(%arg5 : memref<8x2048xf32, #tpu.memory_space<vmem>>) offsets(%dma_start3A_642 : memref<8xi32, #tpu.memory_space<vmem>>) semaphore(%arg11 : memref<!tpu.dma_semaphore, #tpu.memory_space<semaphore_mem>>)
    %dma_wait3A_646 = arith.constant 128 : i32
    %dma_wait3A_647 = tpu.memref_slice %arg4[%dma_wait3A_646] : memref<512xi32, #tpu.memory_space<vmem>> -> memref<8xi32, #tpu.memory_space<vmem>>
    %dma_wait3A_648 = arith.constant 0 : i32
    %dma_wait3A_649 = arith.constant 0 : i32
    %dma_wait3A_650 = tpu.memref_slice %arg2[%dma_wait3A_648, %dma_wait3A_649] : memref<32768x2048xf32, #tpu.memory_space<hbm>> -> memref<32768x2048xf32, #tpu.memory_space<hbm>>
    tpu.wait_indirect_dma semaphore(%arg15 : memref<!tpu.dma_semaphore, #tpu.memory_space<semaphore_mem>>) src(%dma_wait3A_650 : memref<32768x2048xf32, #tpu.memory_space<hbm>>) dst(%arg9 : memref<8x2048xf32, #tpu.memory_space<vmem>>)
    %add3A_651 = arith.constant 128 : i32
    %add3A_652 = arith.addi %mul3A_2, %add3A_651 : i32
    %dma_start3A_653 = arith.constant 0 : i32
    %dma_start3A_654 = tpu.memref_slice %arg3[%add3A_652, %dma_start3A_653] : memref<16384x2048xf32, #tpu.memory_space<hbm>> -> memref<8x2048xf32, #tpu.memory_space<hbm>>
    %dma_start3A_655 = arith.constant 0 : i32
    %dma_start3A_656 = tpu.memref_slice %arg3[%add3A_652, %dma_start3A_655] : memref<16384x2048xf32, #tpu.memory_space<hbm>> -> memref<8x2048xf32, #tpu.memory_space<hbm>>
    tpu.enqueue_dma source(%arg9 : memref<8x2048xf32, #tpu.memory_space<vmem>>) target(%dma_start3A_656 : memref<8x2048xf32, #tpu.memory_space<hbm>>) target_semaphore(%arg21 : memref<!tpu.dma_semaphore, #tpu.memory_space<semaphore_mem>>)
    %dma_wait3A_657 = arith.constant 0 : i32
    %dma_wait3A_658 = tpu.memref_slice %arg3[%add3A_592, %dma_wait3A_657] : memref<16384x2048xf32, #tpu.memory_space<hbm>> -> memref<8x2048xf32, #tpu.memory_space<hbm>>
    %dma_wait3A_659 = arith.constant 0 : i32
    %dma_wait3A_660 = tpu.memref_slice %arg3[%add3A_592, %dma_wait3A_659] : memref<16384x2048xf32, #tpu.memory_space<hbm>> -> memref<8x2048xf32, #tpu.memory_space<hbm>>
    tpu.wait_dma2 semaphore(%arg18 : memref<!tpu.dma_semaphore, #tpu.memory_space<semaphore_mem>>) src(%arg6 : memref<8x2048xf32, #tpu.memory_space<vmem>>) dst(%dma_wait3A_660 : memref<8x2048xf32, #tpu.memory_space<hbm>>)
    %dma_start3A_661 = arith.constant 152 : i32
    %dma_start3A_662 = tpu.memref_slice %arg4[%dma_start3A_661] : memref<512xi32, #tpu.memory_space<vmem>> -> memref<8xi32, #tpu.memory_space<vmem>>
    %dma_start3A_663 = arith.constant 0 : i32
    %dma_start3A_664 = arith.constant 0 : i32
    %dma_start3A_665 = tpu.memref_slice %arg2[%dma_start3A_663, %dma_start3A_664] : memref<32768x2048xf32, #tpu.memory_space<hbm>> -> memref<32768x2048xf32, #tpu.memory_space<hbm>>
    tpu.enqueue_indirect_dma source(%dma_start3A_665 : memref<32768x2048xf32, #tpu.memory_space<hbm>>) target(%arg6 : memref<8x2048xf32, #tpu.memory_space<vmem>>) offsets(%dma_start3A_662 : memref<8xi32, #tpu.memory_space<vmem>>) semaphore(%arg12 : memref<!tpu.dma_semaphore, #tpu.memory_space<semaphore_mem>>)
    %dma_wait3A_666 = arith.constant 136 : i32
    %dma_wait3A_667 = tpu.memref_slice %arg4[%dma_wait3A_666] : memref<512xi32, #tpu.memory_space<vmem>> -> memref<8xi32, #tpu.memory_space<vmem>>
    %dma_wait3A_668 = arith.constant 0 : i32
    %dma_wait3A_669 = arith.constant 0 : i32
    %dma_wait3A_670 = tpu.memref_slice %arg2[%dma_wait3A_668, %dma_wait3A_669] : memref<32768x2048xf32, #tpu.memory_space<hbm>> -> memref<32768x2048xf32, #tpu.memory_space<hbm>>
    tpu.wait_indirect_dma semaphore(%arg16 : memref<!tpu.dma_semaphore, #tpu.memory_space<semaphore_mem>>) src(%dma_wait3A_670 : memref<32768x2048xf32, #tpu.memory_space<hbm>>) dst(%arg10 : memref<8x2048xf32, #tpu.memory_space<vmem>>)
    %add3A_671 = arith.constant 136 : i32
    %add3A_672 = arith.addi %mul3A_2, %add3A_671 : i32
    %dma_start3A_673 = arith.constant 0 : i32
    %dma_start3A_674 = tpu.memref_slice %arg3[%add3A_672, %dma_start3A_673] : memref<16384x2048xf32, #tpu.memory_space<hbm>> -> memref<8x2048xf32, #tpu.memory_space<hbm>>
    %dma_start3A_675 = arith.constant 0 : i32
    %dma_start3A_676 = tpu.memref_slice %arg3[%add3A_672, %dma_start3A_675] : memref<16384x2048xf32, #tpu.memory_space<hbm>> -> memref<8x2048xf32, #tpu.memory_space<hbm>>
    tpu.enqueue_dma source(%arg10 : memref<8x2048xf32, #tpu.memory_space<vmem>>) target(%dma_start3A_676 : memref<8x2048xf32, #tpu.memory_space<hbm>>) target_semaphore(%arg22 : memref<!tpu.dma_semaphore, #tpu.memory_space<semaphore_mem>>)
    %dma_wait3A_677 = arith.constant 0 : i32
    %dma_wait3A_678 = tpu.memref_slice %arg3[%add3A_612, %dma_wait3A_677] : memref<16384x2048xf32, #tpu.memory_space<hbm>> -> memref<8x2048xf32, #tpu.memory_space<hbm>>
    %dma_wait3A_679 = arith.constant 0 : i32
    %dma_wait3A_680 = tpu.memref_slice %arg3[%add3A_612, %dma_wait3A_679] : memref<16384x2048xf32, #tpu.memory_space<hbm>> -> memref<8x2048xf32, #tpu.memory_space<hbm>>
    tpu.wait_dma2 semaphore(%arg19 : memref<!tpu.dma_semaphore, #tpu.memory_space<semaphore_mem>>) src(%arg7 : memref<8x2048xf32, #tpu.memory_space<vmem>>) dst(%dma_wait3A_680 : memref<8x2048xf32, #tpu.memory_space<hbm>>)
    %dma_start3A_681 = arith.constant 160 : i32
    %dma_start3A_682 = tpu.memref_slice %arg4[%dma_start3A_681] : memref<512xi32, #tpu.memory_space<vmem>> -> memref<8xi32, #tpu.memory_space<vmem>>
    %dma_start3A_683 = arith.constant 0 : i32
    %dma_start3A_684 = arith.constant 0 : i32
    %dma_start3A_685 = tpu.memref_slice %arg2[%dma_start3A_683, %dma_start3A_684] : memref<32768x2048xf32, #tpu.memory_space<hbm>> -> memref<32768x2048xf32, #tpu.memory_space<hbm>>
    tpu.enqueue_indirect_dma source(%dma_start3A_685 : memref<32768x2048xf32, #tpu.memory_space<hbm>>) target(%arg7 : memref<8x2048xf32, #tpu.memory_space<vmem>>) offsets(%dma_start3A_682 : memref<8xi32, #tpu.memory_space<vmem>>) semaphore(%arg13 : memref<!tpu.dma_semaphore, #tpu.memory_space<semaphore_mem>>)
    %dma_wait3A_686 = arith.constant 144 : i32
    %dma_wait3A_687 = tpu.memref_slice %arg4[%dma_wait3A_686] : memref<512xi32, #tpu.memory_space<vmem>> -> memref<8xi32, #tpu.memory_space<vmem>>
    %dma_wait3A_688 = arith.constant 0 : i32
    %dma_wait3A_689 = arith.constant 0 : i32
    %dma_wait3A_690 = tpu.memref_slice %arg2[%dma_wait3A_688, %dma_wait3A_689] : memref<32768x2048xf32, #tpu.memory_space<hbm>> -> memref<32768x2048xf32, #tpu.memory_space<hbm>>
    tpu.wait_indirect_dma semaphore(%arg11 : memref<!tpu.dma_semaphore, #tpu.memory_space<semaphore_mem>>) src(%dma_wait3A_690 : memref<32768x2048xf32, #tpu.memory_space<hbm>>) dst(%arg5 : memref<8x2048xf32, #tpu.memory_space<vmem>>)
    %add3A_691 = arith.constant 144 : i32
    %add3A_692 = arith.addi %mul3A_2, %add3A_691 : i32
    %dma_start3A_693 = arith.constant 0 : i32
    %dma_start3A_694 = tpu.memref_slice %arg3[%add3A_692, %dma_start3A_693] : memref<16384x2048xf32, #tpu.memory_space<hbm>> -> memref<8x2048xf32, #tpu.memory_space<hbm>>
    %dma_start3A_695 = arith.constant 0 : i32
    %dma_start3A_696 = tpu.memref_slice %arg3[%add3A_692, %dma_start3A_695] : memref<16384x2048xf32, #tpu.memory_space<hbm>> -> memref<8x2048xf32, #tpu.memory_space<hbm>>
    tpu.enqueue_dma source(%arg5 : memref<8x2048xf32, #tpu.memory_space<vmem>>) target(%dma_start3A_696 : memref<8x2048xf32, #tpu.memory_space<hbm>>) target_semaphore(%arg17 : memref<!tpu.dma_semaphore, #tpu.memory_space<semaphore_mem>>)
    %dma_wait3A_697 = arith.constant 0 : i32
    %dma_wait3A_698 = tpu.memref_slice %arg3[%add3A_632, %dma_wait3A_697] : memref<16384x2048xf32, #tpu.memory_space<hbm>> -> memref<8x2048xf32, #tpu.memory_space<hbm>>
    %dma_wait3A_699 = arith.constant 0 : i32
    %dma_wait3A_700 = tpu.memref_slice %arg3[%add3A_632, %dma_wait3A_699] : memref<16384x2048xf32, #tpu.memory_space<hbm>> -> memref<8x2048xf32, #tpu.memory_space<hbm>>
    tpu.wait_dma2 semaphore(%arg20 : memref<!tpu.dma_semaphore, #tpu.memory_space<semaphore_mem>>) src(%arg8 : memref<8x2048xf32, #tpu.memory_space<vmem>>) dst(%dma_wait3A_700 : memref<8x2048xf32, #tpu.memory_space<hbm>>)
    %dma_start3A_701 = arith.constant 168 : i32
    %dma_start3A_702 = tpu.memref_slice %arg4[%dma_start3A_701] : memref<512xi32, #tpu.memory_space<vmem>> -> memref<8xi32, #tpu.memory_space<vmem>>
    %dma_start3A_703 = arith.constant 0 : i32
    %dma_start3A_704 = arith.constant 0 : i32
    %dma_start3A_705 = tpu.memref_slice %arg2[%dma_start3A_703, %dma_start3A_704] : memref<32768x2048xf32, #tpu.memory_space<hbm>> -> memref<32768x2048xf32, #tpu.memory_space<hbm>>
    tpu.enqueue_indirect_dma source(%dma_start3A_705 : memref<32768x2048xf32, #tpu.memory_space<hbm>>) target(%arg8 : memref<8x2048xf32, #tpu.memory_space<vmem>>) offsets(%dma_start3A_702 : memref<8xi32, #tpu.memory_space<vmem>>) semaphore(%arg14 : memref<!tpu.dma_semaphore, #tpu.memory_space<semaphore_mem>>)
    %dma_wait3A_706 = arith.constant 152 : i32
    %dma_wait3A_707 = tpu.memref_slice %arg4[%dma_wait3A_706] : memref<512xi32, #tpu.memory_space<vmem>> -> memref<8xi32, #tpu.memory_space<vmem>>
    %dma_wait3A_708 = arith.constant 0 : i32
    %dma_wait3A_709 = arith.constant 0 : i32
    %dma_wait3A_710 = tpu.memref_slice %arg2[%dma_wait3A_708, %dma_wait3A_709] : memref<32768x2048xf32, #tpu.memory_space<hbm>> -> memref<32768x2048xf32, #tpu.memory_space<hbm>>
    tpu.wait_indirect_dma semaphore(%arg12 : memref<!tpu.dma_semaphore, #tpu.memory_space<semaphore_mem>>) src(%dma_wait3A_710 : memref<32768x2048xf32, #tpu.memory_space<hbm>>) dst(%arg6 : memref<8x2048xf32, #tpu.memory_space<vmem>>)
    %add3A_711 = arith.constant 152 : i32
    %add3A_712 = arith.addi %mul3A_2, %add3A_711 : i32
    %dma_start3A_713 = arith.constant 0 : i32
    %dma_start3A_714 = tpu.memref_slice %arg3[%add3A_712, %dma_start3A_713] : memref<16384x2048xf32, #tpu.memory_space<hbm>> -> memref<8x2048xf32, #tpu.memory_space<hbm>>
    %dma_start3A_715 = arith.constant 0 : i32
    %dma_start3A_716 = tpu.memref_slice %arg3[%add3A_712, %dma_start3A_715] : memref<16384x2048xf32, #tpu.memory_space<hbm>> -> memref<8x2048xf32, #tpu.memory_space<hbm>>
    tpu.enqueue_dma source(%arg6 : memref<8x2048xf32, #tpu.memory_space<vmem>>) target(%dma_start3A_716 : memref<8x2048xf32, #tpu.memory_space<hbm>>) target_semaphore(%arg18 : memref<!tpu.dma_semaphore, #tpu.memory_space<semaphore_mem>>)
    %dma_wait3A_717 = arith.constant 0 : i32
    %dma_wait3A_718 = tpu.memref_slice %arg3[%add3A_652, %dma_wait3A_717] : memref<16384x2048xf32, #tpu.memory_space<hbm>> -> memref<8x2048xf32, #tpu.memory_space<hbm>>
    %dma_wait3A_719 = arith.constant 0 : i32
    %dma_wait3A_720 = tpu.memref_slice %arg3[%add3A_652, %dma_wait3A_719] : memref<16384x2048xf32, #tpu.memory_space<hbm>> -> memref<8x2048xf32, #tpu.memory_space<hbm>>
    tpu.wait_dma2 semaphore(%arg21 : memref<!tpu.dma_semaphore, #tpu.memory_space<semaphore_mem>>) src(%arg9 : memref<8x2048xf32, #tpu.memory_space<vmem>>) dst(%dma_wait3A_720 : memref<8x2048xf32, #tpu.memory_space<hbm>>)
    %dma_start3A_721 = arith.constant 176 : i32
    %dma_start3A_722 = tpu.memref_slice %arg4[%dma_start3A_721] : memref<512xi32, #tpu.memory_space<vmem>> -> memref<8xi32, #tpu.memory_space<vmem>>
    %dma_start3A_723 = arith.constant 0 : i32
    %dma_start3A_724 = arith.constant 0 : i32
    %dma_start3A_725 = tpu.memref_slice %arg2[%dma_start3A_723, %dma_start3A_724] : memref<32768x2048xf32, #tpu.memory_space<hbm>> -> memref<32768x2048xf32, #tpu.memory_space<hbm>>
    tpu.enqueue_indirect_dma source(%dma_start3A_725 : memref<32768x2048xf32, #tpu.memory_space<hbm>>) target(%arg9 : memref<8x2048xf32, #tpu.memory_space<vmem>>) offsets(%dma_start3A_722 : memref<8xi32, #tpu.memory_space<vmem>>) semaphore(%arg15 : memref<!tpu.dma_semaphore, #tpu.memory_space<semaphore_mem>>)
    %dma_wait3A_726 = arith.constant 160 : i32
    %dma_wait3A_727 = tpu.memref_slice %arg4[%dma_wait3A_726] : memref<512xi32, #tpu.memory_space<vmem>> -> memref<8xi32, #tpu.memory_space<vmem>>
    %dma_wait3A_728 = arith.constant 0 : i32
    %dma_wait3A_729 = arith.constant 0 : i32
    %dma_wait3A_730 = tpu.memref_slice %arg2[%dma_wait3A_728, %dma_wait3A_729] : memref<32768x2048xf32, #tpu.memory_space<hbm>> -> memref<32768x2048xf32, #tpu.memory_space<hbm>>
    tpu.wait_indirect_dma semaphore(%arg13 : memref<!tpu.dma_semaphore, #tpu.memory_space<semaphore_mem>>) src(%dma_wait3A_730 : memref<32768x2048xf32, #tpu.memory_space<hbm>>) dst(%arg7 : memref<8x2048xf32, #tpu.memory_space<vmem>>)
    %add3A_731 = arith.constant 160 : i32
    %add3A_732 = arith.addi %mul3A_2, %add3A_731 : i32
    %dma_start3A_733 = arith.constant 0 : i32
    %dma_start3A_734 = tpu.memref_slice %arg3[%add3A_732, %dma_start3A_733] : memref<16384x2048xf32, #tpu.memory_space<hbm>> -> memref<8x2048xf32, #tpu.memory_space<hbm>>
    %dma_start3A_735 = arith.constant 0 : i32
    %dma_start3A_736 = tpu.memref_slice %arg3[%add3A_732, %dma_start3A_735] : memref<16384x2048xf32, #tpu.memory_space<hbm>> -> memref<8x2048xf32, #tpu.memory_space<hbm>>
    tpu.enqueue_dma source(%arg7 : memref<8x2048xf32, #tpu.memory_space<vmem>>) target(%dma_start3A_736 : memref<8x2048xf32, #tpu.memory_space<hbm>>) target_semaphore(%arg19 : memref<!tpu.dma_semaphore, #tpu.memory_space<semaphore_mem>>)
    %dma_wait3A_737 = arith.constant 0 : i32
    %dma_wait3A_738 = tpu.memref_slice %arg3[%add3A_672, %dma_wait3A_737] : memref<16384x2048xf32, #tpu.memory_space<hbm>> -> memref<8x2048xf32, #tpu.memory_space<hbm>>
    %dma_wait3A_739 = arith.constant 0 : i32
    %dma_wait3A_740 = tpu.memref_slice %arg3[%add3A_672, %dma_wait3A_739] : memref<16384x2048xf32, #tpu.memory_space<hbm>> -> memref<8x2048xf32, #tpu.memory_space<hbm>>
    tpu.wait_dma2 semaphore(%arg22 : memref<!tpu.dma_semaphore, #tpu.memory_space<semaphore_mem>>) src(%arg10 : memref<8x2048xf32, #tpu.memory_space<vmem>>) dst(%dma_wait3A_740 : memref<8x2048xf32, #tpu.memory_space<hbm>>)
    %dma_start3A_741 = arith.constant 184 : i32
    %dma_start3A_742 = tpu.memref_slice %arg4[%dma_start3A_741] : memref<512xi32, #tpu.memory_space<vmem>> -> memref<8xi32, #tpu.memory_space<vmem>>
    %dma_start3A_743 = arith.constant 0 : i32
    %dma_start3A_744 = arith.constant 0 : i32
    %dma_start3A_745 = tpu.memref_slice %arg2[%dma_start3A_743, %dma_start3A_744] : memref<32768x2048xf32, #tpu.memory_space<hbm>> -> memref<32768x2048xf32, #tpu.memory_space<hbm>>
    tpu.enqueue_indirect_dma source(%dma_start3A_745 : memref<32768x2048xf32, #tpu.memory_space<hbm>>) target(%arg10 : memref<8x2048xf32, #tpu.memory_space<vmem>>) offsets(%dma_start3A_742 : memref<8xi32, #tpu.memory_space<vmem>>) semaphore(%arg16 : memref<!tpu.dma_semaphore, #tpu.memory_space<semaphore_mem>>)
    %dma_wait3A_746 = arith.constant 168 : i32
    %dma_wait3A_747 = tpu.memref_slice %arg4[%dma_wait3A_746] : memref<512xi32, #tpu.memory_space<vmem>> -> memref<8xi32, #tpu.memory_space<vmem>>
    %dma_wait3A_748 = arith.constant 0 : i32
    %dma_wait3A_749 = arith.constant 0 : i32
    %dma_wait3A_750 = tpu.memref_slice %arg2[%dma_wait3A_748, %dma_wait3A_749] : memref<32768x2048xf32, #tpu.memory_space<hbm>> -> memref<32768x2048xf32, #tpu.memory_space<hbm>>
    tpu.wait_indirect_dma semaphore(%arg14 : memref<!tpu.dma_semaphore, #tpu.memory_space<semaphore_mem>>) src(%dma_wait3A_750 : memref<32768x2048xf32, #tpu.memory_space<hbm>>) dst(%arg8 : memref<8x2048xf32, #tpu.memory_space<vmem>>)
    %add3A_751 = arith.constant 168 : i32
    %add3A_752 = arith.addi %mul3A_2, %add3A_751 : i32
    %dma_start3A_753 = arith.constant 0 : i32
    %dma_start3A_754 = tpu.memref_slice %arg3[%add3A_752, %dma_start3A_753] : memref<16384x2048xf32, #tpu.memory_space<hbm>> -> memref<8x2048xf32, #tpu.memory_space<hbm>>
    %dma_start3A_755 = arith.constant 0 : i32
    %dma_start3A_756 = tpu.memref_slice %arg3[%add3A_752, %dma_start3A_755] : memref<16384x2048xf32, #tpu.memory_space<hbm>> -> memref<8x2048xf32, #tpu.memory_space<hbm>>
    tpu.enqueue_dma source(%arg8 : memref<8x2048xf32, #tpu.memory_space<vmem>>) target(%dma_start3A_756 : memref<8x2048xf32, #tpu.memory_space<hbm>>) target_semaphore(%arg20 : memref<!tpu.dma_semaphore, #tpu.memory_space<semaphore_mem>>)
    %dma_wait3A_757 = arith.constant 0 : i32
    %dma_wait3A_758 = tpu.memref_slice %arg3[%add3A_692, %dma_wait3A_757] : memref<16384x2048xf32, #tpu.memory_space<hbm>> -> memref<8x2048xf32, #tpu.memory_space<hbm>>
    %dma_wait3A_759 = arith.constant 0 : i32
    %dma_wait3A_760 = tpu.memref_slice %arg3[%add3A_692, %dma_wait3A_759] : memref<16384x2048xf32, #tpu.memory_space<hbm>> -> memref<8x2048xf32, #tpu.memory_space<hbm>>
    tpu.wait_dma2 semaphore(%arg17 : memref<!tpu.dma_semaphore, #tpu.memory_space<semaphore_mem>>) src(%arg5 : memref<8x2048xf32, #tpu.memory_space<vmem>>) dst(%dma_wait3A_760 : memref<8x2048xf32, #tpu.memory_space<hbm>>)
    %dma_start3A_761 = arith.constant 192 : i32
    %dma_start3A_762 = tpu.memref_slice %arg4[%dma_start3A_761] : memref<512xi32, #tpu.memory_space<vmem>> -> memref<8xi32, #tpu.memory_space<vmem>>
    %dma_start3A_763 = arith.constant 0 : i32
    %dma_start3A_764 = arith.constant 0 : i32
    %dma_start3A_765 = tpu.memref_slice %arg2[%dma_start3A_763, %dma_start3A_764] : memref<32768x2048xf32, #tpu.memory_space<hbm>> -> memref<32768x2048xf32, #tpu.memory_space<hbm>>
    tpu.enqueue_indirect_dma source(%dma_start3A_765 : memref<32768x2048xf32, #tpu.memory_space<hbm>>) target(%arg5 : memref<8x2048xf32, #tpu.memory_space<vmem>>) offsets(%dma_start3A_762 : memref<8xi32, #tpu.memory_space<vmem>>) semaphore(%arg11 : memref<!tpu.dma_semaphore, #tpu.memory_space<semaphore_mem>>)
    %dma_wait3A_766 = arith.constant 176 : i32
    %dma_wait3A_767 = tpu.memref_slice %arg4[%dma_wait3A_766] : memref<512xi32, #tpu.memory_space<vmem>> -> memref<8xi32, #tpu.memory_space<vmem>>
    %dma_wait3A_768 = arith.constant 0 : i32
    %dma_wait3A_769 = arith.constant 0 : i32
    %dma_wait3A_770 = tpu.memref_slice %arg2[%dma_wait3A_768, %dma_wait3A_769] : memref<32768x2048xf32, #tpu.memory_space<hbm>> -> memref<32768x2048xf32, #tpu.memory_space<hbm>>
    tpu.wait_indirect_dma semaphore(%arg15 : memref<!tpu.dma_semaphore, #tpu.memory_space<semaphore_mem>>) src(%dma_wait3A_770 : memref<32768x2048xf32, #tpu.memory_space<hbm>>) dst(%arg9 : memref<8x2048xf32, #tpu.memory_space<vmem>>)
    %add3A_771 = arith.constant 176 : i32
    %add3A_772 = arith.addi %mul3A_2, %add3A_771 : i32
    %dma_start3A_773 = arith.constant 0 : i32
    %dma_start3A_774 = tpu.memref_slice %arg3[%add3A_772, %dma_start3A_773] : memref<16384x2048xf32, #tpu.memory_space<hbm>> -> memref<8x2048xf32, #tpu.memory_space<hbm>>
    %dma_start3A_775 = arith.constant 0 : i32
    %dma_start3A_776 = tpu.memref_slice %arg3[%add3A_772, %dma_start3A_775] : memref<16384x2048xf32, #tpu.memory_space<hbm>> -> memref<8x2048xf32, #tpu.memory_space<hbm>>
    tpu.enqueue_dma source(%arg9 : memref<8x2048xf32, #tpu.memory_space<vmem>>) target(%dma_start3A_776 : memref<8x2048xf32, #tpu.memory_space<hbm>>) target_semaphore(%arg21 : memref<!tpu.dma_semaphore, #tpu.memory_space<semaphore_mem>>)
    %dma_wait3A_777 = arith.constant 0 : i32
    %dma_wait3A_778 = tpu.memref_slice %arg3[%add3A_712, %dma_wait3A_777] : memref<16384x2048xf32, #tpu.memory_space<hbm>> -> memref<8x2048xf32, #tpu.memory_space<hbm>>
    %dma_wait3A_779 = arith.constant 0 : i32
    %dma_wait3A_780 = tpu.memref_slice %arg3[%add3A_712, %dma_wait3A_779] : memref<16384x2048xf32, #tpu.memory_space<hbm>> -> memref<8x2048xf32, #tpu.memory_space<hbm>>
    tpu.wait_dma2 semaphore(%arg18 : memref<!tpu.dma_semaphore, #tpu.memory_space<semaphore_mem>>) src(%arg6 : memref<8x2048xf32, #tpu.memory_space<vmem>>) dst(%dma_wait3A_780 : memref<8x2048xf32, #tpu.memory_space<hbm>>)
    %dma_start3A_781 = arith.constant 200 : i32
    %dma_start3A_782 = tpu.memref_slice %arg4[%dma_start3A_781] : memref<512xi32, #tpu.memory_space<vmem>> -> memref<8xi32, #tpu.memory_space<vmem>>
    %dma_start3A_783 = arith.constant 0 : i32
    %dma_start3A_784 = arith.constant 0 : i32
    %dma_start3A_785 = tpu.memref_slice %arg2[%dma_start3A_783, %dma_start3A_784] : memref<32768x2048xf32, #tpu.memory_space<hbm>> -> memref<32768x2048xf32, #tpu.memory_space<hbm>>
    tpu.enqueue_indirect_dma source(%dma_start3A_785 : memref<32768x2048xf32, #tpu.memory_space<hbm>>) target(%arg6 : memref<8x2048xf32, #tpu.memory_space<vmem>>) offsets(%dma_start3A_782 : memref<8xi32, #tpu.memory_space<vmem>>) semaphore(%arg12 : memref<!tpu.dma_semaphore, #tpu.memory_space<semaphore_mem>>)
    %dma_wait3A_786 = arith.constant 184 : i32
    %dma_wait3A_787 = tpu.memref_slice %arg4[%dma_wait3A_786] : memref<512xi32, #tpu.memory_space<vmem>> -> memref<8xi32, #tpu.memory_space<vmem>>
    %dma_wait3A_788 = arith.constant 0 : i32
    %dma_wait3A_789 = arith.constant 0 : i32
    %dma_wait3A_790 = tpu.memref_slice %arg2[%dma_wait3A_788, %dma_wait3A_789] : memref<32768x2048xf32, #tpu.memory_space<hbm>> -> memref<32768x2048xf32, #tpu.memory_space<hbm>>
    tpu.wait_indirect_dma semaphore(%arg16 : memref<!tpu.dma_semaphore, #tpu.memory_space<semaphore_mem>>) src(%dma_wait3A_790 : memref<32768x2048xf32, #tpu.memory_space<hbm>>) dst(%arg10 : memref<8x2048xf32, #tpu.memory_space<vmem>>)
    %add3A_791 = arith.constant 184 : i32
    %add3A_792 = arith.addi %mul3A_2, %add3A_791 : i32
    %dma_start3A_793 = arith.constant 0 : i32
    %dma_start3A_794 = tpu.memref_slice %arg3[%add3A_792, %dma_start3A_793] : memref<16384x2048xf32, #tpu.memory_space<hbm>> -> memref<8x2048xf32, #tpu.memory_space<hbm>>
    %dma_start3A_795 = arith.constant 0 : i32
    %dma_start3A_796 = tpu.memref_slice %arg3[%add3A_792, %dma_start3A_795] : memref<16384x2048xf32, #tpu.memory_space<hbm>> -> memref<8x2048xf32, #tpu.memory_space<hbm>>
    tpu.enqueue_dma source(%arg10 : memref<8x2048xf32, #tpu.memory_space<vmem>>) target(%dma_start3A_796 : memref<8x2048xf32, #tpu.memory_space<hbm>>) target_semaphore(%arg22 : memref<!tpu.dma_semaphore, #tpu.memory_space<semaphore_mem>>)
    %dma_wait3A_797 = arith.constant 0 : i32
    %dma_wait3A_798 = tpu.memref_slice %arg3[%add3A_732, %dma_wait3A_797] : memref<16384x2048xf32, #tpu.memory_space<hbm>> -> memref<8x2048xf32, #tpu.memory_space<hbm>>
    %dma_wait3A_799 = arith.constant 0 : i32
    %dma_wait3A_800 = tpu.memref_slice %arg3[%add3A_732, %dma_wait3A_799] : memref<16384x2048xf32, #tpu.memory_space<hbm>> -> memref<8x2048xf32, #tpu.memory_space<hbm>>
    tpu.wait_dma2 semaphore(%arg19 : memref<!tpu.dma_semaphore, #tpu.memory_space<semaphore_mem>>) src(%arg7 : memref<8x2048xf32, #tpu.memory_space<vmem>>) dst(%dma_wait3A_800 : memref<8x2048xf32, #tpu.memory_space<hbm>>)
    %dma_start3A_801 = arith.constant 208 : i32
    %dma_start3A_802 = tpu.memref_slice %arg4[%dma_start3A_801] : memref<512xi32, #tpu.memory_space<vmem>> -> memref<8xi32, #tpu.memory_space<vmem>>
    %dma_start3A_803 = arith.constant 0 : i32
    %dma_start3A_804 = arith.constant 0 : i32
    %dma_start3A_805 = tpu.memref_slice %arg2[%dma_start3A_803, %dma_start3A_804] : memref<32768x2048xf32, #tpu.memory_space<hbm>> -> memref<32768x2048xf32, #tpu.memory_space<hbm>>
    tpu.enqueue_indirect_dma source(%dma_start3A_805 : memref<32768x2048xf32, #tpu.memory_space<hbm>>) target(%arg7 : memref<8x2048xf32, #tpu.memory_space<vmem>>) offsets(%dma_start3A_802 : memref<8xi32, #tpu.memory_space<vmem>>) semaphore(%arg13 : memref<!tpu.dma_semaphore, #tpu.memory_space<semaphore_mem>>)
    %dma_wait3A_806 = arith.constant 192 : i32
    %dma_wait3A_807 = tpu.memref_slice %arg4[%dma_wait3A_806] : memref<512xi32, #tpu.memory_space<vmem>> -> memref<8xi32, #tpu.memory_space<vmem>>
    %dma_wait3A_808 = arith.constant 0 : i32
    %dma_wait3A_809 = arith.constant 0 : i32
    %dma_wait3A_810 = tpu.memref_slice %arg2[%dma_wait3A_808, %dma_wait3A_809] : memref<32768x2048xf32, #tpu.memory_space<hbm>> -> memref<32768x2048xf32, #tpu.memory_space<hbm>>
    tpu.wait_indirect_dma semaphore(%arg11 : memref<!tpu.dma_semaphore, #tpu.memory_space<semaphore_mem>>) src(%dma_wait3A_810 : memref<32768x2048xf32, #tpu.memory_space<hbm>>) dst(%arg5 : memref<8x2048xf32, #tpu.memory_space<vmem>>)
    %add3A_811 = arith.constant 192 : i32
    %add3A_812 = arith.addi %mul3A_2, %add3A_811 : i32
    %dma_start3A_813 = arith.constant 0 : i32
    %dma_start3A_814 = tpu.memref_slice %arg3[%add3A_812, %dma_start3A_813] : memref<16384x2048xf32, #tpu.memory_space<hbm>> -> memref<8x2048xf32, #tpu.memory_space<hbm>>
    %dma_start3A_815 = arith.constant 0 : i32
    %dma_start3A_816 = tpu.memref_slice %arg3[%add3A_812, %dma_start3A_815] : memref<16384x2048xf32, #tpu.memory_space<hbm>> -> memref<8x2048xf32, #tpu.memory_space<hbm>>
    tpu.enqueue_dma source(%arg5 : memref<8x2048xf32, #tpu.memory_space<vmem>>) target(%dma_start3A_816 : memref<8x2048xf32, #tpu.memory_space<hbm>>) target_semaphore(%arg17 : memref<!tpu.dma_semaphore, #tpu.memory_space<semaphore_mem>>)
    %dma_wait3A_817 = arith.constant 0 : i32
    %dma_wait3A_818 = tpu.memref_slice %arg3[%add3A_752, %dma_wait3A_817] : memref<16384x2048xf32, #tpu.memory_space<hbm>> -> memref<8x2048xf32, #tpu.memory_space<hbm>>
    %dma_wait3A_819 = arith.constant 0 : i32
    %dma_wait3A_820 = tpu.memref_slice %arg3[%add3A_752, %dma_wait3A_819] : memref<16384x2048xf32, #tpu.memory_space<hbm>> -> memref<8x2048xf32, #tpu.memory_space<hbm>>
    tpu.wait_dma2 semaphore(%arg20 : memref<!tpu.dma_semaphore, #tpu.memory_space<semaphore_mem>>) src(%arg8 : memref<8x2048xf32, #tpu.memory_space<vmem>>) dst(%dma_wait3A_820 : memref<8x2048xf32, #tpu.memory_space<hbm>>)
    %dma_start3A_821 = arith.constant 216 : i32
    %dma_start3A_822 = tpu.memref_slice %arg4[%dma_start3A_821] : memref<512xi32, #tpu.memory_space<vmem>> -> memref<8xi32, #tpu.memory_space<vmem>>
    %dma_start3A_823 = arith.constant 0 : i32
    %dma_start3A_824 = arith.constant 0 : i32
    %dma_start3A_825 = tpu.memref_slice %arg2[%dma_start3A_823, %dma_start3A_824] : memref<32768x2048xf32, #tpu.memory_space<hbm>> -> memref<32768x2048xf32, #tpu.memory_space<hbm>>
    tpu.enqueue_indirect_dma source(%dma_start3A_825 : memref<32768x2048xf32, #tpu.memory_space<hbm>>) target(%arg8 : memref<8x2048xf32, #tpu.memory_space<vmem>>) offsets(%dma_start3A_822 : memref<8xi32, #tpu.memory_space<vmem>>) semaphore(%arg14 : memref<!tpu.dma_semaphore, #tpu.memory_space<semaphore_mem>>)
    %dma_wait3A_826 = arith.constant 200 : i32
    %dma_wait3A_827 = tpu.memref_slice %arg4[%dma_wait3A_826] : memref<512xi32, #tpu.memory_space<vmem>> -> memref<8xi32, #tpu.memory_space<vmem>>
    %dma_wait3A_828 = arith.constant 0 : i32
    %dma_wait3A_829 = arith.constant 0 : i32
    %dma_wait3A_830 = tpu.memref_slice %arg2[%dma_wait3A_828, %dma_wait3A_829] : memref<32768x2048xf32, #tpu.memory_space<hbm>> -> memref<32768x2048xf32, #tpu.memory_space<hbm>>
    tpu.wait_indirect_dma semaphore(%arg12 : memref<!tpu.dma_semaphore, #tpu.memory_space<semaphore_mem>>) src(%dma_wait3A_830 : memref<32768x2048xf32, #tpu.memory_space<hbm>>) dst(%arg6 : memref<8x2048xf32, #tpu.memory_space<vmem>>)
    %add3A_831 = arith.constant 200 : i32
    %add3A_832 = arith.addi %mul3A_2, %add3A_831 : i32
    %dma_start3A_833 = arith.constant 0 : i32
    %dma_start3A_834 = tpu.memref_slice %arg3[%add3A_832, %dma_start3A_833] : memref<16384x2048xf32, #tpu.memory_space<hbm>> -> memref<8x2048xf32, #tpu.memory_space<hbm>>
    %dma_start3A_835 = arith.constant 0 : i32
    %dma_start3A_836 = tpu.memref_slice %arg3[%add3A_832, %dma_start3A_835] : memref<16384x2048xf32, #tpu.memory_space<hbm>> -> memref<8x2048xf32, #tpu.memory_space<hbm>>
    tpu.enqueue_dma source(%arg6 : memref<8x2048xf32, #tpu.memory_space<vmem>>) target(%dma_start3A_836 : memref<8x2048xf32, #tpu.memory_space<hbm>>) target_semaphore(%arg18 : memref<!tpu.dma_semaphore, #tpu.memory_space<semaphore_mem>>)
    %dma_wait3A_837 = arith.constant 0 : i32
    %dma_wait3A_838 = tpu.memref_slice %arg3[%add3A_772, %dma_wait3A_837] : memref<16384x2048xf32, #tpu.memory_space<hbm>> -> memref<8x2048xf32, #tpu.memory_space<hbm>>
    %dma_wait3A_839 = arith.constant 0 : i32
    %dma_wait3A_840 = tpu.memref_slice %arg3[%add3A_772, %dma_wait3A_839] : memref<16384x2048xf32, #tpu.memory_space<hbm>> -> memref<8x2048xf32, #tpu.memory_space<hbm>>
    tpu.wait_dma2 semaphore(%arg21 : memref<!tpu.dma_semaphore, #tpu.memory_space<semaphore_mem>>) src(%arg9 : memref<8x2048xf32, #tpu.memory_space<vmem>>) dst(%dma_wait3A_840 : memref<8x2048xf32, #tpu.memory_space<hbm>>)
    %dma_start3A_841 = arith.constant 224 : i32
    %dma_start3A_842 = tpu.memref_slice %arg4[%dma_start3A_841] : memref<512xi32, #tpu.memory_space<vmem>> -> memref<8xi32, #tpu.memory_space<vmem>>
    %dma_start3A_843 = arith.constant 0 : i32
    %dma_start3A_844 = arith.constant 0 : i32
    %dma_start3A_845 = tpu.memref_slice %arg2[%dma_start3A_843, %dma_start3A_844] : memref<32768x2048xf32, #tpu.memory_space<hbm>> -> memref<32768x2048xf32, #tpu.memory_space<hbm>>
    tpu.enqueue_indirect_dma source(%dma_start3A_845 : memref<32768x2048xf32, #tpu.memory_space<hbm>>) target(%arg9 : memref<8x2048xf32, #tpu.memory_space<vmem>>) offsets(%dma_start3A_842 : memref<8xi32, #tpu.memory_space<vmem>>) semaphore(%arg15 : memref<!tpu.dma_semaphore, #tpu.memory_space<semaphore_mem>>)
    %dma_wait3A_846 = arith.constant 208 : i32
    %dma_wait3A_847 = tpu.memref_slice %arg4[%dma_wait3A_846] : memref<512xi32, #tpu.memory_space<vmem>> -> memref<8xi32, #tpu.memory_space<vmem>>
    %dma_wait3A_848 = arith.constant 0 : i32
    %dma_wait3A_849 = arith.constant 0 : i32
    %dma_wait3A_850 = tpu.memref_slice %arg2[%dma_wait3A_848, %dma_wait3A_849] : memref<32768x2048xf32, #tpu.memory_space<hbm>> -> memref<32768x2048xf32, #tpu.memory_space<hbm>>
    tpu.wait_indirect_dma semaphore(%arg13 : memref<!tpu.dma_semaphore, #tpu.memory_space<semaphore_mem>>) src(%dma_wait3A_850 : memref<32768x2048xf32, #tpu.memory_space<hbm>>) dst(%arg7 : memref<8x2048xf32, #tpu.memory_space<vmem>>)
    %add3A_851 = arith.constant 208 : i32
    %add3A_852 = arith.addi %mul3A_2, %add3A_851 : i32
    %dma_start3A_853 = arith.constant 0 : i32
    %dma_start3A_854 = tpu.memref_slice %arg3[%add3A_852, %dma_start3A_853] : memref<16384x2048xf32, #tpu.memory_space<hbm>> -> memref<8x2048xf32, #tpu.memory_space<hbm>>
    %dma_start3A_855 = arith.constant 0 : i32
    %dma_start3A_856 = tpu.memref_slice %arg3[%add3A_852, %dma_start3A_855] : memref<16384x2048xf32, #tpu.memory_space<hbm>> -> memref<8x2048xf32, #tpu.memory_space<hbm>>
    tpu.enqueue_dma source(%arg7 : memref<8x2048xf32, #tpu.memory_space<vmem>>) target(%dma_start3A_856 : memref<8x2048xf32, #tpu.memory_space<hbm>>) target_semaphore(%arg19 : memref<!tpu.dma_semaphore, #tpu.memory_space<semaphore_mem>>)
    %dma_wait3A_857 = arith.constant 0 : i32
    %dma_wait3A_858 = tpu.memref_slice %arg3[%add3A_792, %dma_wait3A_857] : memref<16384x2048xf32, #tpu.memory_space<hbm>> -> memref<8x2048xf32, #tpu.memory_space<hbm>>
    %dma_wait3A_859 = arith.constant 0 : i32
    %dma_wait3A_860 = tpu.memref_slice %arg3[%add3A_792, %dma_wait3A_859] : memref<16384x2048xf32, #tpu.memory_space<hbm>> -> memref<8x2048xf32, #tpu.memory_space<hbm>>
    tpu.wait_dma2 semaphore(%arg22 : memref<!tpu.dma_semaphore, #tpu.memory_space<semaphore_mem>>) src(%arg10 : memref<8x2048xf32, #tpu.memory_space<vmem>>) dst(%dma_wait3A_860 : memref<8x2048xf32, #tpu.memory_space<hbm>>)
    %dma_start3A_861 = arith.constant 232 : i32
    %dma_start3A_862 = tpu.memref_slice %arg4[%dma_start3A_861] : memref<512xi32, #tpu.memory_space<vmem>> -> memref<8xi32, #tpu.memory_space<vmem>>
    %dma_start3A_863 = arith.constant 0 : i32
    %dma_start3A_864 = arith.constant 0 : i32
    %dma_start3A_865 = tpu.memref_slice %arg2[%dma_start3A_863, %dma_start3A_864] : memref<32768x2048xf32, #tpu.memory_space<hbm>> -> memref<32768x2048xf32, #tpu.memory_space<hbm>>
    tpu.enqueue_indirect_dma source(%dma_start3A_865 : memref<32768x2048xf32, #tpu.memory_space<hbm>>) target(%arg10 : memref<8x2048xf32, #tpu.memory_space<vmem>>) offsets(%dma_start3A_862 : memref<8xi32, #tpu.memory_space<vmem>>) semaphore(%arg16 : memref<!tpu.dma_semaphore, #tpu.memory_space<semaphore_mem>>)
    %dma_wait3A_866 = arith.constant 216 : i32
    %dma_wait3A_867 = tpu.memref_slice %arg4[%dma_wait3A_866] : memref<512xi32, #tpu.memory_space<vmem>> -> memref<8xi32, #tpu.memory_space<vmem>>
    %dma_wait3A_868 = arith.constant 0 : i32
    %dma_wait3A_869 = arith.constant 0 : i32
    %dma_wait3A_870 = tpu.memref_slice %arg2[%dma_wait3A_868, %dma_wait3A_869] : memref<32768x2048xf32, #tpu.memory_space<hbm>> -> memref<32768x2048xf32, #tpu.memory_space<hbm>>
    tpu.wait_indirect_dma semaphore(%arg14 : memref<!tpu.dma_semaphore, #tpu.memory_space<semaphore_mem>>) src(%dma_wait3A_870 : memref<32768x2048xf32, #tpu.memory_space<hbm>>) dst(%arg8 : memref<8x2048xf32, #tpu.memory_space<vmem>>)
    %add3A_871 = arith.constant 216 : i32
    %add3A_872 = arith.addi %mul3A_2, %add3A_871 : i32
    %dma_start3A_873 = arith.constant 0 : i32
    %dma_start3A_874 = tpu.memref_slice %arg3[%add3A_872, %dma_start3A_873] : memref<16384x2048xf32, #tpu.memory_space<hbm>> -> memref<8x2048xf32, #tpu.memory_space<hbm>>
    %dma_start3A_875 = arith.constant 0 : i32
    %dma_start3A_876 = tpu.memref_slice %arg3[%add3A_872, %dma_start3A_875] : memref<16384x2048xf32, #tpu.memory_space<hbm>> -> memref<8x2048xf32, #tpu.memory_space<hbm>>
    tpu.enqueue_dma source(%arg8 : memref<8x2048xf32, #tpu.memory_space<vmem>>) target(%dma_start3A_876 : memref<8x2048xf32, #tpu.memory_space<hbm>>) target_semaphore(%arg20 : memref<!tpu.dma_semaphore, #tpu.memory_space<semaphore_mem>>)
    %dma_wait3A_877 = arith.constant 0 : i32
    %dma_wait3A_878 = tpu.memref_slice %arg3[%add3A_812, %dma_wait3A_877] : memref<16384x2048xf32, #tpu.memory_space<hbm>> -> memref<8x2048xf32, #tpu.memory_space<hbm>>
    %dma_wait3A_879 = arith.constant 0 : i32
    %dma_wait3A_880 = tpu.memref_slice %arg3[%add3A_812, %dma_wait3A_879] : memref<16384x2048xf32, #tpu.memory_space<hbm>> -> memref<8x2048xf32, #tpu.memory_space<hbm>>
    tpu.wait_dma2 semaphore(%arg17 : memref<!tpu.dma_semaphore, #tpu.memory_space<semaphore_mem>>) src(%arg5 : memref<8x2048xf32, #tpu.memory_space<vmem>>) dst(%dma_wait3A_880 : memref<8x2048xf32, #tpu.memory_space<hbm>>)
    %dma_start3A_881 = arith.constant 240 : i32
    %dma_start3A_882 = tpu.memref_slice %arg4[%dma_start3A_881] : memref<512xi32, #tpu.memory_space<vmem>> -> memref<8xi32, #tpu.memory_space<vmem>>
    %dma_start3A_883 = arith.constant 0 : i32
    %dma_start3A_884 = arith.constant 0 : i32
    %dma_start3A_885 = tpu.memref_slice %arg2[%dma_start3A_883, %dma_start3A_884] : memref<32768x2048xf32, #tpu.memory_space<hbm>> -> memref<32768x2048xf32, #tpu.memory_space<hbm>>
    tpu.enqueue_indirect_dma source(%dma_start3A_885 : memref<32768x2048xf32, #tpu.memory_space<hbm>>) target(%arg5 : memref<8x2048xf32, #tpu.memory_space<vmem>>) offsets(%dma_start3A_882 : memref<8xi32, #tpu.memory_space<vmem>>) semaphore(%arg11 : memref<!tpu.dma_semaphore, #tpu.memory_space<semaphore_mem>>)
    %dma_wait3A_886 = arith.constant 224 : i32
    %dma_wait3A_887 = tpu.memref_slice %arg4[%dma_wait3A_886] : memref<512xi32, #tpu.memory_space<vmem>> -> memref<8xi32, #tpu.memory_space<vmem>>
    %dma_wait3A_888 = arith.constant 0 : i32
    %dma_wait3A_889 = arith.constant 0 : i32
    %dma_wait3A_890 = tpu.memref_slice %arg2[%dma_wait3A_888, %dma_wait3A_889] : memref<32768x2048xf32, #tpu.memory_space<hbm>> -> memref<32768x2048xf32, #tpu.memory_space<hbm>>
    tpu.wait_indirect_dma semaphore(%arg15 : memref<!tpu.dma_semaphore, #tpu.memory_space<semaphore_mem>>) src(%dma_wait3A_890 : memref<32768x2048xf32, #tpu.memory_space<hbm>>) dst(%arg9 : memref<8x2048xf32, #tpu.memory_space<vmem>>)
    %add3A_891 = arith.constant 224 : i32
    %add3A_892 = arith.addi %mul3A_2, %add3A_891 : i32
    %dma_start3A_893 = arith.constant 0 : i32
    %dma_start3A_894 = tpu.memref_slice %arg3[%add3A_892, %dma_start3A_893] : memref<16384x2048xf32, #tpu.memory_space<hbm>> -> memref<8x2048xf32, #tpu.memory_space<hbm>>
    %dma_start3A_895 = arith.constant 0 : i32
    %dma_start3A_896 = tpu.memref_slice %arg3[%add3A_892, %dma_start3A_895] : memref<16384x2048xf32, #tpu.memory_space<hbm>> -> memref<8x2048xf32, #tpu.memory_space<hbm>>
    tpu.enqueue_dma source(%arg9 : memref<8x2048xf32, #tpu.memory_space<vmem>>) target(%dma_start3A_896 : memref<8x2048xf32, #tpu.memory_space<hbm>>) target_semaphore(%arg21 : memref<!tpu.dma_semaphore, #tpu.memory_space<semaphore_mem>>)
    %dma_wait3A_897 = arith.constant 0 : i32
    %dma_wait3A_898 = tpu.memref_slice %arg3[%add3A_832, %dma_wait3A_897] : memref<16384x2048xf32, #tpu.memory_space<hbm>> -> memref<8x2048xf32, #tpu.memory_space<hbm>>
    %dma_wait3A_899 = arith.constant 0 : i32
    %dma_wait3A_900 = tpu.memref_slice %arg3[%add3A_832, %dma_wait3A_899] : memref<16384x2048xf32, #tpu.memory_space<hbm>> -> memref<8x2048xf32, #tpu.memory_space<hbm>>
    tpu.wait_dma2 semaphore(%arg18 : memref<!tpu.dma_semaphore, #tpu.memory_space<semaphore_mem>>) src(%arg6 : memref<8x2048xf32, #tpu.memory_space<vmem>>) dst(%dma_wait3A_900 : memref<8x2048xf32, #tpu.memory_space<hbm>>)
    %dma_start3A_901 = arith.constant 248 : i32
    %dma_start3A_902 = tpu.memref_slice %arg4[%dma_start3A_901] : memref<512xi32, #tpu.memory_space<vmem>> -> memref<8xi32, #tpu.memory_space<vmem>>
    %dma_start3A_903 = arith.constant 0 : i32
    %dma_start3A_904 = arith.constant 0 : i32
    %dma_start3A_905 = tpu.memref_slice %arg2[%dma_start3A_903, %dma_start3A_904] : memref<32768x2048xf32, #tpu.memory_space<hbm>> -> memref<32768x2048xf32, #tpu.memory_space<hbm>>
    tpu.enqueue_indirect_dma source(%dma_start3A_905 : memref<32768x2048xf32, #tpu.memory_space<hbm>>) target(%arg6 : memref<8x2048xf32, #tpu.memory_space<vmem>>) offsets(%dma_start3A_902 : memref<8xi32, #tpu.memory_space<vmem>>) semaphore(%arg12 : memref<!tpu.dma_semaphore, #tpu.memory_space<semaphore_mem>>)
    %dma_wait3A_906 = arith.constant 232 : i32
    %dma_wait3A_907 = tpu.memref_slice %arg4[%dma_wait3A_906] : memref<512xi32, #tpu.memory_space<vmem>> -> memref<8xi32, #tpu.memory_space<vmem>>
    %dma_wait3A_908 = arith.constant 0 : i32
    %dma_wait3A_909 = arith.constant 0 : i32
    %dma_wait3A_910 = tpu.memref_slice %arg2[%dma_wait3A_908, %dma_wait3A_909] : memref<32768x2048xf32, #tpu.memory_space<hbm>> -> memref<32768x2048xf32, #tpu.memory_space<hbm>>
    tpu.wait_indirect_dma semaphore(%arg16 : memref<!tpu.dma_semaphore, #tpu.memory_space<semaphore_mem>>) src(%dma_wait3A_910 : memref<32768x2048xf32, #tpu.memory_space<hbm>>) dst(%arg10 : memref<8x2048xf32, #tpu.memory_space<vmem>>)
    %add3A_911 = arith.constant 232 : i32
    %add3A_912 = arith.addi %mul3A_2, %add3A_911 : i32
    %dma_start3A_913 = arith.constant 0 : i32
    %dma_start3A_914 = tpu.memref_slice %arg3[%add3A_912, %dma_start3A_913] : memref<16384x2048xf32, #tpu.memory_space<hbm>> -> memref<8x2048xf32, #tpu.memory_space<hbm>>
    %dma_start3A_915 = arith.constant 0 : i32
    %dma_start3A_916 = tpu.memref_slice %arg3[%add3A_912, %dma_start3A_915] : memref<16384x2048xf32, #tpu.memory_space<hbm>> -> memref<8x2048xf32, #tpu.memory_space<hbm>>
    tpu.enqueue_dma source(%arg10 : memref<8x2048xf32, #tpu.memory_space<vmem>>) target(%dma_start3A_916 : memref<8x2048xf32, #tpu.memory_space<hbm>>) target_semaphore(%arg22 : memref<!tpu.dma_semaphore, #tpu.memory_space<semaphore_mem>>)
    %dma_wait3A_917 = arith.constant 0 : i32
    %dma_wait3A_918 = tpu.memref_slice %arg3[%add3A_852, %dma_wait3A_917] : memref<16384x2048xf32, #tpu.memory_space<hbm>> -> memref<8x2048xf32, #tpu.memory_space<hbm>>
    %dma_wait3A_919 = arith.constant 0 : i32
    %dma_wait3A_920 = tpu.memref_slice %arg3[%add3A_852, %dma_wait3A_919] : memref<16384x2048xf32, #tpu.memory_space<hbm>> -> memref<8x2048xf32, #tpu.memory_space<hbm>>
    tpu.wait_dma2 semaphore(%arg19 : memref<!tpu.dma_semaphore, #tpu.memory_space<semaphore_mem>>) src(%arg7 : memref<8x2048xf32, #tpu.memory_space<vmem>>) dst(%dma_wait3A_920 : memref<8x2048xf32, #tpu.memory_space<hbm>>)
    %dma_start3A_921 = arith.constant 256 : i32
    %dma_start3A_922 = tpu.memref_slice %arg4[%dma_start3A_921] : memref<512xi32, #tpu.memory_space<vmem>> -> memref<8xi32, #tpu.memory_space<vmem>>
    %dma_start3A_923 = arith.constant 0 : i32
    %dma_start3A_924 = arith.constant 0 : i32
    %dma_start3A_925 = tpu.memref_slice %arg2[%dma_start3A_923, %dma_start3A_924] : memref<32768x2048xf32, #tpu.memory_space<hbm>> -> memref<32768x2048xf32, #tpu.memory_space<hbm>>
    tpu.enqueue_indirect_dma source(%dma_start3A_925 : memref<32768x2048xf32, #tpu.memory_space<hbm>>) target(%arg7 : memref<8x2048xf32, #tpu.memory_space<vmem>>) offsets(%dma_start3A_922 : memref<8xi32, #tpu.memory_space<vmem>>) semaphore(%arg13 : memref<!tpu.dma_semaphore, #tpu.memory_space<semaphore_mem>>)
    %dma_wait3A_926 = arith.constant 240 : i32
    %dma_wait3A_927 = tpu.memref_slice %arg4[%dma_wait3A_926] : memref<512xi32, #tpu.memory_space<vmem>> -> memref<8xi32, #tpu.memory_space<vmem>>
    %dma_wait3A_928 = arith.constant 0 : i32
    %dma_wait3A_929 = arith.constant 0 : i32
    %dma_wait3A_930 = tpu.memref_slice %arg2[%dma_wait3A_928, %dma_wait3A_929] : memref<32768x2048xf32, #tpu.memory_space<hbm>> -> memref<32768x2048xf32, #tpu.memory_space<hbm>>
    tpu.wait_indirect_dma semaphore(%arg11 : memref<!tpu.dma_semaphore, #tpu.memory_space<semaphore_mem>>) src(%dma_wait3A_930 : memref<32768x2048xf32, #tpu.memory_space<hbm>>) dst(%arg5 : memref<8x2048xf32, #tpu.memory_space<vmem>>)
    %add3A_931 = arith.constant 240 : i32
    %add3A_932 = arith.addi %mul3A_2, %add3A_931 : i32
    %dma_start3A_933 = arith.constant 0 : i32
    %dma_start3A_934 = tpu.memref_slice %arg3[%add3A_932, %dma_start3A_933] : memref<16384x2048xf32, #tpu.memory_space<hbm>> -> memref<8x2048xf32, #tpu.memory_space<hbm>>
    %dma_start3A_935 = arith.constant 0 : i32
    %dma_start3A_936 = tpu.memref_slice %arg3[%add3A_932, %dma_start3A_935] : memref<16384x2048xf32, #tpu.memory_space<hbm>> -> memref<8x2048xf32, #tpu.memory_space<hbm>>
    tpu.enqueue_dma source(%arg5 : memref<8x2048xf32, #tpu.memory_space<vmem>>) target(%dma_start3A_936 : memref<8x2048xf32, #tpu.memory_space<hbm>>) target_semaphore(%arg17 : memref<!tpu.dma_semaphore, #tpu.memory_space<semaphore_mem>>)
    %dma_wait3A_937 = arith.constant 0 : i32
    %dma_wait3A_938 = tpu.memref_slice %arg3[%add3A_872, %dma_wait3A_937] : memref<16384x2048xf32, #tpu.memory_space<hbm>> -> memref<8x2048xf32, #tpu.memory_space<hbm>>
    %dma_wait3A_939 = arith.constant 0 : i32
    %dma_wait3A_940 = tpu.memref_slice %arg3[%add3A_872, %dma_wait3A_939] : memref<16384x2048xf32, #tpu.memory_space<hbm>> -> memref<8x2048xf32, #tpu.memory_space<hbm>>
    tpu.wait_dma2 semaphore(%arg20 : memref<!tpu.dma_semaphore, #tpu.memory_space<semaphore_mem>>) src(%arg8 : memref<8x2048xf32, #tpu.memory_space<vmem>>) dst(%dma_wait3A_940 : memref<8x2048xf32, #tpu.memory_space<hbm>>)
    %dma_start3A_941 = arith.constant 264 : i32
    %dma_start3A_942 = tpu.memref_slice %arg4[%dma_start3A_941] : memref<512xi32, #tpu.memory_space<vmem>> -> memref<8xi32, #tpu.memory_space<vmem>>
    %dma_start3A_943 = arith.constant 0 : i32
    %dma_start3A_944 = arith.constant 0 : i32
    %dma_start3A_945 = tpu.memref_slice %arg2[%dma_start3A_943, %dma_start3A_944] : memref<32768x2048xf32, #tpu.memory_space<hbm>> -> memref<32768x2048xf32, #tpu.memory_space<hbm>>
    tpu.enqueue_indirect_dma source(%dma_start3A_945 : memref<32768x2048xf32, #tpu.memory_space<hbm>>) target(%arg8 : memref<8x2048xf32, #tpu.memory_space<vmem>>) offsets(%dma_start3A_942 : memref<8xi32, #tpu.memory_space<vmem>>) semaphore(%arg14 : memref<!tpu.dma_semaphore, #tpu.memory_space<semaphore_mem>>)
    %dma_wait3A_946 = arith.constant 248 : i32
    %dma_wait3A_947 = tpu.memref_slice %arg4[%dma_wait3A_946] : memref<512xi32, #tpu.memory_space<vmem>> -> memref<8xi32, #tpu.memory_space<vmem>>
    %dma_wait3A_948 = arith.constant 0 : i32
    %dma_wait3A_949 = arith.constant 0 : i32
    %dma_wait3A_950 = tpu.memref_slice %arg2[%dma_wait3A_948, %dma_wait3A_949] : memref<32768x2048xf32, #tpu.memory_space<hbm>> -> memref<32768x2048xf32, #tpu.memory_space<hbm>>
    tpu.wait_indirect_dma semaphore(%arg12 : memref<!tpu.dma_semaphore, #tpu.memory_space<semaphore_mem>>) src(%dma_wait3A_950 : memref<32768x2048xf32, #tpu.memory_space<hbm>>) dst(%arg6 : memref<8x2048xf32, #tpu.memory_space<vmem>>)
    %add3A_951 = arith.constant 248 : i32
    %add3A_952 = arith.addi %mul3A_2, %add3A_951 : i32
    %dma_start3A_953 = arith.constant 0 : i32
    %dma_start3A_954 = tpu.memref_slice %arg3[%add3A_952, %dma_start3A_953] : memref<16384x2048xf32, #tpu.memory_space<hbm>> -> memref<8x2048xf32, #tpu.memory_space<hbm>>
    %dma_start3A_955 = arith.constant 0 : i32
    %dma_start3A_956 = tpu.memref_slice %arg3[%add3A_952, %dma_start3A_955] : memref<16384x2048xf32, #tpu.memory_space<hbm>> -> memref<8x2048xf32, #tpu.memory_space<hbm>>
    tpu.enqueue_dma source(%arg6 : memref<8x2048xf32, #tpu.memory_space<vmem>>) target(%dma_start3A_956 : memref<8x2048xf32, #tpu.memory_space<hbm>>) target_semaphore(%arg18 : memref<!tpu.dma_semaphore, #tpu.memory_space<semaphore_mem>>)
    %dma_wait3A_957 = arith.constant 0 : i32
    %dma_wait3A_958 = tpu.memref_slice %arg3[%add3A_892, %dma_wait3A_957] : memref<16384x2048xf32, #tpu.memory_space<hbm>> -> memref<8x2048xf32, #tpu.memory_space<hbm>>
    %dma_wait3A_959 = arith.constant 0 : i32
    %dma_wait3A_960 = tpu.memref_slice %arg3[%add3A_892, %dma_wait3A_959] : memref<16384x2048xf32, #tpu.memory_space<hbm>> -> memref<8x2048xf32, #tpu.memory_space<hbm>>
    tpu.wait_dma2 semaphore(%arg21 : memref<!tpu.dma_semaphore, #tpu.memory_space<semaphore_mem>>) src(%arg9 : memref<8x2048xf32, #tpu.memory_space<vmem>>) dst(%dma_wait3A_960 : memref<8x2048xf32, #tpu.memory_space<hbm>>)
    %dma_start3A_961 = arith.constant 272 : i32
    %dma_start3A_962 = tpu.memref_slice %arg4[%dma_start3A_961] : memref<512xi32, #tpu.memory_space<vmem>> -> memref<8xi32, #tpu.memory_space<vmem>>
    %dma_start3A_963 = arith.constant 0 : i32
    %dma_start3A_964 = arith.constant 0 : i32
    %dma_start3A_965 = tpu.memref_slice %arg2[%dma_start3A_963, %dma_start3A_964] : memref<32768x2048xf32, #tpu.memory_space<hbm>> -> memref<32768x2048xf32, #tpu.memory_space<hbm>>
    tpu.enqueue_indirect_dma source(%dma_start3A_965 : memref<32768x2048xf32, #tpu.memory_space<hbm>>) target(%arg9 : memref<8x2048xf32, #tpu.memory_space<vmem>>) offsets(%dma_start3A_962 : memref<8xi32, #tpu.memory_space<vmem>>) semaphore(%arg15 : memref<!tpu.dma_semaphore, #tpu.memory_space<semaphore_mem>>)
    %dma_wait3A_966 = arith.constant 256 : i32
    %dma_wait3A_967 = tpu.memref_slice %arg4[%dma_wait3A_966] : memref<512xi32, #tpu.memory_space<vmem>> -> memref<8xi32, #tpu.memory_space<vmem>>
    %dma_wait3A_968 = arith.constant 0 : i32
    %dma_wait3A_969 = arith.constant 0 : i32
    %dma_wait3A_970 = tpu.memref_slice %arg2[%dma_wait3A_968, %dma_wait3A_969] : memref<32768x2048xf32, #tpu.memory_space<hbm>> -> memref<32768x2048xf32, #tpu.memory_space<hbm>>
    tpu.wait_indirect_dma semaphore(%arg13 : memref<!tpu.dma_semaphore, #tpu.memory_space<semaphore_mem>>) src(%dma_wait3A_970 : memref<32768x2048xf32, #tpu.memory_space<hbm>>) dst(%arg7 : memref<8x2048xf32, #tpu.memory_space<vmem>>)
    %add3A_971 = arith.constant 256 : i32
    %add3A_972 = arith.addi %mul3A_2, %add3A_971 : i32
    %dma_start3A_973 = arith.constant 0 : i32
    %dma_start3A_974 = tpu.memref_slice %arg3[%add3A_972, %dma_start3A_973] : memref<16384x2048xf32, #tpu.memory_space<hbm>> -> memref<8x2048xf32, #tpu.memory_space<hbm>>
    %dma_start3A_975 = arith.constant 0 : i32
    %dma_start3A_976 = tpu.memref_slice %arg3[%add3A_972, %dma_start3A_975] : memref<16384x2048xf32, #tpu.memory_space<hbm>> -> memref<8x2048xf32, #tpu.memory_space<hbm>>
    tpu.enqueue_dma source(%arg7 : memref<8x2048xf32, #tpu.memory_space<vmem>>) target(%dma_start3A_976 : memref<8x2048xf32, #tpu.memory_space<hbm>>) target_semaphore(%arg19 : memref<!tpu.dma_semaphore, #tpu.memory_space<semaphore_mem>>)
    %dma_wait3A_977 = arith.constant 0 : i32
    %dma_wait3A_978 = tpu.memref_slice %arg3[%add3A_912, %dma_wait3A_977] : memref<16384x2048xf32, #tpu.memory_space<hbm>> -> memref<8x2048xf32, #tpu.memory_space<hbm>>
    %dma_wait3A_979 = arith.constant 0 : i32
    %dma_wait3A_980 = tpu.memref_slice %arg3[%add3A_912, %dma_wait3A_979] : memref<16384x2048xf32, #tpu.memory_space<hbm>> -> memref<8x2048xf32, #tpu.memory_space<hbm>>
    tpu.wait_dma2 semaphore(%arg22 : memref<!tpu.dma_semaphore, #tpu.memory_space<semaphore_mem>>) src(%arg10 : memref<8x2048xf32, #tpu.memory_space<vmem>>) dst(%dma_wait3A_980 : memref<8x2048xf32, #tpu.memory_space<hbm>>)
    %dma_start3A_981 = arith.constant 280 : i32
    %dma_start3A_982 = tpu.memref_slice %arg4[%dma_start3A_981] : memref<512xi32, #tpu.memory_space<vmem>> -> memref<8xi32, #tpu.memory_space<vmem>>
    %dma_start3A_983 = arith.constant 0 : i32
    %dma_start3A_984 = arith.constant 0 : i32
    %dma_start3A_985 = tpu.memref_slice %arg2[%dma_start3A_983, %dma_start3A_984] : memref<32768x2048xf32, #tpu.memory_space<hbm>> -> memref<32768x2048xf32, #tpu.memory_space<hbm>>
    tpu.enqueue_indirect_dma source(%dma_start3A_985 : memref<32768x2048xf32, #tpu.memory_space<hbm>>) target(%arg10 : memref<8x2048xf32, #tpu.memory_space<vmem>>) offsets(%dma_start3A_982 : memref<8xi32, #tpu.memory_space<vmem>>) semaphore(%arg16 : memref<!tpu.dma_semaphore, #tpu.memory_space<semaphore_mem>>)
    %dma_wait3A_986 = arith.constant 264 : i32
    %dma_wait3A_987 = tpu.memref_slice %arg4[%dma_wait3A_986] : memref<512xi32, #tpu.memory_space<vmem>> -> memref<8xi32, #tpu.memory_space<vmem>>
    %dma_wait3A_988 = arith.constant 0 : i32
    %dma_wait3A_989 = arith.constant 0 : i32
    %dma_wait3A_990 = tpu.memref_slice %arg2[%dma_wait3A_988, %dma_wait3A_989] : memref<32768x2048xf32, #tpu.memory_space<hbm>> -> memref<32768x2048xf32, #tpu.memory_space<hbm>>
    tpu.wait_indirect_dma semaphore(%arg14 : memref<!tpu.dma_semaphore, #tpu.memory_space<semaphore_mem>>) src(%dma_wait3A_990 : memref<32768x2048xf32, #tpu.memory_space<hbm>>) dst(%arg8 : memref<8x2048xf32, #tpu.memory_space<vmem>>)
    %add3A_991 = arith.constant 264 : i32
    %add3A_992 = arith.addi %mul3A_2, %add3A_991 : i32
    %dma_start3A_993 = arith.constant 0 : i32
    %dma_start3A_994 = tpu.memref_slice %arg3[%add3A_992, %dma_start3A_993] : memref<16384x2048xf32, #tpu.memory_space<hbm>> -> memref<8x2048xf32, #tpu.memory_space<hbm>>
    %dma_start3A_995 = arith.constant 0 : i32
    %dma_start3A_996 = tpu.memref_slice %arg3[%add3A_992, %dma_start3A_995] : memref<16384x2048xf32, #tpu.memory_space<hbm>> -> memref<8x2048xf32, #tpu.memory_space<hbm>>
    tpu.enqueue_dma source(%arg8 : memref<8x2048xf32, #tpu.memory_space<vmem>>) target(%dma_start3A_996 : memref<8x2048xf32, #tpu.memory_space<hbm>>) target_semaphore(%arg20 : memref<!tpu.dma_semaphore, #tpu.memory_space<semaphore_mem>>)
    %dma_wait3A_997 = arith.constant 0 : i32
    %dma_wait3A_998 = tpu.memref_slice %arg3[%add3A_932, %dma_wait3A_997] : memref<16384x2048xf32, #tpu.memory_space<hbm>> -> memref<8x2048xf32, #tpu.memory_space<hbm>>
    %dma_wait3A_999 = arith.constant 0 : i32
    %dma_wait3A_1000 = tpu.memref_slice %arg3[%add3A_932, %dma_wait3A_999] : memref<16384x2048xf32, #tpu.memory_space<hbm>> -> memref<8x2048xf32, #tpu.memory_space<hbm>>
    tpu.wait_dma2 semaphore(%arg17 : memref<!tpu.dma_semaphore, #tpu.memory_space<semaphore_mem>>) src(%arg5 : memref<8x2048xf32, #tpu.memory_space<vmem>>) dst(%dma_wait3A_1000 : memref<8x2048xf32, #tpu.memory_space<hbm>>)
    %dma_start3A_1001 = arith.constant 288 : i32
    %dma_start3A_1002 = tpu.memref_slice %arg4[%dma_start3A_1001] : memref<512xi32, #tpu.memory_space<vmem>> -> memref<8xi32, #tpu.memory_space<vmem>>
    %dma_start3A_1003 = arith.constant 0 : i32
    %dma_start3A_1004 = arith.constant 0 : i32
    %dma_start3A_1005 = tpu.memref_slice %arg2[%dma_start3A_1003, %dma_start3A_1004] : memref<32768x2048xf32, #tpu.memory_space<hbm>> -> memref<32768x2048xf32, #tpu.memory_space<hbm>>
    tpu.enqueue_indirect_dma source(%dma_start3A_1005 : memref<32768x2048xf32, #tpu.memory_space<hbm>>) target(%arg5 : memref<8x2048xf32, #tpu.memory_space<vmem>>) offsets(%dma_start3A_1002 : memref<8xi32, #tpu.memory_space<vmem>>) semaphore(%arg11 : memref<!tpu.dma_semaphore, #tpu.memory_space<semaphore_mem>>)
    %dma_wait3A_1006 = arith.constant 272 : i32
    %dma_wait3A_1007 = tpu.memref_slice %arg4[%dma_wait3A_1006] : memref<512xi32, #tpu.memory_space<vmem>> -> memref<8xi32, #tpu.memory_space<vmem>>
    %dma_wait3A_1008 = arith.constant 0 : i32
    %dma_wait3A_1009 = arith.constant 0 : i32
    %dma_wait3A_1010 = tpu.memref_slice %arg2[%dma_wait3A_1008, %dma_wait3A_1009] : memref<32768x2048xf32, #tpu.memory_space<hbm>> -> memref<32768x2048xf32, #tpu.memory_space<hbm>>
    tpu.wait_indirect_dma semaphore(%arg15 : memref<!tpu.dma_semaphore, #tpu.memory_space<semaphore_mem>>) src(%dma_wait3A_1010 : memref<32768x2048xf32, #tpu.memory_space<hbm>>) dst(%arg9 : memref<8x2048xf32, #tpu.memory_space<vmem>>)
    %add3A_1011 = arith.constant 272 : i32
    %add3A_1012 = arith.addi %mul3A_2, %add3A_1011 : i32
    %dma_start3A_1013 = arith.constant 0 : i32
    %dma_start3A_1014 = tpu.memref_slice %arg3[%add3A_1012, %dma_start3A_1013] : memref<16384x2048xf32, #tpu.memory_space<hbm>> -> memref<8x2048xf32, #tpu.memory_space<hbm>>
    %dma_start3A_1015 = arith.constant 0 : i32
    %dma_start3A_1016 = tpu.memref_slice %arg3[%add3A_1012, %dma_start3A_1015] : memref<16384x2048xf32, #tpu.memory_space<hbm>> -> memref<8x2048xf32, #tpu.memory_space<hbm>>
    tpu.enqueue_dma source(%arg9 : memref<8x2048xf32, #tpu.memory_space<vmem>>) target(%dma_start3A_1016 : memref<8x2048xf32, #tpu.memory_space<hbm>>) target_semaphore(%arg21 : memref<!tpu.dma_semaphore, #tpu.memory_space<semaphore_mem>>)
    %dma_wait3A_1017 = arith.constant 0 : i32
    %dma_wait3A_1018 = tpu.memref_slice %arg3[%add3A_952, %dma_wait3A_1017] : memref<16384x2048xf32, #tpu.memory_space<hbm>> -> memref<8x2048xf32, #tpu.memory_space<hbm>>
    %dma_wait3A_1019 = arith.constant 0 : i32
    %dma_wait3A_1020 = tpu.memref_slice %arg3[%add3A_952, %dma_wait3A_1019] : memref<16384x2048xf32, #tpu.memory_space<hbm>> -> memref<8x2048xf32, #tpu.memory_space<hbm>>
    tpu.wait_dma2 semaphore(%arg18 : memref<!tpu.dma_semaphore, #tpu.memory_space<semaphore_mem>>) src(%arg6 : memref<8x2048xf32, #tpu.memory_space<vmem>>) dst(%dma_wait3A_1020 : memref<8x2048xf32, #tpu.memory_space<hbm>>)
    %dma_start3A_1021 = arith.constant 296 : i32
    %dma_start3A_1022 = tpu.memref_slice %arg4[%dma_start3A_1021] : memref<512xi32, #tpu.memory_space<vmem>> -> memref<8xi32, #tpu.memory_space<vmem>>
    %dma_start3A_1023 = arith.constant 0 : i32
    %dma_start3A_1024 = arith.constant 0 : i32
    %dma_start3A_1025 = tpu.memref_slice %arg2[%dma_start3A_1023, %dma_start3A_1024] : memref<32768x2048xf32, #tpu.memory_space<hbm>> -> memref<32768x2048xf32, #tpu.memory_space<hbm>>
    tpu.enqueue_indirect_dma source(%dma_start3A_1025 : memref<32768x2048xf32, #tpu.memory_space<hbm>>) target(%arg6 : memref<8x2048xf32, #tpu.memory_space<vmem>>) offsets(%dma_start3A_1022 : memref<8xi32, #tpu.memory_space<vmem>>) semaphore(%arg12 : memref<!tpu.dma_semaphore, #tpu.memory_space<semaphore_mem>>)
    %dma_wait3A_1026 = arith.constant 280 : i32
    %dma_wait3A_1027 = tpu.memref_slice %arg4[%dma_wait3A_1026] : memref<512xi32, #tpu.memory_space<vmem>> -> memref<8xi32, #tpu.memory_space<vmem>>
    %dma_wait3A_1028 = arith.constant 0 : i32
    %dma_wait3A_1029 = arith.constant 0 : i32
    %dma_wait3A_1030 = tpu.memref_slice %arg2[%dma_wait3A_1028, %dma_wait3A_1029] : memref<32768x2048xf32, #tpu.memory_space<hbm>> -> memref<32768x2048xf32, #tpu.memory_space<hbm>>
    tpu.wait_indirect_dma semaphore(%arg16 : memref<!tpu.dma_semaphore, #tpu.memory_space<semaphore_mem>>) src(%dma_wait3A_1030 : memref<32768x2048xf32, #tpu.memory_space<hbm>>) dst(%arg10 : memref<8x2048xf32, #tpu.memory_space<vmem>>)
    %add3A_1031 = arith.constant 280 : i32
    %add3A_1032 = arith.addi %mul3A_2, %add3A_1031 : i32
    %dma_start3A_1033 = arith.constant 0 : i32
    %dma_start3A_1034 = tpu.memref_slice %arg3[%add3A_1032, %dma_start3A_1033] : memref<16384x2048xf32, #tpu.memory_space<hbm>> -> memref<8x2048xf32, #tpu.memory_space<hbm>>
    %dma_start3A_1035 = arith.constant 0 : i32
    %dma_start3A_1036 = tpu.memref_slice %arg3[%add3A_1032, %dma_start3A_1035] : memref<16384x2048xf32, #tpu.memory_space<hbm>> -> memref<8x2048xf32, #tpu.memory_space<hbm>>
    tpu.enqueue_dma source(%arg10 : memref<8x2048xf32, #tpu.memory_space<vmem>>) target(%dma_start3A_1036 : memref<8x2048xf32, #tpu.memory_space<hbm>>) target_semaphore(%arg22 : memref<!tpu.dma_semaphore, #tpu.memory_space<semaphore_mem>>)
    %dma_wait3A_1037 = arith.constant 0 : i32
    %dma_wait3A_1038 = tpu.memref_slice %arg3[%add3A_972, %dma_wait3A_1037] : memref<16384x2048xf32, #tpu.memory_space<hbm>> -> memref<8x2048xf32, #tpu.memory_space<hbm>>
    %dma_wait3A_1039 = arith.constant 0 : i32
    %dma_wait3A_1040 = tpu.memref_slice %arg3[%add3A_972, %dma_wait3A_1039] : memref<16384x2048xf32, #tpu.memory_space<hbm>> -> memref<8x2048xf32, #tpu.memory_space<hbm>>
    tpu.wait_dma2 semaphore(%arg19 : memref<!tpu.dma_semaphore, #tpu.memory_space<semaphore_mem>>) src(%arg7 : memref<8x2048xf32, #tpu.memory_space<vmem>>) dst(%dma_wait3A_1040 : memref<8x2048xf32, #tpu.memory_space<hbm>>)
    %dma_start3A_1041 = arith.constant 304 : i32
    %dma_start3A_1042 = tpu.memref_slice %arg4[%dma_start3A_1041] : memref<512xi32, #tpu.memory_space<vmem>> -> memref<8xi32, #tpu.memory_space<vmem>>
    %dma_start3A_1043 = arith.constant 0 : i32
    %dma_start3A_1044 = arith.constant 0 : i32
    %dma_start3A_1045 = tpu.memref_slice %arg2[%dma_start3A_1043, %dma_start3A_1044] : memref<32768x2048xf32, #tpu.memory_space<hbm>> -> memref<32768x2048xf32, #tpu.memory_space<hbm>>
    tpu.enqueue_indirect_dma source(%dma_start3A_1045 : memref<32768x2048xf32, #tpu.memory_space<hbm>>) target(%arg7 : memref<8x2048xf32, #tpu.memory_space<vmem>>) offsets(%dma_start3A_1042 : memref<8xi32, #tpu.memory_space<vmem>>) semaphore(%arg13 : memref<!tpu.dma_semaphore, #tpu.memory_space<semaphore_mem>>)
    %dma_wait3A_1046 = arith.constant 288 : i32
    %dma_wait3A_1047 = tpu.memref_slice %arg4[%dma_wait3A_1046] : memref<512xi32, #tpu.memory_space<vmem>> -> memref<8xi32, #tpu.memory_space<vmem>>
    %dma_wait3A_1048 = arith.constant 0 : i32
    %dma_wait3A_1049 = arith.constant 0 : i32
    %dma_wait3A_1050 = tpu.memref_slice %arg2[%dma_wait3A_1048, %dma_wait3A_1049] : memref<32768x2048xf32, #tpu.memory_space<hbm>> -> memref<32768x2048xf32, #tpu.memory_space<hbm>>
    tpu.wait_indirect_dma semaphore(%arg11 : memref<!tpu.dma_semaphore, #tpu.memory_space<semaphore_mem>>) src(%dma_wait3A_1050 : memref<32768x2048xf32, #tpu.memory_space<hbm>>) dst(%arg5 : memref<8x2048xf32, #tpu.memory_space<vmem>>)
    %add3A_1051 = arith.constant 288 : i32
    %add3A_1052 = arith.addi %mul3A_2, %add3A_1051 : i32
    %dma_start3A_1053 = arith.constant 0 : i32
    %dma_start3A_1054 = tpu.memref_slice %arg3[%add3A_1052, %dma_start3A_1053] : memref<16384x2048xf32, #tpu.memory_space<hbm>> -> memref<8x2048xf32, #tpu.memory_space<hbm>>
    %dma_start3A_1055 = arith.constant 0 : i32
    %dma_start3A_1056 = tpu.memref_slice %arg3[%add3A_1052, %dma_start3A_1055] : memref<16384x2048xf32, #tpu.memory_space<hbm>> -> memref<8x2048xf32, #tpu.memory_space<hbm>>
    tpu.enqueue_dma source(%arg5 : memref<8x2048xf32, #tpu.memory_space<vmem>>) target(%dma_start3A_1056 : memref<8x2048xf32, #tpu.memory_space<hbm>>) target_semaphore(%arg17 : memref<!tpu.dma_semaphore, #tpu.memory_space<semaphore_mem>>)
    %dma_wait3A_1057 = arith.constant 0 : i32
    %dma_wait3A_1058 = tpu.memref_slice %arg3[%add3A_992, %dma_wait3A_1057] : memref<16384x2048xf32, #tpu.memory_space<hbm>> -> memref<8x2048xf32, #tpu.memory_space<hbm>>
    %dma_wait3A_1059 = arith.constant 0 : i32
    %dma_wait3A_1060 = tpu.memref_slice %arg3[%add3A_992, %dma_wait3A_1059] : memref<16384x2048xf32, #tpu.memory_space<hbm>> -> memref<8x2048xf32, #tpu.memory_space<hbm>>
    tpu.wait_dma2 semaphore(%arg20 : memref<!tpu.dma_semaphore, #tpu.memory_space<semaphore_mem>>) src(%arg8 : memref<8x2048xf32, #tpu.memory_space<vmem>>) dst(%dma_wait3A_1060 : memref<8x2048xf32, #tpu.memory_space<hbm>>)
    %dma_start3A_1061 = arith.constant 312 : i32
    %dma_start3A_1062 = tpu.memref_slice %arg4[%dma_start3A_1061] : memref<512xi32, #tpu.memory_space<vmem>> -> memref<8xi32, #tpu.memory_space<vmem>>
    %dma_start3A_1063 = arith.constant 0 : i32
    %dma_start3A_1064 = arith.constant 0 : i32
    %dma_start3A_1065 = tpu.memref_slice %arg2[%dma_start3A_1063, %dma_start3A_1064] : memref<32768x2048xf32, #tpu.memory_space<hbm>> -> memref<32768x2048xf32, #tpu.memory_space<hbm>>
    tpu.enqueue_indirect_dma source(%dma_start3A_1065 : memref<32768x2048xf32, #tpu.memory_space<hbm>>) target(%arg8 : memref<8x2048xf32, #tpu.memory_space<vmem>>) offsets(%dma_start3A_1062 : memref<8xi32, #tpu.memory_space<vmem>>) semaphore(%arg14 : memref<!tpu.dma_semaphore, #tpu.memory_space<semaphore_mem>>)
    %dma_wait3A_1066 = arith.constant 296 : i32
    %dma_wait3A_1067 = tpu.memref_slice %arg4[%dma_wait3A_1066] : memref<512xi32, #tpu.memory_space<vmem>> -> memref<8xi32, #tpu.memory_space<vmem>>
    %dma_wait3A_1068 = arith.constant 0 : i32
    %dma_wait3A_1069 = arith.constant 0 : i32
    %dma_wait3A_1070 = tpu.memref_slice %arg2[%dma_wait3A_1068, %dma_wait3A_1069] : memref<32768x2048xf32, #tpu.memory_space<hbm>> -> memref<32768x2048xf32, #tpu.memory_space<hbm>>
    tpu.wait_indirect_dma semaphore(%arg12 : memref<!tpu.dma_semaphore, #tpu.memory_space<semaphore_mem>>) src(%dma_wait3A_1070 : memref<32768x2048xf32, #tpu.memory_space<hbm>>) dst(%arg6 : memref<8x2048xf32, #tpu.memory_space<vmem>>)
    %add3A_1071 = arith.constant 296 : i32
    %add3A_1072 = arith.addi %mul3A_2, %add3A_1071 : i32
    %dma_start3A_1073 = arith.constant 0 : i32
    %dma_start3A_1074 = tpu.memref_slice %arg3[%add3A_1072, %dma_start3A_1073] : memref<16384x2048xf32, #tpu.memory_space<hbm>> -> memref<8x2048xf32, #tpu.memory_space<hbm>>
    %dma_start3A_1075 = arith.constant 0 : i32
    %dma_start3A_1076 = tpu.memref_slice %arg3[%add3A_1072, %dma_start3A_1075] : memref<16384x2048xf32, #tpu.memory_space<hbm>> -> memref<8x2048xf32, #tpu.memory_space<hbm>>
    tpu.enqueue_dma source(%arg6 : memref<8x2048xf32, #tpu.memory_space<vmem>>) target(%dma_start3A_1076 : memref<8x2048xf32, #tpu.memory_space<hbm>>) target_semaphore(%arg18 : memref<!tpu.dma_semaphore, #tpu.memory_space<semaphore_mem>>)
    %dma_wait3A_1077 = arith.constant 0 : i32
    %dma_wait3A_1078 = tpu.memref_slice %arg3[%add3A_1012, %dma_wait3A_1077] : memref<16384x2048xf32, #tpu.memory_space<hbm>> -> memref<8x2048xf32, #tpu.memory_space<hbm>>
    %dma_wait3A_1079 = arith.constant 0 : i32
    %dma_wait3A_1080 = tpu.memref_slice %arg3[%add3A_1012, %dma_wait3A_1079] : memref<16384x2048xf32, #tpu.memory_space<hbm>> -> memref<8x2048xf32, #tpu.memory_space<hbm>>
    tpu.wait_dma2 semaphore(%arg21 : memref<!tpu.dma_semaphore, #tpu.memory_space<semaphore_mem>>) src(%arg9 : memref<8x2048xf32, #tpu.memory_space<vmem>>) dst(%dma_wait3A_1080 : memref<8x2048xf32, #tpu.memory_space<hbm>>)
    %dma_start3A_1081 = arith.constant 320 : i32
    %dma_start3A_1082 = tpu.memref_slice %arg4[%dma_start3A_1081] : memref<512xi32, #tpu.memory_space<vmem>> -> memref<8xi32, #tpu.memory_space<vmem>>
    %dma_start3A_1083 = arith.constant 0 : i32
    %dma_start3A_1084 = arith.constant 0 : i32
    %dma_start3A_1085 = tpu.memref_slice %arg2[%dma_start3A_1083, %dma_start3A_1084] : memref<32768x2048xf32, #tpu.memory_space<hbm>> -> memref<32768x2048xf32, #tpu.memory_space<hbm>>
    tpu.enqueue_indirect_dma source(%dma_start3A_1085 : memref<32768x2048xf32, #tpu.memory_space<hbm>>) target(%arg9 : memref<8x2048xf32, #tpu.memory_space<vmem>>) offsets(%dma_start3A_1082 : memref<8xi32, #tpu.memory_space<vmem>>) semaphore(%arg15 : memref<!tpu.dma_semaphore, #tpu.memory_space<semaphore_mem>>)
    %dma_wait3A_1086 = arith.constant 304 : i32
    %dma_wait3A_1087 = tpu.memref_slice %arg4[%dma_wait3A_1086] : memref<512xi32, #tpu.memory_space<vmem>> -> memref<8xi32, #tpu.memory_space<vmem>>
    %dma_wait3A_1088 = arith.constant 0 : i32
    %dma_wait3A_1089 = arith.constant 0 : i32
    %dma_wait3A_1090 = tpu.memref_slice %arg2[%dma_wait3A_1088, %dma_wait3A_1089] : memref<32768x2048xf32, #tpu.memory_space<hbm>> -> memref<32768x2048xf32, #tpu.memory_space<hbm>>
    tpu.wait_indirect_dma semaphore(%arg13 : memref<!tpu.dma_semaphore, #tpu.memory_space<semaphore_mem>>) src(%dma_wait3A_1090 : memref<32768x2048xf32, #tpu.memory_space<hbm>>) dst(%arg7 : memref<8x2048xf32, #tpu.memory_space<vmem>>)
    %add3A_1091 = arith.constant 304 : i32
    %add3A_1092 = arith.addi %mul3A_2, %add3A_1091 : i32
    %dma_start3A_1093 = arith.constant 0 : i32
    %dma_start3A_1094 = tpu.memref_slice %arg3[%add3A_1092, %dma_start3A_1093] : memref<16384x2048xf32, #tpu.memory_space<hbm>> -> memref<8x2048xf32, #tpu.memory_space<hbm>>
    %dma_start3A_1095 = arith.constant 0 : i32
    %dma_start3A_1096 = tpu.memref_slice %arg3[%add3A_1092, %dma_start3A_1095] : memref<16384x2048xf32, #tpu.memory_space<hbm>> -> memref<8x2048xf32, #tpu.memory_space<hbm>>
    tpu.enqueue_dma source(%arg7 : memref<8x2048xf32, #tpu.memory_space<vmem>>) target(%dma_start3A_1096 : memref<8x2048xf32, #tpu.memory_space<hbm>>) target_semaphore(%arg19 : memref<!tpu.dma_semaphore, #tpu.memory_space<semaphore_mem>>)
    %dma_wait3A_1097 = arith.constant 0 : i32
    %dma_wait3A_1098 = tpu.memref_slice %arg3[%add3A_1032, %dma_wait3A_1097] : memref<16384x2048xf32, #tpu.memory_space<hbm>> -> memref<8x2048xf32, #tpu.memory_space<hbm>>
    %dma_wait3A_1099 = arith.constant 0 : i32
    %dma_wait3A_1100 = tpu.memref_slice %arg3[%add3A_1032, %dma_wait3A_1099] : memref<16384x2048xf32, #tpu.memory_space<hbm>> -> memref<8x2048xf32, #tpu.memory_space<hbm>>
    tpu.wait_dma2 semaphore(%arg22 : memref<!tpu.dma_semaphore, #tpu.memory_space<semaphore_mem>>) src(%arg10 : memref<8x2048xf32, #tpu.memory_space<vmem>>) dst(%dma_wait3A_1100 : memref<8x2048xf32, #tpu.memory_space<hbm>>)
    %dma_start3A_1101 = arith.constant 328 : i32
    %dma_start3A_1102 = tpu.memref_slice %arg4[%dma_start3A_1101] : memref<512xi32, #tpu.memory_space<vmem>> -> memref<8xi32, #tpu.memory_space<vmem>>
    %dma_start3A_1103 = arith.constant 0 : i32
    %dma_start3A_1104 = arith.constant 0 : i32
    %dma_start3A_1105 = tpu.memref_slice %arg2[%dma_start3A_1103, %dma_start3A_1104] : memref<32768x2048xf32, #tpu.memory_space<hbm>> -> memref<32768x2048xf32, #tpu.memory_space<hbm>>
    tpu.enqueue_indirect_dma source(%dma_start3A_1105 : memref<32768x2048xf32, #tpu.memory_space<hbm>>) target(%arg10 : memref<8x2048xf32, #tpu.memory_space<vmem>>) offsets(%dma_start3A_1102 : memref<8xi32, #tpu.memory_space<vmem>>) semaphore(%arg16 : memref<!tpu.dma_semaphore, #tpu.memory_space<semaphore_mem>>)
    %dma_wait3A_1106 = arith.constant 312 : i32
    %dma_wait3A_1107 = tpu.memref_slice %arg4[%dma_wait3A_1106] : memref<512xi32, #tpu.memory_space<vmem>> -> memref<8xi32, #tpu.memory_space<vmem>>
    %dma_wait3A_1108 = arith.constant 0 : i32
    %dma_wait3A_1109 = arith.constant 0 : i32
    %dma_wait3A_1110 = tpu.memref_slice %arg2[%dma_wait3A_1108, %dma_wait3A_1109] : memref<32768x2048xf32, #tpu.memory_space<hbm>> -> memref<32768x2048xf32, #tpu.memory_space<hbm>>
    tpu.wait_indirect_dma semaphore(%arg14 : memref<!tpu.dma_semaphore, #tpu.memory_space<semaphore_mem>>) src(%dma_wait3A_1110 : memref<32768x2048xf32, #tpu.memory_space<hbm>>) dst(%arg8 : memref<8x2048xf32, #tpu.memory_space<vmem>>)
    %add3A_1111 = arith.constant 312 : i32
    %add3A_1112 = arith.addi %mul3A_2, %add3A_1111 : i32
    %dma_start3A_1113 = arith.constant 0 : i32
    %dma_start3A_1114 = tpu.memref_slice %arg3[%add3A_1112, %dma_start3A_1113] : memref<16384x2048xf32, #tpu.memory_space<hbm>> -> memref<8x2048xf32, #tpu.memory_space<hbm>>
    %dma_start3A_1115 = arith.constant 0 : i32
    %dma_start3A_1116 = tpu.memref_slice %arg3[%add3A_1112, %dma_start3A_1115] : memref<16384x2048xf32, #tpu.memory_space<hbm>> -> memref<8x2048xf32, #tpu.memory_space<hbm>>
    tpu.enqueue_dma source(%arg8 : memref<8x2048xf32, #tpu.memory_space<vmem>>) target(%dma_start3A_1116 : memref<8x2048xf32, #tpu.memory_space<hbm>>) target_semaphore(%arg20 : memref<!tpu.dma_semaphore, #tpu.memory_space<semaphore_mem>>)
    %dma_wait3A_1117 = arith.constant 0 : i32
    %dma_wait3A_1118 = tpu.memref_slice %arg3[%add3A_1052, %dma_wait3A_1117] : memref<16384x2048xf32, #tpu.memory_space<hbm>> -> memref<8x2048xf32, #tpu.memory_space<hbm>>
    %dma_wait3A_1119 = arith.constant 0 : i32
    %dma_wait3A_1120 = tpu.memref_slice %arg3[%add3A_1052, %dma_wait3A_1119] : memref<16384x2048xf32, #tpu.memory_space<hbm>> -> memref<8x2048xf32, #tpu.memory_space<hbm>>
    tpu.wait_dma2 semaphore(%arg17 : memref<!tpu.dma_semaphore, #tpu.memory_space<semaphore_mem>>) src(%arg5 : memref<8x2048xf32, #tpu.memory_space<vmem>>) dst(%dma_wait3A_1120 : memref<8x2048xf32, #tpu.memory_space<hbm>>)
    %dma_start3A_1121 = arith.constant 336 : i32
    %dma_start3A_1122 = tpu.memref_slice %arg4[%dma_start3A_1121] : memref<512xi32, #tpu.memory_space<vmem>> -> memref<8xi32, #tpu.memory_space<vmem>>
    %dma_start3A_1123 = arith.constant 0 : i32
    %dma_start3A_1124 = arith.constant 0 : i32
    %dma_start3A_1125 = tpu.memref_slice %arg2[%dma_start3A_1123, %dma_start3A_1124] : memref<32768x2048xf32, #tpu.memory_space<hbm>> -> memref<32768x2048xf32, #tpu.memory_space<hbm>>
    tpu.enqueue_indirect_dma source(%dma_start3A_1125 : memref<32768x2048xf32, #tpu.memory_space<hbm>>) target(%arg5 : memref<8x2048xf32, #tpu.memory_space<vmem>>) offsets(%dma_start3A_1122 : memref<8xi32, #tpu.memory_space<vmem>>) semaphore(%arg11 : memref<!tpu.dma_semaphore, #tpu.memory_space<semaphore_mem>>)
    %dma_wait3A_1126 = arith.constant 320 : i32
    %dma_wait3A_1127 = tpu.memref_slice %arg4[%dma_wait3A_1126] : memref<512xi32, #tpu.memory_space<vmem>> -> memref<8xi32, #tpu.memory_space<vmem>>
    %dma_wait3A_1128 = arith.constant 0 : i32
    %dma_wait3A_1129 = arith.constant 0 : i32
    %dma_wait3A_1130 = tpu.memref_slice %arg2[%dma_wait3A_1128, %dma_wait3A_1129] : memref<32768x2048xf32, #tpu.memory_space<hbm>> -> memref<32768x2048xf32, #tpu.memory_space<hbm>>
    tpu.wait_indirect_dma semaphore(%arg15 : memref<!tpu.dma_semaphore, #tpu.memory_space<semaphore_mem>>) src(%dma_wait3A_1130 : memref<32768x2048xf32, #tpu.memory_space<hbm>>) dst(%arg9 : memref<8x2048xf32, #tpu.memory_space<vmem>>)
    %add3A_1131 = arith.constant 320 : i32
    %add3A_1132 = arith.addi %mul3A_2, %add3A_1131 : i32
    %dma_start3A_1133 = arith.constant 0 : i32
    %dma_start3A_1134 = tpu.memref_slice %arg3[%add3A_1132, %dma_start3A_1133] : memref<16384x2048xf32, #tpu.memory_space<hbm>> -> memref<8x2048xf32, #tpu.memory_space<hbm>>
    %dma_start3A_1135 = arith.constant 0 : i32
    %dma_start3A_1136 = tpu.memref_slice %arg3[%add3A_1132, %dma_start3A_1135] : memref<16384x2048xf32, #tpu.memory_space<hbm>> -> memref<8x2048xf32, #tpu.memory_space<hbm>>
    tpu.enqueue_dma source(%arg9 : memref<8x2048xf32, #tpu.memory_space<vmem>>) target(%dma_start3A_1136 : memref<8x2048xf32, #tpu.memory_space<hbm>>) target_semaphore(%arg21 : memref<!tpu.dma_semaphore, #tpu.memory_space<semaphore_mem>>)
    %dma_wait3A_1137 = arith.constant 0 : i32
    %dma_wait3A_1138 = tpu.memref_slice %arg3[%add3A_1072, %dma_wait3A_1137] : memref<16384x2048xf32, #tpu.memory_space<hbm>> -> memref<8x2048xf32, #tpu.memory_space<hbm>>
    %dma_wait3A_1139 = arith.constant 0 : i32
    %dma_wait3A_1140 = tpu.memref_slice %arg3[%add3A_1072, %dma_wait3A_1139] : memref<16384x2048xf32, #tpu.memory_space<hbm>> -> memref<8x2048xf32, #tpu.memory_space<hbm>>
    tpu.wait_dma2 semaphore(%arg18 : memref<!tpu.dma_semaphore, #tpu.memory_space<semaphore_mem>>) src(%arg6 : memref<8x2048xf32, #tpu.memory_space<vmem>>) dst(%dma_wait3A_1140 : memref<8x2048xf32, #tpu.memory_space<hbm>>)
    %dma_start3A_1141 = arith.constant 344 : i32
    %dma_start3A_1142 = tpu.memref_slice %arg4[%dma_start3A_1141] : memref<512xi32, #tpu.memory_space<vmem>> -> memref<8xi32, #tpu.memory_space<vmem>>
    %dma_start3A_1143 = arith.constant 0 : i32
    %dma_start3A_1144 = arith.constant 0 : i32
    %dma_start3A_1145 = tpu.memref_slice %arg2[%dma_start3A_1143, %dma_start3A_1144] : memref<32768x2048xf32, #tpu.memory_space<hbm>> -> memref<32768x2048xf32, #tpu.memory_space<hbm>>
    tpu.enqueue_indirect_dma source(%dma_start3A_1145 : memref<32768x2048xf32, #tpu.memory_space<hbm>>) target(%arg6 : memref<8x2048xf32, #tpu.memory_space<vmem>>) offsets(%dma_start3A_1142 : memref<8xi32, #tpu.memory_space<vmem>>) semaphore(%arg12 : memref<!tpu.dma_semaphore, #tpu.memory_space<semaphore_mem>>)
    %dma_wait3A_1146 = arith.constant 328 : i32
    %dma_wait3A_1147 = tpu.memref_slice %arg4[%dma_wait3A_1146] : memref<512xi32, #tpu.memory_space<vmem>> -> memref<8xi32, #tpu.memory_space<vmem>>
    %dma_wait3A_1148 = arith.constant 0 : i32
    %dma_wait3A_1149 = arith.constant 0 : i32
    %dma_wait3A_1150 = tpu.memref_slice %arg2[%dma_wait3A_1148, %dma_wait3A_1149] : memref<32768x2048xf32, #tpu.memory_space<hbm>> -> memref<32768x2048xf32, #tpu.memory_space<hbm>>
    tpu.wait_indirect_dma semaphore(%arg16 : memref<!tpu.dma_semaphore, #tpu.memory_space<semaphore_mem>>) src(%dma_wait3A_1150 : memref<32768x2048xf32, #tpu.memory_space<hbm>>) dst(%arg10 : memref<8x2048xf32, #tpu.memory_space<vmem>>)
    %add3A_1151 = arith.constant 328 : i32
    %add3A_1152 = arith.addi %mul3A_2, %add3A_1151 : i32
    %dma_start3A_1153 = arith.constant 0 : i32
    %dma_start3A_1154 = tpu.memref_slice %arg3[%add3A_1152, %dma_start3A_1153] : memref<16384x2048xf32, #tpu.memory_space<hbm>> -> memref<8x2048xf32, #tpu.memory_space<hbm>>
    %dma_start3A_1155 = arith.constant 0 : i32
    %dma_start3A_1156 = tpu.memref_slice %arg3[%add3A_1152, %dma_start3A_1155] : memref<16384x2048xf32, #tpu.memory_space<hbm>> -> memref<8x2048xf32, #tpu.memory_space<hbm>>
    tpu.enqueue_dma source(%arg10 : memref<8x2048xf32, #tpu.memory_space<vmem>>) target(%dma_start3A_1156 : memref<8x2048xf32, #tpu.memory_space<hbm>>) target_semaphore(%arg22 : memref<!tpu.dma_semaphore, #tpu.memory_space<semaphore_mem>>)
    %dma_wait3A_1157 = arith.constant 0 : i32
    %dma_wait3A_1158 = tpu.memref_slice %arg3[%add3A_1092, %dma_wait3A_1157] : memref<16384x2048xf32, #tpu.memory_space<hbm>> -> memref<8x2048xf32, #tpu.memory_space<hbm>>
    %dma_wait3A_1159 = arith.constant 0 : i32
    %dma_wait3A_1160 = tpu.memref_slice %arg3[%add3A_1092, %dma_wait3A_1159] : memref<16384x2048xf32, #tpu.memory_space<hbm>> -> memref<8x2048xf32, #tpu.memory_space<hbm>>
    tpu.wait_dma2 semaphore(%arg19 : memref<!tpu.dma_semaphore, #tpu.memory_space<semaphore_mem>>) src(%arg7 : memref<8x2048xf32, #tpu.memory_space<vmem>>) dst(%dma_wait3A_1160 : memref<8x2048xf32, #tpu.memory_space<hbm>>)
    %dma_start3A_1161 = arith.constant 352 : i32
    %dma_start3A_1162 = tpu.memref_slice %arg4[%dma_start3A_1161] : memref<512xi32, #tpu.memory_space<vmem>> -> memref<8xi32, #tpu.memory_space<vmem>>
    %dma_start3A_1163 = arith.constant 0 : i32
    %dma_start3A_1164 = arith.constant 0 : i32
    %dma_start3A_1165 = tpu.memref_slice %arg2[%dma_start3A_1163, %dma_start3A_1164] : memref<32768x2048xf32, #tpu.memory_space<hbm>> -> memref<32768x2048xf32, #tpu.memory_space<hbm>>
    tpu.enqueue_indirect_dma source(%dma_start3A_1165 : memref<32768x2048xf32, #tpu.memory_space<hbm>>) target(%arg7 : memref<8x2048xf32, #tpu.memory_space<vmem>>) offsets(%dma_start3A_1162 : memref<8xi32, #tpu.memory_space<vmem>>) semaphore(%arg13 : memref<!tpu.dma_semaphore, #tpu.memory_space<semaphore_mem>>)
    %dma_wait3A_1166 = arith.constant 336 : i32
    %dma_wait3A_1167 = tpu.memref_slice %arg4[%dma_wait3A_1166] : memref<512xi32, #tpu.memory_space<vmem>> -> memref<8xi32, #tpu.memory_space<vmem>>
    %dma_wait3A_1168 = arith.constant 0 : i32
    %dma_wait3A_1169 = arith.constant 0 : i32
    %dma_wait3A_1170 = tpu.memref_slice %arg2[%dma_wait3A_1168, %dma_wait3A_1169] : memref<32768x2048xf32, #tpu.memory_space<hbm>> -> memref<32768x2048xf32, #tpu.memory_space<hbm>>
    tpu.wait_indirect_dma semaphore(%arg11 : memref<!tpu.dma_semaphore, #tpu.memory_space<semaphore_mem>>) src(%dma_wait3A_1170 : memref<32768x2048xf32, #tpu.memory_space<hbm>>) dst(%arg5 : memref<8x2048xf32, #tpu.memory_space<vmem>>)
    %add3A_1171 = arith.constant 336 : i32
    %add3A_1172 = arith.addi %mul3A_2, %add3A_1171 : i32
    %dma_start3A_1173 = arith.constant 0 : i32
    %dma_start3A_1174 = tpu.memref_slice %arg3[%add3A_1172, %dma_start3A_1173] : memref<16384x2048xf32, #tpu.memory_space<hbm>> -> memref<8x2048xf32, #tpu.memory_space<hbm>>
    %dma_start3A_1175 = arith.constant 0 : i32
    %dma_start3A_1176 = tpu.memref_slice %arg3[%add3A_1172, %dma_start3A_1175] : memref<16384x2048xf32, #tpu.memory_space<hbm>> -> memref<8x2048xf32, #tpu.memory_space<hbm>>
    tpu.enqueue_dma source(%arg5 : memref<8x2048xf32, #tpu.memory_space<vmem>>) target(%dma_start3A_1176 : memref<8x2048xf32, #tpu.memory_space<hbm>>) target_semaphore(%arg17 : memref<!tpu.dma_semaphore, #tpu.memory_space<semaphore_mem>>)
    %dma_wait3A_1177 = arith.constant 0 : i32
    %dma_wait3A_1178 = tpu.memref_slice %arg3[%add3A_1112, %dma_wait3A_1177] : memref<16384x2048xf32, #tpu.memory_space<hbm>> -> memref<8x2048xf32, #tpu.memory_space<hbm>>
    %dma_wait3A_1179 = arith.constant 0 : i32
    %dma_wait3A_1180 = tpu.memref_slice %arg3[%add3A_1112, %dma_wait3A_1179] : memref<16384x2048xf32, #tpu.memory_space<hbm>> -> memref<8x2048xf32, #tpu.memory_space<hbm>>
    tpu.wait_dma2 semaphore(%arg20 : memref<!tpu.dma_semaphore, #tpu.memory_space<semaphore_mem>>) src(%arg8 : memref<8x2048xf32, #tpu.memory_space<vmem>>) dst(%dma_wait3A_1180 : memref<8x2048xf32, #tpu.memory_space<hbm>>)
    %dma_start3A_1181 = arith.constant 360 : i32
    %dma_start3A_1182 = tpu.memref_slice %arg4[%dma_start3A_1181] : memref<512xi32, #tpu.memory_space<vmem>> -> memref<8xi32, #tpu.memory_space<vmem>>
    %dma_start3A_1183 = arith.constant 0 : i32
    %dma_start3A_1184 = arith.constant 0 : i32
    %dma_start3A_1185 = tpu.memref_slice %arg2[%dma_start3A_1183, %dma_start3A_1184] : memref<32768x2048xf32, #tpu.memory_space<hbm>> -> memref<32768x2048xf32, #tpu.memory_space<hbm>>
    tpu.enqueue_indirect_dma source(%dma_start3A_1185 : memref<32768x2048xf32, #tpu.memory_space<hbm>>) target(%arg8 : memref<8x2048xf32, #tpu.memory_space<vmem>>) offsets(%dma_start3A_1182 : memref<8xi32, #tpu.memory_space<vmem>>) semaphore(%arg14 : memref<!tpu.dma_semaphore, #tpu.memory_space<semaphore_mem>>)
    %dma_wait3A_1186 = arith.constant 344 : i32
    %dma_wait3A_1187 = tpu.memref_slice %arg4[%dma_wait3A_1186] : memref<512xi32, #tpu.memory_space<vmem>> -> memref<8xi32, #tpu.memory_space<vmem>>
    %dma_wait3A_1188 = arith.constant 0 : i32
    %dma_wait3A_1189 = arith.constant 0 : i32
    %dma_wait3A_1190 = tpu.memref_slice %arg2[%dma_wait3A_1188, %dma_wait3A_1189] : memref<32768x2048xf32, #tpu.memory_space<hbm>> -> memref<32768x2048xf32, #tpu.memory_space<hbm>>
    tpu.wait_indirect_dma semaphore(%arg12 : memref<!tpu.dma_semaphore, #tpu.memory_space<semaphore_mem>>) src(%dma_wait3A_1190 : memref<32768x2048xf32, #tpu.memory_space<hbm>>) dst(%arg6 : memref<8x2048xf32, #tpu.memory_space<vmem>>)
    %add3A_1191 = arith.constant 344 : i32
    %add3A_1192 = arith.addi %mul3A_2, %add3A_1191 : i32
    %dma_start3A_1193 = arith.constant 0 : i32
    %dma_start3A_1194 = tpu.memref_slice %arg3[%add3A_1192, %dma_start3A_1193] : memref<16384x2048xf32, #tpu.memory_space<hbm>> -> memref<8x2048xf32, #tpu.memory_space<hbm>>
    %dma_start3A_1195 = arith.constant 0 : i32
    %dma_start3A_1196 = tpu.memref_slice %arg3[%add3A_1192, %dma_start3A_1195] : memref<16384x2048xf32, #tpu.memory_space<hbm>> -> memref<8x2048xf32, #tpu.memory_space<hbm>>
    tpu.enqueue_dma source(%arg6 : memref<8x2048xf32, #tpu.memory_space<vmem>>) target(%dma_start3A_1196 : memref<8x2048xf32, #tpu.memory_space<hbm>>) target_semaphore(%arg18 : memref<!tpu.dma_semaphore, #tpu.memory_space<semaphore_mem>>)
    %dma_wait3A_1197 = arith.constant 0 : i32
    %dma_wait3A_1198 = tpu.memref_slice %arg3[%add3A_1132, %dma_wait3A_1197] : memref<16384x2048xf32, #tpu.memory_space<hbm>> -> memref<8x2048xf32, #tpu.memory_space<hbm>>
    %dma_wait3A_1199 = arith.constant 0 : i32
    %dma_wait3A_1200 = tpu.memref_slice %arg3[%add3A_1132, %dma_wait3A_1199] : memref<16384x2048xf32, #tpu.memory_space<hbm>> -> memref<8x2048xf32, #tpu.memory_space<hbm>>
    tpu.wait_dma2 semaphore(%arg21 : memref<!tpu.dma_semaphore, #tpu.memory_space<semaphore_mem>>) src(%arg9 : memref<8x2048xf32, #tpu.memory_space<vmem>>) dst(%dma_wait3A_1200 : memref<8x2048xf32, #tpu.memory_space<hbm>>)
    %dma_start3A_1201 = arith.constant 368 : i32
    %dma_start3A_1202 = tpu.memref_slice %arg4[%dma_start3A_1201] : memref<512xi32, #tpu.memory_space<vmem>> -> memref<8xi32, #tpu.memory_space<vmem>>
    %dma_start3A_1203 = arith.constant 0 : i32
    %dma_start3A_1204 = arith.constant 0 : i32
    %dma_start3A_1205 = tpu.memref_slice %arg2[%dma_start3A_1203, %dma_start3A_1204] : memref<32768x2048xf32, #tpu.memory_space<hbm>> -> memref<32768x2048xf32, #tpu.memory_space<hbm>>
    tpu.enqueue_indirect_dma source(%dma_start3A_1205 : memref<32768x2048xf32, #tpu.memory_space<hbm>>) target(%arg9 : memref<8x2048xf32, #tpu.memory_space<vmem>>) offsets(%dma_start3A_1202 : memref<8xi32, #tpu.memory_space<vmem>>) semaphore(%arg15 : memref<!tpu.dma_semaphore, #tpu.memory_space<semaphore_mem>>)
    %dma_wait3A_1206 = arith.constant 352 : i32
    %dma_wait3A_1207 = tpu.memref_slice %arg4[%dma_wait3A_1206] : memref<512xi32, #tpu.memory_space<vmem>> -> memref<8xi32, #tpu.memory_space<vmem>>
    %dma_wait3A_1208 = arith.constant 0 : i32
    %dma_wait3A_1209 = arith.constant 0 : i32
    %dma_wait3A_1210 = tpu.memref_slice %arg2[%dma_wait3A_1208, %dma_wait3A_1209] : memref<32768x2048xf32, #tpu.memory_space<hbm>> -> memref<32768x2048xf32, #tpu.memory_space<hbm>>
    tpu.wait_indirect_dma semaphore(%arg13 : memref<!tpu.dma_semaphore, #tpu.memory_space<semaphore_mem>>) src(%dma_wait3A_1210 : memref<32768x2048xf32, #tpu.memory_space<hbm>>) dst(%arg7 : memref<8x2048xf32, #tpu.memory_space<vmem>>)
    %add3A_1211 = arith.constant 352 : i32
    %add3A_1212 = arith.addi %mul3A_2, %add3A_1211 : i32
    %dma_start3A_1213 = arith.constant 0 : i32
    %dma_start3A_1214 = tpu.memref_slice %arg3[%add3A_1212, %dma_start3A_1213] : memref<16384x2048xf32, #tpu.memory_space<hbm>> -> memref<8x2048xf32, #tpu.memory_space<hbm>>
    %dma_start3A_1215 = arith.constant 0 : i32
    %dma_start3A_1216 = tpu.memref_slice %arg3[%add3A_1212, %dma_start3A_1215] : memref<16384x2048xf32, #tpu.memory_space<hbm>> -> memref<8x2048xf32, #tpu.memory_space<hbm>>
    tpu.enqueue_dma source(%arg7 : memref<8x2048xf32, #tpu.memory_space<vmem>>) target(%dma_start3A_1216 : memref<8x2048xf32, #tpu.memory_space<hbm>>) target_semaphore(%arg19 : memref<!tpu.dma_semaphore, #tpu.memory_space<semaphore_mem>>)
    %dma_wait3A_1217 = arith.constant 0 : i32
    %dma_wait3A_1218 = tpu.memref_slice %arg3[%add3A_1152, %dma_wait3A_1217] : memref<16384x2048xf32, #tpu.memory_space<hbm>> -> memref<8x2048xf32, #tpu.memory_space<hbm>>
    %dma_wait3A_1219 = arith.constant 0 : i32
    %dma_wait3A_1220 = tpu.memref_slice %arg3[%add3A_1152, %dma_wait3A_1219] : memref<16384x2048xf32, #tpu.memory_space<hbm>> -> memref<8x2048xf32, #tpu.memory_space<hbm>>
    tpu.wait_dma2 semaphore(%arg22 : memref<!tpu.dma_semaphore, #tpu.memory_space<semaphore_mem>>) src(%arg10 : memref<8x2048xf32, #tpu.memory_space<vmem>>) dst(%dma_wait3A_1220 : memref<8x2048xf32, #tpu.memory_space<hbm>>)
    %dma_start3A_1221 = arith.constant 376 : i32
    %dma_start3A_1222 = tpu.memref_slice %arg4[%dma_start3A_1221] : memref<512xi32, #tpu.memory_space<vmem>> -> memref<8xi32, #tpu.memory_space<vmem>>
    %dma_start3A_1223 = arith.constant 0 : i32
    %dma_start3A_1224 = arith.constant 0 : i32
    %dma_start3A_1225 = tpu.memref_slice %arg2[%dma_start3A_1223, %dma_start3A_1224] : memref<32768x2048xf32, #tpu.memory_space<hbm>> -> memref<32768x2048xf32, #tpu.memory_space<hbm>>
    tpu.enqueue_indirect_dma source(%dma_start3A_1225 : memref<32768x2048xf32, #tpu.memory_space<hbm>>) target(%arg10 : memref<8x2048xf32, #tpu.memory_space<vmem>>) offsets(%dma_start3A_1222 : memref<8xi32, #tpu.memory_space<vmem>>) semaphore(%arg16 : memref<!tpu.dma_semaphore, #tpu.memory_space<semaphore_mem>>)
    %dma_wait3A_1226 = arith.constant 360 : i32
    %dma_wait3A_1227 = tpu.memref_slice %arg4[%dma_wait3A_1226] : memref<512xi32, #tpu.memory_space<vmem>> -> memref<8xi32, #tpu.memory_space<vmem>>
    %dma_wait3A_1228 = arith.constant 0 : i32
    %dma_wait3A_1229 = arith.constant 0 : i32
    %dma_wait3A_1230 = tpu.memref_slice %arg2[%dma_wait3A_1228, %dma_wait3A_1229] : memref<32768x2048xf32, #tpu.memory_space<hbm>> -> memref<32768x2048xf32, #tpu.memory_space<hbm>>
    tpu.wait_indirect_dma semaphore(%arg14 : memref<!tpu.dma_semaphore, #tpu.memory_space<semaphore_mem>>) src(%dma_wait3A_1230 : memref<32768x2048xf32, #tpu.memory_space<hbm>>) dst(%arg8 : memref<8x2048xf32, #tpu.memory_space<vmem>>)
    %add3A_1231 = arith.constant 360 : i32
    %add3A_1232 = arith.addi %mul3A_2, %add3A_1231 : i32
    %dma_start3A_1233 = arith.constant 0 : i32
    %dma_start3A_1234 = tpu.memref_slice %arg3[%add3A_1232, %dma_start3A_1233] : memref<16384x2048xf32, #tpu.memory_space<hbm>> -> memref<8x2048xf32, #tpu.memory_space<hbm>>
    %dma_start3A_1235 = arith.constant 0 : i32
    %dma_start3A_1236 = tpu.memref_slice %arg3[%add3A_1232, %dma_start3A_1235] : memref<16384x2048xf32, #tpu.memory_space<hbm>> -> memref<8x2048xf32, #tpu.memory_space<hbm>>
    tpu.enqueue_dma source(%arg8 : memref<8x2048xf32, #tpu.memory_space<vmem>>) target(%dma_start3A_1236 : memref<8x2048xf32, #tpu.memory_space<hbm>>) target_semaphore(%arg20 : memref<!tpu.dma_semaphore, #tpu.memory_space<semaphore_mem>>)
    %dma_wait3A_1237 = arith.constant 0 : i32
    %dma_wait3A_1238 = tpu.memref_slice %arg3[%add3A_1172, %dma_wait3A_1237] : memref<16384x2048xf32, #tpu.memory_space<hbm>> -> memref<8x2048xf32, #tpu.memory_space<hbm>>
    %dma_wait3A_1239 = arith.constant 0 : i32
    %dma_wait3A_1240 = tpu.memref_slice %arg3[%add3A_1172, %dma_wait3A_1239] : memref<16384x2048xf32, #tpu.memory_space<hbm>> -> memref<8x2048xf32, #tpu.memory_space<hbm>>
    tpu.wait_dma2 semaphore(%arg17 : memref<!tpu.dma_semaphore, #tpu.memory_space<semaphore_mem>>) src(%arg5 : memref<8x2048xf32, #tpu.memory_space<vmem>>) dst(%dma_wait3A_1240 : memref<8x2048xf32, #tpu.memory_space<hbm>>)
    %dma_start3A_1241 = arith.constant 384 : i32
    %dma_start3A_1242 = tpu.memref_slice %arg4[%dma_start3A_1241] : memref<512xi32, #tpu.memory_space<vmem>> -> memref<8xi32, #tpu.memory_space<vmem>>
    %dma_start3A_1243 = arith.constant 0 : i32
    %dma_start3A_1244 = arith.constant 0 : i32
    %dma_start3A_1245 = tpu.memref_slice %arg2[%dma_start3A_1243, %dma_start3A_1244] : memref<32768x2048xf32, #tpu.memory_space<hbm>> -> memref<32768x2048xf32, #tpu.memory_space<hbm>>
    tpu.enqueue_indirect_dma source(%dma_start3A_1245 : memref<32768x2048xf32, #tpu.memory_space<hbm>>) target(%arg5 : memref<8x2048xf32, #tpu.memory_space<vmem>>) offsets(%dma_start3A_1242 : memref<8xi32, #tpu.memory_space<vmem>>) semaphore(%arg11 : memref<!tpu.dma_semaphore, #tpu.memory_space<semaphore_mem>>)
    %dma_wait3A_1246 = arith.constant 368 : i32
    %dma_wait3A_1247 = tpu.memref_slice %arg4[%dma_wait3A_1246] : memref<512xi32, #tpu.memory_space<vmem>> -> memref<8xi32, #tpu.memory_space<vmem>>
    %dma_wait3A_1248 = arith.constant 0 : i32
    %dma_wait3A_1249 = arith.constant 0 : i32
    %dma_wait3A_1250 = tpu.memref_slice %arg2[%dma_wait3A_1248, %dma_wait3A_1249] : memref<32768x2048xf32, #tpu.memory_space<hbm>> -> memref<32768x2048xf32, #tpu.memory_space<hbm>>
    tpu.wait_indirect_dma semaphore(%arg15 : memref<!tpu.dma_semaphore, #tpu.memory_space<semaphore_mem>>) src(%dma_wait3A_1250 : memref<32768x2048xf32, #tpu.memory_space<hbm>>) dst(%arg9 : memref<8x2048xf32, #tpu.memory_space<vmem>>)
    %add3A_1251 = arith.constant 368 : i32
    %add3A_1252 = arith.addi %mul3A_2, %add3A_1251 : i32
    %dma_start3A_1253 = arith.constant 0 : i32
    %dma_start3A_1254 = tpu.memref_slice %arg3[%add3A_1252, %dma_start3A_1253] : memref<16384x2048xf32, #tpu.memory_space<hbm>> -> memref<8x2048xf32, #tpu.memory_space<hbm>>
    %dma_start3A_1255 = arith.constant 0 : i32
    %dma_start3A_1256 = tpu.memref_slice %arg3[%add3A_1252, %dma_start3A_1255] : memref<16384x2048xf32, #tpu.memory_space<hbm>> -> memref<8x2048xf32, #tpu.memory_space<hbm>>
    tpu.enqueue_dma source(%arg9 : memref<8x2048xf32, #tpu.memory_space<vmem>>) target(%dma_start3A_1256 : memref<8x2048xf32, #tpu.memory_space<hbm>>) target_semaphore(%arg21 : memref<!tpu.dma_semaphore, #tpu.memory_space<semaphore_mem>>)
    %dma_wait3A_1257 = arith.constant 0 : i32
    %dma_wait3A_1258 = tpu.memref_slice %arg3[%add3A_1192, %dma_wait3A_1257] : memref<16384x2048xf32, #tpu.memory_space<hbm>> -> memref<8x2048xf32, #tpu.memory_space<hbm>>
    %dma_wait3A_1259 = arith.constant 0 : i32
    %dma_wait3A_1260 = tpu.memref_slice %arg3[%add3A_1192, %dma_wait3A_1259] : memref<16384x2048xf32, #tpu.memory_space<hbm>> -> memref<8x2048xf32, #tpu.memory_space<hbm>>
    tpu.wait_dma2 semaphore(%arg18 : memref<!tpu.dma_semaphore, #tpu.memory_space<semaphore_mem>>) src(%arg6 : memref<8x2048xf32, #tpu.memory_space<vmem>>) dst(%dma_wait3A_1260 : memref<8x2048xf32, #tpu.memory_space<hbm>>)
    %dma_start3A_1261 = arith.constant 392 : i32
    %dma_start3A_1262 = tpu.memref_slice %arg4[%dma_start3A_1261] : memref<512xi32, #tpu.memory_space<vmem>> -> memref<8xi32, #tpu.memory_space<vmem>>
    %dma_start3A_1263 = arith.constant 0 : i32
    %dma_start3A_1264 = arith.constant 0 : i32
    %dma_start3A_1265 = tpu.memref_slice %arg2[%dma_start3A_1263, %dma_start3A_1264] : memref<32768x2048xf32, #tpu.memory_space<hbm>> -> memref<32768x2048xf32, #tpu.memory_space<hbm>>
    tpu.enqueue_indirect_dma source(%dma_start3A_1265 : memref<32768x2048xf32, #tpu.memory_space<hbm>>) target(%arg6 : memref<8x2048xf32, #tpu.memory_space<vmem>>) offsets(%dma_start3A_1262 : memref<8xi32, #tpu.memory_space<vmem>>) semaphore(%arg12 : memref<!tpu.dma_semaphore, #tpu.memory_space<semaphore_mem>>)
    %dma_wait3A_1266 = arith.constant 376 : i32
    %dma_wait3A_1267 = tpu.memref_slice %arg4[%dma_wait3A_1266] : memref<512xi32, #tpu.memory_space<vmem>> -> memref<8xi32, #tpu.memory_space<vmem>>
    %dma_wait3A_1268 = arith.constant 0 : i32
    %dma_wait3A_1269 = arith.constant 0 : i32
    %dma_wait3A_1270 = tpu.memref_slice %arg2[%dma_wait3A_1268, %dma_wait3A_1269] : memref<32768x2048xf32, #tpu.memory_space<hbm>> -> memref<32768x2048xf32, #tpu.memory_space<hbm>>
    tpu.wait_indirect_dma semaphore(%arg16 : memref<!tpu.dma_semaphore, #tpu.memory_space<semaphore_mem>>) src(%dma_wait3A_1270 : memref<32768x2048xf32, #tpu.memory_space<hbm>>) dst(%arg10 : memref<8x2048xf32, #tpu.memory_space<vmem>>)
    %add3A_1271 = arith.constant 376 : i32
    %add3A_1272 = arith.addi %mul3A_2, %add3A_1271 : i32
    %dma_start3A_1273 = arith.constant 0 : i32
    %dma_start3A_1274 = tpu.memref_slice %arg3[%add3A_1272, %dma_start3A_1273] : memref<16384x2048xf32, #tpu.memory_space<hbm>> -> memref<8x2048xf32, #tpu.memory_space<hbm>>
    %dma_start3A_1275 = arith.constant 0 : i32
    %dma_start3A_1276 = tpu.memref_slice %arg3[%add3A_1272, %dma_start3A_1275] : memref<16384x2048xf32, #tpu.memory_space<hbm>> -> memref<8x2048xf32, #tpu.memory_space<hbm>>
    tpu.enqueue_dma source(%arg10 : memref<8x2048xf32, #tpu.memory_space<vmem>>) target(%dma_start3A_1276 : memref<8x2048xf32, #tpu.memory_space<hbm>>) target_semaphore(%arg22 : memref<!tpu.dma_semaphore, #tpu.memory_space<semaphore_mem>>)
    %dma_wait3A_1277 = arith.constant 0 : i32
    %dma_wait3A_1278 = tpu.memref_slice %arg3[%add3A_1212, %dma_wait3A_1277] : memref<16384x2048xf32, #tpu.memory_space<hbm>> -> memref<8x2048xf32, #tpu.memory_space<hbm>>
    %dma_wait3A_1279 = arith.constant 0 : i32
    %dma_wait3A_1280 = tpu.memref_slice %arg3[%add3A_1212, %dma_wait3A_1279] : memref<16384x2048xf32, #tpu.memory_space<hbm>> -> memref<8x2048xf32, #tpu.memory_space<hbm>>
    tpu.wait_dma2 semaphore(%arg19 : memref<!tpu.dma_semaphore, #tpu.memory_space<semaphore_mem>>) src(%arg7 : memref<8x2048xf32, #tpu.memory_space<vmem>>) dst(%dma_wait3A_1280 : memref<8x2048xf32, #tpu.memory_space<hbm>>)
    %dma_start3A_1281 = arith.constant 400 : i32
    %dma_start3A_1282 = tpu.memref_slice %arg4[%dma_start3A_1281] : memref<512xi32, #tpu.memory_space<vmem>> -> memref<8xi32, #tpu.memory_space<vmem>>
    %dma_start3A_1283 = arith.constant 0 : i32
    %dma_start3A_1284 = arith.constant 0 : i32
    %dma_start3A_1285 = tpu.memref_slice %arg2[%dma_start3A_1283, %dma_start3A_1284] : memref<32768x2048xf32, #tpu.memory_space<hbm>> -> memref<32768x2048xf32, #tpu.memory_space<hbm>>
    tpu.enqueue_indirect_dma source(%dma_start3A_1285 : memref<32768x2048xf32, #tpu.memory_space<hbm>>) target(%arg7 : memref<8x2048xf32, #tpu.memory_space<vmem>>) offsets(%dma_start3A_1282 : memref<8xi32, #tpu.memory_space<vmem>>) semaphore(%arg13 : memref<!tpu.dma_semaphore, #tpu.memory_space<semaphore_mem>>)
    %dma_wait3A_1286 = arith.constant 384 : i32
    %dma_wait3A_1287 = tpu.memref_slice %arg4[%dma_wait3A_1286] : memref<512xi32, #tpu.memory_space<vmem>> -> memref<8xi32, #tpu.memory_space<vmem>>
    %dma_wait3A_1288 = arith.constant 0 : i32
    %dma_wait3A_1289 = arith.constant 0 : i32
    %dma_wait3A_1290 = tpu.memref_slice %arg2[%dma_wait3A_1288, %dma_wait3A_1289] : memref<32768x2048xf32, #tpu.memory_space<hbm>> -> memref<32768x2048xf32, #tpu.memory_space<hbm>>
    tpu.wait_indirect_dma semaphore(%arg11 : memref<!tpu.dma_semaphore, #tpu.memory_space<semaphore_mem>>) src(%dma_wait3A_1290 : memref<32768x2048xf32, #tpu.memory_space<hbm>>) dst(%arg5 : memref<8x2048xf32, #tpu.memory_space<vmem>>)
    %add3A_1291 = arith.constant 384 : i32
    %add3A_1292 = arith.addi %mul3A_2, %add3A_1291 : i32
    %dma_start3A_1293 = arith.constant 0 : i32
    %dma_start3A_1294 = tpu.memref_slice %arg3[%add3A_1292, %dma_start3A_1293] : memref<16384x2048xf32, #tpu.memory_space<hbm>> -> memref<8x2048xf32, #tpu.memory_space<hbm>>
    %dma_start3A_1295 = arith.constant 0 : i32
    %dma_start3A_1296 = tpu.memref_slice %arg3[%add3A_1292, %dma_start3A_1295] : memref<16384x2048xf32, #tpu.memory_space<hbm>> -> memref<8x2048xf32, #tpu.memory_space<hbm>>
    tpu.enqueue_dma source(%arg5 : memref<8x2048xf32, #tpu.memory_space<vmem>>) target(%dma_start3A_1296 : memref<8x2048xf32, #tpu.memory_space<hbm>>) target_semaphore(%arg17 : memref<!tpu.dma_semaphore, #tpu.memory_space<semaphore_mem>>)
    %dma_wait3A_1297 = arith.constant 0 : i32
    %dma_wait3A_1298 = tpu.memref_slice %arg3[%add3A_1232, %dma_wait3A_1297] : memref<16384x2048xf32, #tpu.memory_space<hbm>> -> memref<8x2048xf32, #tpu.memory_space<hbm>>
    %dma_wait3A_1299 = arith.constant 0 : i32
    %dma_wait3A_1300 = tpu.memref_slice %arg3[%add3A_1232, %dma_wait3A_1299] : memref<16384x2048xf32, #tpu.memory_space<hbm>> -> memref<8x2048xf32, #tpu.memory_space<hbm>>
    tpu.wait_dma2 semaphore(%arg20 : memref<!tpu.dma_semaphore, #tpu.memory_space<semaphore_mem>>) src(%arg8 : memref<8x2048xf32, #tpu.memory_space<vmem>>) dst(%dma_wait3A_1300 : memref<8x2048xf32, #tpu.memory_space<hbm>>)
    %dma_start3A_1301 = arith.constant 408 : i32
    %dma_start3A_1302 = tpu.memref_slice %arg4[%dma_start3A_1301] : memref<512xi32, #tpu.memory_space<vmem>> -> memref<8xi32, #tpu.memory_space<vmem>>
    %dma_start3A_1303 = arith.constant 0 : i32
    %dma_start3A_1304 = arith.constant 0 : i32
    %dma_start3A_1305 = tpu.memref_slice %arg2[%dma_start3A_1303, %dma_start3A_1304] : memref<32768x2048xf32, #tpu.memory_space<hbm>> -> memref<32768x2048xf32, #tpu.memory_space<hbm>>
    tpu.enqueue_indirect_dma source(%dma_start3A_1305 : memref<32768x2048xf32, #tpu.memory_space<hbm>>) target(%arg8 : memref<8x2048xf32, #tpu.memory_space<vmem>>) offsets(%dma_start3A_1302 : memref<8xi32, #tpu.memory_space<vmem>>) semaphore(%arg14 : memref<!tpu.dma_semaphore, #tpu.memory_space<semaphore_mem>>)
    %dma_wait3A_1306 = arith.constant 392 : i32
    %dma_wait3A_1307 = tpu.memref_slice %arg4[%dma_wait3A_1306] : memref<512xi32, #tpu.memory_space<vmem>> -> memref<8xi32, #tpu.memory_space<vmem>>
    %dma_wait3A_1308 = arith.constant 0 : i32
    %dma_wait3A_1309 = arith.constant 0 : i32
    %dma_wait3A_1310 = tpu.memref_slice %arg2[%dma_wait3A_1308, %dma_wait3A_1309] : memref<32768x2048xf32, #tpu.memory_space<hbm>> -> memref<32768x2048xf32, #tpu.memory_space<hbm>>
    tpu.wait_indirect_dma semaphore(%arg12 : memref<!tpu.dma_semaphore, #tpu.memory_space<semaphore_mem>>) src(%dma_wait3A_1310 : memref<32768x2048xf32, #tpu.memory_space<hbm>>) dst(%arg6 : memref<8x2048xf32, #tpu.memory_space<vmem>>)
    %add3A_1311 = arith.constant 392 : i32
    %add3A_1312 = arith.addi %mul3A_2, %add3A_1311 : i32
    %dma_start3A_1313 = arith.constant 0 : i32
    %dma_start3A_1314 = tpu.memref_slice %arg3[%add3A_1312, %dma_start3A_1313] : memref<16384x2048xf32, #tpu.memory_space<hbm>> -> memref<8x2048xf32, #tpu.memory_space<hbm>>
    %dma_start3A_1315 = arith.constant 0 : i32
    %dma_start3A_1316 = tpu.memref_slice %arg3[%add3A_1312, %dma_start3A_1315] : memref<16384x2048xf32, #tpu.memory_space<hbm>> -> memref<8x2048xf32, #tpu.memory_space<hbm>>
    tpu.enqueue_dma source(%arg6 : memref<8x2048xf32, #tpu.memory_space<vmem>>) target(%dma_start3A_1316 : memref<8x2048xf32, #tpu.memory_space<hbm>>) target_semaphore(%arg18 : memref<!tpu.dma_semaphore, #tpu.memory_space<semaphore_mem>>)
    %dma_wait3A_1317 = arith.constant 0 : i32
    %dma_wait3A_1318 = tpu.memref_slice %arg3[%add3A_1252, %dma_wait3A_1317] : memref<16384x2048xf32, #tpu.memory_space<hbm>> -> memref<8x2048xf32, #tpu.memory_space<hbm>>
    %dma_wait3A_1319 = arith.constant 0 : i32
    %dma_wait3A_1320 = tpu.memref_slice %arg3[%add3A_1252, %dma_wait3A_1319] : memref<16384x2048xf32, #tpu.memory_space<hbm>> -> memref<8x2048xf32, #tpu.memory_space<hbm>>
    tpu.wait_dma2 semaphore(%arg21 : memref<!tpu.dma_semaphore, #tpu.memory_space<semaphore_mem>>) src(%arg9 : memref<8x2048xf32, #tpu.memory_space<vmem>>) dst(%dma_wait3A_1320 : memref<8x2048xf32, #tpu.memory_space<hbm>>)
    %dma_start3A_1321 = arith.constant 416 : i32
    %dma_start3A_1322 = tpu.memref_slice %arg4[%dma_start3A_1321] : memref<512xi32, #tpu.memory_space<vmem>> -> memref<8xi32, #tpu.memory_space<vmem>>
    %dma_start3A_1323 = arith.constant 0 : i32
    %dma_start3A_1324 = arith.constant 0 : i32
    %dma_start3A_1325 = tpu.memref_slice %arg2[%dma_start3A_1323, %dma_start3A_1324] : memref<32768x2048xf32, #tpu.memory_space<hbm>> -> memref<32768x2048xf32, #tpu.memory_space<hbm>>
    tpu.enqueue_indirect_dma source(%dma_start3A_1325 : memref<32768x2048xf32, #tpu.memory_space<hbm>>) target(%arg9 : memref<8x2048xf32, #tpu.memory_space<vmem>>) offsets(%dma_start3A_1322 : memref<8xi32, #tpu.memory_space<vmem>>) semaphore(%arg15 : memref<!tpu.dma_semaphore, #tpu.memory_space<semaphore_mem>>)
    %dma_wait3A_1326 = arith.constant 400 : i32
    %dma_wait3A_1327 = tpu.memref_slice %arg4[%dma_wait3A_1326] : memref<512xi32, #tpu.memory_space<vmem>> -> memref<8xi32, #tpu.memory_space<vmem>>
    %dma_wait3A_1328 = arith.constant 0 : i32
    %dma_wait3A_1329 = arith.constant 0 : i32
    %dma_wait3A_1330 = tpu.memref_slice %arg2[%dma_wait3A_1328, %dma_wait3A_1329] : memref<32768x2048xf32, #tpu.memory_space<hbm>> -> memref<32768x2048xf32, #tpu.memory_space<hbm>>
    tpu.wait_indirect_dma semaphore(%arg13 : memref<!tpu.dma_semaphore, #tpu.memory_space<semaphore_mem>>) src(%dma_wait3A_1330 : memref<32768x2048xf32, #tpu.memory_space<hbm>>) dst(%arg7 : memref<8x2048xf32, #tpu.memory_space<vmem>>)
    %add3A_1331 = arith.constant 400 : i32
    %add3A_1332 = arith.addi %mul3A_2, %add3A_1331 : i32
    %dma_start3A_1333 = arith.constant 0 : i32
    %dma_start3A_1334 = tpu.memref_slice %arg3[%add3A_1332, %dma_start3A_1333] : memref<16384x2048xf32, #tpu.memory_space<hbm>> -> memref<8x2048xf32, #tpu.memory_space<hbm>>
    %dma_start3A_1335 = arith.constant 0 : i32
    %dma_start3A_1336 = tpu.memref_slice %arg3[%add3A_1332, %dma_start3A_1335] : memref<16384x2048xf32, #tpu.memory_space<hbm>> -> memref<8x2048xf32, #tpu.memory_space<hbm>>
    tpu.enqueue_dma source(%arg7 : memref<8x2048xf32, #tpu.memory_space<vmem>>) target(%dma_start3A_1336 : memref<8x2048xf32, #tpu.memory_space<hbm>>) target_semaphore(%arg19 : memref<!tpu.dma_semaphore, #tpu.memory_space<semaphore_mem>>)
    %dma_wait3A_1337 = arith.constant 0 : i32
    %dma_wait3A_1338 = tpu.memref_slice %arg3[%add3A_1272, %dma_wait3A_1337] : memref<16384x2048xf32, #tpu.memory_space<hbm>> -> memref<8x2048xf32, #tpu.memory_space<hbm>>
    %dma_wait3A_1339 = arith.constant 0 : i32
    %dma_wait3A_1340 = tpu.memref_slice %arg3[%add3A_1272, %dma_wait3A_1339] : memref<16384x2048xf32, #tpu.memory_space<hbm>> -> memref<8x2048xf32, #tpu.memory_space<hbm>>
    tpu.wait_dma2 semaphore(%arg22 : memref<!tpu.dma_semaphore, #tpu.memory_space<semaphore_mem>>) src(%arg10 : memref<8x2048xf32, #tpu.memory_space<vmem>>) dst(%dma_wait3A_1340 : memref<8x2048xf32, #tpu.memory_space<hbm>>)
    %dma_start3A_1341 = arith.constant 424 : i32
    %dma_start3A_1342 = tpu.memref_slice %arg4[%dma_start3A_1341] : memref<512xi32, #tpu.memory_space<vmem>> -> memref<8xi32, #tpu.memory_space<vmem>>
    %dma_start3A_1343 = arith.constant 0 : i32
    %dma_start3A_1344 = arith.constant 0 : i32
    %dma_start3A_1345 = tpu.memref_slice %arg2[%dma_start3A_1343, %dma_start3A_1344] : memref<32768x2048xf32, #tpu.memory_space<hbm>> -> memref<32768x2048xf32, #tpu.memory_space<hbm>>
    tpu.enqueue_indirect_dma source(%dma_start3A_1345 : memref<32768x2048xf32, #tpu.memory_space<hbm>>) target(%arg10 : memref<8x2048xf32, #tpu.memory_space<vmem>>) offsets(%dma_start3A_1342 : memref<8xi32, #tpu.memory_space<vmem>>) semaphore(%arg16 : memref<!tpu.dma_semaphore, #tpu.memory_space<semaphore_mem>>)
    %dma_wait3A_1346 = arith.constant 408 : i32
    %dma_wait3A_1347 = tpu.memref_slice %arg4[%dma_wait3A_1346] : memref<512xi32, #tpu.memory_space<vmem>> -> memref<8xi32, #tpu.memory_space<vmem>>
    %dma_wait3A_1348 = arith.constant 0 : i32
    %dma_wait3A_1349 = arith.constant 0 : i32
    %dma_wait3A_1350 = tpu.memref_slice %arg2[%dma_wait3A_1348, %dma_wait3A_1349] : memref<32768x2048xf32, #tpu.memory_space<hbm>> -> memref<32768x2048xf32, #tpu.memory_space<hbm>>
    tpu.wait_indirect_dma semaphore(%arg14 : memref<!tpu.dma_semaphore, #tpu.memory_space<semaphore_mem>>) src(%dma_wait3A_1350 : memref<32768x2048xf32, #tpu.memory_space<hbm>>) dst(%arg8 : memref<8x2048xf32, #tpu.memory_space<vmem>>)
    %add3A_1351 = arith.constant 408 : i32
    %add3A_1352 = arith.addi %mul3A_2, %add3A_1351 : i32
    %dma_start3A_1353 = arith.constant 0 : i32
    %dma_start3A_1354 = tpu.memref_slice %arg3[%add3A_1352, %dma_start3A_1353] : memref<16384x2048xf32, #tpu.memory_space<hbm>> -> memref<8x2048xf32, #tpu.memory_space<hbm>>
    %dma_start3A_1355 = arith.constant 0 : i32
    %dma_start3A_1356 = tpu.memref_slice %arg3[%add3A_1352, %dma_start3A_1355] : memref<16384x2048xf32, #tpu.memory_space<hbm>> -> memref<8x2048xf32, #tpu.memory_space<hbm>>
    tpu.enqueue_dma source(%arg8 : memref<8x2048xf32, #tpu.memory_space<vmem>>) target(%dma_start3A_1356 : memref<8x2048xf32, #tpu.memory_space<hbm>>) target_semaphore(%arg20 : memref<!tpu.dma_semaphore, #tpu.memory_space<semaphore_mem>>)
    %dma_wait3A_1357 = arith.constant 0 : i32
    %dma_wait3A_1358 = tpu.memref_slice %arg3[%add3A_1292, %dma_wait3A_1357] : memref<16384x2048xf32, #tpu.memory_space<hbm>> -> memref<8x2048xf32, #tpu.memory_space<hbm>>
    %dma_wait3A_1359 = arith.constant 0 : i32
    %dma_wait3A_1360 = tpu.memref_slice %arg3[%add3A_1292, %dma_wait3A_1359] : memref<16384x2048xf32, #tpu.memory_space<hbm>> -> memref<8x2048xf32, #tpu.memory_space<hbm>>
    tpu.wait_dma2 semaphore(%arg17 : memref<!tpu.dma_semaphore, #tpu.memory_space<semaphore_mem>>) src(%arg5 : memref<8x2048xf32, #tpu.memory_space<vmem>>) dst(%dma_wait3A_1360 : memref<8x2048xf32, #tpu.memory_space<hbm>>)
    %dma_start3A_1361 = arith.constant 432 : i32
    %dma_start3A_1362 = tpu.memref_slice %arg4[%dma_start3A_1361] : memref<512xi32, #tpu.memory_space<vmem>> -> memref<8xi32, #tpu.memory_space<vmem>>
    %dma_start3A_1363 = arith.constant 0 : i32
    %dma_start3A_1364 = arith.constant 0 : i32
    %dma_start3A_1365 = tpu.memref_slice %arg2[%dma_start3A_1363, %dma_start3A_1364] : memref<32768x2048xf32, #tpu.memory_space<hbm>> -> memref<32768x2048xf32, #tpu.memory_space<hbm>>
    tpu.enqueue_indirect_dma source(%dma_start3A_1365 : memref<32768x2048xf32, #tpu.memory_space<hbm>>) target(%arg5 : memref<8x2048xf32, #tpu.memory_space<vmem>>) offsets(%dma_start3A_1362 : memref<8xi32, #tpu.memory_space<vmem>>) semaphore(%arg11 : memref<!tpu.dma_semaphore, #tpu.memory_space<semaphore_mem>>)
    %dma_wait3A_1366 = arith.constant 416 : i32
    %dma_wait3A_1367 = tpu.memref_slice %arg4[%dma_wait3A_1366] : memref<512xi32, #tpu.memory_space<vmem>> -> memref<8xi32, #tpu.memory_space<vmem>>
    %dma_wait3A_1368 = arith.constant 0 : i32
    %dma_wait3A_1369 = arith.constant 0 : i32
    %dma_wait3A_1370 = tpu.memref_slice %arg2[%dma_wait3A_1368, %dma_wait3A_1369] : memref<32768x2048xf32, #tpu.memory_space<hbm>> -> memref<32768x2048xf32, #tpu.memory_space<hbm>>
    tpu.wait_indirect_dma semaphore(%arg15 : memref<!tpu.dma_semaphore, #tpu.memory_space<semaphore_mem>>) src(%dma_wait3A_1370 : memref<32768x2048xf32, #tpu.memory_space<hbm>>) dst(%arg9 : memref<8x2048xf32, #tpu.memory_space<vmem>>)
    %add3A_1371 = arith.constant 416 : i32
    %add3A_1372 = arith.addi %mul3A_2, %add3A_1371 : i32
    %dma_start3A_1373 = arith.constant 0 : i32
    %dma_start3A_1374 = tpu.memref_slice %arg3[%add3A_1372, %dma_start3A_1373] : memref<16384x2048xf32, #tpu.memory_space<hbm>> -> memref<8x2048xf32, #tpu.memory_space<hbm>>
    %dma_start3A_1375 = arith.constant 0 : i32
    %dma_start3A_1376 = tpu.memref_slice %arg3[%add3A_1372, %dma_start3A_1375] : memref<16384x2048xf32, #tpu.memory_space<hbm>> -> memref<8x2048xf32, #tpu.memory_space<hbm>>
    tpu.enqueue_dma source(%arg9 : memref<8x2048xf32, #tpu.memory_space<vmem>>) target(%dma_start3A_1376 : memref<8x2048xf32, #tpu.memory_space<hbm>>) target_semaphore(%arg21 : memref<!tpu.dma_semaphore, #tpu.memory_space<semaphore_mem>>)
    %dma_wait3A_1377 = arith.constant 0 : i32
    %dma_wait3A_1378 = tpu.memref_slice %arg3[%add3A_1312, %dma_wait3A_1377] : memref<16384x2048xf32, #tpu.memory_space<hbm>> -> memref<8x2048xf32, #tpu.memory_space<hbm>>
    %dma_wait3A_1379 = arith.constant 0 : i32
    %dma_wait3A_1380 = tpu.memref_slice %arg3[%add3A_1312, %dma_wait3A_1379] : memref<16384x2048xf32, #tpu.memory_space<hbm>> -> memref<8x2048xf32, #tpu.memory_space<hbm>>
    tpu.wait_dma2 semaphore(%arg18 : memref<!tpu.dma_semaphore, #tpu.memory_space<semaphore_mem>>) src(%arg6 : memref<8x2048xf32, #tpu.memory_space<vmem>>) dst(%dma_wait3A_1380 : memref<8x2048xf32, #tpu.memory_space<hbm>>)
    %dma_start3A_1381 = arith.constant 440 : i32
    %dma_start3A_1382 = tpu.memref_slice %arg4[%dma_start3A_1381] : memref<512xi32, #tpu.memory_space<vmem>> -> memref<8xi32, #tpu.memory_space<vmem>>
    %dma_start3A_1383 = arith.constant 0 : i32
    %dma_start3A_1384 = arith.constant 0 : i32
    %dma_start3A_1385 = tpu.memref_slice %arg2[%dma_start3A_1383, %dma_start3A_1384] : memref<32768x2048xf32, #tpu.memory_space<hbm>> -> memref<32768x2048xf32, #tpu.memory_space<hbm>>
    tpu.enqueue_indirect_dma source(%dma_start3A_1385 : memref<32768x2048xf32, #tpu.memory_space<hbm>>) target(%arg6 : memref<8x2048xf32, #tpu.memory_space<vmem>>) offsets(%dma_start3A_1382 : memref<8xi32, #tpu.memory_space<vmem>>) semaphore(%arg12 : memref<!tpu.dma_semaphore, #tpu.memory_space<semaphore_mem>>)
    %dma_wait3A_1386 = arith.constant 424 : i32
    %dma_wait3A_1387 = tpu.memref_slice %arg4[%dma_wait3A_1386] : memref<512xi32, #tpu.memory_space<vmem>> -> memref<8xi32, #tpu.memory_space<vmem>>
    %dma_wait3A_1388 = arith.constant 0 : i32
    %dma_wait3A_1389 = arith.constant 0 : i32
    %dma_wait3A_1390 = tpu.memref_slice %arg2[%dma_wait3A_1388, %dma_wait3A_1389] : memref<32768x2048xf32, #tpu.memory_space<hbm>> -> memref<32768x2048xf32, #tpu.memory_space<hbm>>
    tpu.wait_indirect_dma semaphore(%arg16 : memref<!tpu.dma_semaphore, #tpu.memory_space<semaphore_mem>>) src(%dma_wait3A_1390 : memref<32768x2048xf32, #tpu.memory_space<hbm>>) dst(%arg10 : memref<8x2048xf32, #tpu.memory_space<vmem>>)
    %add3A_1391 = arith.constant 424 : i32
    %add3A_1392 = arith.addi %mul3A_2, %add3A_1391 : i32
    %dma_start3A_1393 = arith.constant 0 : i32
    %dma_start3A_1394 = tpu.memref_slice %arg3[%add3A_1392, %dma_start3A_1393] : memref<16384x2048xf32, #tpu.memory_space<hbm>> -> memref<8x2048xf32, #tpu.memory_space<hbm>>
    %dma_start3A_1395 = arith.constant 0 : i32
    %dma_start3A_1396 = tpu.memref_slice %arg3[%add3A_1392, %dma_start3A_1395] : memref<16384x2048xf32, #tpu.memory_space<hbm>> -> memref<8x2048xf32, #tpu.memory_space<hbm>>
    tpu.enqueue_dma source(%arg10 : memref<8x2048xf32, #tpu.memory_space<vmem>>) target(%dma_start3A_1396 : memref<8x2048xf32, #tpu.memory_space<hbm>>) target_semaphore(%arg22 : memref<!tpu.dma_semaphore, #tpu.memory_space<semaphore_mem>>)
    %dma_wait3A_1397 = arith.constant 0 : i32
    %dma_wait3A_1398 = tpu.memref_slice %arg3[%add3A_1332, %dma_wait3A_1397] : memref<16384x2048xf32, #tpu.memory_space<hbm>> -> memref<8x2048xf32, #tpu.memory_space<hbm>>
    %dma_wait3A_1399 = arith.constant 0 : i32
    %dma_wait3A_1400 = tpu.memref_slice %arg3[%add3A_1332, %dma_wait3A_1399] : memref<16384x2048xf32, #tpu.memory_space<hbm>> -> memref<8x2048xf32, #tpu.memory_space<hbm>>
    tpu.wait_dma2 semaphore(%arg19 : memref<!tpu.dma_semaphore, #tpu.memory_space<semaphore_mem>>) src(%arg7 : memref<8x2048xf32, #tpu.memory_space<vmem>>) dst(%dma_wait3A_1400 : memref<8x2048xf32, #tpu.memory_space<hbm>>)
    %dma_start3A_1401 = arith.constant 448 : i32
    %dma_start3A_1402 = tpu.memref_slice %arg4[%dma_start3A_1401] : memref<512xi32, #tpu.memory_space<vmem>> -> memref<8xi32, #tpu.memory_space<vmem>>
    %dma_start3A_1403 = arith.constant 0 : i32
    %dma_start3A_1404 = arith.constant 0 : i32
    %dma_start3A_1405 = tpu.memref_slice %arg2[%dma_start3A_1403, %dma_start3A_1404] : memref<32768x2048xf32, #tpu.memory_space<hbm>> -> memref<32768x2048xf32, #tpu.memory_space<hbm>>
    tpu.enqueue_indirect_dma source(%dma_start3A_1405 : memref<32768x2048xf32, #tpu.memory_space<hbm>>) target(%arg7 : memref<8x2048xf32, #tpu.memory_space<vmem>>) offsets(%dma_start3A_1402 : memref<8xi32, #tpu.memory_space<vmem>>) semaphore(%arg13 : memref<!tpu.dma_semaphore, #tpu.memory_space<semaphore_mem>>)
    %dma_wait3A_1406 = arith.constant 432 : i32
    %dma_wait3A_1407 = tpu.memref_slice %arg4[%dma_wait3A_1406] : memref<512xi32, #tpu.memory_space<vmem>> -> memref<8xi32, #tpu.memory_space<vmem>>
    %dma_wait3A_1408 = arith.constant 0 : i32
    %dma_wait3A_1409 = arith.constant 0 : i32
    %dma_wait3A_1410 = tpu.memref_slice %arg2[%dma_wait3A_1408, %dma_wait3A_1409] : memref<32768x2048xf32, #tpu.memory_space<hbm>> -> memref<32768x2048xf32, #tpu.memory_space<hbm>>
    tpu.wait_indirect_dma semaphore(%arg11 : memref<!tpu.dma_semaphore, #tpu.memory_space<semaphore_mem>>) src(%dma_wait3A_1410 : memref<32768x2048xf32, #tpu.memory_space<hbm>>) dst(%arg5 : memref<8x2048xf32, #tpu.memory_space<vmem>>)
    %add3A_1411 = arith.constant 432 : i32
    %add3A_1412 = arith.addi %mul3A_2, %add3A_1411 : i32
    %dma_start3A_1413 = arith.constant 0 : i32
    %dma_start3A_1414 = tpu.memref_slice %arg3[%add3A_1412, %dma_start3A_1413] : memref<16384x2048xf32, #tpu.memory_space<hbm>> -> memref<8x2048xf32, #tpu.memory_space<hbm>>
    %dma_start3A_1415 = arith.constant 0 : i32
    %dma_start3A_1416 = tpu.memref_slice %arg3[%add3A_1412, %dma_start3A_1415] : memref<16384x2048xf32, #tpu.memory_space<hbm>> -> memref<8x2048xf32, #tpu.memory_space<hbm>>
    tpu.enqueue_dma source(%arg5 : memref<8x2048xf32, #tpu.memory_space<vmem>>) target(%dma_start3A_1416 : memref<8x2048xf32, #tpu.memory_space<hbm>>) target_semaphore(%arg17 : memref<!tpu.dma_semaphore, #tpu.memory_space<semaphore_mem>>)
    %dma_wait3A_1417 = arith.constant 0 : i32
    %dma_wait3A_1418 = tpu.memref_slice %arg3[%add3A_1352, %dma_wait3A_1417] : memref<16384x2048xf32, #tpu.memory_space<hbm>> -> memref<8x2048xf32, #tpu.memory_space<hbm>>
    %dma_wait3A_1419 = arith.constant 0 : i32
    %dma_wait3A_1420 = tpu.memref_slice %arg3[%add3A_1352, %dma_wait3A_1419] : memref<16384x2048xf32, #tpu.memory_space<hbm>> -> memref<8x2048xf32, #tpu.memory_space<hbm>>
    tpu.wait_dma2 semaphore(%arg20 : memref<!tpu.dma_semaphore, #tpu.memory_space<semaphore_mem>>) src(%arg8 : memref<8x2048xf32, #tpu.memory_space<vmem>>) dst(%dma_wait3A_1420 : memref<8x2048xf32, #tpu.memory_space<hbm>>)
    %dma_start3A_1421 = arith.constant 456 : i32
    %dma_start3A_1422 = tpu.memref_slice %arg4[%dma_start3A_1421] : memref<512xi32, #tpu.memory_space<vmem>> -> memref<8xi32, #tpu.memory_space<vmem>>
    %dma_start3A_1423 = arith.constant 0 : i32
    %dma_start3A_1424 = arith.constant 0 : i32
    %dma_start3A_1425 = tpu.memref_slice %arg2[%dma_start3A_1423, %dma_start3A_1424] : memref<32768x2048xf32, #tpu.memory_space<hbm>> -> memref<32768x2048xf32, #tpu.memory_space<hbm>>
    tpu.enqueue_indirect_dma source(%dma_start3A_1425 : memref<32768x2048xf32, #tpu.memory_space<hbm>>) target(%arg8 : memref<8x2048xf32, #tpu.memory_space<vmem>>) offsets(%dma_start3A_1422 : memref<8xi32, #tpu.memory_space<vmem>>) semaphore(%arg14 : memref<!tpu.dma_semaphore, #tpu.memory_space<semaphore_mem>>)
    %dma_wait3A_1426 = arith.constant 440 : i32
    %dma_wait3A_1427 = tpu.memref_slice %arg4[%dma_wait3A_1426] : memref<512xi32, #tpu.memory_space<vmem>> -> memref<8xi32, #tpu.memory_space<vmem>>
    %dma_wait3A_1428 = arith.constant 0 : i32
    %dma_wait3A_1429 = arith.constant 0 : i32
    %dma_wait3A_1430 = tpu.memref_slice %arg2[%dma_wait3A_1428, %dma_wait3A_1429] : memref<32768x2048xf32, #tpu.memory_space<hbm>> -> memref<32768x2048xf32, #tpu.memory_space<hbm>>
    tpu.wait_indirect_dma semaphore(%arg12 : memref<!tpu.dma_semaphore, #tpu.memory_space<semaphore_mem>>) src(%dma_wait3A_1430 : memref<32768x2048xf32, #tpu.memory_space<hbm>>) dst(%arg6 : memref<8x2048xf32, #tpu.memory_space<vmem>>)
    %add3A_1431 = arith.constant 440 : i32
    %add3A_1432 = arith.addi %mul3A_2, %add3A_1431 : i32
    %dma_start3A_1433 = arith.constant 0 : i32
    %dma_start3A_1434 = tpu.memref_slice %arg3[%add3A_1432, %dma_start3A_1433] : memref<16384x2048xf32, #tpu.memory_space<hbm>> -> memref<8x2048xf32, #tpu.memory_space<hbm>>
    %dma_start3A_1435 = arith.constant 0 : i32
    %dma_start3A_1436 = tpu.memref_slice %arg3[%add3A_1432, %dma_start3A_1435] : memref<16384x2048xf32, #tpu.memory_space<hbm>> -> memref<8x2048xf32, #tpu.memory_space<hbm>>
    tpu.enqueue_dma source(%arg6 : memref<8x2048xf32, #tpu.memory_space<vmem>>) target(%dma_start3A_1436 : memref<8x2048xf32, #tpu.memory_space<hbm>>) target_semaphore(%arg18 : memref<!tpu.dma_semaphore, #tpu.memory_space<semaphore_mem>>)
    %dma_wait3A_1437 = arith.constant 0 : i32
    %dma_wait3A_1438 = tpu.memref_slice %arg3[%add3A_1372, %dma_wait3A_1437] : memref<16384x2048xf32, #tpu.memory_space<hbm>> -> memref<8x2048xf32, #tpu.memory_space<hbm>>
    %dma_wait3A_1439 = arith.constant 0 : i32
    %dma_wait3A_1440 = tpu.memref_slice %arg3[%add3A_1372, %dma_wait3A_1439] : memref<16384x2048xf32, #tpu.memory_space<hbm>> -> memref<8x2048xf32, #tpu.memory_space<hbm>>
    tpu.wait_dma2 semaphore(%arg21 : memref<!tpu.dma_semaphore, #tpu.memory_space<semaphore_mem>>) src(%arg9 : memref<8x2048xf32, #tpu.memory_space<vmem>>) dst(%dma_wait3A_1440 : memref<8x2048xf32, #tpu.memory_space<hbm>>)
    %dma_start3A_1441 = arith.constant 464 : i32
    %dma_start3A_1442 = tpu.memref_slice %arg4[%dma_start3A_1441] : memref<512xi32, #tpu.memory_space<vmem>> -> memref<8xi32, #tpu.memory_space<vmem>>
    %dma_start3A_1443 = arith.constant 0 : i32
    %dma_start3A_1444 = arith.constant 0 : i32
    %dma_start3A_1445 = tpu.memref_slice %arg2[%dma_start3A_1443, %dma_start3A_1444] : memref<32768x2048xf32, #tpu.memory_space<hbm>> -> memref<32768x2048xf32, #tpu.memory_space<hbm>>
    tpu.enqueue_indirect_dma source(%dma_start3A_1445 : memref<32768x2048xf32, #tpu.memory_space<hbm>>) target(%arg9 : memref<8x2048xf32, #tpu.memory_space<vmem>>) offsets(%dma_start3A_1442 : memref<8xi32, #tpu.memory_space<vmem>>) semaphore(%arg15 : memref<!tpu.dma_semaphore, #tpu.memory_space<semaphore_mem>>)
    %dma_wait3A_1446 = arith.constant 448 : i32
    %dma_wait3A_1447 = tpu.memref_slice %arg4[%dma_wait3A_1446] : memref<512xi32, #tpu.memory_space<vmem>> -> memref<8xi32, #tpu.memory_space<vmem>>
    %dma_wait3A_1448 = arith.constant 0 : i32
    %dma_wait3A_1449 = arith.constant 0 : i32
    %dma_wait3A_1450 = tpu.memref_slice %arg2[%dma_wait3A_1448, %dma_wait3A_1449] : memref<32768x2048xf32, #tpu.memory_space<hbm>> -> memref<32768x2048xf32, #tpu.memory_space<hbm>>
    tpu.wait_indirect_dma semaphore(%arg13 : memref<!tpu.dma_semaphore, #tpu.memory_space<semaphore_mem>>) src(%dma_wait3A_1450 : memref<32768x2048xf32, #tpu.memory_space<hbm>>) dst(%arg7 : memref<8x2048xf32, #tpu.memory_space<vmem>>)
    %add3A_1451 = arith.constant 448 : i32
    %add3A_1452 = arith.addi %mul3A_2, %add3A_1451 : i32
    %dma_start3A_1453 = arith.constant 0 : i32
    %dma_start3A_1454 = tpu.memref_slice %arg3[%add3A_1452, %dma_start3A_1453] : memref<16384x2048xf32, #tpu.memory_space<hbm>> -> memref<8x2048xf32, #tpu.memory_space<hbm>>
    %dma_start3A_1455 = arith.constant 0 : i32
    %dma_start3A_1456 = tpu.memref_slice %arg3[%add3A_1452, %dma_start3A_1455] : memref<16384x2048xf32, #tpu.memory_space<hbm>> -> memref<8x2048xf32, #tpu.memory_space<hbm>>
    tpu.enqueue_dma source(%arg7 : memref<8x2048xf32, #tpu.memory_space<vmem>>) target(%dma_start3A_1456 : memref<8x2048xf32, #tpu.memory_space<hbm>>) target_semaphore(%arg19 : memref<!tpu.dma_semaphore, #tpu.memory_space<semaphore_mem>>)
    %dma_wait3A_1457 = arith.constant 0 : i32
    %dma_wait3A_1458 = tpu.memref_slice %arg3[%add3A_1392, %dma_wait3A_1457] : memref<16384x2048xf32, #tpu.memory_space<hbm>> -> memref<8x2048xf32, #tpu.memory_space<hbm>>
    %dma_wait3A_1459 = arith.constant 0 : i32
    %dma_wait3A_1460 = tpu.memref_slice %arg3[%add3A_1392, %dma_wait3A_1459] : memref<16384x2048xf32, #tpu.memory_space<hbm>> -> memref<8x2048xf32, #tpu.memory_space<hbm>>
    tpu.wait_dma2 semaphore(%arg22 : memref<!tpu.dma_semaphore, #tpu.memory_space<semaphore_mem>>) src(%arg10 : memref<8x2048xf32, #tpu.memory_space<vmem>>) dst(%dma_wait3A_1460 : memref<8x2048xf32, #tpu.memory_space<hbm>>)
    %dma_start3A_1461 = arith.constant 472 : i32
    %dma_start3A_1462 = tpu.memref_slice %arg4[%dma_start3A_1461] : memref<512xi32, #tpu.memory_space<vmem>> -> memref<8xi32, #tpu.memory_space<vmem>>
    %dma_start3A_1463 = arith.constant 0 : i32
    %dma_start3A_1464 = arith.constant 0 : i32
    %dma_start3A_1465 = tpu.memref_slice %arg2[%dma_start3A_1463, %dma_start3A_1464] : memref<32768x2048xf32, #tpu.memory_space<hbm>> -> memref<32768x2048xf32, #tpu.memory_space<hbm>>
    tpu.enqueue_indirect_dma source(%dma_start3A_1465 : memref<32768x2048xf32, #tpu.memory_space<hbm>>) target(%arg10 : memref<8x2048xf32, #tpu.memory_space<vmem>>) offsets(%dma_start3A_1462 : memref<8xi32, #tpu.memory_space<vmem>>) semaphore(%arg16 : memref<!tpu.dma_semaphore, #tpu.memory_space<semaphore_mem>>)
    %dma_wait3A_1466 = arith.constant 456 : i32
    %dma_wait3A_1467 = tpu.memref_slice %arg4[%dma_wait3A_1466] : memref<512xi32, #tpu.memory_space<vmem>> -> memref<8xi32, #tpu.memory_space<vmem>>
    %dma_wait3A_1468 = arith.constant 0 : i32
    %dma_wait3A_1469 = arith.constant 0 : i32
    %dma_wait3A_1470 = tpu.memref_slice %arg2[%dma_wait3A_1468, %dma_wait3A_1469] : memref<32768x2048xf32, #tpu.memory_space<hbm>> -> memref<32768x2048xf32, #tpu.memory_space<hbm>>
    tpu.wait_indirect_dma semaphore(%arg14 : memref<!tpu.dma_semaphore, #tpu.memory_space<semaphore_mem>>) src(%dma_wait3A_1470 : memref<32768x2048xf32, #tpu.memory_space<hbm>>) dst(%arg8 : memref<8x2048xf32, #tpu.memory_space<vmem>>)
    %add3A_1471 = arith.constant 456 : i32
    %add3A_1472 = arith.addi %mul3A_2, %add3A_1471 : i32
    %dma_start3A_1473 = arith.constant 0 : i32
    %dma_start3A_1474 = tpu.memref_slice %arg3[%add3A_1472, %dma_start3A_1473] : memref<16384x2048xf32, #tpu.memory_space<hbm>> -> memref<8x2048xf32, #tpu.memory_space<hbm>>
    %dma_start3A_1475 = arith.constant 0 : i32
    %dma_start3A_1476 = tpu.memref_slice %arg3[%add3A_1472, %dma_start3A_1475] : memref<16384x2048xf32, #tpu.memory_space<hbm>> -> memref<8x2048xf32, #tpu.memory_space<hbm>>
    tpu.enqueue_dma source(%arg8 : memref<8x2048xf32, #tpu.memory_space<vmem>>) target(%dma_start3A_1476 : memref<8x2048xf32, #tpu.memory_space<hbm>>) target_semaphore(%arg20 : memref<!tpu.dma_semaphore, #tpu.memory_space<semaphore_mem>>)
    %dma_wait3A_1477 = arith.constant 0 : i32
    %dma_wait3A_1478 = tpu.memref_slice %arg3[%add3A_1412, %dma_wait3A_1477] : memref<16384x2048xf32, #tpu.memory_space<hbm>> -> memref<8x2048xf32, #tpu.memory_space<hbm>>
    %dma_wait3A_1479 = arith.constant 0 : i32
    %dma_wait3A_1480 = tpu.memref_slice %arg3[%add3A_1412, %dma_wait3A_1479] : memref<16384x2048xf32, #tpu.memory_space<hbm>> -> memref<8x2048xf32, #tpu.memory_space<hbm>>
    tpu.wait_dma2 semaphore(%arg17 : memref<!tpu.dma_semaphore, #tpu.memory_space<semaphore_mem>>) src(%arg5 : memref<8x2048xf32, #tpu.memory_space<vmem>>) dst(%dma_wait3A_1480 : memref<8x2048xf32, #tpu.memory_space<hbm>>)
    %dma_start3A_1481 = arith.constant 480 : i32
    %dma_start3A_1482 = tpu.memref_slice %arg4[%dma_start3A_1481] : memref<512xi32, #tpu.memory_space<vmem>> -> memref<8xi32, #tpu.memory_space<vmem>>
    %dma_start3A_1483 = arith.constant 0 : i32
    %dma_start3A_1484 = arith.constant 0 : i32
    %dma_start3A_1485 = tpu.memref_slice %arg2[%dma_start3A_1483, %dma_start3A_1484] : memref<32768x2048xf32, #tpu.memory_space<hbm>> -> memref<32768x2048xf32, #tpu.memory_space<hbm>>
    tpu.enqueue_indirect_dma source(%dma_start3A_1485 : memref<32768x2048xf32, #tpu.memory_space<hbm>>) target(%arg5 : memref<8x2048xf32, #tpu.memory_space<vmem>>) offsets(%dma_start3A_1482 : memref<8xi32, #tpu.memory_space<vmem>>) semaphore(%arg11 : memref<!tpu.dma_semaphore, #tpu.memory_space<semaphore_mem>>)
    %dma_wait3A_1486 = arith.constant 464 : i32
    %dma_wait3A_1487 = tpu.memref_slice %arg4[%dma_wait3A_1486] : memref<512xi32, #tpu.memory_space<vmem>> -> memref<8xi32, #tpu.memory_space<vmem>>
    %dma_wait3A_1488 = arith.constant 0 : i32
    %dma_wait3A_1489 = arith.constant 0 : i32
    %dma_wait3A_1490 = tpu.memref_slice %arg2[%dma_wait3A_1488, %dma_wait3A_1489] : memref<32768x2048xf32, #tpu.memory_space<hbm>> -> memref<32768x2048xf32, #tpu.memory_space<hbm>>
    tpu.wait_indirect_dma semaphore(%arg15 : memref<!tpu.dma_semaphore, #tpu.memory_space<semaphore_mem>>) src(%dma_wait3A_1490 : memref<32768x2048xf32, #tpu.memory_space<hbm>>) dst(%arg9 : memref<8x2048xf32, #tpu.memory_space<vmem>>)
    %add3A_1491 = arith.constant 464 : i32
    %add3A_1492 = arith.addi %mul3A_2, %add3A_1491 : i32
    %dma_start3A_1493 = arith.constant 0 : i32
    %dma_start3A_1494 = tpu.memref_slice %arg3[%add3A_1492, %dma_start3A_1493] : memref<16384x2048xf32, #tpu.memory_space<hbm>> -> memref<8x2048xf32, #tpu.memory_space<hbm>>
    %dma_start3A_1495 = arith.constant 0 : i32
    %dma_start3A_1496 = tpu.memref_slice %arg3[%add3A_1492, %dma_start3A_1495] : memref<16384x2048xf32, #tpu.memory_space<hbm>> -> memref<8x2048xf32, #tpu.memory_space<hbm>>
    tpu.enqueue_dma source(%arg9 : memref<8x2048xf32, #tpu.memory_space<vmem>>) target(%dma_start3A_1496 : memref<8x2048xf32, #tpu.memory_space<hbm>>) target_semaphore(%arg21 : memref<!tpu.dma_semaphore, #tpu.memory_space<semaphore_mem>>)
    %dma_wait3A_1497 = arith.constant 0 : i32
    %dma_wait3A_1498 = tpu.memref_slice %arg3[%add3A_1432, %dma_wait3A_1497] : memref<16384x2048xf32, #tpu.memory_space<hbm>> -> memref<8x2048xf32, #tpu.memory_space<hbm>>
    %dma_wait3A_1499 = arith.constant 0 : i32
    %dma_wait3A_1500 = tpu.memref_slice %arg3[%add3A_1432, %dma_wait3A_1499] : memref<16384x2048xf32, #tpu.memory_space<hbm>> -> memref<8x2048xf32, #tpu.memory_space<hbm>>
    tpu.wait_dma2 semaphore(%arg18 : memref<!tpu.dma_semaphore, #tpu.memory_space<semaphore_mem>>) src(%arg6 : memref<8x2048xf32, #tpu.memory_space<vmem>>) dst(%dma_wait3A_1500 : memref<8x2048xf32, #tpu.memory_space<hbm>>)
    %dma_start3A_1501 = arith.constant 488 : i32
    %dma_start3A_1502 = tpu.memref_slice %arg4[%dma_start3A_1501] : memref<512xi32, #tpu.memory_space<vmem>> -> memref<8xi32, #tpu.memory_space<vmem>>
    %dma_start3A_1503 = arith.constant 0 : i32
    %dma_start3A_1504 = arith.constant 0 : i32
    %dma_start3A_1505 = tpu.memref_slice %arg2[%dma_start3A_1503, %dma_start3A_1504] : memref<32768x2048xf32, #tpu.memory_space<hbm>> -> memref<32768x2048xf32, #tpu.memory_space<hbm>>
    tpu.enqueue_indirect_dma source(%dma_start3A_1505 : memref<32768x2048xf32, #tpu.memory_space<hbm>>) target(%arg6 : memref<8x2048xf32, #tpu.memory_space<vmem>>) offsets(%dma_start3A_1502 : memref<8xi32, #tpu.memory_space<vmem>>) semaphore(%arg12 : memref<!tpu.dma_semaphore, #tpu.memory_space<semaphore_mem>>)
    %dma_wait3A_1506 = arith.constant 472 : i32
    %dma_wait3A_1507 = tpu.memref_slice %arg4[%dma_wait3A_1506] : memref<512xi32, #tpu.memory_space<vmem>> -> memref<8xi32, #tpu.memory_space<vmem>>
    %dma_wait3A_1508 = arith.constant 0 : i32
    %dma_wait3A_1509 = arith.constant 0 : i32
    %dma_wait3A_1510 = tpu.memref_slice %arg2[%dma_wait3A_1508, %dma_wait3A_1509] : memref<32768x2048xf32, #tpu.memory_space<hbm>> -> memref<32768x2048xf32, #tpu.memory_space<hbm>>
    tpu.wait_indirect_dma semaphore(%arg16 : memref<!tpu.dma_semaphore, #tpu.memory_space<semaphore_mem>>) src(%dma_wait3A_1510 : memref<32768x2048xf32, #tpu.memory_space<hbm>>) dst(%arg10 : memref<8x2048xf32, #tpu.memory_space<vmem>>)
    %add3A_1511 = arith.constant 472 : i32
    %add3A_1512 = arith.addi %mul3A_2, %add3A_1511 : i32
    %dma_start3A_1513 = arith.constant 0 : i32
    %dma_start3A_1514 = tpu.memref_slice %arg3[%add3A_1512, %dma_start3A_1513] : memref<16384x2048xf32, #tpu.memory_space<hbm>> -> memref<8x2048xf32, #tpu.memory_space<hbm>>
    %dma_start3A_1515 = arith.constant 0 : i32
    %dma_start3A_1516 = tpu.memref_slice %arg3[%add3A_1512, %dma_start3A_1515] : memref<16384x2048xf32, #tpu.memory_space<hbm>> -> memref<8x2048xf32, #tpu.memory_space<hbm>>
    tpu.enqueue_dma source(%arg10 : memref<8x2048xf32, #tpu.memory_space<vmem>>) target(%dma_start3A_1516 : memref<8x2048xf32, #tpu.memory_space<hbm>>) target_semaphore(%arg22 : memref<!tpu.dma_semaphore, #tpu.memory_space<semaphore_mem>>)
    %dma_wait3A_1517 = arith.constant 0 : i32
    %dma_wait3A_1518 = tpu.memref_slice %arg3[%add3A_1452, %dma_wait3A_1517] : memref<16384x2048xf32, #tpu.memory_space<hbm>> -> memref<8x2048xf32, #tpu.memory_space<hbm>>
    %dma_wait3A_1519 = arith.constant 0 : i32
    %dma_wait3A_1520 = tpu.memref_slice %arg3[%add3A_1452, %dma_wait3A_1519] : memref<16384x2048xf32, #tpu.memory_space<hbm>> -> memref<8x2048xf32, #tpu.memory_space<hbm>>
    tpu.wait_dma2 semaphore(%arg19 : memref<!tpu.dma_semaphore, #tpu.memory_space<semaphore_mem>>) src(%arg7 : memref<8x2048xf32, #tpu.memory_space<vmem>>) dst(%dma_wait3A_1520 : memref<8x2048xf32, #tpu.memory_space<hbm>>)
    %dma_start3A_1521 = arith.constant 496 : i32
    %dma_start3A_1522 = tpu.memref_slice %arg4[%dma_start3A_1521] : memref<512xi32, #tpu.memory_space<vmem>> -> memref<8xi32, #tpu.memory_space<vmem>>
    %dma_start3A_1523 = arith.constant 0 : i32
    %dma_start3A_1524 = arith.constant 0 : i32
    %dma_start3A_1525 = tpu.memref_slice %arg2[%dma_start3A_1523, %dma_start3A_1524] : memref<32768x2048xf32, #tpu.memory_space<hbm>> -> memref<32768x2048xf32, #tpu.memory_space<hbm>>
    tpu.enqueue_indirect_dma source(%dma_start3A_1525 : memref<32768x2048xf32, #tpu.memory_space<hbm>>) target(%arg7 : memref<8x2048xf32, #tpu.memory_space<vmem>>) offsets(%dma_start3A_1522 : memref<8xi32, #tpu.memory_space<vmem>>) semaphore(%arg13 : memref<!tpu.dma_semaphore, #tpu.memory_space<semaphore_mem>>)
    %dma_wait3A_1526 = arith.constant 480 : i32
    %dma_wait3A_1527 = tpu.memref_slice %arg4[%dma_wait3A_1526] : memref<512xi32, #tpu.memory_space<vmem>> -> memref<8xi32, #tpu.memory_space<vmem>>
    %dma_wait3A_1528 = arith.constant 0 : i32
    %dma_wait3A_1529 = arith.constant 0 : i32
    %dma_wait3A_1530 = tpu.memref_slice %arg2[%dma_wait3A_1528, %dma_wait3A_1529] : memref<32768x2048xf32, #tpu.memory_space<hbm>> -> memref<32768x2048xf32, #tpu.memory_space<hbm>>
    tpu.wait_indirect_dma semaphore(%arg11 : memref<!tpu.dma_semaphore, #tpu.memory_space<semaphore_mem>>) src(%dma_wait3A_1530 : memref<32768x2048xf32, #tpu.memory_space<hbm>>) dst(%arg5 : memref<8x2048xf32, #tpu.memory_space<vmem>>)
    %add3A_1531 = arith.constant 480 : i32
    %add3A_1532 = arith.addi %mul3A_2, %add3A_1531 : i32
    %dma_start3A_1533 = arith.constant 0 : i32
    %dma_start3A_1534 = tpu.memref_slice %arg3[%add3A_1532, %dma_start3A_1533] : memref<16384x2048xf32, #tpu.memory_space<hbm>> -> memref<8x2048xf32, #tpu.memory_space<hbm>>
    %dma_start3A_1535 = arith.constant 0 : i32
    %dma_start3A_1536 = tpu.memref_slice %arg3[%add3A_1532, %dma_start3A_1535] : memref<16384x2048xf32, #tpu.memory_space<hbm>> -> memref<8x2048xf32, #tpu.memory_space<hbm>>
    tpu.enqueue_dma source(%arg5 : memref<8x2048xf32, #tpu.memory_space<vmem>>) target(%dma_start3A_1536 : memref<8x2048xf32, #tpu.memory_space<hbm>>) target_semaphore(%arg17 : memref<!tpu.dma_semaphore, #tpu.memory_space<semaphore_mem>>)
    %dma_wait3A_1537 = arith.constant 0 : i32
    %dma_wait3A_1538 = tpu.memref_slice %arg3[%add3A_1472, %dma_wait3A_1537] : memref<16384x2048xf32, #tpu.memory_space<hbm>> -> memref<8x2048xf32, #tpu.memory_space<hbm>>
    %dma_wait3A_1539 = arith.constant 0 : i32
    %dma_wait3A_1540 = tpu.memref_slice %arg3[%add3A_1472, %dma_wait3A_1539] : memref<16384x2048xf32, #tpu.memory_space<hbm>> -> memref<8x2048xf32, #tpu.memory_space<hbm>>
    tpu.wait_dma2 semaphore(%arg20 : memref<!tpu.dma_semaphore, #tpu.memory_space<semaphore_mem>>) src(%arg8 : memref<8x2048xf32, #tpu.memory_space<vmem>>) dst(%dma_wait3A_1540 : memref<8x2048xf32, #tpu.memory_space<hbm>>)
    %dma_start3A_1541 = arith.constant 504 : i32
    %dma_start3A_1542 = tpu.memref_slice %arg4[%dma_start3A_1541] : memref<512xi32, #tpu.memory_space<vmem>> -> memref<8xi32, #tpu.memory_space<vmem>>
    %dma_start3A_1543 = arith.constant 0 : i32
    %dma_start3A_1544 = arith.constant 0 : i32
    %dma_start3A_1545 = tpu.memref_slice %arg2[%dma_start3A_1543, %dma_start3A_1544] : memref<32768x2048xf32, #tpu.memory_space<hbm>> -> memref<32768x2048xf32, #tpu.memory_space<hbm>>
    tpu.enqueue_indirect_dma source(%dma_start3A_1545 : memref<32768x2048xf32, #tpu.memory_space<hbm>>) target(%arg8 : memref<8x2048xf32, #tpu.memory_space<vmem>>) offsets(%dma_start3A_1542 : memref<8xi32, #tpu.memory_space<vmem>>) semaphore(%arg14 : memref<!tpu.dma_semaphore, #tpu.memory_space<semaphore_mem>>)
    %dma_wait3A_1546 = arith.constant 488 : i32
    %dma_wait3A_1547 = tpu.memref_slice %arg4[%dma_wait3A_1546] : memref<512xi32, #tpu.memory_space<vmem>> -> memref<8xi32, #tpu.memory_space<vmem>>
    %dma_wait3A_1548 = arith.constant 0 : i32
    %dma_wait3A_1549 = arith.constant 0 : i32
    %dma_wait3A_1550 = tpu.memref_slice %arg2[%dma_wait3A_1548, %dma_wait3A_1549] : memref<32768x2048xf32, #tpu.memory_space<hbm>> -> memref<32768x2048xf32, #tpu.memory_space<hbm>>
    tpu.wait_indirect_dma semaphore(%arg12 : memref<!tpu.dma_semaphore, #tpu.memory_space<semaphore_mem>>) src(%dma_wait3A_1550 : memref<32768x2048xf32, #tpu.memory_space<hbm>>) dst(%arg6 : memref<8x2048xf32, #tpu.memory_space<vmem>>)
    %add3A_1551 = arith.constant 488 : i32
    %add3A_1552 = arith.addi %mul3A_2, %add3A_1551 : i32
    %dma_start3A_1553 = arith.constant 0 : i32
    %dma_start3A_1554 = tpu.memref_slice %arg3[%add3A_1552, %dma_start3A_1553] : memref<16384x2048xf32, #tpu.memory_space<hbm>> -> memref<8x2048xf32, #tpu.memory_space<hbm>>
    %dma_start3A_1555 = arith.constant 0 : i32
    %dma_start3A_1556 = tpu.memref_slice %arg3[%add3A_1552, %dma_start3A_1555] : memref<16384x2048xf32, #tpu.memory_space<hbm>> -> memref<8x2048xf32, #tpu.memory_space<hbm>>
    tpu.enqueue_dma source(%arg6 : memref<8x2048xf32, #tpu.memory_space<vmem>>) target(%dma_start3A_1556 : memref<8x2048xf32, #tpu.memory_space<hbm>>) target_semaphore(%arg18 : memref<!tpu.dma_semaphore, #tpu.memory_space<semaphore_mem>>)
    %dma_wait3A_1557 = arith.constant 496 : i32
    %dma_wait3A_1558 = tpu.memref_slice %arg4[%dma_wait3A_1557] : memref<512xi32, #tpu.memory_space<vmem>> -> memref<8xi32, #tpu.memory_space<vmem>>
    %dma_wait3A_1559 = arith.constant 0 : i32
    %dma_wait3A_1560 = arith.constant 0 : i32
    %dma_wait3A_1561 = tpu.memref_slice %arg2[%dma_wait3A_1559, %dma_wait3A_1560] : memref<32768x2048xf32, #tpu.memory_space<hbm>> -> memref<32768x2048xf32, #tpu.memory_space<hbm>>
    tpu.wait_indirect_dma semaphore(%arg13 : memref<!tpu.dma_semaphore, #tpu.memory_space<semaphore_mem>>) src(%dma_wait3A_1561 : memref<32768x2048xf32, #tpu.memory_space<hbm>>) dst(%arg7 : memref<8x2048xf32, #tpu.memory_space<vmem>>)
    %add3A_1562 = arith.constant 496 : i32
    %add3A_1563 = arith.addi %mul3A_2, %add3A_1562 : i32
    %dma_start3A_1564 = arith.constant 0 : i32
    %dma_start3A_1565 = tpu.memref_slice %arg3[%add3A_1563, %dma_start3A_1564] : memref<16384x2048xf32, #tpu.memory_space<hbm>> -> memref<8x2048xf32, #tpu.memory_space<hbm>>
    %dma_start3A_1566 = arith.constant 0 : i32
    %dma_start3A_1567 = tpu.memref_slice %arg3[%add3A_1563, %dma_start3A_1566] : memref<16384x2048xf32, #tpu.memory_space<hbm>> -> memref<8x2048xf32, #tpu.memory_space<hbm>>
    tpu.enqueue_dma source(%arg7 : memref<8x2048xf32, #tpu.memory_space<vmem>>) target(%dma_start3A_1567 : memref<8x2048xf32, #tpu.memory_space<hbm>>) target_semaphore(%arg19 : memref<!tpu.dma_semaphore, #tpu.memory_space<semaphore_mem>>)
    %dma_wait3A_1568 = arith.constant 504 : i32
    %dma_wait3A_1569 = tpu.memref_slice %arg4[%dma_wait3A_1568] : memref<512xi32, #tpu.memory_space<vmem>> -> memref<8xi32, #tpu.memory_space<vmem>>
    %dma_wait3A_1570 = arith.constant 0 : i32
    %dma_wait3A_1571 = arith.constant 0 : i32
    %dma_wait3A_1572 = tpu.memref_slice %arg2[%dma_wait3A_1570, %dma_wait3A_1571] : memref<32768x2048xf32, #tpu.memory_space<hbm>> -> memref<32768x2048xf32, #tpu.memory_space<hbm>>
    tpu.wait_indirect_dma semaphore(%arg14 : memref<!tpu.dma_semaphore, #tpu.memory_space<semaphore_mem>>) src(%dma_wait3A_1572 : memref<32768x2048xf32, #tpu.memory_space<hbm>>) dst(%arg8 : memref<8x2048xf32, #tpu.memory_space<vmem>>)
    %add3A_1573 = arith.constant 504 : i32
    %add3A_1574 = arith.addi %mul3A_2, %add3A_1573 : i32
    %dma_start3A_1575 = arith.constant 0 : i32
    %dma_start3A_1576 = tpu.memref_slice %arg3[%add3A_1574, %dma_start3A_1575] : memref<16384x2048xf32, #tpu.memory_space<hbm>> -> memref<8x2048xf32, #tpu.memory_space<hbm>>
    %dma_start3A_1577 = arith.constant 0 : i32
    %dma_start3A_1578 = tpu.memref_slice %arg3[%add3A_1574, %dma_start3A_1577] : memref<16384x2048xf32, #tpu.memory_space<hbm>> -> memref<8x2048xf32, #tpu.memory_space<hbm>>
    tpu.enqueue_dma source(%arg8 : memref<8x2048xf32, #tpu.memory_space<vmem>>) target(%dma_start3A_1578 : memref<8x2048xf32, #tpu.memory_space<hbm>>) target_semaphore(%arg20 : memref<!tpu.dma_semaphore, #tpu.memory_space<semaphore_mem>>)
    %dma_wait3A_1579 = arith.constant 0 : i32
    %dma_wait3A_1580 = tpu.memref_slice %arg3[%add3A_1492, %dma_wait3A_1579] : memref<16384x2048xf32, #tpu.memory_space<hbm>> -> memref<8x2048xf32, #tpu.memory_space<hbm>>
    %dma_wait3A_1581 = arith.constant 0 : i32
    %dma_wait3A_1582 = tpu.memref_slice %arg3[%add3A_1492, %dma_wait3A_1581] : memref<16384x2048xf32, #tpu.memory_space<hbm>> -> memref<8x2048xf32, #tpu.memory_space<hbm>>
    tpu.wait_dma2 semaphore(%arg21 : memref<!tpu.dma_semaphore, #tpu.memory_space<semaphore_mem>>) src(%arg9 : memref<8x2048xf32, #tpu.memory_space<vmem>>) dst(%dma_wait3A_1582 : memref<8x2048xf32, #tpu.memory_space<hbm>>)
    %dma_wait3A_1583 = arith.constant 0 : i32
    %dma_wait3A_1584 = tpu.memref_slice %arg3[%add3A_1512, %dma_wait3A_1583] : memref<16384x2048xf32, #tpu.memory_space<hbm>> -> memref<8x2048xf32, #tpu.memory_space<hbm>>
    %dma_wait3A_1585 = arith.constant 0 : i32
    %dma_wait3A_1586 = tpu.memref_slice %arg3[%add3A_1512, %dma_wait3A_1585] : memref<16384x2048xf32, #tpu.memory_space<hbm>> -> memref<8x2048xf32, #tpu.memory_space<hbm>>
    tpu.wait_dma2 semaphore(%arg22 : memref<!tpu.dma_semaphore, #tpu.memory_space<semaphore_mem>>) src(%arg10 : memref<8x2048xf32, #tpu.memory_space<vmem>>) dst(%dma_wait3A_1586 : memref<8x2048xf32, #tpu.memory_space<hbm>>)
    %dma_wait3A_1587 = arith.constant 0 : i32
    %dma_wait3A_1588 = tpu.memref_slice %arg3[%add3A_1532, %dma_wait3A_1587] : memref<16384x2048xf32, #tpu.memory_space<hbm>> -> memref<8x2048xf32, #tpu.memory_space<hbm>>
    %dma_wait3A_1589 = arith.constant 0 : i32
    %dma_wait3A_1590 = tpu.memref_slice %arg3[%add3A_1532, %dma_wait3A_1589] : memref<16384x2048xf32, #tpu.memory_space<hbm>> -> memref<8x2048xf32, #tpu.memory_space<hbm>>
    tpu.wait_dma2 semaphore(%arg17 : memref<!tpu.dma_semaphore, #tpu.memory_space<semaphore_mem>>) src(%arg5 : memref<8x2048xf32, #tpu.memory_space<vmem>>) dst(%dma_wait3A_1590 : memref<8x2048xf32, #tpu.memory_space<hbm>>)
    %dma_wait3A_1591 = arith.constant 0 : i32
    %dma_wait3A_1592 = tpu.memref_slice %arg3[%add3A_1552, %dma_wait3A_1591] : memref<16384x2048xf32, #tpu.memory_space<hbm>> -> memref<8x2048xf32, #tpu.memory_space<hbm>>
    %dma_wait3A_1593 = arith.constant 0 : i32
    %dma_wait3A_1594 = tpu.memref_slice %arg3[%add3A_1552, %dma_wait3A_1593] : memref<16384x2048xf32, #tpu.memory_space<hbm>> -> memref<8x2048xf32, #tpu.memory_space<hbm>>
    tpu.wait_dma2 semaphore(%arg18 : memref<!tpu.dma_semaphore, #tpu.memory_space<semaphore_mem>>) src(%arg6 : memref<8x2048xf32, #tpu.memory_space<vmem>>) dst(%dma_wait3A_1594 : memref<8x2048xf32, #tpu.memory_space<hbm>>)
    %dma_wait3A_1595 = arith.constant 0 : i32
    %dma_wait3A_1596 = tpu.memref_slice %arg3[%add3A_1563, %dma_wait3A_1595] : memref<16384x2048xf32, #tpu.memory_space<hbm>> -> memref<8x2048xf32, #tpu.memory_space<hbm>>
    %dma_wait3A_1597 = arith.constant 0 : i32
    %dma_wait3A_1598 = tpu.memref_slice %arg3[%add3A_1563, %dma_wait3A_1597] : memref<16384x2048xf32, #tpu.memory_space<hbm>> -> memref<8x2048xf32, #tpu.memory_space<hbm>>
    tpu.wait_dma2 semaphore(%arg19 : memref<!tpu.dma_semaphore, #tpu.memory_space<semaphore_mem>>) src(%arg7 : memref<8x2048xf32, #tpu.memory_space<vmem>>) dst(%dma_wait3A_1598 : memref<8x2048xf32, #tpu.memory_space<hbm>>)
    %dma_wait3A_1599 = arith.constant 0 : i32
    %dma_wait3A_1600 = tpu.memref_slice %arg3[%add3A_1574, %dma_wait3A_1599] : memref<16384x2048xf32, #tpu.memory_space<hbm>> -> memref<8x2048xf32, #tpu.memory_space<hbm>>
    %dma_wait3A_1601 = arith.constant 0 : i32
    %dma_wait3A_1602 = tpu.memref_slice %arg3[%add3A_1574, %dma_wait3A_1601] : memref<16384x2048xf32, #tpu.memory_space<hbm>> -> memref<8x2048xf32, #tpu.memory_space<hbm>>
    tpu.wait_dma2 semaphore(%arg20 : memref<!tpu.dma_semaphore, #tpu.memory_space<semaphore_mem>>) src(%arg8 : memref<8x2048xf32, #tpu.memory_space<vmem>>) dst(%dma_wait3A_1602 : memref<8x2048xf32, #tpu.memory_space<hbm>>)
    return
  }
}

</mosaic_0001>

<sc_bundles>
// kernel: kernel.3.cloned.1.call-start
scs
__scs_entry_jumppad:
0x0: {  	(pc) =	sbr.rel $0x88, $3  }
0x1: {  	(tag) =	ssettag $0x0;
	lr =	simm.s32 $0x1  }
0x2: {  	[smem:$0x3FA0] =	sst lr;
	_ =	strace $0xD0000000  }
0x3: {  	_ = 	snop  }
0x4: {  	_ = 	snop  }
0x5: {  	_ = 	snop  }
0x6: {  	_ = 	snop  }
0x7: {  	_ = 	snop  }
__scs_overlays_trampoline_lowered:
0x8: {  	[smem:$0x3FAF] =	sst s0  }
0x9: {  	[smem:$0x3FB0] =	sst s1  }
0xa: {  	[smem:$0x3FB1] =	sst s2  }
0xb: {  	[smem:$0x3FB2] =	sst s3  }
0xc: {  	[smem:$0x3FB3] =	sst s4  }
0xd: {  	[smem:$0x3FB4] =	sst s5  }
0xe: {  	[smem:$0x3FB5] =	sst s6  }
0xf: {  	[smem:$0x3FB6] =	sst s7  }
0x10: {  	[smem:$0x3FB7] =	sst s8  }
0x11: {  	[smem:$0x3FB8] =	sst s9;
	s0 =	simm.s32 @!p0 $0x0  }
0x12: {  	s1 =	sld [smem:$0x3F9E];
	s0 =	simm.s32 @p0 $0x1  }
0x13: {  	[smem:$0x3FB9] =	sst s0;
	s0 =	simm.s32 @!p1 $0x0  }
0x14: {  	s2 =	sld [smem:$0x3F9D];
	s0 =	simm.s32 @p1 $0x1  }
0x15: {  	[smem:$0x3FBA] =	sst s0;
	s0 =	simm.s32 @!p2 $0x0  }
0x16: {  	s3 =	sld [smem:$0x3FDB];
	s0 =	simm.s32 @p2 $0x1  }
0x17: {  	s4 =	simm.s32 $0x1BF5;
	[smem:$0x3FBC] =	sst s0  }
0x18: {  	s0 =	sld [smem:$0x3F9F];
	_ =	swait.ge [sflag:s4], $0x0  }
0x19: {  	s7 =	sld [smem:$0x3FA0]  }
0x1a: {  	s8 =	sadd.s32 $0xFFFFE003, lr  }
0x1b: {  	s9 =	sadd.s32 $0xFFFFFEF7, lr;
	s5 =	simm.s32 $0xFFFFFFFF;
	p2 =	slt.u32 s8, $0xFFFFF086  }
0x1c: {  	p1 =	slt.u32 s9, $0xF7A;
	s5 =	simm.s32 @!p2 $0x0  }
0x1d: {  	s5 =	simm.s32 @p1 $0x1;
	p0 =	seq.s32 s7, s2  }
0x1e: {  	s7 =	smul.u32 @!p0 $0xF7A, s2;
	p2 =	seq.s32 @!p0 s5, $0x0  }
0x1f: {  	s9 =	smul.u32 $0xF7A, s1;
	s8 =	simm.s32 @!p0 $0x1BF5;
	p2 =	por !p2, p0  }
0x20: {  	[sflag:s8] =	ssyncset.s32 @!p0 $0xFFFFF086;
	s6 =	sadd.s32 @!p0 s3, s7;
	s7 =	simm.s32 @!p0 $0x108  }
0x21: {  	s3 =	sadd.s32 s3, s9;
	s6 =	sadd.s32 @!p0 $0x88, s6;
	s7 =	simm.s32 @p2 $0x1082  }
0x22: {  	[simem:s7], [sflag:s8] =	dma.local @!p0 [hbm:s6], $0xF7A  }
0x23: {  	s9 =	sor.u32 $0xD0000000, s2;
	s6 =	simm.s32 $0x108;
	_ =	swait.ge @!p0 [sflag:s8], $0x0  }
0x24: {  	s3 =	sadd.s32 $0x88, s3;
	s6 =	simm.s32 @!p1 $0x1082;
	[sflag:s4] =	ssyncset.s32 $0xFFFFF086  }
0x25: {  	[simem:s6], [sflag:s4] =	dma.local [hbm:s3], $0xF7A  }
0x26: {  	[smem:$0x3FA0] =	sst s1;
	(tag) =	ssettag s2;
	_ =	strace s9  }
0x27: {  	s1 =	sld [smem:$0x3FB0]  }
0x28: {  	s2 =	sld [smem:$0x3FB1]  }
0x29: {  	s4 =	sld [smem:$0x3FB3]  }
0x2a: {  	p0 =	seq.s32 s5, $0x0;
	s5 =	sld [smem:$0x3FB4]  }
0x2b: {  	s6 =	sld [smem:$0x3FB5]  }
0x2c: {  	s7 =	sld [smem:$0x3FB6]  }
0x2d: {  	s3 =	simm.s32 $0x108;
	s8 =	sld [smem:$0x3FB7]  }
0x2e: {  	s3 =	simm.s32 @!p0 $0x1082;
	s9 =	sld [smem:$0x3FB8]  }
0x2f: {  	lr =	sadd.s32 s0, s3;
	s0 =	sld [smem:$0x3FAF]  }
0x30: {  	s3 =	sld [smem:$0x3FB2]  }
0x31: {  	[smem:$0x3FBB] =	sst s10  }
0x32: {  	s10 =	sld [smem:$0x3FB9];
	_ =	sdelay $0x3  }
0x33: {  	p0 =	seq.s32 s10, $0x1;
	s10 =	sld [smem:$0x3FBB];
	_ =	sdelay $0x3  }
0x34: {  	[smem:$0x3FBB] =	sst s10  }
0x35: {  	s10 =	sld [smem:$0x3FBA];
	_ =	sdelay $0x3  }
0x36: {  	p1 =	seq.s32 s10, $0x1;
	s10 =	sld [smem:$0x3FBB];
	_ =	sdelay $0x3  }
0x37: {  	[smem:$0x3FBB] =	sst s10  }
0x38: {  	s10 =	sld [smem:$0x3FBC]  }
0x39: {  	_ = 	snop;
	(pc) =	sbr.ind lr, $3  }
0x3a: {  	_ = 	snop  }
0x3b: {  	_ = 	snop  }
0x3c: {  	p2 =	seq.s32 s10, $0x1;
	s10 =	sld [smem:$0x3FBB]  }
0x3d: {  	_ =	shalt  }
0x3e: {  	_ =	shalt  }
0x3f: {  	_ =	shalt  }
0x40: {  	_ =	shalt  }
0x41: {  	_ =	shalt  }
0x42: {  	_ =	shalt  }
0x43: {  	_ =	shalt  }
0x44: {  	_ =	shalt  }
0x45: {  	_ =	shalt  }
0x46: {  	_ =	shalt  }
0x47: {  	_ =	shalt  }
0x48: {  	_ =	shalt  }
0x49: {  	_ =	shalt  }
0x4a: {  	_ =	shalt  }
0x4b: {  	_ =	shalt  }
0x4c: {  	_ =	shalt  }
0x4d: {  	_ =	shalt  }
0x4e: {  	_ =	shalt  }
0x4f: {  	_ =	shalt  }
0x50: {  	_ =	shalt  }
0x51: {  	_ =	shalt  }
0x52: {  	_ =	shalt  }
0x53: {  	_ =	shalt  }
0x54: {  	_ =	shalt  }
0x55: {  	_ =	shalt  }
0x56: {  	_ =	shalt  }
0x57: {  	_ =	shalt  }
0x58: {  	_ =	shalt  }
0x59: {  	_ =	shalt  }
0x5a: {  	_ =	shalt  }
0x5b: {  	_ =	shalt  }
0x5c: {  	_ =	shalt  }
0x5d: {  	_ =	shalt  }
0x5e: {  	_ =	shalt  }
0x5f: {  	_ =	shalt  }
0x60: {  	_ =	shalt  }
0x61: {  	_ =	shalt  }
0x62: {  	_ =	shalt  }
0x63: {  	_ =	shalt  }
0x64: {  	_ =	shalt  }
0x65: {  	_ =	shalt  }
0x66: {  	_ =	shalt  }
0x67: {  	_ =	shalt  }
0x68: {  	_ =	shalt  }
0x69: {  	_ =	shalt  }
0x6a: {  	_ =	shalt  }
0x6b: {  	_ =	shalt  }
0x6c: {  	_ =	shalt  }
0x6d: {  	_ =	shalt  }
0x6e: {  	_ =	shalt  }
0x6f: {  	_ =	shalt  }
0x70: {  	_ =	shalt  }
0x71: {  	_ =	shalt  }
0x72: {  	_ =	shalt  }
0x73: {  	_ =	shalt  }
0x74: {  	_ =	shalt  }
0x75: {  	_ =	shalt  }
0x76: {  	_ =	shalt  }
0x77: {  	_ =	shalt  }
0x78: {  	_ =	shalt  }
0x79: {  	_ =	shalt  }
0x7a: {  	_ =	shalt  }
0x7b: {  	_ =	shalt  }
0x7c: {  	_ =	shalt  }
0x7d: {  	_ =	shalt  }
0x7e: {  	_ =	shalt  }
0x7f: {  	_ =	shalt  }
0x80: {  	_ =	shalt  }
0x81: {  	_ =	shalt  }
0x82: {  	_ =	shalt  }
0x83: {  	_ =	shalt  }
0x84: {  	_ =	shalt  }
0x85: {  	_ =	shalt  }
0x86: {  	_ =	shalt  }
0x87: {  	_ =	shalt  }
.Lfunc_end0:
.L_simem_size_0:
called_computation_lowered:
.L_overlay_start_0:
0x88: {  	s2 =	sld [smem:$0x3FD9]  }
0x89: {  	s3 =	sld [smem:$0x3FFE];
	_ =	sdelay $0x1  }
0x8a: {  	s1 =	srdreg.scid  }
0x8b: {  	s0 =	sand.u32 $0x1, s1  }
0x8c: {  	s18 =	sshll.u32 s0, $0xA;
	s2 =	sadd.s32 s3, s2  }
0x8d: {  	s2 =	sadd.s32 s2, s18  }
0x8e: {  	[smem:$0x3FC7] =	sst s2  }
0x8f: {  	_ = 	snop  }
0x90: {  	s2 =	sld [smem:$0x3FC9]  }
0x91: {  	s19 =	sld [smem:$0x3FD0];
	(tm) =	ssettm $0x1  }
0x92: {  	s4 =	sld [smem:$0x3FFB];
	_ =	sdelay $0x3  }
0x93: {  	_ =	strace s4  }
0x94: {  	s4 =	sld [smem:$0x3FFC];
	_ =	sdelay $0x3  }
0x95: {  	_ =	strace s4  }
0x96: {  	s4 =	sld [smem:$0x3FFD];
	_ =	sdelay $0x3  }
0x97: {  	_ =	strace s4  }
0x98: {  	_ =	strace $0x8FFFFFFF  }
0x99: {  	s20 =	sld [smem:$0x3FDB];
	_ =	sdelay $0x1  }
0x9a: {  	s5 =	simm.s32 $_scs_section_size  }
0x9b: {  	s6 =	simm.s32 $_size__tile_overlayer_lowered;
	s7 =	simm.s32 $_tile_overlayer_lowered  }
0x9c: {  	s23 =	simm.s32 $0x1BFF;
	s22 =	sshll.u32 s7, $0x1;
	s4 =	sadd.s32 s5, s20  }
0x9d: {  	s8 =	simm.s32 $0x0;
	s21 =	sshll.u32 s6, $0x1;
	s6 =	sadd.s32 s22, s4  }
0x9e: {  	[timem:s8], [sflag:s23] =	dma.local [hbm:s6], s21  }
0x9f: {  	_ =	swait.ge [sflag:s23], s21  }
0xa0: {  	s5 =	ssub.s32 $0x0, s21;
	[sflag:s23] =	ssyncset.done $0x0  }
0xa1: {  	[sflag:s23] =	ssyncadd.s32 s5;
	_ =	sdelay $0x1  }
0xa2: {  	s24 =	simm.s32 $0x1B8B  }
0xa3: {  	_ =	swait.ge [sflag:s24], $0x1  }
0xa4: {  	[sflag:s24] =	ssyncset.done $0x0  }
0xa5: {  	s25 =	simm.s32 $0x1B8E;
	[sflag:s24] =	ssyncadd.s32 $0xFFFFFFFF  }
0xa6: {  	s26 =	simm.s32 $execute0_lowered;
	[smem:$0x3FD2] =	sst s25  }
0xa7: {  	s5 =	sshll.u32 s26, $0x1;
	_ =	strace $0x80000046;
	[dreg:$0x1] =	wrdreg $0xFFFFFFFF  }
0xa8: {  	s28 =	simm.s32 $_size_execute0_lowered;
	s4 =	sadd.s32 s4, s5;
	[dreg:$0x0] =	wrdreg $0x0  }
0xa9: {  	s5 =	sshll.u32 s28, $0x1;
	[dreg:$0x2] =	wrdreg s4  }
0xaa: {  	[dreg:$0x3] =	wrdreg s5  }
0xab: {  	[dreg:$0x4] =	wrdreg $0xC0  }
0xac: {  	_ =	task [dreg:s8], $0x5FFFF  }
0xad: {  	[dreg:$0x1] =	wrdreg $0xFFFFFFFF  }
0xae: {  	[dreg:$0x0] =	wrdreg $0x60  }
0xaf: {  	[dreg:$0x2] =	wrdreg s2  }
0xb0: {  	[dreg:$0x3] =	wrdreg s19  }
0xb1: {  	[dreg:$0x4] =	wrdreg $0x9  }
0xb2: {  	_ =	task.clear_ibuf [dreg:s8], $0x5FFFF;
	_ =	strace $0x90000046  }
0xb3: {  	s29 =	simm.s32 $0x9;
	_ =	strace $0x80000048  }
0xb4: {  	_ =	swait.ge [sflag:s29], $0x1  }
0xb5: {  	[sflag:s29] =	ssyncadd.s32 $0xFFFFFFFF  }
0xb6: {  	_ =	strace $0x90000048  }
0xb7: {  	_ =	sfence  }
0xb8: {  	s30 =	sld [smem:$0x0];
	_ =	sdelay $0x2  }
0xb9: {  	s31 =	sshll.u32 s1, $0xD;
	s1 =	sshrl.u32 s1, $0x2  }
0xba: {  	s3 =	sand.u32 $0x4000, s31;
	s1 =	sadd.s32 s1, s30  }
0xbb: {  	s0 =	sor.u32 s3, s0;
	s1 =	sshll.u32 s1, $0x11  }
0xbc: {  	s0 =	sor.u32 s1, s0  }
0xbd: {  	s0 =	sadd.s32 $0x8F2B, s0  }
0xbe: {  	[sflag:s0] =	ssyncadd.remote.s32 $0x1  }
0xbf: {  	_ =	sfence.sel $0xFFFF  }
0xc0: {  	[dreg:$0x0] =	wrdreg $0xFFFFFFFF;
	(pc) =	sbr.abs _section_cstart, $3  }
0xc1: {  	[dreg:$0x1] =	wrdreg $0xFFFFFFFF  }
0xc2: {  	_ =	task.clear_ibuf [dreg:s8], $0x2FFFF;
	_ =	strace $0x9FFFFFFF  }
0xc3: {  	(tm) =	ssettm $0x7FFFFFFF  }
tec
execute0_lowered:
.L_overlay_start_1:
0x0: {  	(tag) =	ssettag $0x1  }
0x1: {  	s0 =	srdreg.scid;
	s3 =	stileid.u32  }
0x2: {  	s2 =	rddreg [dreg:$0x0];
	s20 =	sand.u32 $0x1, s0;
	s29 =	sshll.u32 s3, $0x1  }
0x3: {  	s1 =	rddreg [dreg:$0x1];
	s13 =	sor.u32 s20, s29  }
0x4: {  	s3 =	simm.s32 $0x0;
	s8 =	sshll.u32 s13, $0x9;
	s0 =	sshll.u32 s13, $0x11  }
0x5: {  	[smem:$0x7FF] =	sst s3;
	s4 =	sor.u32 $0x10, s8;
	s16 =	sadd.s32 s1, s0  }
0x6: {  	[smem:$0x7E9] =	sst s4;
	s0 =	sadd.s32 $0x800, s16  }
0x7: {  	s7 =	sadd.s32 $0x2800, s16;
	_ =	strace $0x80000047;
	[dreg:$0x3] =	wrdreg s0  }
0x8: {  	s15 =	sor.u32 $0x50, s8;
	[dreg:$0x7] =	wrdreg s7  }
0x9: {  	s11 =	sadd.s32 $0x3800, s16;
	[smem:$0x7EB] =	sst s15  }
0xa: {  	s19 =	sadd.s32 $0x4800, s16;
	[dreg:$0x9] =	wrdreg s11  }
0xb: {  	s25 =	sor.u32 $0x70, s8;
	[dreg:$0xb] =	wrdreg s19  }
0xc: {  	s23 =	sadd.s32 $0x5800, s16;
	[smem:$0x7EC] =	sst s25  }
0xd: {  	s28 =	sadd.s32 $0x6800, s16;
	[dreg:$0xd] =	wrdreg s23  }
0xe: {  	s14 =	sor.u32 $0x20, s8;
	s4 =	sshll.u32 s4, $0x8;
	[dreg:$0xf] =	wrdreg s28  }
0xf: {  	s18 =	sor.u32 $0x30, s8;
	s30 =	sadd.s32 s1, s4;
	[smem:$0x7E7] =	sst s16  }
0x10: {  	s5 =	sshll.u32 s14, $0x8;
	s4 =	sadd.s32 $0x1800, s16;
	[dreg:$0x4] =	wrdreg s30  }
0x11: {  	s31 =	sor.u32 $0x60, s8;
	s6 =	sadd.s32 s1, s5;
	[dreg:$0x5] =	wrdreg s4  }
0x12: {  	s9 =	sshll.u32 s18, $0x8;
	s5 =	sor.u32 $0x40, s8;
	[dreg:$0x6] =	wrdreg s6  }
0x13: {  	s21 =	sshll.u32 s15, $0x8;
	s10 =	sadd.s32 s1, s9;
	[smem:$0x7EA] =	sst s5  }
0x14: {  	s24 =	sshll.u32 s31, $0x8;
	s22 =	sadd.s32 s1, s21;
	[dreg:$0x8] =	wrdreg s10  }
0x15: {  	s26 =	sadd.s32 s1, s24;
	[dreg:$0xc] =	wrdreg s22  }
0x16: {  	s7 =	sadd.s32 $0x7800, s16;
	[dreg:$0xe] =	wrdreg s26  }
0x17: {  	s23 =	sor.u32 $0xB0, s8;
	[dreg:$0x11] =	wrdreg s7  }
0x18: {  	s21 =	sadd.s32 $0x9800, s16;
	[smem:$0x7F0] =	sst s23  }
0x19: {  	s29 =	sshll.u32 s25, $0x8;
	s25 =	sadd.s32 $0xA800, s16;
	[dreg:$0x15] =	wrdreg s21  }
0x1a: {  	s0 =	sadd.s32 $0x1B800, s16;
	[dreg:$0x17] =	wrdreg s25  }
0x1b: {  	s30 =	sor.u32 $0x80, s8;
	[smem:$0x7DF] =	sst s0  }
0x1c: {  	s6 =	sadd.s32 s1, s29;
	[smem:$0x7ED] =	sst s30  }
0x1d: {  	s10 =	sor.u32 $0x90, s8;
	[dreg:$0x10] =	wrdreg s6  }
0x1e: {  	s29 =	sadd.s32 $0xB800, s16;
	[smem:$0x7EE] =	sst s10  }
0x1f: {  	s12 =	sshll.u32 s5, $0x8;
	s5 =	sadd.s32 $0xC800, s16;
	[dreg:$0x19] =	wrdreg s29  }
0x20: {  	s21 =	sadd.s32 $0xE800, s16;
	[dreg:$0x1b] =	wrdreg s5  }
0x21: {  	s17 =	sadd.s32 s1, s12;
	[dreg:$0x1f] =	wrdreg s21  }
0x22: {  	s26 =	sshll.u32 s23, $0x8;
	s12 =	sadd.s32 $0x8800, s16;
	[dreg:$0xa] =	wrdreg s17  }
0x23: {  	s9 =	sshll.u32 s30, $0x8;
	s28 =	sadd.s32 s1, s26;
	[dreg:$0x13] =	wrdreg s12  }
0x24: {  	s11 =	sadd.s32 s1, s9;
	[dreg:$0x18] =	wrdreg s28  }
0x25: {  	s15 =	sshll.u32 s10, $0x8;
	s17 =	sor.u32 $0xA0, s8;
	[dreg:$0x12] =	wrdreg s11  }
0x26: {  	s19 =	sadd.s32 s1, s15;
	[smem:$0x7EF] =	sst s17  }
0x27: {  	s10 =	sor.u32 $0xE0, s8;
	s9 =	sadd.s32 $0xD800, s16;
	[dreg:$0x14] =	wrdreg s19  }
0x28: {  	s21 =	sor.u32 $0x100, s8;
	s28 =	sadd.s32 $0x10800, s16;
	[dreg:$0x1d] =	wrdreg s9  }
0x29: {  	s15 =	sshll.u32 s10, $0x8;
	s10 =	sshll.u32 s10, $0x1;
	[smem:$0x7C9] =	sst s28  }
0x2a: {  	s25 =	sshll.u32 s21, $0x8;
	s21 =	sshll.u32 s21, $0x1;
	[smem:$0x7F8] =	sst s10  }
0x2b: {  	s12 =	sor.u32 $0xD0, s8;
	s19 =	sadd.s32 s1, s15;
	[smem:$0x7FA] =	sst s21  }
0x2c: {  	s22 =	sshll.u32 s17, $0x8;
	s26 =	sadd.s32 s1, s25;
	[dreg:$0x1e] =	wrdreg s19  }
0x2d: {  	s6 =	sshll.u32 s12, $0x8;
	s12 =	sshll.u32 s12, $0x1;
	[smem:$0x7C8] =	sst s26  }
0x2e: {  	s24 =	sadd.s32 s1, s22;
	[smem:$0x7F7] =	sst s12  }
0x2f: {  	s17 =	sor.u32 $0xC0, s8;
	s7 =	sadd.s32 s1, s6;
	[dreg:$0x16] =	wrdreg s24  }
0x30: {  	s11 =	sor.u32 $0xF0, s8;
	s19 =	sadd.s32 $0x13800, s16;
	[dreg:$0x1c] =	wrdreg s7  }
0x31: {  	s30 =	sshll.u32 s17, $0x8;
	s17 =	sshll.u32 s17, $0x1;
	[smem:$0x7CF] =	sst s19  }
0x32: {  	s22 =	sshll.u32 s11, $0x8;
	s4 =	sadd.s32 s1, s30;
	[smem:$0x7F6] =	sst s17  }
0x33: {  	s23 =	sadd.s32 s1, s22;
	[dreg:$0x1a] =	wrdreg s4  }
0x34: {  	s25 =	sor.u32 $0x140, s8;
	s24 =	sadd.s32 $0xF800, s16;
	[smem:$0x7C6] =	sst s23  }
0x35: {  	s26 =	sshll.u32 s25, $0x8;
	s7 =	sadd.s32 $0x12800, s16;
	[smem:$0x7C7] =	sst s24  }
0x36: {  	v32 =	vlaneseq.u32;
	s28 =	sadd.s32 s1, s26;
	[smem:$0x7CD] =	sst s7  }
0x37: {  	v31 =	vmul.u32 $0x2, v32;
	s17 =	sshll.u32 s11, $0x1;
	[smem:$0x7D0] =	sst s28  }
0x38: {  	s14 =	sshll.u32 s14, $0x1;
	s22 =	sor.u32 $0x110, s8;
	[smem:$0x7F9] =	sst s17  }
0x39: {  	v2 =	vor.u32 s14, v31;
	s29 =	sshll.u32 s22, $0x8;
	s4 =	sadd.s32 $0x11800, s16;
	s14 =	sld [smem:$0x7F6]  }
0x3a: {  	s30 =	sadd.s32 s1, s29;
	[smem:$0x7CB] =	sst s4  }
0x3b: {  	s23 =	sor.u32 $0x120, s8;
	s29 =	sadd.s32 $0x14800, s16;
	[smem:$0x7CA] =	sst s30  }
0x3c: {  	s24 =	sor.u32 $0x130, s8;
	s11 =	sshll.u32 s23, $0x1;
	[smem:$0x7D1] =	sst s29  }
0x3d: {  	s5 =	sshll.u32 s23, $0x8;
	s12 =	sshll.u32 s24, $0x1;
	[smem:$0x7FB] =	sst s11  }
0x3e: {  	s9 =	sshll.u32 s24, $0x8;
	s6 =	sadd.s32 s1, s5;
	[smem:$0x7FC] =	sst s12  }
0x3f: {  	s26 =	sor.u32 $0x150, s8;
	s15 =	sadd.s32 s1, s9;
	[smem:$0x7CC] =	sst s6  }
0x40: {  	s28 =	sor.u32 $0x160, s8;
	s5 =	sadd.s32 $0x15800, s16;
	[smem:$0x7CE] =	sst s15  }
0x41: {  	s22 =	sshll.u32 s22, $0x1;
	s9 =	sadd.s32 $0x16800, s16;
	[smem:$0x7D3] =	sst s5  }
0x42: {  	s30 =	sshll.u32 s26, $0x8;
	s29 =	sor.u32 $0x170, s8;
	[smem:$0x7D5] =	sst s9  }
0x43: {  	v17 =	vor.u32 s22, v31;
	s4 =	sadd.s32 s1, s30;
	s6 =	sshll.u32 s28, $0x8;
	s22 =	sld [smem:$0x7FC]  }
0x44: {  	s15 =	sshll.u32 s29, $0x8;
	[smem:$0x7D2] =	sst s4;
	s7 =	sadd.s32 s1, s6  }
0x45: {  	s30 =	sor.u32 $0x180, s8;
	s19 =	sadd.s32 s1, s15;
	[smem:$0x7D4] =	sst s7  }
0x46: {  	s4 =	sadd.s32 $0x17800, s16;
	s5 =	sshll.u32 s30, $0x8;
	[smem:$0x7D6] =	sst s19  }
0x47: {  	s9 =	sor.u32 $0x190, s8;
	[smem:$0x7D7] =	sst s4;
	s6 =	sadd.s32 s1, s5  }
0x48: {  	s15 =	sshll.u32 s9, $0x8;
	s7 =	sadd.s32 $0x18800, s16;
	[smem:$0x7D8] =	sst s6  }
0x49: {  	s19 =	sadd.s32 s1, s15;
	[smem:$0x7D9] =	sst s7  }
0x4a: {  	s4 =	sadd.s32 $0x19800, s16;
	[smem:$0x7DA] =	sst s19  }
0x4b: {  	s5 =	sadd.s32 $0x1A800, s16;
	s7 =	sor.u32 $0x1A0, s8;
	[smem:$0x7DB] =	sst s4  }
0x4c: {  	s6 =	sor.u32 $0x1B0, s8;
	[smem:$0x7DD] =	sst s5;
	s15 =	sshll.u32 s7, $0x8  }
0x4d: {  	s5 =	sor.u32 $0x1C0, s8;
	s19 =	sshll.u32 s6, $0x8;
	s15 =	sadd.s32 s1, s15  }
0x4e: {  	s4 =	sshll.u32 s5, $0x8;
	s19 =	sadd.s32 s1, s19;
	[smem:$0x7DC] =	sst s15  }
0x4f: {  	s0 =	sadd.s32 s1, s4;
	[smem:$0x7DE] =	sst s19  }
0x50: {  	s4 =	sor.u32 $0x1D0, s8;
	[smem:$0x7E0] =	sst s0;
	s19 =	sadd.s32 $0x1C800, s16  }
0x51: {  	s0 =	sshll.u32 s4, $0x8;
	s15 =	sadd.s32 $0x1D800, s16;
	[smem:$0x7E1] =	sst s19  }
0x52: {  	s19 =	sadd.s32 s1, s0;
	[smem:$0x7E3] =	sst s15;
	s15 =	sadd.s32 $0x1E800, s16  }
0x53: {  	s0 =	sor.u32 $0x1E0, s8;
	[smem:$0x7E5] =	sst s15;
	s15 =	ssub.s32 $0x2, s20  }
0x54: {  	s20 =	sadd.s32 $0x1F800, s16;
	s16 =	sshll.u32 s13, $0xA;
	s13 =	sld [smem:$0x7EC]  }
0x55: {  	[smem:$0x7E2] =	sst s19;
	s19 =	sshll.u32 s0, $0x8  }
0x56: {  	s19 =	sadd.s32 s1, s19;
	[smem:$0x7E8] =	sst s20  }
0x57: {  	[smem:$0x7E4] =	sst s19;
	s13 =	sshll.u32 s13, $0x1  }
0x58: {  	s8 =	sor.u32 $0x1F0, s8;
	[smem:$0x7F1] =	sst s13  }
0x59: {  	s19 =	sshll.u32 s8, $0x8;
	s13 =	sld [smem:$0x7ED]  }
0x5a: {  	s20 =	sld [smem:$0x7EB];
	s1 =	sadd.s32 s1, s19  }
0x5b: {  	s19 =	sshrl.u32 s15, $0x1;
	[smem:$0x7E6] =	sst s1  }
0x5c: {  	s1 =	ssub.s32 s15, s19;
	s15 =	sld [smem:$0x7E9];
	s13 =	sshll.u32 s13, $0x1  }
0x5d: {  	[smem:$0x7F2] =	sst s13  }
0x5e: {  	s13 =	sld [smem:$0x7EE]  }
0x5f: {  	s19 =	sld [smem:$0x7EA]  }
0x60: {  	v0 =	vor.u32 s16, v31;
	s16 =	sld [smem:$0x7F1];
	s15 =	sshll.u32 s15, $0x1  }
0x61: {  	v1 =	vor.u32 s15, v31;
	s15 =	sld [smem:$0x7F7];
	s13 =	sshll.u32 s13, $0x1  }
0x62: {  	[smem:$0x7F3] =	sst s13  }
0x63: {  	s13 =	sld [smem:$0x7EF]  }
0x64: {  	s18 =	sshll.u32 s18, $0x1;
	v7 =	vor.u32 s16, v31;
	s16 =	sld [smem:$0x7F8]  }
0x65: {  	v3 =	vor.u32 s18, v31;
	s19 =	sshll.u32 s19, $0x1;
	s18 =	sld [smem:$0x7F2]  }
0x66: {  	s31 =	sshll.u32 s31, $0x1;
	v4 =	vor.u32 s19, v31;
	s19 =	sld [smem:$0x7F3];
	s13 =	sshll.u32 s13, $0x1  }
0x67: {  	v6 =	vor.u32 s31, v31;
	s31 =	simm.s32 $0x1;
	[smem:$0x7F4] =	sst s13  }
0x68: {  	s10 =	sadd.s32 $0x500, s2;
	s26 =	sshll.u32 s26, $0x1;
	s13 =	sld [smem:$0x7F0]  }
0x69: {  	s11 =	sadd.s32 $0x600, s2;
	s12 =	sadd.s32 $0x700, s2;
	v8 =	vor.u32 s18, v31;
	s18 =	sld [smem:$0x7F9]  }
0x6a: {  	s28 =	sshll.u32 s28, $0x1;
	s20 =	sshll.u32 s20, $0x1;
	v9 =	vor.u32 s19, v31;
	s19 =	sld [smem:$0x7FA]  }
0x6b: {  	v33 =	vshrl.u32 v32, $0x3;
	s29 =	sshll.u32 s29, $0x1;
	v5 =	vor.u32 s20, v31;
	s20 =	sld [smem:$0x7F4];
	s13 =	sshll.u32 s13, $0x1  }
0x6c: {  	vm0 =	vmmov $0xffff;
	v32 =	vand.u32 $0x7, v32;
	v33 =	vmul.u32 $0x8, v33;
	s23 =	sshll.u32 s30, $0x1;
	s24 =	sshll.u32 s9, $0x1;
	[smem:$0x7F5] =	sst s13  }
0x6d: {  	v12 =	vor.u32 s14, v31;
	v21 =	vor.u32 s26, v31;
	s9 =	sadd.s32 $0x400, s2;
	v22 =	vor.u32 s28, v31;
	s17 =	sshll.u32 s5, $0x1;
	s30 =	sld [smem:$0x7F5]  }
0x6e: {  	v23 =	vor.u32 s29, v31;
	v24 =	vor.u32 s23, v31;
	s21 =	sshll.u32 s4, $0x1;
	s13 =	sshll.u32 s25, $0x1;
	v10 =	vor.u32 s20, v31;
	s20 =	sld [smem:$0x7FB]  }
0x6f: {  	v25 =	vor.u32 s24, v31;
	v19 =	vor.u32 s22, v31;
	v28 =	vor.u32 s17, v31;
	s0 =	sshll.u32 s0, $0x1;
	s4 =	sshll.u32 s8, $0x1;
	[smem:$0x7FD] =	sst s13  }
0x70: {  	v29 =	vor.u32 s21, v31;
	v30 =	vor.u32 s0, v31;
	s8 =	sadd.s32 $0x300, s2;
	s5 =	smax.u32 s1, $0x1;
	v11 =	vor.u32 s30, v31;
	s30 =	sld [smem:$0x7FD]  }
0x71: {  	s1 =	simm.s32 $0x2;
	v13 =	vor.u32 s15, v31;
	v14 =	vor.u32 s16, v31;
	v15 =	vor.u32 s18, v31;
	s25 =	sshll.u32 s7, $0x1;
	s13 =	sshll.u32 s6, $0x1  }
0x72: {  	s15 =	simm.s32 $0x3;
	s16 =	simm.s32 $0x7;
	s18 =	simm.s32 $0x8;
	v16 =	vor.u32 s19, v31;
	v26 =	vor.u32 s25, v31;
	v27 =	vor.u32 s13, v31  }
0x73: {  	s7 =	sadd.s32 $0x200, s2;
	s6 =	sadd.s32 $0x100, s2;
	v18 =	vor.u32 s20, v31;
	v20 =	vor.u32 s30, v31;
	v31 =	vor.u32 s4, v31;
	s4 =	simm.s32 $0x4  }
.LBB2_1:
0x74: {  	[tilespmem:$0x0] =	vst v0  }
0x75: {  	[tilespmem:$0x10] =	vst v1  }
0x76: {  	[tilespmem:$0x20] =	vst v2  }
0x77: {  	[tilespmem:$0x30] =	vst v3  }
0x78: {  	[tilespmem:$0x40] =	vst v4  }
0x79: {  	[tilespmem:$0x50] =	vst v5  }
0x7a: {  	[tilespmem:$0x60] =	vst v6  }
0x7b: {  	[tilespmem:$0x70] =	vst v7  }
0x7c: {  	[tilespmem:$0x80] =	vst v8  }
0x7d: {  	[tilespmem:$0x90] =	vst v9  }
0x7e: {  	[tilespmem:$0xA0] =	vst v10  }
0x7f: {  	[tilespmem:$0xB0] =	vst v11  }
0x80: {  	[tilespmem:$0xC0] =	vst v12  }
0x81: {  	[tilespmem:$0xD0] =	vst v13  }
0x82: {  	[tilespmem:$0xE0] =	vst v14  }
0x83: {  	[tilespmem:$0xF0] =	vst v15  }
0x84: {  	[tilespmem:$0x100] =	vst v16  }
0x85: {  	[tilespmem:$0x110] =	vst v17;
	v34 =	vld.msk [tilespmem:$0x0], $0xff  }
0x86: {  	[tilespmem:$0x120] =	vst v18  }
0x87: {  	[tilespmem:$0x130] =	vst v19  }
0x88: {  	[tilespmem:$0x140] =	vst v20  }
0x89: {  	[tilespmem:$0x150] =	vst v21  }
0x8a: {  	[tilespmem:$0x160] =	vst v22;
	v35 =	vshll.u32 v34, $0x4  }
0x8b: {  	[tilespmem:$0x170] =	vst v23;
	v34 =	vand.u32 $0x7, v34;
	v35 =	vand.u32 $0xFFFFFF80, v35  }
0x8c: {  	[tilespmem:$0x180] =	vst v24;
	v34 =	vor.u32 v34, v35  }
0x8d: {  	[tilespmem:$0x190] =	vst v25;
	v34 =	vperm.xlane v34, v32  }
0x8e: {  	[tilespmem:$0x1A0] =	vst v26  }
0x8f: {  	[tilespmem:$0x1B0] =	vst v27;
	v34 =	vadd.s32 v33, v34  }
0x90: {  	[tilespmem:$0x1C0] =	vst v28  }
0x91: {  	[tilespmem:$0x1D0] =	vst v29  }
0x92: {  	[tilespmem:$0x1E0] =	vst v30  }
0x93: {  	[tilespmem:$0x1F0] =	vst v31;
	s22 =	simm.s32 $0x200  }
0x94: {  	[tilespmem:s22], [sflag:$0x1] =	stream.indirect_vreg.gather [hbm4b:s2+s3], $0x80, v34, vm0, $0xb8;
	[tilespmem:$0x18200] =	vst v63  }
0x95: {  	s23 =	simm.s32 $0xA00  }
0x96: {  	[tilespmem:s23], [sflag:$0x1] =	stream.indirect_vreg.gather [hbm4b:s6+s3], $0x80, v34, vm0, $0xb8;
	[tilespmem:$0x18200] =	vst v63  }
0x97: {  	s24 =	simm.s32 $0x1200  }
0x98: {  	[tilespmem:s24], [sflag:$0x1] =	stream.indirect_vreg.gather [hbm4b:s7+s3], $0x80, v34, vm0, $0xb8;
	[tilespmem:$0x18200] =	vst v63  }
0x99: {  	s26 =	simm.s32 $0x1A00  }
0x9a: {  	[tilespmem:s26], [sflag:$0x1] =	stream.indirect_vreg.gather [hbm4b:s8+s3], $0x80, v34, vm0, $0xb8;
	[tilespmem:$0x18200] =	vst v63  }
0x9b: {  	s28 =	simm.s32 $0x2200  }
0x9c: {  	[tilespmem:s28], [sflag:$0x1] =	stream.indirect_vreg.gather [hbm4b:s9+s3], $0x80, v34, vm0, $0xb8;
	[tilespmem:$0x18200] =	vst v63  }
0x9d: {  	s29 =	simm.s32 $0x2A00  }
0x9e: {  	[tilespmem:s29], [sflag:$0x1] =	stream.indirect_vreg.gather [hbm4b:s10+s3], $0x80, v34, vm0, $0xb8;
	[tilespmem:$0x18200] =	vst v63  }
0x9f: {  	s30 =	simm.s32 $0x3200  }
0xa0: {  	[tilespmem:s30], [sflag:$0x1] =	stream.indirect_vreg.gather [hbm4b:s11+s3], $0x80, v34, vm0, $0xb8;
	[tilespmem:$0x18200] =	vst v63  }
0xa1: {  	s0 =	simm.s32 $0x3A00  }
0xa2: {  	[tilespmem:s0], [sflag:$0x1] =	stream.indirect_vreg.gather [hbm4b:s12+s3], $0x80, v34, vm0, $0xb8;
	[tilespmem:$0x18200] =	vst v63  }
0xa3: {  	v34 =	vld.msk [tilespmem:$0x8], $0xff;
	_ =	sdelay $0x4  }
0xa4: {  	v55 =	vshll.u32 v34, $0x4  }
0xa5: {  	v34 =	vand.u32 $0x7, v34;
	v35 =	vand.u32 $0xFFFFFF80, v55  }
0xa6: {  	v34 =	vor.u32 v34, v35  }
0xa7: {  	v34 =	vperm.xlane v34, v32;
	_ =	sdelay $0x1  }
0xa8: {  	v34 =	vadd.s32 v33, v34;
	_ =	sdelay $0x3  }
0xa9: {  	s13 =	simm.s32 $0x4200  }
0xaa: {  	[tilespmem:s13], [sflag:$0x2] =	stream.indirect_vreg.gather [hbm4b:s2+s3], $0x80, v34, vm0, $0xb8;
	[tilespmem:$0x18200] =	vst v63  }
0xab: {  	s19 =	simm.s32 $0x4A00  }
0xac: {  	[tilespmem:s19], [sflag:$0x2] =	stream.indirect_vreg.gather [hbm4b:s6+s3], $0x80, v34, vm0, $0xb8;
	[tilespmem:$0x18200] =	vst v63  }
0xad: {  	s20 =	simm.s32 $0x5200  }
0xae: {  	[tilespmem:s20], [sflag:$0x2] =	stream.indirect_vreg.gather [hbm4b:s7+s3], $0x80, v34, vm0, $0xb8;
	[tilespmem:$0x18200] =	vst v63  }
0xaf: {  	s22 =	simm.s32 $0x5A00  }
0xb0: {  	[tilespmem:s22], [sflag:$0x2] =	stream.indirect_vreg.gather [hbm4b:s8+s3], $0x80, v34, vm0, $0xb8;
	[tilespmem:$0x18200] =	vst v63  }
0xb1: {  	s23 =	simm.s32 $0x6200  }
0xb2: {  	[tilespmem:s23], [sflag:$0x2] =	stream.indirect_vreg.gather [hbm4b:s9+s3], $0x80, v34, vm0, $0xb8;
	[tilespmem:$0x18200] =	vst v63  }
0xb3: {  	s26 =	simm.s32 $0x6A00  }
0xb4: {  	[tilespmem:s26], [sflag:$0x2] =	stream.indirect_vreg.gather [hbm4b:s10+s3], $0x80, v34, vm0, $0xb8;
	[tilespmem:$0x18200] =	vst v63  }
0xb5: {  	s28 =	simm.s32 $0x7200  }
0xb6: {  	[tilespmem:s28], [sflag:$0x2] =	stream.indirect_vreg.gather [hbm4b:s11+s3], $0x80, v34, vm0, $0xb8;
	[tilespmem:$0x18200] =	vst v63  }
0xb7: {  	s29 =	simm.s32 $0x7A00  }
0xb8: {  	[tilespmem:s29], [sflag:$0x2] =	stream.indirect_vreg.gather [hbm4b:s12+s3], $0x80, v34, vm0, $0xb8;
	[tilespmem:$0x18200] =	vst v63  }
0xb9: {  	v34 =	vld.msk [tilespmem:$0x10], $0xff;
	_ =	sdelay $0x4  }
0xba: {  	v56 =	vshll.u32 v34, $0x4  }
0xbb: {  	v34 =	vand.u32 $0x7, v34;
	v35 =	vand.u32 $0xFFFFFF80, v56  }
0xbc: {  	v34 =	vor.u32 v34, v35  }
0xbd: {  	v34 =	vperm.xlane v34, v32;
	_ =	sdelay $0x1  }
0xbe: {  	v34 =	vadd.s32 v33, v34;
	_ =	sdelay $0x3  }
0xbf: {  	s30 =	simm.s32 $0x8200  }
0xc0: {  	[tilespmem:s30], [sflag:$0x3] =	stream.indirect_vreg.gather [hbm4b:s2+s3], $0x80, v34, vm0, $0xb8;
	[tilespmem:$0x18200] =	vst v63  }
0xc1: {  	s0 =	simm.s32 $0x8A00  }
0xc2: {  	[tilespmem:s0], [sflag:$0x3] =	stream.indirect_vreg.gather [hbm4b:s6+s3], $0x80, v34, vm0, $0xb8;
	[tilespmem:$0x18200] =	vst v63  }
0xc3: {  	s13 =	simm.s32 $0x9200  }
0xc4: {  	[tilespmem:s13], [sflag:$0x3] =	stream.indirect_vreg.gather [hbm4b:s7+s3], $0x80, v34, vm0, $0xb8;
	[tilespmem:$0x18200] =	vst v63  }
0xc5: {  	s22 =	simm.s32 $0x9A00  }
0xc6: {  	[tilespmem:s22], [sflag:$0x3] =	stream.indirect_vreg.gather [hbm4b:s8+s3], $0x80, v34, vm0, $0xb8;
	[tilespmem:$0x18200] =	vst v63  }
0xc7: {  	s23 =	simm.s32 $0xA200  }
0xc8: {  	[tilespmem:s23], [sflag:$0x3] =	stream.indirect_vreg.gather [hbm4b:s9+s3], $0x80, v34, vm0, $0xb8;
	[tilespmem:$0x18200] =	vst v63  }
0xc9: {  	s26 =	simm.s32 $0xAA00  }
0xca: {  	[tilespmem:s26], [sflag:$0x3] =	stream.indirect_vreg.gather [hbm4b:s10+s3], $0x80, v34, vm0, $0xb8;
	[tilespmem:$0x18200] =	vst v63  }
0xcb: {  	s29 =	simm.s32 $0xB200  }
0xcc: {  	[tilespmem:s29], [sflag:$0x3] =	stream.indirect_vreg.gather [hbm4b:s11+s3], $0x80, v34, vm0, $0xb8;
	[tilespmem:$0x18200] =	vst v63  }
0xcd: {  	s30 =	simm.s32 $0xBA00  }
0xce: {  	[tilespmem:s30], [sflag:$0x3] =	stream.indirect_vreg.gather [hbm4b:s12+s3], $0x80, v34, vm0, $0xb8;
	[tilespmem:$0x18200] =	vst v63  }
0xcf: {  	v34 =	vld.msk [tilespmem:$0x18], $0xff;
	_ =	sdelay $0x4  }
0xd0: {  	v57 =	vshll.u32 v34, $0x4  }
0xd1: {  	v34 =	vand.u32 $0x7, v34;
	v35 =	vand.u32 $0xFFFFFF80, v57  }
0xd2: {  	v34 =	vor.u32 v34, v35  }
0xd3: {  	v34 =	vperm.xlane v34, v32;
	_ =	sdelay $0x1  }
0xd4: {  	v34 =	vadd.s32 v33, v34;
	_ =	sdelay $0x3  }
0xd5: {  	s0 =	simm.s32 $0xC200  }
0xd6: {  	[tilespmem:s0], [sflag:$0x4] =	stream.indirect_vreg.gather [hbm4b:s2+s3], $0x80, v34, vm0, $0xb8;
	[tilespmem:$0x18200] =	vst v63  }
0xd7: {  	s23 =	simm.s32 $0xCA00  }
0xd8: {  	[tilespmem:s23], [sflag:$0x4] =	stream.indirect_vreg.gather [hbm4b:s6+s3], $0x80, v34, vm0, $0xb8;
	[tilespmem:$0x18200] =	vst v63  }
0xd9: {  	[smem:$0x7C5] =	sst s5;
	s5 =	simm.s32 $0xD200  }
0xda: {  	[tilespmem:s5], [sflag:$0x4] =	stream.indirect_vreg.gather [hbm4b:s7+s3], $0x80, v34, vm0, $0xb8;
	[tilespmem:$0x18200] =	vst v63  }
0xdb: {  	s13 =	simm.s32 $0xDA00  }
0xdc: {  	[tilespmem:s13], [sflag:$0x4] =	stream.indirect_vreg.gather [hbm4b:s8+s3], $0x80, v34, vm0, $0xb8;
	[tilespmem:$0x18200] =	vst v63  }
0xdd: {  	s26 =	simm.s32 $0xE200  }
0xde: {  	[tilespmem:s26], [sflag:$0x4] =	stream.indirect_vreg.gather [hbm4b:s9+s3], $0x80, v34, vm0, $0xb8;
	[tilespmem:$0x18200] =	vst v63  }
0xdf: {  	s0 =	simm.s32 $0xEA00  }
0xe0: {  	[tilespmem:s0], [sflag:$0x4] =	stream.indirect_vreg.gather [hbm4b:s10+s3], $0x80, v34, vm0, $0xb8;
	[tilespmem:$0x18200] =	vst v63  }
0xe1: {  	s5 =	simm.s32 $0xF200  }
0xe2: {  	[tilespmem:s5], [sflag:$0x4] =	stream.indirect_vreg.gather [hbm4b:s11+s3], $0x80, v34, vm0, $0xb8;
	[tilespmem:$0x18200] =	vst v63  }
0xe3: {  	s13 =	simm.s32 $0xFA00  }
0xe4: {  	[tilespmem:s13], [sflag:$0x4] =	stream.indirect_vreg.gather [hbm4b:s12+s3], $0x80, v34, vm0, $0xb8;
	[tilespmem:$0x18200] =	vst v63  }
0xe5: {  	v34 =	vld.msk [tilespmem:$0x20], $0xff;
	_ =	sdelay $0x4  }
0xe6: {  	v58 =	vshll.u32 v34, $0x4  }
0xe7: {  	v34 =	vand.u32 $0x7, v34;
	v35 =	vand.u32 $0xFFFFFF80, v58  }
0xe8: {  	v34 =	vor.u32 v34, v35  }
0xe9: {  	v34 =	vperm.xlane v34, v32;
	_ =	sdelay $0x1  }
0xea: {  	v34 =	vadd.s32 v33, v34;
	_ =	sdelay $0x3  }
0xeb: {  	s26 =	simm.s32 $0x10200  }
0xec: {  	[tilespmem:s26], [sflag:$0x5] =	stream.indirect_vreg.gather [hbm4b:s2+s3], $0x80, v34, vm0, $0xb8;
	[tilespmem:$0x18200] =	vst v63  }
0xed: {  	s0 =	simm.s32 $0x10A00  }
0xee: {  	[tilespmem:s0], [sflag:$0x5] =	stream.indirect_vreg.gather [hbm4b:s6+s3], $0x80, v34, vm0, $0xb8;
	[tilespmem:$0x18200] =	vst v63  }
0xef: {  	s13 =	simm.s32 $0x11200  }
0xf0: {  	[tilespmem:s13], [sflag:$0x5] =	stream.indirect_vreg.gather [hbm4b:s7+s3], $0x80, v34, vm0, $0xb8;
	[tilespmem:$0x18200] =	vst v63  }
0xf1: {  	s23 =	simm.s32 $0x11A00  }
0xf2: {  	[tilespmem:s23], [sflag:$0x5] =	stream.indirect_vreg.gather [hbm4b:s8+s3], $0x80, v34, vm0, $0xb8;
	[tilespmem:$0x18200] =	vst v63  }
0xf3: {  	s26 =	simm.s32 $0x12200  }
0xf4: {  	[tilespmem:s26], [sflag:$0x5] =	stream.indirect_vreg.gather [hbm4b:s9+s3], $0x80, v34, vm0, $0xb8;
	[tilespmem:$0x18200] =	vst v63  }
0xf5: {  	s0 =	simm.s32 $0x12A00  }
0xf6: {  	[tilespmem:s0], [sflag:$0x5] =	stream.indirect_vreg.gather [hbm4b:s10+s3], $0x80, v34, vm0, $0xb8;
	[tilespmem:$0x18200] =	vst v63  }
0xf7: {  	s13 =	simm.s32 $0x13200  }
0xf8: {  	[tilespmem:s13], [sflag:$0x5] =	stream.indirect_vreg.gather [hbm4b:s11+s3], $0x80, v34, vm0, $0xb8;
	[tilespmem:$0x18200] =	vst v63  }
0xf9: {  	s23 =	simm.s32 $0x13A00  }
0xfa: {  	[tilespmem:s23], [sflag:$0x5] =	stream.indirect_vreg.gather [hbm4b:s12+s3], $0x80, v34, vm0, $0xb8;
	[tilespmem:$0x18200] =	vst v63  }
0xfb: {  	v34 =	vld.msk [tilespmem:$0x28], $0xff;
	_ =	sdelay $0x4  }
0xfc: {  	v59 =	vshll.u32 v34, $0x4  }
0xfd: {  	v34 =	vand.u32 $0x7, v34;
	v35 =	vand.u32 $0xFFFFFF80, v59  }
0xfe: {  	v34 =	vor.u32 v34, v35  }
0xff: {  	v34 =	vperm.xlane v34, v32;
	_ =	sdelay $0x1  }
0x100: {  	v34 =	vadd.s32 v33, v34;
	_ =	sdelay $0x3  }
0x101: {  	s26 =	simm.s32 $0x14200  }
0x102: {  	[tilespmem:s26], [sflag:$0x6] =	stream.indirect_vreg.gather [hbm4b:s2+s3], $0x80, v34, vm0, $0xb8;
	[tilespmem:$0x18200] =	vst v63  }
0x103: {  	s0 =	simm.s32 $0x14A00  }
0x104: {  	[tilespmem:s0], [sflag:$0x6] =	stream.indirect_vreg.gather [hbm4b:s6+s3], $0x80, v34, vm0, $0xb8;
	[tilespmem:$0x18200] =	vst v63  }
0x105: {  	s13 =	simm.s32 $0x15200  }
0x106: {  	[tilespmem:s13], [sflag:$0x6] =	stream.indirect_vreg.gather [hbm4b:s7+s3], $0x80, v34, vm0, $0xb8;
	[tilespmem:$0x18200] =	vst v63  }
0x107: {  	s23 =	simm.s32 $0x15A00  }
0x108: {  	[tilespmem:s23], [sflag:$0x6] =	stream.indirect_vreg.gather [hbm4b:s8+s3], $0x80, v34, vm0, $0xb8;
	[tilespmem:$0x18200] =	vst v63  }
0x109: {  	s26 =	simm.s32 $0x16200  }
0x10a: {  	[tilespmem:s26], [sflag:$0x6] =	stream.indirect_vreg.gather [hbm4b:s9+s3], $0x80, v34, vm0, $0xb8;
	[tilespmem:$0x18200] =	vst v63  }
0x10b: {  	s0 =	simm.s32 $0x16A00  }
0x10c: {  	[tilespmem:s0], [sflag:$0x6] =	stream.indirect_vreg.gather [hbm4b:s10+s3], $0x80, v34, vm0, $0xb8;
	[tilespmem:$0x18200] =	vst v63  }
0x10d: {  	s13 =	simm.s32 $0x17200  }
0x10e: {  	[tilespmem:s13], [sflag:$0x6] =	stream.indirect_vreg.gather [hbm4b:s11+s3], $0x80, v34, vm0, $0xb8;
	[tilespmem:$0x18200] =	vst v63  }
0x10f: {  	s23 =	simm.s32 $0x17A00  }
0x110: {  	[tilespmem:s23], [sflag:$0x6] =	stream.indirect_vreg.gather [hbm4b:s12+s3], $0x80, v34, vm0, $0xb8;
	[tilespmem:$0x18200] =	vst v63  }
0x111: {  	_ =	swait.ge [sflag:s31], $0x4000  }
0x112: {  	s26 =	sld [smem:$0x7E7]  }
0x113: {  	[sflag:s31] =	ssyncset.done $0x0  }
0x114: {  	s13 =	simm.s32 $0x200;
	[sflag:s31] =	ssyncadd.s32 $0xFFFFC000  }
0x115: {  	[hbm4b:s26+s3] =	stream.linear.scatter [tilespmem:s13], [sflag:$0x7], $0x4000, $0x38;
	[tilespmem:$0x18200] =	vst v63  }
0x116: {  	_ =	swait.ge [sflag:s1], $0x4000  }
0x117: {  	[sflag:s1] =	ssyncset.done $0x0  }
0x118: {  	s5 =	simm.s32 $0x4200;
	s0 =	rddreg [dreg:$0x3];
	[sflag:s1] =	ssyncadd.s32 $0xFFFFC000  }
0x119: {  	[hbm4b:s0+s3] =	stream.linear.scatter [tilespmem:s5], [sflag:$0x8], $0x4000, $0x38;
	[tilespmem:$0x18200] =	vst v63  }
0x11a: {  	_ =	swait.ge [sflag:s15], $0x4000  }
0x11b: {  	[sflag:s15] =	ssyncset.done $0x0  }
0x11c: {  	s28 =	simm.s32 $0x8200;
	s26 =	rddreg [dreg:$0x4];
	[sflag:s15] =	ssyncadd.s32 $0xFFFFC000  }
0x11d: {  	[hbm4b:s26+s3] =	stream.linear.scatter [tilespmem:s28], [sflag:$0x9], $0x4000, $0x38;
	[tilespmem:$0x18200] =	vst v63  }
0x11e: {  	_ =	swait.ge [sflag:s4], $0x4000  }
0x11f: {  	[sflag:s4] =	ssyncset.done $0x0  }
0x120: {  	s30 =	simm.s32 $0xC200;
	s0 =	rddreg [dreg:$0x5];
	[sflag:s4] =	ssyncadd.s32 $0xFFFFC000  }
0x121: {  	[hbm4b:s0+s3] =	stream.linear.scatter [tilespmem:s30], [sflag:$0xA], $0x4000, $0x38;
	[tilespmem:$0x18200] =	vst v63  }
0x122: {  	_ =	swait.ge [sflag:s16], $0x4000  }
0x123: {  	[sflag:s16] =	ssyncset.done $0x0  }
0x124: {  	[sflag:s16] =	ssyncadd.s32 $0xFFFFC000  }
0x125: {  	v60 =	vld.msk [tilespmem:$0x30], $0xff;
	_ =	sdelay $0x4  }
0x126: {  	v61 =	vshll.u32 v60, $0x4  }
0x127: {  	v34 =	vand.u32 $0x7, v60;
	v35 =	vand.u32 $0xFFFFFF80, v61  }
0x128: {  	v34 =	vor.u32 v34, v35  }
0x129: {  	v34 =	vperm.xlane v34, v32;
	_ =	sdelay $0x1  }
0x12a: {  	v34 =	vadd.s32 v33, v34;
	_ =	sdelay $0x4  }
0x12b: {  	[tilespmem:s13], [sflag:$0x1] =	stream.indirect_vreg.gather [hbm4b:s2+s3], $0x80, v34, vm0, $0xb8;
	[tilespmem:$0x18200] =	vst v63  }
0x12c: {  	s25 =	simm.s32 $0xA00  }
0x12d: {  	[tilespmem:s25], [sflag:$0x1] =	stream.indirect_vreg.gather [hbm4b:s6+s3], $0x80, v34, vm0, $0xb8;
	[tilespmem:$0x18200] =	vst v63  }
0x12e: {  	s24 =	simm.s32 $0x1200  }
0x12f: {  	[tilespmem:s24], [sflag:$0x1] =	stream.indirect_vreg.gather [hbm4b:s7+s3], $0x80, v34, vm0, $0xb8;
	[tilespmem:$0x18200] =	vst v63  }
0x130: {  	s14 =	simm.s32 $0x1A00  }
0x131: {  	[tilespmem:s14], [sflag:$0x1] =	stream.indirect_vreg.gather [hbm4b:s8+s3], $0x80, v34, vm0, $0xb8;
	[tilespmem:$0x18200] =	vst v63  }
0x132: {  	s17 =	simm.s32 $0x2200  }
0x133: {  	[tilespmem:s17], [sflag:$0x1] =	stream.indirect_vreg.gather [hbm4b:s9+s3], $0x80, v34, vm0, $0xb8;
	[tilespmem:$0x18200] =	vst v63  }
0x134: {  	s21 =	simm.s32 $0x2A00  }
0x135: {  	[tilespmem:s21], [sflag:$0x1] =	stream.indirect_vreg.gather [hbm4b:s10+s3], $0x80, v34, vm0, $0xb8;
	[tilespmem:$0x18200] =	vst v63  }
0x136: {  	s30 =	simm.s32 $0x3200  }
0x137: {  	[tilespmem:s30], [sflag:$0x1] =	stream.indirect_vreg.gather [hbm4b:s11+s3], $0x80, v34, vm0, $0xb8;
	[tilespmem:$0x18200] =	vst v63  }
0x138: {  	s0 =	simm.s32 $0x3A00;
	s13 =	simm.s32 $0x5  }
0x139: {  	[tilespmem:s0], [sflag:$0x1] =	stream.indirect_vreg.gather [hbm4b:s12+s3], $0x80, v34, vm0, $0xb8;
	[tilespmem:$0x18200] =	vst v63  }
0x13a: {  	_ =	swait.ge [sflag:s13], $0x4000  }
0x13b: {  	[sflag:s13] =	ssyncset.done $0x0  }
0x13c: {  	s24 =	simm.s32 $0x10200;
	s21 =	rddreg [dreg:$0x6];
	[sflag:s13] =	ssyncadd.s32 $0xFFFFC000  }
0x13d: {  	[hbm4b:s21+s3] =	stream.linear.scatter [tilespmem:s24], [sflag:$0xB], $0x4000, $0x38;
	[tilespmem:$0x18200] =	vst v63  }
0x13e: {  	_ =	swait.ge [sflag:s18], $0x4000  }
0x13f: {  	[sflag:s18] =	ssyncset.done $0x0  }
0x140: {  	[sflag:s18] =	ssyncadd.s32 $0xFFFFC000  }
0x141: {  	v62 =	vld.msk [tilespmem:$0x38], $0xff;
	_ =	sdelay $0x4  }
0x142: {  	v63 =	vshll.u32 v62, $0x4  }
0x143: {  	v34 =	vand.u32 $0x7, v62;
	v35 =	vand.u32 $0xFFFFFF80, v63  }
0x144: {  	v34 =	vor.u32 v34, v35  }
0x145: {  	v34 =	vperm.xlane v34, v32;
	_ =	sdelay $0x1  }
0x146: {  	v34 =	vadd.s32 v33, v34;
	_ =	sdelay $0x4  }
0x147: {  	[tilespmem:s5], [sflag:$0x2] =	stream.indirect_vreg.gather [hbm4b:s2+s3], $0x80, v34, vm0, $0xb8;
	[tilespmem:$0x18200] =	vst v63  }
0x148: {  	s19 =	simm.s32 $0x4A00  }
0x149: {  	[tilespmem:s19], [sflag:$0x2] =	stream.indirect_vreg.gather [hbm4b:s6+s3], $0x80, v34, vm0, $0xb8;
	[tilespmem:$0x18200] =	vst v63  }
0x14a: {  	s20 =	simm.s32 $0x5200  }
0x14b: {  	[tilespmem:s20], [sflag:$0x2] =	stream.indirect_vreg.gather [hbm4b:s7+s3], $0x80, v34, vm0, $0xb8;
	[tilespmem:$0x18200] =	vst v63  }
0x14c: {  	s23 =	simm.s32 $0x5A00  }
0x14d: {  	[tilespmem:s23], [sflag:$0x2] =	stream.indirect_vreg.gather [hbm4b:s8+s3], $0x80, v34, vm0, $0xb8;
	[tilespmem:$0x18200] =	vst v63  }
0x14e: {  	s28 =	simm.s32 $0x6200  }
0x14f: {  	[tilespmem:s28], [sflag:$0x2] =	stream.indirect_vreg.gather [hbm4b:s9+s3], $0x80, v34, vm0, $0xb8;
	[tilespmem:$0x18200] =	vst v63  }
0x150: {  	s5 =	simm.s32 $0x6A00  }
0x151: {  	[tilespmem:s5], [sflag:$0x2] =	stream.indirect_vreg.gather [hbm4b:s10+s3], $0x80, v34, vm0, $0xb8;
	[tilespmem:$0x18200] =	vst v63  }
0x152: {  	s14 =	simm.s32 $0x7200  }
0x153: {  	[tilespmem:s14], [sflag:$0x2] =	stream.indirect_vreg.gather [hbm4b:s11+s3], $0x80, v34, vm0, $0xb8;
	[tilespmem:$0x18200] =	vst v63  }
0x154: {  	s17 =	simm.s32 $0x7A00;
	s20 =	simm.s32 $0x6  }
0x155: {  	[tilespmem:s17], [sflag:$0x2] =	stream.indirect_vreg.gather [hbm4b:s12+s3], $0x80, v34, vm0, $0xb8;
	[tilespmem:$0x18200] =	vst v63  }
0x156: {  	_ =	swait.ge [sflag:s20], $0x4000  }
0x157: {  	[sflag:s20] =	ssyncset.done $0x0  }
0x158: {  	s21 =	simm.s32 $0x14200;
	s19 =	rddreg [dreg:$0x7];
	[sflag:s20] =	ssyncadd.s32 $0xFFFFC000  }
0x159: {  	[hbm4b:s19+s3] =	stream.linear.scatter [tilespmem:s21], [sflag:$0xC], $0x4000, $0x38;
	[tilespmem:$0x18200] =	vst v63  }
0x15a: {  	s19 =	simm.s32 $0x9  }
0x15b: {  	_ =	swait.ge [sflag:s19], $0x4000  }
0x15c: {  	[sflag:s19] =	ssyncset.done $0x0  }
0x15d: {  	[sflag:s19] =	ssyncadd.s32 $0xFFFFC000  }
0x15e: {  	v36 =	vld.msk [tilespmem:$0x40], $0xff;
	_ =	sdelay $0x4  }
0x15f: {  	v37 =	vshll.u32 v36, $0x4  }
0x160: {  	v34 =	vand.u32 $0x7, v36;
	v35 =	vand.u32 $0xFFFFFF80, v37  }
0x161: {  	v34 =	vor.u32 v34, v35  }
0x162: {  	v34 =	vperm.xlane v34, v32;
	_ =	sdelay $0x1  }
0x163: {  	v34 =	vadd.s32 v33, v34;
	_ =	sdelay $0x3  }
0x164: {  	s14 =	simm.s32 $0x8200  }
0x165: {  	[tilespmem:s14], [sflag:$0x3] =	stream.indirect_vreg.gather [hbm4b:s2+s3], $0x80, v34, vm0, $0xb8;
	[tilespmem:$0x18200] =	vst v63  }
0x166: {  	s23 =	simm.s32 $0x8A00  }
0x167: {  	[tilespmem:s23], [sflag:$0x3] =	stream.indirect_vreg.gather [hbm4b:s6+s3], $0x80, v34, vm0, $0xb8;
	[tilespmem:$0x18200] =	vst v63  }
0x168: {  	s28 =	simm.s32 $0x9200  }
0x169: {  	[tilespmem:s28], [sflag:$0x3] =	stream.indirect_vreg.gather [hbm4b:s7+s3], $0x80, v34, vm0, $0xb8;
	[tilespmem:$0x18200] =	vst v63  }
0x16a: {  	s5 =	simm.s32 $0x9A00  }
0x16b: {  	[tilespmem:s5], [sflag:$0x3] =	stream.indirect_vreg.gather [hbm4b:s8+s3], $0x80, v34, vm0, $0xb8;
	[tilespmem:$0x18200] =	vst v63  }
0x16c: {  	s17 =	simm.s32 $0xA200  }
0x16d: {  	[tilespmem:s17], [sflag:$0x3] =	stream.indirect_vreg.gather [hbm4b:s9+s3], $0x80, v34, vm0, $0xb8;
	[tilespmem:$0x18200] =	vst v63  }
0x16e: {  	s23 =	simm.s32 $0xAA00  }
0x16f: {  	[tilespmem:s23], [sflag:$0x3] =	stream.indirect_vreg.gather [hbm4b:s10+s3], $0x80, v34, vm0, $0xb8;
	[tilespmem:$0x18200] =	vst v63  }
0x170: {  	s28 =	simm.s32 $0xB200  }
0x171: {  	[tilespmem:s28], [sflag:$0x3] =	stream.indirect_vreg.gather [hbm4b:s11+s3], $0x80, v34, vm0, $0xb8;
	[tilespmem:$0x18200] =	vst v63  }
0x172: {  	s5 =	simm.s32 $0xBA00  }
0x173: {  	[tilespmem:s5], [sflag:$0x3] =	stream.indirect_vreg.gather [hbm4b:s12+s3], $0x80, v34, vm0, $0xb8;
	[tilespmem:$0x18200] =	vst v63  }
0x174: {  	_ =	swait.ge [sflag:s31], $0x4000  }
0x175: {  	s26 =	simm.s32 $0x200;
	[sflag:s31] =	ssyncset.done $0x0  }
0x176: {  	s0 =	simm.s32 $0xA;
	s17 =	rddreg [dreg:$0x8];
	[sflag:s31] =	ssyncadd.s32 $0xFFFFC000  }
0x177: {  	[hbm4b:s17+s3] =	stream.linear.scatter [tilespmem:s26], [sflag:$0x7], $0x4000, $0x38;
	[tilespmem:$0x18200] =	vst v63  }
0x178: {  	_ =	swait.ge [sflag:s0], $0x4000  }
0x179: {  	[sflag:s0] =	ssyncset.done $0x0  }
0x17a: {  	[sflag:s0] =	ssyncadd.s32 $0xFFFFC000  }
0x17b: {  	v38 =	vld.msk [tilespmem:$0x48], $0xff;
	_ =	sdelay $0x4  }
0x17c: {  	v39 =	vshll.u32 v38, $0x4  }
0x17d: {  	v34 =	vand.u32 $0x7, v38;
	v35 =	vand.u32 $0xFFFFFF80, v39  }
0x17e: {  	v34 =	vor.u32 v34, v35  }
0x17f: {  	v34 =	vperm.xlane v34, v32;
	_ =	sdelay $0x1  }
0x180: {  	v34 =	vadd.s32 v33, v34;
	_ =	sdelay $0x3  }
0x181: {  	s17 =	simm.s32 $0xC200  }
0x182: {  	[tilespmem:s17], [sflag:$0x4] =	stream.indirect_vreg.gather [hbm4b:s2+s3], $0x80, v34, vm0, $0xb8;
	[tilespmem:$0x18200] =	vst v63  }
0x183: {  	s22 =	simm.s32 $0xCA00  }
0x184: {  	[tilespmem:s22], [sflag:$0x4] =	stream.indirect_vreg.gather [hbm4b:s6+s3], $0x80, v34, vm0, $0xb8;
	[tilespmem:$0x18200] =	vst v63  }
0x185: {  	s29 =	simm.s32 $0xD200  }
0x186: {  	[tilespmem:s29], [sflag:$0x4] =	stream.indirect_vreg.gather [hbm4b:s7+s3], $0x80, v34, vm0, $0xb8;
	[tilespmem:$0x18200] =	vst v63  }
0x187: {  	s23 =	simm.s32 $0xDA00  }
0x188: {  	[tilespmem:s23], [sflag:$0x4] =	stream.indirect_vreg.gather [hbm4b:s8+s3], $0x80, v34, vm0, $0xb8;
	[tilespmem:$0x18200] =	vst v63  }
0x189: {  	s26 =	simm.s32 $0xE200  }
0x18a: {  	[tilespmem:s26], [sflag:$0x4] =	stream.indirect_vreg.gather [hbm4b:s9+s3], $0x80, v34, vm0, $0xb8;
	[tilespmem:$0x18200] =	vst v63  }
0x18b: {  	s29 =	simm.s32 $0xEA00  }
0x18c: {  	[tilespmem:s29], [sflag:$0x4] =	stream.indirect_vreg.gather [hbm4b:s10+s3], $0x80, v34, vm0, $0xb8;
	[tilespmem:$0x18200] =	vst v63  }
0x18d: {  	s22 =	simm.s32 $0xF200  }
0x18e: {  	[tilespmem:s22], [sflag:$0x4] =	stream.indirect_vreg.gather [hbm4b:s11+s3], $0x80, v34, vm0, $0xb8;
	[tilespmem:$0x18200] =	vst v63  }
0x18f: {  	s23 =	simm.s32 $0xFA00  }
0x190: {  	[tilespmem:s23], [sflag:$0x4] =	stream.indirect_vreg.gather [hbm4b:s12+s3], $0x80, v34, vm0, $0xb8;
	[tilespmem:$0x18200] =	vst v63  }
0x191: {  	_ =	swait.ge [sflag:s1], $0x4000  }
0x192: {  	[sflag:s1] =	ssyncset.done $0x0  }
0x193: {  	s25 =	simm.s32 $0x4200;
	s26 =	rddreg [dreg:$0x9];
	[sflag:s1] =	ssyncadd.s32 $0xFFFFC000  }
0x194: {  	[hbm4b:s26+s3] =	stream.linear.scatter [tilespmem:s25], [sflag:$0x8], $0x4000, $0x38;
	[tilespmem:$0x18200] =	vst v63  }
0x195: {  	s26 =	simm.s32 $0xB  }
0x196: {  	_ =	swait.ge [sflag:s26], $0x4000  }
0x197: {  	[sflag:s26] =	ssyncset.done $0x0  }
0x198: {  	[sflag:s26] =	ssyncadd.s32 $0xFFFFC000  }
0x199: {  	v40 =	vld.msk [tilespmem:$0x50], $0xff;
	_ =	sdelay $0x4  }
0x19a: {  	v41 =	vshll.u32 v40, $0x4  }
0x19b: {  	v34 =	vand.u32 $0x7, v40;
	v35 =	vand.u32 $0xFFFFFF80, v41  }
0x19c: {  	v34 =	vor.u32 v34, v35  }
0x19d: {  	v34 =	vperm.xlane v34, v32;
	_ =	sdelay $0x1  }
0x19e: {  	v34 =	vadd.s32 v33, v34;
	_ =	sdelay $0x4  }
0x19f: {  	[tilespmem:s24], [sflag:$0x5] =	stream.indirect_vreg.gather [hbm4b:s2+s3], $0x80, v34, vm0, $0xb8;
	[tilespmem:$0x18200] =	vst v63  }
0x1a0: {  	s29 =	simm.s32 $0x10A00  }
0x1a1: {  	[tilespmem:s29], [sflag:$0x5] =	stream.indirect_vreg.gather [hbm4b:s6+s3], $0x80, v34, vm0, $0xb8;
	[tilespmem:$0x18200] =	vst v63  }
0x1a2: {  	s23 =	simm.s32 $0x11200  }
0x1a3: {  	[tilespmem:s23], [sflag:$0x5] =	stream.indirect_vreg.gather [hbm4b:s7+s3], $0x80, v34, vm0, $0xb8;
	[tilespmem:$0x18200] =	vst v63  }
0x1a4: {  	s24 =	simm.s32 $0x11A00  }
0x1a5: {  	[tilespmem:s24], [sflag:$0x5] =	stream.indirect_vreg.gather [hbm4b:s8+s3], $0x80, v34, vm0, $0xb8;
	[tilespmem:$0x18200] =	vst v63  }
0x1a6: {  	s29 =	simm.s32 $0x12200  }
0x1a7: {  	[tilespmem:s29], [sflag:$0x5] =	stream.indirect_vreg.gather [hbm4b:s9+s3], $0x80, v34, vm0, $0xb8;
	[tilespmem:$0x18200] =	vst v63  }
0x1a8: {  	s23 =	simm.s32 $0x12A00  }
0x1a9: {  	[tilespmem:s23], [sflag:$0x5] =	stream.indirect_vreg.gather [hbm4b:s10+s3], $0x80, v34, vm0, $0xb8;
	[tilespmem:$0x18200] =	vst v63  }
0x1aa: {  	s24 =	simm.s32 $0x13200  }
0x1ab: {  	[tilespmem:s24], [sflag:$0x5] =	stream.indirect_vreg.gather [hbm4b:s11+s3], $0x80, v34, vm0, $0xb8;
	[tilespmem:$0x18200] =	vst v63  }
0x1ac: {  	s29 =	simm.s32 $0x13A00  }
0x1ad: {  	[tilespmem:s29], [sflag:$0x5] =	stream.indirect_vreg.gather [hbm4b:s12+s3], $0x80, v34, vm0, $0xb8;
	[tilespmem:$0x18200] =	vst v63  }
0x1ae: {  	_ =	swait.ge [sflag:s15], $0x4000  }
0x1af: {  	[sflag:s15] =	ssyncset.done $0x0  }
0x1b0: {  	s29 =	simm.s32 $0xC;
	s22 =	rddreg [dreg:$0xa];
	[sflag:s15] =	ssyncadd.s32 $0xFFFFC000  }
0x1b1: {  	[hbm4b:s22+s3] =	stream.linear.scatter [tilespmem:s14], [sflag:$0x9], $0x4000, $0x38;
	[tilespmem:$0x18200] =	vst v63  }
0x1b2: {  	_ =	swait.ge [sflag:s29], $0x4000  }
0x1b3: {  	[sflag:s29] =	ssyncset.done $0x0  }
0x1b4: {  	[sflag:s29] =	ssyncadd.s32 $0xFFFFC000  }
0x1b5: {  	v42 =	vld.msk [tilespmem:$0x58], $0xff;
	_ =	sdelay $0x4  }
0x1b6: {  	v43 =	vshll.u32 v42, $0x4  }
0x1b7: {  	v34 =	vand.u32 $0x7, v42;
	v35 =	vand.u32 $0xFFFFFF80, v43  }
0x1b8: {  	v34 =	vor.u32 v34, v35  }
0x1b9: {  	v34 =	vperm.xlane v34, v32;
	_ =	sdelay $0x1  }
0x1ba: {  	v34 =	vadd.s32 v33, v34;
	_ =	sdelay $0x4  }
0x1bb: {  	[tilespmem:s21], [sflag:$0x6] =	stream.indirect_vreg.gather [hbm4b:s2+s3], $0x80, v34, vm0, $0xb8;
	[tilespmem:$0x18200] =	vst v63  }
0x1bc: {  	s24 =	simm.s32 $0x14A00  }
0x1bd: {  	[tilespmem:s24], [sflag:$0x6] =	stream.indirect_vreg.gather [hbm4b:s6+s3], $0x80, v34, vm0, $0xb8;
	[tilespmem:$0x18200] =	vst v63  }
0x1be: {  	s23 =	simm.s32 $0x15200  }
0x1bf: {  	[tilespmem:s23], [sflag:$0x6] =	stream.indirect_vreg.gather [hbm4b:s7+s3], $0x80, v34, vm0, $0xb8;
	[tilespmem:$0x18200] =	vst v63  }
0x1c0: {  	s24 =	simm.s32 $0x15A00  }
0x1c1: {  	[tilespmem:s24], [sflag:$0x6] =	stream.indirect_vreg.gather [hbm4b:s8+s3], $0x80, v34, vm0, $0xb8;
	[tilespmem:$0x18200] =	vst v63  }
0x1c2: {  	s23 =	simm.s32 $0x16200  }
0x1c3: {  	[tilespmem:s23], [sflag:$0x6] =	stream.indirect_vreg.gather [hbm4b:s9+s3], $0x80, v34, vm0, $0xb8;
	[tilespmem:$0x18200] =	vst v63  }
0x1c4: {  	s24 =	simm.s32 $0x16A00  }
0x1c5: {  	[tilespmem:s24], [sflag:$0x6] =	stream.indirect_vreg.gather [hbm4b:s10+s3], $0x80, v34, vm0, $0xb8;
	[tilespmem:$0x18200] =	vst v63  }
0x1c6: {  	s23 =	simm.s32 $0x17200  }
0x1c7: {  	[tilespmem:s23], [sflag:$0x6] =	stream.indirect_vreg.gather [hbm4b:s11+s3], $0x80, v34, vm0, $0xb8;
	[tilespmem:$0x18200] =	vst v63  }
0x1c8: {  	s24 =	simm.s32 $0x17A00  }
0x1c9: {  	[tilespmem:s24], [sflag:$0x6] =	stream.indirect_vreg.gather [hbm4b:s12+s3], $0x80, v34, vm0, $0xb8;
	[tilespmem:$0x18200] =	vst v63  }
0x1ca: {  	_ =	swait.ge [sflag:s4], $0x4000  }
0x1cb: {  	[sflag:s4] =	ssyncset.done $0x0  }
0x1cc: {  	s21 =	rddreg [dreg:$0xb];
	[sflag:s4] =	ssyncadd.s32 $0xFFFFC000  }
0x1cd: {  	[hbm4b:s21+s3] =	stream.linear.scatter [tilespmem:s17], [sflag:$0xA], $0x4000, $0x38;
	[tilespmem:$0x18200] =	vst v63  }
0x1ce: {  	_ =	swait.ge [sflag:s16], $0x4000  }
0x1cf: {  	[sflag:s16] =	ssyncset.done $0x0  }
0x1d0: {  	[sflag:s16] =	ssyncadd.s32 $0xFFFFC000  }
0x1d1: {  	v44 =	vld.msk [tilespmem:$0x60], $0xff;
	_ =	sdelay $0x4  }
0x1d2: {  	v45 =	vshll.u32 v44, $0x4  }
0x1d3: {  	v34 =	vand.u32 $0x7, v44;
	v35 =	vand.u32 $0xFFFFFF80, v45  }
0x1d4: {  	v34 =	vor.u32 v34, v35  }
0x1d5: {  	v34 =	vperm.xlane v34, v32;
	_ =	sdelay $0x1  }
0x1d6: {  	v34 =	vadd.s32 v33, v34;
	_ =	sdelay $0x3  }
0x1d7: {  	s28 =	simm.s32 $0x200  }
0x1d8: {  	[tilespmem:s28], [sflag:$0x1] =	stream.indirect_vreg.gather [hbm4b:s2+s3], $0x80, v34, vm0, $0xb8;
	[tilespmem:$0x18200] =	vst v63  }
0x1d9: {  	s24 =	simm.s32 $0xA00  }
0x1da: {  	[tilespmem:s24], [sflag:$0x1] =	stream.indirect_vreg.gather [hbm4b:s6+s3], $0x80, v34, vm0, $0xb8;
	[tilespmem:$0x18200] =	vst v63  }
0x1db: {  	s23 =	simm.s32 $0x1200  }
0x1dc: {  	[tilespmem:s23], [sflag:$0x1] =	stream.indirect_vreg.gather [hbm4b:s7+s3], $0x80, v34, vm0, $0xb8;
	[tilespmem:$0x18200] =	vst v63  }
0x1dd: {  	s24 =	simm.s32 $0x1A00  }
0x1de: {  	[tilespmem:s24], [sflag:$0x1] =	stream.indirect_vreg.gather [hbm4b:s8+s3], $0x80, v34, vm0, $0xb8;
	[tilespmem:$0x18200] =	vst v63  }
0x1df: {  	s23 =	simm.s32 $0x2200  }
0x1e0: {  	[tilespmem:s23], [sflag:$0x1] =	stream.indirect_vreg.gather [hbm4b:s9+s3], $0x80, v34, vm0, $0xb8;
	[tilespmem:$0x18200] =	vst v63  }
0x1e1: {  	s24 =	simm.s32 $0x2A00  }
0x1e2: {  	[tilespmem:s24], [sflag:$0x1] =	stream.indirect_vreg.gather [hbm4b:s10+s3], $0x80, v34, vm0, $0xb8;
	[tilespmem:$0x18200] =	vst v63  }
0x1e3: {  	_ = 	snop  }
0x1e4: {  	[tilespmem:s30], [sflag:$0x1] =	stream.indirect_vreg.gather [hbm4b:s11+s3], $0x80, v34, vm0, $0xb8;
	[tilespmem:$0x18200] =	vst v63  }
0x1e5: {  	s23 =	simm.s32 $0x3A00  }
0x1e6: {  	[tilespmem:s23], [sflag:$0x1] =	stream.indirect_vreg.gather [hbm4b:s12+s3], $0x80, v34, vm0, $0xb8;
	[tilespmem:$0x18200] =	vst v63  }
0x1e7: {  	_ =	swait.ge [sflag:s13], $0x4000  }
0x1e8: {  	[sflag:s13] =	ssyncset.done $0x0  }
0x1e9: {  	s5 =	simm.s32 $0x10200;
	s24 =	rddreg [dreg:$0xc];
	[sflag:s13] =	ssyncadd.s32 $0xFFFFC000  }
0x1ea: {  	[hbm4b:s24+s3] =	stream.linear.scatter [tilespmem:s5], [sflag:$0xB], $0x4000, $0x38;
	[tilespmem:$0x18200] =	vst v63  }
0x1eb: {  	_ =	swait.ge [sflag:s18], $0x4000  }
0x1ec: {  	[sflag:s18] =	ssyncset.done $0x0  }
0x1ed: {  	[sflag:s18] =	ssyncadd.s32 $0xFFFFC000  }
0x1ee: {  	v46 =	vld.msk [tilespmem:$0x68], $0xff;
	_ =	sdelay $0x4  }
0x1ef: {  	v47 =	vshll.u32 v46, $0x4  }
0x1f0: {  	v34 =	vand.u32 $0x7, v46;
	v35 =	vand.u32 $0xFFFFFF80, v47  }
0x1f1: {  	v34 =	vor.u32 v34, v35  }
0x1f2: {  	v34 =	vperm.xlane v34, v32;
	_ =	sdelay $0x1  }
0x1f3: {  	v34 =	vadd.s32 v33, v34;
	_ =	sdelay $0x3  }
0x1f4: {  	s25 =	simm.s32 $0x4200  }
0x1f5: {  	[tilespmem:s25], [sflag:$0x2] =	stream.indirect_vreg.gather [hbm4b:s2+s3], $0x80, v34, vm0, $0xb8;
	[tilespmem:$0x18200] =	vst v63  }
0x1f6: {  	s30 =	simm.s32 $0x4A00  }
0x1f7: {  	[tilespmem:s30], [sflag:$0x2] =	stream.indirect_vreg.gather [hbm4b:s6+s3], $0x80, v34, vm0, $0xb8;
	[tilespmem:$0x18200] =	vst v63  }
0x1f8: {  	s23 =	simm.s32 $0x5200  }
0x1f9: {  	[tilespmem:s23], [sflag:$0x2] =	stream.indirect_vreg.gather [hbm4b:s7+s3], $0x80, v34, vm0, $0xb8;
	[tilespmem:$0x18200] =	vst v63  }
0x1fa: {  	s25 =	simm.s32 $0x5A00  }
0x1fb: {  	[tilespmem:s25], [sflag:$0x2] =	stream.indirect_vreg.gather [hbm4b:s8+s3], $0x80, v34, vm0, $0xb8;
	[tilespmem:$0x18200] =	vst v63  }
0x1fc: {  	s30 =	simm.s32 $0x6200  }
0x1fd: {  	[tilespmem:s30], [sflag:$0x2] =	stream.indirect_vreg.gather [hbm4b:s9+s3], $0x80, v34, vm0, $0xb8;
	[tilespmem:$0x18200] =	vst v63  }
0x1fe: {  	s23 =	simm.s32 $0x6A00  }
0x1ff: {  	[tilespmem:s23], [sflag:$0x2] =	stream.indirect_vreg.gather [hbm4b:s10+s3], $0x80, v34, vm0, $0xb8;
	[tilespmem:$0x18200] =	vst v63  }
0x200: {  	s25 =	simm.s32 $0x7200  }
0x201: {  	[tilespmem:s25], [sflag:$0x2] =	stream.indirect_vreg.gather [hbm4b:s11+s3], $0x80, v34, vm0, $0xb8;
	[tilespmem:$0x18200] =	vst v63  }
0x202: {  	s30 =	simm.s32 $0x7A00  }
0x203: {  	[tilespmem:s30], [sflag:$0x2] =	stream.indirect_vreg.gather [hbm4b:s12+s3], $0x80, v34, vm0, $0xb8;
	[tilespmem:$0x18200] =	vst v63  }
0x204: {  	_ =	swait.ge [sflag:s20], $0x4000  }
0x205: {  	[sflag:s20] =	ssyncset.done $0x0  }
0x206: {  	s22 =	simm.s32 $0x14200;
	s21 =	rddreg [dreg:$0xd];
	[sflag:s20] =	ssyncadd.s32 $0xFFFFC000  }
0x207: {  	[hbm4b:s21+s3] =	stream.linear.scatter [tilespmem:s22], [sflag:$0xC], $0x4000, $0x38;
	[tilespmem:$0x18200] =	vst v63  }
0x208: {  	_ =	swait.ge [sflag:s19], $0x4000  }
0x209: {  	[sflag:s19] =	ssyncset.done $0x0  }
0x20a: {  	[sflag:s19] =	ssyncadd.s32 $0xFFFFC000  }
0x20b: {  	v48 =	vld.msk [tilespmem:$0x70], $0xff;
	_ =	sdelay $0x4  }
0x20c: {  	v49 =	vshll.u32 v48, $0x4  }
0x20d: {  	v34 =	vand.u32 $0x7, v48;
	v35 =	vand.u32 $0xFFFFFF80, v49  }
0x20e: {  	v34 =	vor.u32 v34, v35  }
0x20f: {  	v34 =	vperm.xlane v34, v32;
	_ =	sdelay $0x1  }
0x210: {  	v34 =	vadd.s32 v33, v34;
	_ =	sdelay $0x3  }
0x211: {  	s14 =	simm.s32 $0x8200  }
0x212: {  	[tilespmem:s14], [sflag:$0x3] =	stream.indirect_vreg.gather [hbm4b:s2+s3], $0x80, v34, vm0, $0xb8;
	[tilespmem:$0x18200] =	vst v63  }
0x213: {  	s23 =	simm.s32 $0x8A00  }
0x214: {  	[tilespmem:s23], [sflag:$0x3] =	stream.indirect_vreg.gather [hbm4b:s6+s3], $0x80, v34, vm0, $0xb8;
	[tilespmem:$0x18200] =	vst v63  }
0x215: {  	s25 =	simm.s32 $0x9200  }
0x216: {  	[tilespmem:s25], [sflag:$0x3] =	stream.indirect_vreg.gather [hbm4b:s7+s3], $0x80, v34, vm0, $0xb8;
	[tilespmem:$0x18200] =	vst v63  }
0x217: {  	s21 =	simm.s32 $0x9A00  }
0x218: {  	[tilespmem:s21], [sflag:$0x3] =	stream.indirect_vreg.gather [hbm4b:s8+s3], $0x80, v34, vm0, $0xb8;
	[tilespmem:$0x18200] =	vst v63  }
0x219: {  	s23 =	simm.s32 $0xA200  }
0x21a: {  	[tilespmem:s23], [sflag:$0x3] =	stream.indirect_vreg.gather [hbm4b:s9+s3], $0x80, v34, vm0, $0xb8;
	[tilespmem:$0x18200] =	vst v63  }
0x21b: {  	s25 =	simm.s32 $0xAA00  }
0x21c: {  	[tilespmem:s25], [sflag:$0x3] =	stream.indirect_vreg.gather [hbm4b:s10+s3], $0x80, v34, vm0, $0xb8;
	[tilespmem:$0x18200] =	vst v63  }
0x21d: {  	s21 =	simm.s32 $0xB200  }
0x21e: {  	[tilespmem:s21], [sflag:$0x3] =	stream.indirect_vreg.gather [hbm4b:s11+s3], $0x80, v34, vm0, $0xb8;
	[tilespmem:$0x18200] =	vst v63  }
0x21f: {  	s23 =	simm.s32 $0xBA00  }
0x220: {  	[tilespmem:s23], [sflag:$0x3] =	stream.indirect_vreg.gather [hbm4b:s12+s3], $0x80, v34, vm0, $0xb8;
	[tilespmem:$0x18200] =	vst v63  }
0x221: {  	_ =	swait.ge [sflag:s31], $0x4000  }
0x222: {  	[sflag:s31] =	ssyncset.done $0x0  }
0x223: {  	s28 =	simm.s32 $0x200;
	s25 =	rddreg [dreg:$0xe];
	[sflag:s31] =	ssyncadd.s32 $0xFFFFC000  }
0x224: {  	[hbm4b:s25+s3] =	stream.linear.scatter [tilespmem:s28], [sflag:$0x7], $0x4000, $0x38;
	[tilespmem:$0x18200] =	vst v63  }
0x225: {  	_ =	swait.ge [sflag:s0], $0x4000  }
0x226: {  	[sflag:s0] =	ssyncset.done $0x0  }
0x227: {  	[sflag:s0] =	ssyncadd.s32 $0xFFFFC000  }
0x228: {  	v50 =	vld.msk [tilespmem:$0x78], $0xff;
	_ =	sdelay $0x4  }
0x229: {  	v51 =	vshll.u32 v50, $0x4  }
0x22a: {  	v34 =	vand.u32 $0x7, v50;
	v35 =	vand.u32 $0xFFFFFF80, v51  }
0x22b: {  	v34 =	vor.u32 v34, v35  }
0x22c: {  	v34 =	vperm.xlane v34, v32;
	_ =	sdelay $0x1  }
0x22d: {  	v34 =	vadd.s32 v33, v34;
	_ =	sdelay $0x3  }
0x22e: {  	s17 =	simm.s32 $0xC200  }
0x22f: {  	[tilespmem:s17], [sflag:$0x4] =	stream.indirect_vreg.gather [hbm4b:s2+s3], $0x80, v34, vm0, $0xb8;
	[tilespmem:$0x18200] =	vst v63  }
0x230: {  	s28 =	simm.s32 $0xCA00  }
0x231: {  	[tilespmem:s28], [sflag:$0x4] =	stream.indirect_vreg.gather [hbm4b:s6+s3], $0x80, v34, vm0, $0xb8;
	[tilespmem:$0x18200] =	vst v63  }
0x232: {  	s17 =	simm.s32 $0xD200  }
0x233: {  	[tilespmem:s17], [sflag:$0x4] =	stream.indirect_vreg.gather [hbm4b:s7+s3], $0x80, v34, vm0, $0xb8;
	[tilespmem:$0x18200] =	vst v63  }
0x234: {  	s23 =	simm.s32 $0xDA00  }
0x235: {  	[tilespmem:s23], [sflag:$0x4] =	stream.indirect_vreg.gather [hbm4b:s8+s3], $0x80, v34, vm0, $0xb8;
	[tilespmem:$0x18200] =	vst v63  }
0x236: {  	s28 =	simm.s32 $0xE200  }
0x237: {  	[tilespmem:s28], [sflag:$0x4] =	stream.indirect_vreg.gather [hbm4b:s9+s3], $0x80, v34, vm0, $0xb8;
	[tilespmem:$0x18200] =	vst v63  }
0x238: {  	s17 =	simm.s32 $0xEA00  }
0x239: {  	[tilespmem:s17], [sflag:$0x4] =	stream.indirect_vreg.gather [hbm4b:s10+s3], $0x80, v34, vm0, $0xb8;
	[tilespmem:$0x18200] =	vst v63  }
0x23a: {  	s23 =	simm.s32 $0xF200  }
0x23b: {  	[tilespmem:s23], [sflag:$0x4] =	stream.indirect_vreg.gather [hbm4b:s11+s3], $0x80, v34, vm0, $0xb8;
	[tilespmem:$0x18200] =	vst v63  }
0x23c: {  	s28 =	simm.s32 $0xFA00  }
0x23d: {  	[tilespmem:s28], [sflag:$0x4] =	stream.indirect_vreg.gather [hbm4b:s12+s3], $0x80, v34, vm0, $0xb8;
	[tilespmem:$0x18200] =	vst v63  }
0x23e: {  	_ =	swait.ge [sflag:s1], $0x4000  }
0x23f: {  	[sflag:s1] =	ssyncset.done $0x0  }
0x240: {  	s5 =	simm.s32 $0x4200;
	s17 =	rddreg [dreg:$0xf];
	[sflag:s1] =	ssyncadd.s32 $0xFFFFC000  }
0x241: {  	[hbm4b:s17+s3] =	stream.linear.scatter [tilespmem:s5], [sflag:$0x8], $0x4000, $0x38;
	[tilespmem:$0x18200] =	vst v63  }
0x242: {  	_ =	swait.ge [sflag:s26], $0x4000  }
0x243: {  	[sflag:s26] =	ssyncset.done $0x0  }
0x244: {  	[sflag:s26] =	ssyncadd.s32 $0xFFFFC000  }
0x245: {  	v52 =	vld.msk [tilespmem:$0x80], $0xff;
	_ =	sdelay $0x4  }
0x246: {  	v53 =	vshll.u32 v52, $0x4  }
0x247: {  	v34 =	vand.u32 $0x7, v52;
	v35 =	vand.u32 $0xFFFFFF80, v53  }
0x248: {  	v34 =	vor.u32 v34, v35  }
0x249: {  	v34 =	vperm.xlane v34, v32;
	_ =	sdelay $0x1  }
0x24a: {  	v34 =	vadd.s32 v33, v34;
	_ =	sdelay $0x3  }
0x24b: {  	s24 =	simm.s32 $0x10200  }
0x24c: {  	[tilespmem:s24], [sflag:$0x5] =	stream.indirect_vreg.gather [hbm4b:s2+s3], $0x80, v34, vm0, $0xb8;
	[tilespmem:$0x18200] =	vst v63  }
0x24d: {  	s24 =	simm.s32 $0x10A00  }
0x24e: {  	[tilespmem:s24], [sflag:$0x5] =	stream.indirect_vreg.gather [hbm4b:s6+s3], $0x80, v34, vm0, $0xb8;
	[tilespmem:$0x18200] =	vst v63  }
0x24f: {  	s14 =	simm.s32 $0x11200  }
0x250: {  	[tilespmem:s14], [sflag:$0x5] =	stream.indirect_vreg.gather [hbm4b:s7+s3], $0x80, v34, vm0, $0xb8;
	[tilespmem:$0x18200] =	vst v63  }
0x251: {  	s23 =	simm.s32 $0x11A00  }
0x252: {  	[tilespmem:s23], [sflag:$0x5] =	stream.indirect_vreg.gather [hbm4b:s8+s3], $0x80, v34, vm0, $0xb8;
	[tilespmem:$0x18200] =	vst v63  }
0x253: {  	s24 =	simm.s32 $0x12200  }
0x254: {  	[tilespmem:s24], [sflag:$0x5] =	stream.indirect_vreg.gather [hbm4b:s9+s3], $0x80, v34, vm0, $0xb8;
	[tilespmem:$0x18200] =	vst v63  }
0x255: {  	s14 =	simm.s32 $0x12A00  }
0x256: {  	[tilespmem:s14], [sflag:$0x5] =	stream.indirect_vreg.gather [hbm4b:s10+s3], $0x80, v34, vm0, $0xb8;
	[tilespmem:$0x18200] =	vst v63  }
0x257: {  	s23 =	simm.s32 $0x13200  }
0x258: {  	[tilespmem:s23], [sflag:$0x5] =	stream.indirect_vreg.gather [hbm4b:s11+s3], $0x80, v34, vm0, $0xb8;
	[tilespmem:$0x18200] =	vst v63  }
0x259: {  	s24 =	simm.s32 $0x13A00  }
0x25a: {  	[tilespmem:s24], [sflag:$0x5] =	stream.indirect_vreg.gather [hbm4b:s12+s3], $0x80, v34, vm0, $0xb8;
	[tilespmem:$0x18200] =	vst v63  }
0x25b: {  	_ =	swait.ge [sflag:s15], $0x4000  }
0x25c: {  	[sflag:s15] =	ssyncset.done $0x0  }
0x25d: {  	s22 =	simm.s32 $0x8200;
	s14 =	rddreg [dreg:$0x10];
	[sflag:s15] =	ssyncadd.s32 $0xFFFFC000  }
0x25e: {  	[hbm4b:s14+s3] =	stream.linear.scatter [tilespmem:s22], [sflag:$0x9], $0x4000, $0x38;
	[tilespmem:$0x18200] =	vst v63  }
0x25f: {  	_ =	swait.ge [sflag:s29], $0x4000  }
0x260: {  	[sflag:s29] =	ssyncset.done $0x0  }
0x261: {  	[sflag:s29] =	ssyncadd.s32 $0xFFFFC000  }
0x262: {  	v54 =	vld.msk [tilespmem:$0x88], $0xff;
	_ =	sdelay $0x4  }
0x263: {  	v55 =	vshll.u32 v54, $0x4  }
0x264: {  	v34 =	vand.u32 $0x7, v54;
	v35 =	vand.u32 $0xFFFFFF80, v55  }
0x265: {  	v34 =	vor.u32 v34, v35  }
0x266: {  	v34 =	vperm.xlane v34, v32;
	_ =	sdelay $0x1  }
0x267: {  	v34 =	vadd.s32 v33, v34;
	_ =	sdelay $0x3  }
0x268: {  	s30 =	simm.s32 $0x14200  }
0x269: {  	[tilespmem:s30], [sflag:$0x6] =	stream.indirect_vreg.gather [hbm4b:s2+s3], $0x80, v34, vm0, $0xb8;
	[tilespmem:$0x18200] =	vst v63  }
0x26a: {  	s24 =	simm.s32 $0x14A00  }
0x26b: {  	[tilespmem:s24], [sflag:$0x6] =	stream.indirect_vreg.gather [hbm4b:s6+s3], $0x80, v34, vm0, $0xb8;
	[tilespmem:$0x18200] =	vst v63  }
0x26c: {  	s30 =	simm.s32 $0x15200  }
0x26d: {  	[tilespmem:s30], [sflag:$0x6] =	stream.indirect_vreg.gather [hbm4b:s7+s3], $0x80, v34, vm0, $0xb8;
	[tilespmem:$0x18200] =	vst v63  }
0x26e: {  	s24 =	simm.s32 $0x15A00  }
0x26f: {  	[tilespmem:s24], [sflag:$0x6] =	stream.indirect_vreg.gather [hbm4b:s8+s3], $0x80, v34, vm0, $0xb8;
	[tilespmem:$0x18200] =	vst v63  }
0x270: {  	s23 =	simm.s32 $0x16200  }
0x271: {  	[tilespmem:s23], [sflag:$0x6] =	stream.indirect_vreg.gather [hbm4b:s9+s3], $0x80, v34, vm0, $0xb8;
	[tilespmem:$0x18200] =	vst v63  }
0x272: {  	s30 =	simm.s32 $0x16A00  }
0x273: {  	[tilespmem:s30], [sflag:$0x6] =	stream.indirect_vreg.gather [hbm4b:s10+s3], $0x80, v34, vm0, $0xb8;
	[tilespmem:$0x18200] =	vst v63  }
0x274: {  	s23 =	simm.s32 $0x17200  }
0x275: {  	[tilespmem:s23], [sflag:$0x6] =	stream.indirect_vreg.gather [hbm4b:s11+s3], $0x80, v34, vm0, $0xb8;
	[tilespmem:$0x18200] =	vst v63  }
0x276: {  	s30 =	simm.s32 $0x17A00  }
0x277: {  	[tilespmem:s30], [sflag:$0x6] =	stream.indirect_vreg.gather [hbm4b:s12+s3], $0x80, v34, vm0, $0xb8;
	[tilespmem:$0x18200] =	vst v63  }
0x278: {  	_ =	swait.ge [sflag:s4], $0x4000  }
0x279: {  	[sflag:s4] =	ssyncset.done $0x0  }
0x27a: {  	s21 =	simm.s32 $0xC200;
	s5 =	rddreg [dreg:$0x11];
	[sflag:s4] =	ssyncadd.s32 $0xFFFFC000  }
0x27b: {  	[hbm4b:s5+s3] =	stream.linear.scatter [tilespmem:s21], [sflag:$0xA], $0x4000, $0x38;
	[tilespmem:$0x18200] =	vst v63  }
0x27c: {  	_ =	swait.ge [sflag:s16], $0x4000  }
0x27d: {  	[sflag:s16] =	ssyncset.done $0x0  }
0x27e: {  	[sflag:s16] =	ssyncadd.s32 $0xFFFFC000  }
0x27f: {  	v56 =	vld.msk [tilespmem:$0x90], $0xff;
	_ =	sdelay $0x4  }
0x280: {  	v57 =	vshll.u32 v56, $0x4  }
0x281: {  	v34 =	vand.u32 $0x7, v56;
	v35 =	vand.u32 $0xFFFFFF80, v57  }
0x282: {  	v34 =	vor.u32 v34, v35  }
0x283: {  	v34 =	vperm.xlane v34, v32;
	_ =	sdelay $0x1  }
0x284: {  	v34 =	vadd.s32 v33, v34;
	_ =	sdelay $0x3  }
0x285: {  	s25 =	simm.s32 $0x200  }
0x286: {  	[tilespmem:s25], [sflag:$0x1] =	stream.indirect_vreg.gather [hbm4b:s2+s3], $0x80, v34, vm0, $0xb8;
	[tilespmem:$0x18200] =	vst v63  }
0x287: {  	s30 =	simm.s32 $0xA00  }
0x288: {  	[tilespmem:s30], [sflag:$0x1] =	stream.indirect_vreg.gather [hbm4b:s6+s3], $0x80, v34, vm0, $0xb8;
	[tilespmem:$0x18200] =	vst v63  }
0x289: {  	s25 =	simm.s32 $0x1200  }
0x28a: {  	[tilespmem:s25], [sflag:$0x1] =	stream.indirect_vreg.gather [hbm4b:s7+s3], $0x80, v34, vm0, $0xb8;
	[tilespmem:$0x18200] =	vst v63  }
0x28b: {  	s30 =	simm.s32 $0x1A00  }
0x28c: {  	[tilespmem:s30], [sflag:$0x1] =	stream.indirect_vreg.gather [hbm4b:s8+s3], $0x80, v34, vm0, $0xb8;
	[tilespmem:$0x18200] =	vst v63  }
0x28d: {  	s25 =	simm.s32 $0x2200  }
0x28e: {  	[tilespmem:s25], [sflag:$0x1] =	stream.indirect_vreg.gather [hbm4b:s9+s3], $0x80, v34, vm0, $0xb8;
	[tilespmem:$0x18200] =	vst v63  }
0x28f: {  	s30 =	simm.s32 $0x2A00  }
0x290: {  	[tilespmem:s30], [sflag:$0x1] =	stream.indirect_vreg.gather [hbm4b:s10+s3], $0x80, v34, vm0, $0xb8;
	[tilespmem:$0x18200] =	vst v63  }
0x291: {  	s25 =	simm.s32 $0x3200  }
0x292: {  	[tilespmem:s25], [sflag:$0x1] =	stream.indirect_vreg.gather [hbm4b:s11+s3], $0x80, v34, vm0, $0xb8;
	[tilespmem:$0x18200] =	vst v63  }
0x293: {  	s30 =	simm.s32 $0x3A00  }
0x294: {  	[tilespmem:s30], [sflag:$0x1] =	stream.indirect_vreg.gather [hbm4b:s12+s3], $0x80, v34, vm0, $0xb8;
	[tilespmem:$0x18200] =	vst v63  }
0x295: {  	_ =	swait.ge [sflag:s13], $0x4000  }
0x296: {  	[sflag:s13] =	ssyncset.done $0x0  }
0x297: {  	s17 =	simm.s32 $0x10200;
	s25 =	rddreg [dreg:$0x12];
	[sflag:s13] =	ssyncadd.s32 $0xFFFFC000  }
0x298: {  	[hbm4b:s25+s3] =	stream.linear.scatter [tilespmem:s17], [sflag:$0xB], $0x4000, $0x38;
	[tilespmem:$0x18200] =	vst v63  }
0x299: {  	_ =	swait.ge [sflag:s18], $0x4000  }
0x29a: {  	[sflag:s18] =	ssyncset.done $0x0  }
0x29b: {  	[sflag:s18] =	ssyncadd.s32 $0xFFFFC000  }
0x29c: {  	v58 =	vld.msk [tilespmem:$0x98], $0xff;
	_ =	sdelay $0x4  }
0x29d: {  	v59 =	vshll.u32 v58, $0x4  }
0x29e: {  	v34 =	vand.u32 $0x7, v58;
	v35 =	vand.u32 $0xFFFFFF80, v59  }
0x29f: {  	v34 =	vor.u32 v34, v35  }
0x2a0: {  	v34 =	vperm.xlane v34, v32;
	_ =	sdelay $0x1  }
0x2a1: {  	v34 =	vadd.s32 v33, v34;
	_ =	sdelay $0x3  }
0x2a2: {  	s28 =	simm.s32 $0x4200  }
0x2a3: {  	[tilespmem:s28], [sflag:$0x2] =	stream.indirect_vreg.gather [hbm4b:s2+s3], $0x80, v34, vm0, $0xb8;
	[tilespmem:$0x18200] =	vst v63  }
0x2a4: {  	s30 =	simm.s32 $0x4A00  }
0x2a5: {  	[tilespmem:s30], [sflag:$0x2] =	stream.indirect_vreg.gather [hbm4b:s6+s3], $0x80, v34, vm0, $0xb8;
	[tilespmem:$0x18200] =	vst v63  }
0x2a6: {  	s28 =	simm.s32 $0x5200  }
0x2a7: {  	[tilespmem:s28], [sflag:$0x2] =	stream.indirect_vreg.gather [hbm4b:s7+s3], $0x80, v34, vm0, $0xb8;
	[tilespmem:$0x18200] =	vst v63  }
0x2a8: {  	s30 =	simm.s32 $0x5A00  }
0x2a9: {  	[tilespmem:s30], [sflag:$0x2] =	stream.indirect_vreg.gather [hbm4b:s8+s3], $0x80, v34, vm0, $0xb8;
	[tilespmem:$0x18200] =	vst v63  }
0x2aa: {  	s28 =	simm.s32 $0x6200  }
0x2ab: {  	[tilespmem:s28], [sflag:$0x2] =	stream.indirect_vreg.gather [hbm4b:s9+s3], $0x80, v34, vm0, $0xb8;
	[tilespmem:$0x18200] =	vst v63  }
0x2ac: {  	s30 =	simm.s32 $0x6A00  }
0x2ad: {  	[tilespmem:s30], [sflag:$0x2] =	stream.indirect_vreg.gather [hbm4b:s10+s3], $0x80, v34, vm0, $0xb8;
	[tilespmem:$0x18200] =	vst v63  }
0x2ae: {  	s28 =	simm.s32 $0x7200  }
0x2af: {  	[tilespmem:s28], [sflag:$0x2] =	stream.indirect_vreg.gather [hbm4b:s11+s3], $0x80, v34, vm0, $0xb8;
	[tilespmem:$0x18200] =	vst v63  }
0x2b0: {  	s30 =	simm.s32 $0x7A00  }
0x2b1: {  	[tilespmem:s30], [sflag:$0x2] =	stream.indirect_vreg.gather [hbm4b:s12+s3], $0x80, v34, vm0, $0xb8;
	[tilespmem:$0x18200] =	vst v63  }
0x2b2: {  	_ =	swait.ge [sflag:s20], $0x4000  }
0x2b3: {  	[sflag:s20] =	ssyncset.done $0x0  }
0x2b4: {  	s14 =	simm.s32 $0x14200;
	s28 =	rddreg [dreg:$0x13];
	[sflag:s20] =	ssyncadd.s32 $0xFFFFC000  }
0x2b5: {  	[hbm4b:s28+s3] =	stream.linear.scatter [tilespmem:s14], [sflag:$0xC], $0x4000, $0x38;
	[tilespmem:$0x18200] =	vst v63  }
0x2b6: {  	_ =	swait.ge [sflag:s19], $0x4000  }
0x2b7: {  	[sflag:s19] =	ssyncset.done $0x0  }
0x2b8: {  	[sflag:s19] =	ssyncadd.s32 $0xFFFFC000  }
0x2b9: {  	v60 =	vld.msk [tilespmem:$0xA0], $0xff;
	_ =	sdelay $0x4  }
0x2ba: {  	v61 =	vshll.u32 v60, $0x4  }
0x2bb: {  	v34 =	vand.u32 $0x7, v60;
	v35 =	vand.u32 $0xFFFFFF80, v61  }
0x2bc: {  	v34 =	vor.u32 v34, v35  }
0x2bd: {  	v34 =	vperm.xlane v34, v32;
	_ =	sdelay $0x1  }
0x2be: {  	v34 =	vadd.s32 v33, v34;
	_ =	sdelay $0x3  }
0x2bf: {  	s22 =	simm.s32 $0x8200  }
0x2c0: {  	[tilespmem:s22], [sflag:$0x3] =	stream.indirect_vreg.gather [hbm4b:s2+s3], $0x80, v34, vm0, $0xb8;
	[tilespmem:$0x18200] =	vst v63  }
0x2c1: {  	s30 =	simm.s32 $0x8A00  }
0x2c2: {  	[tilespmem:s30], [sflag:$0x3] =	stream.indirect_vreg.gather [hbm4b:s6+s3], $0x80, v34, vm0, $0xb8;
	[tilespmem:$0x18200] =	vst v63  }
0x2c3: {  	s23 =	simm.s32 $0x9200  }
0x2c4: {  	[tilespmem:s23], [sflag:$0x3] =	stream.indirect_vreg.gather [hbm4b:s7+s3], $0x80, v34, vm0, $0xb8;
	[tilespmem:$0x18200] =	vst v63  }
0x2c5: {  	s30 =	simm.s32 $0x9A00  }
0x2c6: {  	[tilespmem:s30], [sflag:$0x3] =	stream.indirect_vreg.gather [hbm4b:s8+s3], $0x80, v34, vm0, $0xb8;
	[tilespmem:$0x18200] =	vst v63  }
0x2c7: {  	s23 =	simm.s32 $0xA200  }
0x2c8: {  	[tilespmem:s23], [sflag:$0x3] =	stream.indirect_vreg.gather [hbm4b:s9+s3], $0x80, v34, vm0, $0xb8;
	[tilespmem:$0x18200] =	vst v63  }
0x2c9: {  	s30 =	simm.s32 $0xAA00  }
0x2ca: {  	[tilespmem:s30], [sflag:$0x3] =	stream.indirect_vreg.gather [hbm4b:s10+s3], $0x80, v34, vm0, $0xb8;
	[tilespmem:$0x18200] =	vst v63  }
0x2cb: {  	s23 =	simm.s32 $0xB200  }
0x2cc: {  	[tilespmem:s23], [sflag:$0x3] =	stream.indirect_vreg.gather [hbm4b:s11+s3], $0x80, v34, vm0, $0xb8;
	[tilespmem:$0x18200] =	vst v63  }
0x2cd: {  	s30 =	simm.s32 $0xBA00  }
0x2ce: {  	[tilespmem:s30], [sflag:$0x3] =	stream.indirect_vreg.gather [hbm4b:s12+s3], $0x80, v34, vm0, $0xb8;
	[tilespmem:$0x18200] =	vst v63  }
0x2cf: {  	_ =	swait.ge [sflag:s31], $0x4000  }
0x2d0: {  	[sflag:s31] =	ssyncset.done $0x0  }
0x2d1: {  	s5 =	simm.s32 $0x200;
	s22 =	rddreg [dreg:$0x14];
	[sflag:s31] =	ssyncadd.s32 $0xFFFFC000  }
0x2d2: {  	[hbm4b:s22+s3] =	stream.linear.scatter [tilespmem:s5], [sflag:$0x7], $0x4000, $0x38;
	[tilespmem:$0x18200] =	vst v63  }
0x2d3: {  	_ =	swait.ge [sflag:s0], $0x4000  }
0x2d4: {  	[sflag:s0] =	ssyncset.done $0x0  }
0x2d5: {  	[sflag:s0] =	ssyncadd.s32 $0xFFFFC000  }
0x2d6: {  	v62 =	vld.msk [tilespmem:$0xA8], $0xff;
	_ =	sdelay $0x4  }
0x2d7: {  	v63 =	vshll.u32 v62, $0x4  }
0x2d8: {  	v34 =	vand.u32 $0x7, v62;
	v35 =	vand.u32 $0xFFFFFF80, v63  }
0x2d9: {  	v34 =	vor.u32 v34, v35  }
0x2da: {  	v34 =	vperm.xlane v34, v32;
	_ =	sdelay $0x1  }
0x2db: {  	v34 =	vadd.s32 v33, v34;
	_ =	sdelay $0x3  }
0x2dc: {  	s21 =	simm.s32 $0xC200  }
0x2dd: {  	[tilespmem:s21], [sflag:$0x4] =	stream.indirect_vreg.gather [hbm4b:s2+s3], $0x80, v34, vm0, $0xb8;
	[tilespmem:$0x18200] =	vst v63  }
0x2de: {  	s30 =	simm.s32 $0xCA00  }
0x2df: {  	[tilespmem:s30], [sflag:$0x4] =	stream.indirect_vreg.gather [hbm4b:s6+s3], $0x80, v34, vm0, $0xb8;
	[tilespmem:$0x18200] =	vst v63  }
0x2e0: {  	s23 =	simm.s32 $0xD200  }
0x2e1: {  	[tilespmem:s23], [sflag:$0x4] =	stream.indirect_vreg.gather [hbm4b:s7+s3], $0x80, v34, vm0, $0xb8;
	[tilespmem:$0x18200] =	vst v63  }
0x2e2: {  	s30 =	simm.s32 $0xDA00  }
0x2e3: {  	[tilespmem:s30], [sflag:$0x4] =	stream.indirect_vreg.gather [hbm4b:s8+s3], $0x80, v34, vm0, $0xb8;
	[tilespmem:$0x18200] =	vst v63  }
0x2e4: {  	s23 =	simm.s32 $0xE200  }
0x2e5: {  	[tilespmem:s23], [sflag:$0x4] =	stream.indirect_vreg.gather [hbm4b:s9+s3], $0x80, v34, vm0, $0xb8;
	[tilespmem:$0x18200] =	vst v63  }
0x2e6: {  	s30 =	simm.s32 $0xEA00  }
0x2e7: {  	[tilespmem:s30], [sflag:$0x4] =	stream.indirect_vreg.gather [hbm4b:s10+s3], $0x80, v34, vm0, $0xb8;
	[tilespmem:$0x18200] =	vst v63  }
0x2e8: {  	s23 =	simm.s32 $0xF200  }
0x2e9: {  	[tilespmem:s23], [sflag:$0x4] =	stream.indirect_vreg.gather [hbm4b:s11+s3], $0x80, v34, vm0, $0xb8;
	[tilespmem:$0x18200] =	vst v63  }
0x2ea: {  	s30 =	simm.s32 $0xFA00  }
0x2eb: {  	[tilespmem:s30], [sflag:$0x4] =	stream.indirect_vreg.gather [hbm4b:s12+s3], $0x80, v34, vm0, $0xb8;
	[tilespmem:$0x18200] =	vst v63  }
0x2ec: {  	_ =	swait.ge [sflag:s1], $0x4000  }
0x2ed: {  	[sflag:s1] =	ssyncset.done $0x0  }
0x2ee: {  	s25 =	simm.s32 $0x4200;
	s21 =	rddreg [dreg:$0x15];
	[sflag:s1] =	ssyncadd.s32 $0xFFFFC000  }
0x2ef: {  	[hbm4b:s21+s3] =	stream.linear.scatter [tilespmem:s25], [sflag:$0x8], $0x4000, $0x38;
	[tilespmem:$0x18200] =	vst v63  }
0x2f0: {  	_ =	swait.ge [sflag:s26], $0x4000  }
0x2f1: {  	[sflag:s26] =	ssyncset.done $0x0  }
0x2f2: {  	[sflag:s26] =	ssyncadd.s32 $0xFFFFC000  }
0x2f3: {  	v36 =	vld.msk [tilespmem:$0xB0], $0xff;
	_ =	sdelay $0x4  }
0x2f4: {  	v37 =	vshll.u32 v36, $0x4  }
0x2f5: {  	v34 =	vand.u32 $0x7, v36;
	v35 =	vand.u32 $0xFFFFFF80, v37  }
0x2f6: {  	v34 =	vor.u32 v34, v35  }
0x2f7: {  	v34 =	vperm.xlane v34, v32;
	_ =	sdelay $0x1  }
0x2f8: {  	v34 =	vadd.s32 v33, v34;
	_ =	sdelay $0x3  }
0x2f9: {  	s17 =	simm.s32 $0x10200  }
0x2fa: {  	[tilespmem:s17], [sflag:$0x5] =	stream.indirect_vreg.gather [hbm4b:s2+s3], $0x80, v34, vm0, $0xb8;
	[tilespmem:$0x18200] =	vst v63  }
0x2fb: {  	s23 =	simm.s32 $0x10A00  }
0x2fc: {  	[tilespmem:s23], [sflag:$0x5] =	stream.indirect_vreg.gather [hbm4b:s6+s3], $0x80, v34, vm0, $0xb8;
	[tilespmem:$0x18200] =	vst v63  }
0x2fd: {  	s21 =	simm.s32 $0x11200  }
0x2fe: {  	[tilespmem:s21], [sflag:$0x5] =	stream.indirect_vreg.gather [hbm4b:s7+s3], $0x80, v34, vm0, $0xb8;
	[tilespmem:$0x18200] =	vst v63  }
0x2ff: {  	s30 =	simm.s32 $0x11A00  }
0x300: {  	[tilespmem:s30], [sflag:$0x5] =	stream.indirect_vreg.gather [hbm4b:s8+s3], $0x80, v34, vm0, $0xb8;
	[tilespmem:$0x18200] =	vst v63  }
0x301: {  	s30 =	simm.s32 $0x12200  }
0x302: {  	[tilespmem:s30], [sflag:$0x5] =	stream.indirect_vreg.gather [hbm4b:s9+s3], $0x80, v34, vm0, $0xb8;
	[tilespmem:$0x18200] =	vst v63  }
0x303: {  	s23 =	simm.s32 $0x12A00  }
0x304: {  	[tilespmem:s23], [sflag:$0x5] =	stream.indirect_vreg.gather [hbm4b:s10+s3], $0x80, v34, vm0, $0xb8;
	[tilespmem:$0x18200] =	vst v63  }
0x305: {  	s23 =	simm.s32 $0x13200  }
0x306: {  	[tilespmem:s23], [sflag:$0x5] =	stream.indirect_vreg.gather [hbm4b:s11+s3], $0x80, v34, vm0, $0xb8;
	[tilespmem:$0x18200] =	vst v63  }
0x307: {  	s23 =	simm.s32 $0x13A00  }
0x308: {  	[tilespmem:s23], [sflag:$0x5] =	stream.indirect_vreg.gather [hbm4b:s12+s3], $0x80, v34, vm0, $0xb8;
	[tilespmem:$0x18200] =	vst v63  }
0x309: {  	_ =	swait.ge [sflag:s15], $0x4000  }
0x30a: {  	[sflag:s15] =	ssyncset.done $0x0  }
0x30b: {  	s14 =	simm.s32 $0x8200;
	s23 =	rddreg [dreg:$0x16];
	[sflag:s15] =	ssyncadd.s32 $0xFFFFC000  }
0x30c: {  	[hbm4b:s23+s3] =	stream.linear.scatter [tilespmem:s14], [sflag:$0x9], $0x4000, $0x38;
	[tilespmem:$0x18200] =	vst v63  }
0x30d: {  	_ =	swait.ge [sflag:s29], $0x4000  }
0x30e: {  	[sflag:s29] =	ssyncset.done $0x0  }
0x30f: {  	[sflag:s29] =	ssyncadd.s32 $0xFFFFC000  }
0x310: {  	v38 =	vld.msk [tilespmem:$0xB8], $0xff;
	_ =	sdelay $0x4  }
0x311: {  	v39 =	vshll.u32 v38, $0x4  }
0x312: {  	v34 =	vand.u32 $0x7, v38;
	v35 =	vand.u32 $0xFFFFFF80, v39  }
0x313: {  	v34 =	vor.u32 v34, v35  }
0x314: {  	v34 =	vperm.xlane v34, v32;
	_ =	sdelay $0x1  }
0x315: {  	v34 =	vadd.s32 v33, v34;
	_ =	sdelay $0x3  }
0x316: {  	s28 =	simm.s32 $0x14200  }
0x317: {  	[tilespmem:s28], [sflag:$0x6] =	stream.indirect_vreg.gather [hbm4b:s2+s3], $0x80, v34, vm0, $0xb8;
	[tilespmem:$0x18200] =	vst v63  }
0x318: {  	s23 =	simm.s32 $0x14A00  }
0x319: {  	[tilespmem:s23], [sflag:$0x6] =	stream.indirect_vreg.gather [hbm4b:s6+s3], $0x80, v34, vm0, $0xb8;
	[tilespmem:$0x18200] =	vst v63  }
0x31a: {  	s23 =	simm.s32 $0x15200  }
0x31b: {  	[tilespmem:s23], [sflag:$0x6] =	stream.indirect_vreg.gather [hbm4b:s7+s3], $0x80, v34, vm0, $0xb8;
	[tilespmem:$0x18200] =	vst v63  }
0x31c: {  	_ = 	snop  }
0x31d: {  	[tilespmem:s24], [sflag:$0x6] =	stream.indirect_vreg.gather [hbm4b:s8+s3], $0x80, v34, vm0, $0xb8;
	[tilespmem:$0x18200] =	vst v63  }
0x31e: {  	s23 =	simm.s32 $0x16200  }
0x31f: {  	[tilespmem:s23], [sflag:$0x6] =	stream.indirect_vreg.gather [hbm4b:s9+s3], $0x80, v34, vm0, $0xb8;
	[tilespmem:$0x18200] =	vst v63  }
0x320: {  	s23 =	simm.s32 $0x16A00  }
0x321: {  	[tilespmem:s23], [sflag:$0x6] =	stream.indirect_vreg.gather [hbm4b:s10+s3], $0x80, v34, vm0, $0xb8;
	[tilespmem:$0x18200] =	vst v63  }
0x322: {  	s23 =	simm.s32 $0x17200  }
0x323: {  	[tilespmem:s23], [sflag:$0x6] =	stream.indirect_vreg.gather [hbm4b:s11+s3], $0x80, v34, vm0, $0xb8;
	[tilespmem:$0x18200] =	vst v63  }
0x324: {  	s23 =	simm.s32 $0x17A00  }
0x325: {  	[tilespmem:s23], [sflag:$0x6] =	stream.indirect_vreg.gather [hbm4b:s12+s3], $0x80, v34, vm0, $0xb8;
	[tilespmem:$0x18200] =	vst v63  }
0x326: {  	_ =	swait.ge [sflag:s4], $0x4000  }
0x327: {  	[sflag:s4] =	ssyncset.done $0x0  }
0x328: {  	s5 =	simm.s32 $0xC200;
	s23 =	rddreg [dreg:$0x17];
	[sflag:s4] =	ssyncadd.s32 $0xFFFFC000  }
0x329: {  	[hbm4b:s23+s3] =	stream.linear.scatter [tilespmem:s5], [sflag:$0xA], $0x4000, $0x38;
	[tilespmem:$0x18200] =	vst v63  }
0x32a: {  	_ =	swait.ge [sflag:s16], $0x4000  }
0x32b: {  	[sflag:s16] =	ssyncset.done $0x0  }
0x32c: {  	[sflag:s16] =	ssyncadd.s32 $0xFFFFC000  }
0x32d: {  	v40 =	vld.msk [tilespmem:$0xC0], $0xff;
	_ =	sdelay $0x4  }
0x32e: {  	v41 =	vshll.u32 v40, $0x4  }
0x32f: {  	v34 =	vand.u32 $0x7, v40;
	v35 =	vand.u32 $0xFFFFFF80, v41  }
0x330: {  	v34 =	vor.u32 v34, v35  }
0x331: {  	v34 =	vperm.xlane v34, v32;
	_ =	sdelay $0x1  }
0x332: {  	v34 =	vadd.s32 v33, v34;
	_ =	sdelay $0x3  }
0x333: {  	s22 =	simm.s32 $0x200  }
0x334: {  	[tilespmem:s22], [sflag:$0x1] =	stream.indirect_vreg.gather [hbm4b:s2+s3], $0x80, v34, vm0, $0xb8;
	[tilespmem:$0x18200] =	vst v63  }
0x335: {  	s23 =	simm.s32 $0xA00  }
0x336: {  	[tilespmem:s23], [sflag:$0x1] =	stream.indirect_vreg.gather [hbm4b:s6+s3], $0x80, v34, vm0, $0xb8;
	[tilespmem:$0x18200] =	vst v63  }
0x337: {  	s23 =	simm.s32 $0x1200  }
0x338: {  	[tilespmem:s23], [sflag:$0x1] =	stream.indirect_vreg.gather [hbm4b:s7+s3], $0x80, v34, vm0, $0xb8;
	[tilespmem:$0x18200] =	vst v63  }
0x339: {  	s23 =	simm.s32 $0x1A00  }
0x33a: {  	[tilespmem:s23], [sflag:$0x1] =	stream.indirect_vreg.gather [hbm4b:s8+s3], $0x80, v34, vm0, $0xb8;
	[tilespmem:$0x18200] =	vst v63  }
0x33b: {  	s23 =	simm.s32 $0x2200  }
0x33c: {  	[tilespmem:s23], [sflag:$0x1] =	stream.indirect_vreg.gather [hbm4b:s9+s3], $0x80, v34, vm0, $0xb8;
	[tilespmem:$0x18200] =	vst v63  }
0x33d: {  	s23 =	simm.s32 $0x2A00  }
0x33e: {  	[tilespmem:s23], [sflag:$0x1] =	stream.indirect_vreg.gather [hbm4b:s10+s3], $0x80, v34, vm0, $0xb8;
	[tilespmem:$0x18200] =	vst v63  }
0x33f: {  	s23 =	simm.s32 $0x3200  }
0x340: {  	[tilespmem:s23], [sflag:$0x1] =	stream.indirect_vreg.gather [hbm4b:s11+s3], $0x80, v34, vm0, $0xb8;
	[tilespmem:$0x18200] =	vst v63  }
0x341: {  	s23 =	simm.s32 $0x3A00  }
0x342: {  	[tilespmem:s23], [sflag:$0x1] =	stream.indirect_vreg.gather [hbm4b:s12+s3], $0x80, v34, vm0, $0xb8;
	[tilespmem:$0x18200] =	vst v63  }
0x343: {  	_ =	swait.ge [sflag:s13], $0x4000  }
0x344: {  	[sflag:s13] =	ssyncset.done $0x0  }
0x345: {  	s17 =	simm.s32 $0x10200;
	s23 =	rddreg [dreg:$0x18];
	[sflag:s13] =	ssyncadd.s32 $0xFFFFC000  }
0x346: {  	[hbm4b:s23+s3] =	stream.linear.scatter [tilespmem:s17], [sflag:$0xB], $0x4000, $0x38;
	[tilespmem:$0x18200] =	vst v63  }
0x347: {  	_ =	swait.ge [sflag:s18], $0x4000  }
0x348: {  	[sflag:s18] =	ssyncset.done $0x0  }
0x349: {  	[sflag:s18] =	ssyncadd.s32 $0xFFFFC000  }
0x34a: {  	v42 =	vld.msk [tilespmem:$0xC8], $0xff;
	_ =	sdelay $0x4  }
0x34b: {  	v43 =	vshll.u32 v42, $0x4  }
0x34c: {  	v34 =	vand.u32 $0x7, v42;
	v35 =	vand.u32 $0xFFFFFF80, v43  }
0x34d: {  	v34 =	vor.u32 v34, v35  }
0x34e: {  	v34 =	vperm.xlane v34, v32;
	_ =	sdelay $0x1  }
0x34f: {  	v34 =	vadd.s32 v33, v34;
	_ =	sdelay $0x4  }
0x350: {  	[tilespmem:s25], [sflag:$0x2] =	stream.indirect_vreg.gather [hbm4b:s2+s3], $0x80, v34, vm0, $0xb8;
	[tilespmem:$0x18200] =	vst v63  }
0x351: {  	s23 =	simm.s32 $0x4A00  }
0x352: {  	[tilespmem:s23], [sflag:$0x2] =	stream.indirect_vreg.gather [hbm4b:s6+s3], $0x80, v34, vm0, $0xb8;
	[tilespmem:$0x18200] =	vst v63  }
0x353: {  	s23 =	simm.s32 $0x5200  }
0x354: {  	[tilespmem:s23], [sflag:$0x2] =	stream.indirect_vreg.gather [hbm4b:s7+s3], $0x80, v34, vm0, $0xb8;
	[tilespmem:$0x18200] =	vst v63  }
0x355: {  	s23 =	simm.s32 $0x5A00  }
0x356: {  	[tilespmem:s23], [sflag:$0x2] =	stream.indirect_vreg.gather [hbm4b:s8+s3], $0x80, v34, vm0, $0xb8;
	[tilespmem:$0x18200] =	vst v63  }
0x357: {  	s23 =	simm.s32 $0x6200  }
0x358: {  	[tilespmem:s23], [sflag:$0x2] =	stream.indirect_vreg.gather [hbm4b:s9+s3], $0x80, v34, vm0, $0xb8;
	[tilespmem:$0x18200] =	vst v63  }
0x359: {  	s23 =	simm.s32 $0x6A00  }
0x35a: {  	[tilespmem:s23], [sflag:$0x2] =	stream.indirect_vreg.gather [hbm4b:s10+s3], $0x80, v34, vm0, $0xb8;
	[tilespmem:$0x18200] =	vst v63  }
0x35b: {  	s23 =	simm.s32 $0x7200  }
0x35c: {  	[tilespmem:s23], [sflag:$0x2] =	stream.indirect_vreg.gather [hbm4b:s11+s3], $0x80, v34, vm0, $0xb8;
	[tilespmem:$0x18200] =	vst v63  }
0x35d: {  	s23 =	simm.s32 $0x7A00  }
0x35e: {  	[tilespmem:s23], [sflag:$0x2] =	stream.indirect_vreg.gather [hbm4b:s12+s3], $0x80, v34, vm0, $0xb8;
	[tilespmem:$0x18200] =	vst v63  }
0x35f: {  	_ =	swait.ge [sflag:s20], $0x4000  }
0x360: {  	[sflag:s20] =	ssyncset.done $0x0  }
0x361: {  	s23 =	rddreg [dreg:$0x19];
	[sflag:s20] =	ssyncadd.s32 $0xFFFFC000  }
0x362: {  	[hbm4b:s23+s3] =	stream.linear.scatter [tilespmem:s28], [sflag:$0xC], $0x4000, $0x38;
	[tilespmem:$0x18200] =	vst v63  }
0x363: {  	_ =	swait.ge [sflag:s19], $0x4000  }
0x364: {  	[sflag:s19] =	ssyncset.done $0x0  }
0x365: {  	[sflag:s19] =	ssyncadd.s32 $0xFFFFC000  }
0x366: {  	v44 =	vld.msk [tilespmem:$0xD0], $0xff;
	_ =	sdelay $0x4  }
0x367: {  	v45 =	vshll.u32 v44, $0x4  }
0x368: {  	v34 =	vand.u32 $0x7, v44;
	v35 =	vand.u32 $0xFFFFFF80, v45  }
0x369: {  	v34 =	vor.u32 v34, v35  }
0x36a: {  	v34 =	vperm.xlane v34, v32;
	_ =	sdelay $0x1  }
0x36b: {  	v34 =	vadd.s32 v33, v34;
	_ =	sdelay $0x4  }
0x36c: {  	[tilespmem:s14], [sflag:$0x3] =	stream.indirect_vreg.gather [hbm4b:s2+s3], $0x80, v34, vm0, $0xb8;
	[tilespmem:$0x18200] =	vst v63  }
0x36d: {  	s23 =	simm.s32 $0x8A00  }
0x36e: {  	[tilespmem:s23], [sflag:$0x3] =	stream.indirect_vreg.gather [hbm4b:s6+s3], $0x80, v34, vm0, $0xb8;
	[tilespmem:$0x18200] =	vst v63  }
0x36f: {  	s23 =	simm.s32 $0x9200  }
0x370: {  	[tilespmem:s23], [sflag:$0x3] =	stream.indirect_vreg.gather [hbm4b:s7+s3], $0x80, v34, vm0, $0xb8;
	[tilespmem:$0x18200] =	vst v63  }
0x371: {  	s23 =	simm.s32 $0x9A00  }
0x372: {  	[tilespmem:s23], [sflag:$0x3] =	stream.indirect_vreg.gather [hbm4b:s8+s3], $0x80, v34, vm0, $0xb8;
	[tilespmem:$0x18200] =	vst v63  }
0x373: {  	s23 =	simm.s32 $0xA200  }
0x374: {  	[tilespmem:s23], [sflag:$0x3] =	stream.indirect_vreg.gather [hbm4b:s9+s3], $0x80, v34, vm0, $0xb8;
	[tilespmem:$0x18200] =	vst v63  }
0x375: {  	s23 =	simm.s32 $0xAA00  }
0x376: {  	[tilespmem:s23], [sflag:$0x3] =	stream.indirect_vreg.gather [hbm4b:s10+s3], $0x80, v34, vm0, $0xb8;
	[tilespmem:$0x18200] =	vst v63  }
0x377: {  	s23 =	simm.s32 $0xB200  }
0x378: {  	[tilespmem:s23], [sflag:$0x3] =	stream.indirect_vreg.gather [hbm4b:s11+s3], $0x80, v34, vm0, $0xb8;
	[tilespmem:$0x18200] =	vst v63  }
0x379: {  	s23 =	simm.s32 $0xBA00  }
0x37a: {  	[tilespmem:s23], [sflag:$0x3] =	stream.indirect_vreg.gather [hbm4b:s12+s3], $0x80, v34, vm0, $0xb8;
	[tilespmem:$0x18200] =	vst v63  }
0x37b: {  	_ =	swait.ge [sflag:s31], $0x4000  }
0x37c: {  	[sflag:s31] =	ssyncset.done $0x0  }
0x37d: {  	s23 =	rddreg [dreg:$0x1a];
	[sflag:s31] =	ssyncadd.s32 $0xFFFFC000  }
0x37e: {  	[hbm4b:s23+s3] =	stream.linear.scatter [tilespmem:s22], [sflag:$0x7], $0x4000, $0x38;
	[tilespmem:$0x18200] =	vst v63  }
0x37f: {  	_ =	swait.ge [sflag:s0], $0x4000  }
0x380: {  	[sflag:s0] =	ssyncset.done $0x0  }
0x381: {  	[sflag:s0] =	ssyncadd.s32 $0xFFFFC000  }
0x382: {  	v46 =	vld.msk [tilespmem:$0xD8], $0xff;
	_ =	sdelay $0x4  }
0x383: {  	v47 =	vshll.u32 v46, $0x4  }
0x384: {  	v34 =	vand.u32 $0x7, v46;
	v35 =	vand.u32 $0xFFFFFF80, v47  }
0x385: {  	v34 =	vor.u32 v34, v35  }
0x386: {  	v34 =	vperm.xlane v34, v32;
	_ =	sdelay $0x1  }
0x387: {  	v34 =	vadd.s32 v33, v34;
	_ =	sdelay $0x4  }
0x388: {  	[tilespmem:s5], [sflag:$0x4] =	stream.indirect_vreg.gather [hbm4b:s2+s3], $0x80, v34, vm0, $0xb8;
	[tilespmem:$0x18200] =	vst v63  }
0x389: {  	s23 =	simm.s32 $0xCA00  }
0x38a: {  	[tilespmem:s23], [sflag:$0x4] =	stream.indirect_vreg.gather [hbm4b:s6+s3], $0x80, v34, vm0, $0xb8;
	[tilespmem:$0x18200] =	vst v63  }
0x38b: {  	s23 =	simm.s32 $0xD200  }
0x38c: {  	[tilespmem:s23], [sflag:$0x4] =	stream.indirect_vreg.gather [hbm4b:s7+s3], $0x80, v34, vm0, $0xb8;
	[tilespmem:$0x18200] =	vst v63  }
0x38d: {  	s23 =	simm.s32 $0xDA00  }
0x38e: {  	[tilespmem:s23], [sflag:$0x4] =	stream.indirect_vreg.gather [hbm4b:s8+s3], $0x80, v34, vm0, $0xb8;
	[tilespmem:$0x18200] =	vst v63  }
0x38f: {  	s23 =	simm.s32 $0xE200  }
0x390: {  	[tilespmem:s23], [sflag:$0x4] =	stream.indirect_vreg.gather [hbm4b:s9+s3], $0x80, v34, vm0, $0xb8;
	[tilespmem:$0x18200] =	vst v63  }
0x391: {  	s23 =	simm.s32 $0xEA00  }
0x392: {  	[tilespmem:s23], [sflag:$0x4] =	stream.indirect_vreg.gather [hbm4b:s10+s3], $0x80, v34, vm0, $0xb8;
	[tilespmem:$0x18200] =	vst v63  }
0x393: {  	s23 =	simm.s32 $0xF200  }
0x394: {  	[tilespmem:s23], [sflag:$0x4] =	stream.indirect_vreg.gather [hbm4b:s11+s3], $0x80, v34, vm0, $0xb8;
	[tilespmem:$0x18200] =	vst v63  }
0x395: {  	s23 =	simm.s32 $0xFA00  }
0x396: {  	[tilespmem:s23], [sflag:$0x4] =	stream.indirect_vreg.gather [hbm4b:s12+s3], $0x80, v34, vm0, $0xb8;
	[tilespmem:$0x18200] =	vst v63  }
0x397: {  	_ =	swait.ge [sflag:s1], $0x4000  }
0x398: {  	[sflag:s1] =	ssyncset.done $0x0  }
0x399: {  	s23 =	rddreg [dreg:$0x1b];
	[sflag:s1] =	ssyncadd.s32 $0xFFFFC000  }
0x39a: {  	[hbm4b:s23+s3] =	stream.linear.scatter [tilespmem:s25], [sflag:$0x8], $0x4000, $0x38;
	[tilespmem:$0x18200] =	vst v63  }
0x39b: {  	_ =	swait.ge [sflag:s26], $0x4000  }
0x39c: {  	[sflag:s26] =	ssyncset.done $0x0  }
0x39d: {  	[sflag:s26] =	ssyncadd.s32 $0xFFFFC000  }
0x39e: {  	v48 =	vld.msk [tilespmem:$0xE0], $0xff;
	_ =	sdelay $0x4  }
0x39f: {  	v49 =	vshll.u32 v48, $0x4  }
0x3a0: {  	v34 =	vand.u32 $0x7, v48;
	v35 =	vand.u32 $0xFFFFFF80, v49  }
0x3a1: {  	v34 =	vor.u32 v34, v35  }
0x3a2: {  	v34 =	vperm.xlane v34, v32;
	_ =	sdelay $0x1  }
0x3a3: {  	v34 =	vadd.s32 v33, v34;
	_ =	sdelay $0x4  }
0x3a4: {  	[tilespmem:s17], [sflag:$0x5] =	stream.indirect_vreg.gather [hbm4b:s2+s3], $0x80, v34, vm0, $0xb8;
	[tilespmem:$0x18200] =	vst v63  }
0x3a5: {  	s23 =	simm.s32 $0x10A00  }
0x3a6: {  	[tilespmem:s23], [sflag:$0x5] =	stream.indirect_vreg.gather [hbm4b:s6+s3], $0x80, v34, vm0, $0xb8;
	[tilespmem:$0x18200] =	vst v63  }
0x3a7: {  	_ = 	snop  }
0x3a8: {  	[tilespmem:s21], [sflag:$0x5] =	stream.indirect_vreg.gather [hbm4b:s7+s3], $0x80, v34, vm0, $0xb8;
	[tilespmem:$0x18200] =	vst v63  }
0x3a9: {  	s23 =	simm.s32 $0x11A00  }
0x3aa: {  	[tilespmem:s23], [sflag:$0x5] =	stream.indirect_vreg.gather [hbm4b:s8+s3], $0x80, v34, vm0, $0xb8;
	[tilespmem:$0x18200] =	vst v63  }
0x3ab: {  	_ = 	snop  }
0x3ac: {  	[tilespmem:s30], [sflag:$0x5] =	stream.indirect_vreg.gather [hbm4b:s9+s3], $0x80, v34, vm0, $0xb8;
	[tilespmem:$0x18200] =	vst v63  }
0x3ad: {  	s23 =	simm.s32 $0x12A00  }
0x3ae: {  	[tilespmem:s23], [sflag:$0x5] =	stream.indirect_vreg.gather [hbm4b:s10+s3], $0x80, v34, vm0, $0xb8;
	[tilespmem:$0x18200] =	vst v63  }
0x3af: {  	s23 =	simm.s32 $0x13200  }
0x3b0: {  	[tilespmem:s23], [sflag:$0x5] =	stream.indirect_vreg.gather [hbm4b:s11+s3], $0x80, v34, vm0, $0xb8;
	[tilespmem:$0x18200] =	vst v63  }
0x3b1: {  	s23 =	simm.s32 $0x13A00  }
0x3b2: {  	[tilespmem:s23], [sflag:$0x5] =	stream.indirect_vreg.gather [hbm4b:s12+s3], $0x80, v34, vm0, $0xb8;
	[tilespmem:$0x18200] =	vst v63  }
0x3b3: {  	_ =	swait.ge [sflag:s15], $0x4000  }
0x3b4: {  	[sflag:s15] =	ssyncset.done $0x0  }
0x3b5: {  	s23 =	rddreg [dreg:$0x1c];
	[sflag:s15] =	ssyncadd.s32 $0xFFFFC000  }
0x3b6: {  	[hbm4b:s23+s3] =	stream.linear.scatter [tilespmem:s14], [sflag:$0x9], $0x4000, $0x38;
	[tilespmem:$0x18200] =	vst v63  }
0x3b7: {  	_ =	swait.ge [sflag:s29], $0x4000  }
0x3b8: {  	[sflag:s29] =	ssyncset.done $0x0  }
0x3b9: {  	[sflag:s29] =	ssyncadd.s32 $0xFFFFC000  }
0x3ba: {  	v50 =	vld.msk [tilespmem:$0xE8], $0xff;
	_ =	sdelay $0x4  }
0x3bb: {  	v51 =	vshll.u32 v50, $0x4  }
0x3bc: {  	v34 =	vand.u32 $0x7, v50;
	v35 =	vand.u32 $0xFFFFFF80, v51  }
0x3bd: {  	v34 =	vor.u32 v34, v35  }
0x3be: {  	v34 =	vperm.xlane v34, v32;
	_ =	sdelay $0x1  }
0x3bf: {  	v34 =	vadd.s32 v33, v34;
	_ =	sdelay $0x4  }
0x3c0: {  	[tilespmem:s28], [sflag:$0x6] =	stream.indirect_vreg.gather [hbm4b:s2+s3], $0x80, v34, vm0, $0xb8;
	[tilespmem:$0x18200] =	vst v63  }
0x3c1: {  	s23 =	simm.s32 $0x14A00  }
0x3c2: {  	[tilespmem:s23], [sflag:$0x6] =	stream.indirect_vreg.gather [hbm4b:s6+s3], $0x80, v34, vm0, $0xb8;
	[tilespmem:$0x18200] =	vst v63  }
0x3c3: {  	s23 =	simm.s32 $0x15200  }
0x3c4: {  	[tilespmem:s23], [sflag:$0x6] =	stream.indirect_vreg.gather [hbm4b:s7+s3], $0x80, v34, vm0, $0xb8;
	[tilespmem:$0x18200] =	vst v63  }
0x3c5: {  	s24 =	simm.s32 $0x15A00  }
0x3c6: {  	[tilespmem:s24], [sflag:$0x6] =	stream.indirect_vreg.gather [hbm4b:s8+s3], $0x80, v34, vm0, $0xb8;
	[tilespmem:$0x18200] =	vst v63  }
0x3c7: {  	s23 =	simm.s32 $0x16200  }
0x3c8: {  	[tilespmem:s23], [sflag:$0x6] =	stream.indirect_vreg.gather [hbm4b:s9+s3], $0x80, v34, vm0, $0xb8;
	[tilespmem:$0x18200] =	vst v63  }
0x3c9: {  	s23 =	simm.s32 $0x16A00  }
0x3ca: {  	[tilespmem:s23], [sflag:$0x6] =	stream.indirect_vreg.gather [hbm4b:s10+s3], $0x80, v34, vm0, $0xb8;
	[tilespmem:$0x18200] =	vst v63  }
0x3cb: {  	s23 =	simm.s32 $0x17200  }
0x3cc: {  	[tilespmem:s23], [sflag:$0x6] =	stream.indirect_vreg.gather [hbm4b:s11+s3], $0x80, v34, vm0, $0xb8;
	[tilespmem:$0x18200] =	vst v63  }
0x3cd: {  	s23 =	simm.s32 $0x17A00  }
0x3ce: {  	[tilespmem:s23], [sflag:$0x6] =	stream.indirect_vreg.gather [hbm4b:s12+s3], $0x80, v34, vm0, $0xb8;
	[tilespmem:$0x18200] =	vst v63  }
0x3cf: {  	_ =	swait.ge [sflag:s4], $0x4000  }
0x3d0: {  	[sflag:s4] =	ssyncset.done $0x0  }
0x3d1: {  	s23 =	rddreg [dreg:$0x1d];
	[sflag:s4] =	ssyncadd.s32 $0xFFFFC000  }
0x3d2: {  	[hbm4b:s23+s3] =	stream.linear.scatter [tilespmem:s5], [sflag:$0xA], $0x4000, $0x38;
	[tilespmem:$0x18200] =	vst v63  }
0x3d3: {  	_ =	swait.ge [sflag:s16], $0x4000  }
0x3d4: {  	[sflag:s16] =	ssyncset.done $0x0  }
0x3d5: {  	[sflag:s16] =	ssyncadd.s32 $0xFFFFC000  }
0x3d6: {  	v52 =	vld.msk [tilespmem:$0xF0], $0xff;
	_ =	sdelay $0x4  }
0x3d7: {  	v53 =	vshll.u32 v52, $0x4  }
0x3d8: {  	v34 =	vand.u32 $0x7, v52;
	v35 =	vand.u32 $0xFFFFFF80, v53  }
0x3d9: {  	v34 =	vor.u32 v34, v35  }
0x3da: {  	v34 =	vperm.xlane v34, v32;
	_ =	sdelay $0x1  }
0x3db: {  	v34 =	vadd.s32 v33, v34;
	_ =	sdelay $0x4  }
0x3dc: {  	[tilespmem:s22], [sflag:$0x1] =	stream.indirect_vreg.gather [hbm4b:s2+s3], $0x80, v34, vm0, $0xb8;
	[tilespmem:$0x18200] =	vst v63  }
0x3dd: {  	s23 =	simm.s32 $0xA00  }
0x3de: {  	[tilespmem:s23], [sflag:$0x1] =	stream.indirect_vreg.gather [hbm4b:s6+s3], $0x80, v34, vm0, $0xb8;
	[tilespmem:$0x18200] =	vst v63  }
0x3df: {  	s23 =	simm.s32 $0x1200  }
0x3e0: {  	[tilespmem:s23], [sflag:$0x1] =	stream.indirect_vreg.gather [hbm4b:s7+s3], $0x80, v34, vm0, $0xb8;
	[tilespmem:$0x18200] =	vst v63  }
0x3e1: {  	s23 =	simm.s32 $0x1A00  }
0x3e2: {  	[tilespmem:s23], [sflag:$0x1] =	stream.indirect_vreg.gather [hbm4b:s8+s3], $0x80, v34, vm0, $0xb8;
	[tilespmem:$0x18200] =	vst v63  }
0x3e3: {  	s23 =	simm.s32 $0x2200  }
0x3e4: {  	[tilespmem:s23], [sflag:$0x1] =	stream.indirect_vreg.gather [hbm4b:s9+s3], $0x80, v34, vm0, $0xb8;
	[tilespmem:$0x18200] =	vst v63  }
0x3e5: {  	s23 =	simm.s32 $0x2A00  }
0x3e6: {  	[tilespmem:s23], [sflag:$0x1] =	stream.indirect_vreg.gather [hbm4b:s10+s3], $0x80, v34, vm0, $0xb8;
	[tilespmem:$0x18200] =	vst v63  }
0x3e7: {  	s23 =	simm.s32 $0x3200  }
0x3e8: {  	[tilespmem:s23], [sflag:$0x1] =	stream.indirect_vreg.gather [hbm4b:s11+s3], $0x80, v34, vm0, $0xb8;
	[tilespmem:$0x18200] =	vst v63  }
0x3e9: {  	s23 =	simm.s32 $0x3A00  }
0x3ea: {  	[tilespmem:s23], [sflag:$0x1] =	stream.indirect_vreg.gather [hbm4b:s12+s3], $0x80, v34, vm0, $0xb8;
	[tilespmem:$0x18200] =	vst v63  }
0x3eb: {  	_ =	swait.ge [sflag:s13], $0x4000  }
0x3ec: {  	[sflag:s13] =	ssyncset.done $0x0  }
0x3ed: {  	s23 =	rddreg [dreg:$0x1e];
	[sflag:s13] =	ssyncadd.s32 $0xFFFFC000  }
0x3ee: {  	[hbm4b:s23+s3] =	stream.linear.scatter [tilespmem:s17], [sflag:$0xB], $0x4000, $0x38;
	[tilespmem:$0x18200] =	vst v63  }
0x3ef: {  	_ =	swait.ge [sflag:s18], $0x4000  }
0x3f0: {  	[sflag:s18] =	ssyncset.done $0x0  }
0x3f1: {  	[sflag:s18] =	ssyncadd.s32 $0xFFFFC000  }
0x3f2: {  	v54 =	vld.msk [tilespmem:$0xF8], $0xff;
	_ =	sdelay $0x4  }
0x3f3: {  	v55 =	vshll.u32 v54, $0x4  }
0x3f4: {  	v34 =	vand.u32 $0x7, v54;
	v35 =	vand.u32 $0xFFFFFF80, v55  }
0x3f5: {  	v34 =	vor.u32 v34, v35  }
0x3f6: {  	v34 =	vperm.xlane v34, v32;
	_ =	sdelay $0x1  }
0x3f7: {  	v34 =	vadd.s32 v33, v34;
	_ =	sdelay $0x4  }
0x3f8: {  	[tilespmem:s25], [sflag:$0x2] =	stream.indirect_vreg.gather [hbm4b:s2+s3], $0x80, v34, vm0, $0xb8;
	[tilespmem:$0x18200] =	vst v63  }
0x3f9: {  	s23 =	simm.s32 $0x4A00  }
0x3fa: {  	[tilespmem:s23], [sflag:$0x2] =	stream.indirect_vreg.gather [hbm4b:s6+s3], $0x80, v34, vm0, $0xb8;
	[tilespmem:$0x18200] =	vst v63  }
0x3fb: {  	s23 =	simm.s32 $0x5200  }
0x3fc: {  	[tilespmem:s23], [sflag:$0x2] =	stream.indirect_vreg.gather [hbm4b:s7+s3], $0x80, v34, vm0, $0xb8;
	[tilespmem:$0x18200] =	vst v63  }
0x3fd: {  	s23 =	simm.s32 $0x5A00  }
0x3fe: {  	[tilespmem:s23], [sflag:$0x2] =	stream.indirect_vreg.gather [hbm4b:s8+s3], $0x80, v34, vm0, $0xb8;
	[tilespmem:$0x18200] =	vst v63  }
0x3ff: {  	s23 =	simm.s32 $0x6200  }
0x400: {  	[tilespmem:s23], [sflag:$0x2] =	stream.indirect_vreg.gather [hbm4b:s9+s3], $0x80, v34, vm0, $0xb8;
	[tilespmem:$0x18200] =	vst v63  }
0x401: {  	s23 =	simm.s32 $0x6A00  }
0x402: {  	[tilespmem:s23], [sflag:$0x2] =	stream.indirect_vreg.gather [hbm4b:s10+s3], $0x80, v34, vm0, $0xb8;
	[tilespmem:$0x18200] =	vst v63  }
0x403: {  	s23 =	simm.s32 $0x7200  }
0x404: {  	[tilespmem:s23], [sflag:$0x2] =	stream.indirect_vreg.gather [hbm4b:s11+s3], $0x80, v34, vm0, $0xb8;
	[tilespmem:$0x18200] =	vst v63  }
0x405: {  	s23 =	simm.s32 $0x7A00  }
0x406: {  	[tilespmem:s23], [sflag:$0x2] =	stream.indirect_vreg.gather [hbm4b:s12+s3], $0x80, v34, vm0, $0xb8;
	[tilespmem:$0x18200] =	vst v63  }
0x407: {  	_ =	swait.ge [sflag:s20], $0x4000  }
0x408: {  	[sflag:s20] =	ssyncset.done $0x0  }
0x409: {  	s23 =	rddreg [dreg:$0x1f];
	[sflag:s20] =	ssyncadd.s32 $0xFFFFC000  }
0x40a: {  	[hbm4b:s23+s3] =	stream.linear.scatter [tilespmem:s28], [sflag:$0xC], $0x4000, $0x38;
	[tilespmem:$0x18200] =	vst v63  }
0x40b: {  	_ =	swait.ge [sflag:s19], $0x4000  }
0x40c: {  	[sflag:s19] =	ssyncset.done $0x0  }
0x40d: {  	[sflag:s19] =	ssyncadd.s32 $0xFFFFC000  }
0x40e: {  	v56 =	vld.msk [tilespmem:$0x100], $0xff;
	_ =	sdelay $0x4  }
0x40f: {  	v57 =	vshll.u32 v56, $0x4  }
0x410: {  	v34 =	vand.u32 $0x7, v56;
	v35 =	vand.u32 $0xFFFFFF80, v57  }
0x411: {  	v34 =	vor.u32 v34, v35  }
0x412: {  	v34 =	vperm.xlane v34, v32;
	_ =	sdelay $0x1  }
0x413: {  	v34 =	vadd.s32 v33, v34;
	_ =	sdelay $0x4  }
0x414: {  	[tilespmem:s14], [sflag:$0x3] =	stream.indirect_vreg.gather [hbm4b:s2+s3], $0x80, v34, vm0, $0xb8;
	[tilespmem:$0x18200] =	vst v63  }
0x415: {  	s23 =	simm.s32 $0x8A00  }
0x416: {  	[tilespmem:s23], [sflag:$0x3] =	stream.indirect_vreg.gather [hbm4b:s6+s3], $0x80, v34, vm0, $0xb8;
	[tilespmem:$0x18200] =	vst v63  }
0x417: {  	s23 =	simm.s32 $0x9200  }
0x418: {  	[tilespmem:s23], [sflag:$0x3] =	stream.indirect_vreg.gather [hbm4b:s7+s3], $0x80, v34, vm0, $0xb8;
	[tilespmem:$0x18200] =	vst v63  }
0x419: {  	s23 =	simm.s32 $0x9A00  }
0x41a: {  	[tilespmem:s23], [sflag:$0x3] =	stream.indirect_vreg.gather [hbm4b:s8+s3], $0x80, v34, vm0, $0xb8;
	[tilespmem:$0x18200] =	vst v63  }
0x41b: {  	s23 =	simm.s32 $0xA200  }
0x41c: {  	[tilespmem:s23], [sflag:$0x3] =	stream.indirect_vreg.gather [hbm4b:s9+s3], $0x80, v34, vm0, $0xb8;
	[tilespmem:$0x18200] =	vst v63  }
0x41d: {  	s23 =	simm.s32 $0xAA00  }
0x41e: {  	[tilespmem:s23], [sflag:$0x3] =	stream.indirect_vreg.gather [hbm4b:s10+s3], $0x80, v34, vm0, $0xb8;
	[tilespmem:$0x18200] =	vst v63  }
0x41f: {  	s23 =	simm.s32 $0xB200  }
0x420: {  	[tilespmem:s23], [sflag:$0x3] =	stream.indirect_vreg.gather [hbm4b:s11+s3], $0x80, v34, vm0, $0xb8;
	[tilespmem:$0x18200] =	vst v63  }
0x421: {  	s23 =	simm.s32 $0xBA00  }
0x422: {  	[tilespmem:s23], [sflag:$0x3] =	stream.indirect_vreg.gather [hbm4b:s12+s3], $0x80, v34, vm0, $0xb8;
	[tilespmem:$0x18200] =	vst v63  }
0x423: {  	_ =	swait.ge [sflag:s31], $0x4000  }
0x424: {  	s23 =	sld [smem:$0x7C6]  }
0x425: {  	[sflag:s31] =	ssyncset.done $0x0  }
0x426: {  	[sflag:s31] =	ssyncadd.s32 $0xFFFFC000  }
0x427: {  	[hbm4b:s23+s3] =	stream.linear.scatter [tilespmem:s22], [sflag:$0x7], $0x4000, $0x38;
	[tilespmem:$0x18200] =	vst v63  }
0x428: {  	_ =	swait.ge [sflag:s0], $0x4000  }
0x429: {  	[sflag:s0] =	ssyncset.done $0x0  }
0x42a: {  	[sflag:s0] =	ssyncadd.s32 $0xFFFFC000  }
0x42b: {  	v58 =	vld.msk [tilespmem:$0x108], $0xff;
	_ =	sdelay $0x4  }
0x42c: {  	v59 =	vshll.u32 v58, $0x4  }
0x42d: {  	v34 =	vand.u32 $0x7, v58;
	v35 =	vand.u32 $0xFFFFFF80, v59  }
0x42e: {  	v34 =	vor.u32 v34, v35  }
0x42f: {  	v34 =	vperm.xlane v34, v32;
	_ =	sdelay $0x1  }
0x430: {  	v34 =	vadd.s32 v33, v34;
	_ =	sdelay $0x4  }
0x431: {  	[tilespmem:s5], [sflag:$0x4] =	stream.indirect_vreg.gather [hbm4b:s2+s3], $0x80, v34, vm0, $0xb8;
	[tilespmem:$0x18200] =	vst v63  }
0x432: {  	s23 =	simm.s32 $0xCA00  }
0x433: {  	[tilespmem:s23], [sflag:$0x4] =	stream.indirect_vreg.gather [hbm4b:s6+s3], $0x80, v34, vm0, $0xb8;
	[tilespmem:$0x18200] =	vst v63  }
0x434: {  	s23 =	simm.s32 $0xD200  }
0x435: {  	[tilespmem:s23], [sflag:$0x4] =	stream.indirect_vreg.gather [hbm4b:s7+s3], $0x80, v34, vm0, $0xb8;
	[tilespmem:$0x18200] =	vst v63  }
0x436: {  	s23 =	simm.s32 $0xDA00  }
0x437: {  	[tilespmem:s23], [sflag:$0x4] =	stream.indirect_vreg.gather [hbm4b:s8+s3], $0x80, v34, vm0, $0xb8;
	[tilespmem:$0x18200] =	vst v63  }
0x438: {  	s23 =	simm.s32 $0xE200  }
0x439: {  	[tilespmem:s23], [sflag:$0x4] =	stream.indirect_vreg.gather [hbm4b:s9+s3], $0x80, v34, vm0, $0xb8;
	[tilespmem:$0x18200] =	vst v63  }
0x43a: {  	s23 =	simm.s32 $0xEA00  }
0x43b: {  	[tilespmem:s23], [sflag:$0x4] =	stream.indirect_vreg.gather [hbm4b:s10+s3], $0x80, v34, vm0, $0xb8;
	[tilespmem:$0x18200] =	vst v63  }
0x43c: {  	s23 =	simm.s32 $0xF200  }
0x43d: {  	[tilespmem:s23], [sflag:$0x4] =	stream.indirect_vreg.gather [hbm4b:s11+s3], $0x80, v34, vm0, $0xb8;
	[tilespmem:$0x18200] =	vst v63  }
0x43e: {  	s23 =	simm.s32 $0xFA00  }
0x43f: {  	[tilespmem:s23], [sflag:$0x4] =	stream.indirect_vreg.gather [hbm4b:s12+s3], $0x80, v34, vm0, $0xb8;
	[tilespmem:$0x18200] =	vst v63  }
0x440: {  	_ =	swait.ge [sflag:s1], $0x4000  }
0x441: {  	s23 =	sld [smem:$0x7C7]  }
0x442: {  	[sflag:s1] =	ssyncset.done $0x0  }
0x443: {  	[sflag:s1] =	ssyncadd.s32 $0xFFFFC000  }
0x444: {  	[hbm4b:s23+s3] =	stream.linear.scatter [tilespmem:s25], [sflag:$0x8], $0x4000, $0x38;
	[tilespmem:$0x18200] =	vst v63  }
0x445: {  	_ =	swait.ge [sflag:s26], $0x4000  }
0x446: {  	[sflag:s26] =	ssyncset.done $0x0  }
0x447: {  	[sflag:s26] =	ssyncadd.s32 $0xFFFFC000  }
0x448: {  	v60 =	vld.msk [tilespmem:$0x110], $0xff;
	_ =	sdelay $0x4  }
0x449: {  	v61 =	vshll.u32 v60, $0x4  }
0x44a: {  	v34 =	vand.u32 $0x7, v60;
	v35 =	vand.u32 $0xFFFFFF80, v61  }
0x44b: {  	v34 =	vor.u32 v34, v35  }
0x44c: {  	v34 =	vperm.xlane v34, v32;
	_ =	sdelay $0x1  }
0x44d: {  	v34 =	vadd.s32 v33, v34;
	_ =	sdelay $0x4  }
0x44e: {  	[tilespmem:s17], [sflag:$0x5] =	stream.indirect_vreg.gather [hbm4b:s2+s3], $0x80, v34, vm0, $0xb8;
	[tilespmem:$0x18200] =	vst v63  }
0x44f: {  	s23 =	simm.s32 $0x10A00  }
0x450: {  	[tilespmem:s23], [sflag:$0x5] =	stream.indirect_vreg.gather [hbm4b:s6+s3], $0x80, v34, vm0, $0xb8;
	[tilespmem:$0x18200] =	vst v63  }
0x451: {  	_ = 	snop  }
0x452: {  	[tilespmem:s21], [sflag:$0x5] =	stream.indirect_vreg.gather [hbm4b:s7+s3], $0x80, v34, vm0, $0xb8;
	[tilespmem:$0x18200] =	vst v63  }
0x453: {  	s23 =	simm.s32 $0x11A00  }
0x454: {  	[tilespmem:s23], [sflag:$0x5] =	stream.indirect_vreg.gather [hbm4b:s8+s3], $0x80, v34, vm0, $0xb8;
	[tilespmem:$0x18200] =	vst v63  }
0x455: {  	_ = 	snop  }
0x456: {  	[tilespmem:s30], [sflag:$0x5] =	stream.indirect_vreg.gather [hbm4b:s9+s3], $0x80, v34, vm0, $0xb8;
	[tilespmem:$0x18200] =	vst v63  }
0x457: {  	s23 =	simm.s32 $0x12A00  }
0x458: {  	[tilespmem:s23], [sflag:$0x5] =	stream.indirect_vreg.gather [hbm4b:s10+s3], $0x80, v34, vm0, $0xb8;
	[tilespmem:$0x18200] =	vst v63  }
0x459: {  	s23 =	simm.s32 $0x13200  }
0x45a: {  	[tilespmem:s23], [sflag:$0x5] =	stream.indirect_vreg.gather [hbm4b:s11+s3], $0x80, v34, vm0, $0xb8;
	[tilespmem:$0x18200] =	vst v63  }
0x45b: {  	s23 =	simm.s32 $0x13A00  }
0x45c: {  	[tilespmem:s23], [sflag:$0x5] =	stream.indirect_vreg.gather [hbm4b:s12+s3], $0x80, v34, vm0, $0xb8;
	[tilespmem:$0x18200] =	vst v63  }
0x45d: {  	_ =	swait.ge [sflag:s15], $0x4000  }
0x45e: {  	s23 =	sld [smem:$0x7C8]  }
0x45f: {  	[sflag:s15] =	ssyncset.done $0x0  }
0x460: {  	[sflag:s15] =	ssyncadd.s32 $0xFFFFC000  }
0x461: {  	[hbm4b:s23+s3] =	stream.linear.scatter [tilespmem:s14], [sflag:$0x9], $0x4000, $0x38;
	[tilespmem:$0x18200] =	vst v63  }
0x462: {  	_ =	swait.ge [sflag:s29], $0x4000  }
0x463: {  	[sflag:s29] =	ssyncset.done $0x0  }
0x464: {  	[sflag:s29] =	ssyncadd.s32 $0xFFFFC000  }
0x465: {  	v62 =	vld.msk [tilespmem:$0x118], $0xff;
	_ =	sdelay $0x4  }
0x466: {  	v63 =	vshll.u32 v62, $0x4  }
0x467: {  	v34 =	vand.u32 $0x7, v62;
	v35 =	vand.u32 $0xFFFFFF80, v63  }
0x468: {  	v34 =	vor.u32 v34, v35  }
0x469: {  	v34 =	vperm.xlane v34, v32;
	_ =	sdelay $0x1  }
0x46a: {  	v34 =	vadd.s32 v33, v34;
	_ =	sdelay $0x4  }
0x46b: {  	[tilespmem:s28], [sflag:$0x6] =	stream.indirect_vreg.gather [hbm4b:s2+s3], $0x80, v34, vm0, $0xb8;
	[tilespmem:$0x18200] =	vst v63  }
0x46c: {  	s23 =	simm.s32 $0x14A00  }
0x46d: {  	[tilespmem:s23], [sflag:$0x6] =	stream.indirect_vreg.gather [hbm4b:s6+s3], $0x80, v34, vm0, $0xb8;
	[tilespmem:$0x18200] =	vst v63  }
0x46e: {  	s23 =	simm.s32 $0x15200  }
0x46f: {  	[tilespmem:s23], [sflag:$0x6] =	stream.indirect_vreg.gather [hbm4b:s7+s3], $0x80, v34, vm0, $0xb8;
	[tilespmem:$0x18200] =	vst v63  }
0x470: {  	s24 =	simm.s32 $0x15A00  }
0x471: {  	[tilespmem:s24], [sflag:$0x6] =	stream.indirect_vreg.gather [hbm4b:s8+s3], $0x80, v34, vm0, $0xb8;
	[tilespmem:$0x18200] =	vst v63  }
0x472: {  	s23 =	simm.s32 $0x16200  }
0x473: {  	[tilespmem:s23], [sflag:$0x6] =	stream.indirect_vreg.gather [hbm4b:s9+s3], $0x80, v34, vm0, $0xb8;
	[tilespmem:$0x18200] =	vst v63  }
0x474: {  	s23 =	simm.s32 $0x16A00  }
0x475: {  	[tilespmem:s23], [sflag:$0x6] =	stream.indirect_vreg.gather [hbm4b:s10+s3], $0x80, v34, vm0, $0xb8;
	[tilespmem:$0x18200] =	vst v63  }
0x476: {  	s23 =	simm.s32 $0x17200  }
0x477: {  	[tilespmem:s23], [sflag:$0x6] =	stream.indirect_vreg.gather [hbm4b:s11+s3], $0x80, v34, vm0, $0xb8;
	[tilespmem:$0x18200] =	vst v63  }
0x478: {  	s23 =	simm.s32 $0x17A00  }
0x479: {  	[tilespmem:s23], [sflag:$0x6] =	stream.indirect_vreg.gather [hbm4b:s12+s3], $0x80, v34, vm0, $0xb8;
	[tilespmem:$0x18200] =	vst v63  }
0x47a: {  	_ =	swait.ge [sflag:s4], $0x4000  }
0x47b: {  	s23 =	sld [smem:$0x7C9]  }
0x47c: {  	[sflag:s4] =	ssyncset.done $0x0  }
0x47d: {  	[sflag:s4] =	ssyncadd.s32 $0xFFFFC000  }
0x47e: {  	[hbm4b:s23+s3] =	stream.linear.scatter [tilespmem:s5], [sflag:$0xA], $0x4000, $0x38;
	[tilespmem:$0x18200] =	vst v63  }
0x47f: {  	_ =	swait.ge [sflag:s16], $0x4000  }
0x480: {  	[sflag:s16] =	ssyncset.done $0x0  }
0x481: {  	[sflag:s16] =	ssyncadd.s32 $0xFFFFC000  }
0x482: {  	v36 =	vld.msk [tilespmem:$0x120], $0xff;
	_ =	sdelay $0x4  }
0x483: {  	v37 =	vshll.u32 v36, $0x4  }
0x484: {  	v34 =	vand.u32 $0x7, v36;
	v35 =	vand.u32 $0xFFFFFF80, v37  }
0x485: {  	v34 =	vor.u32 v34, v35  }
0x486: {  	v34 =	vperm.xlane v34, v32;
	_ =	sdelay $0x1  }
0x487: {  	v34 =	vadd.s32 v33, v34;
	_ =	sdelay $0x4  }
0x488: {  	[tilespmem:s22], [sflag:$0x1] =	stream.indirect_vreg.gather [hbm4b:s2+s3], $0x80, v34, vm0, $0xb8;
	[tilespmem:$0x18200] =	vst v63  }
0x489: {  	s23 =	simm.s32 $0xA00  }
0x48a: {  	[tilespmem:s23], [sflag:$0x1] =	stream.indirect_vreg.gather [hbm4b:s6+s3], $0x80, v34, vm0, $0xb8;
	[tilespmem:$0x18200] =	vst v63  }
0x48b: {  	s23 =	simm.s32 $0x1200  }
0x48c: {  	[tilespmem:s23], [sflag:$0x1] =	stream.indirect_vreg.gather [hbm4b:s7+s3], $0x80, v34, vm0, $0xb8;
	[tilespmem:$0x18200] =	vst v63  }
0x48d: {  	s23 =	simm.s32 $0x1A00  }
0x48e: {  	[tilespmem:s23], [sflag:$0x1] =	stream.indirect_vreg.gather [hbm4b:s8+s3], $0x80, v34, vm0, $0xb8;
	[tilespmem:$0x18200] =	vst v63  }
0x48f: {  	s23 =	simm.s32 $0x2200  }
0x490: {  	[tilespmem:s23], [sflag:$0x1] =	stream.indirect_vreg.gather [hbm4b:s9+s3], $0x80, v34, vm0, $0xb8;
	[tilespmem:$0x18200] =	vst v63  }
0x491: {  	s23 =	simm.s32 $0x2A00  }
0x492: {  	[tilespmem:s23], [sflag:$0x1] =	stream.indirect_vreg.gather [hbm4b:s10+s3], $0x80, v34, vm0, $0xb8;
	[tilespmem:$0x18200] =	vst v63  }
0x493: {  	s23 =	simm.s32 $0x3200  }
0x494: {  	[tilespmem:s23], [sflag:$0x1] =	stream.indirect_vreg.gather [hbm4b:s11+s3], $0x80, v34, vm0, $0xb8;
	[tilespmem:$0x18200] =	vst v63  }
0x495: {  	s23 =	simm.s32 $0x3A00  }
0x496: {  	[tilespmem:s23], [sflag:$0x1] =	stream.indirect_vreg.gather [hbm4b:s12+s3], $0x80, v34, vm0, $0xb8;
	[tilespmem:$0x18200] =	vst v63  }
0x497: {  	_ =	swait.ge [sflag:s13], $0x4000  }
0x498: {  	s23 =	sld [smem:$0x7CA]  }
0x499: {  	[sflag:s13] =	ssyncset.done $0x0  }
0x49a: {  	[sflag:s13] =	ssyncadd.s32 $0xFFFFC000  }
0x49b: {  	[hbm4b:s23+s3] =	stream.linear.scatter [tilespmem:s17], [sflag:$0xB], $0x4000, $0x38;
	[tilespmem:$0x18200] =	vst v63  }
0x49c: {  	_ =	swait.ge [sflag:s18], $0x4000  }
0x49d: {  	[sflag:s18] =	ssyncset.done $0x0  }
0x49e: {  	[sflag:s18] =	ssyncadd.s32 $0xFFFFC000  }
0x49f: {  	v38 =	vld.msk [tilespmem:$0x128], $0xff;
	_ =	sdelay $0x4  }
0x4a0: {  	v39 =	vshll.u32 v38, $0x4  }
0x4a1: {  	v34 =	vand.u32 $0x7, v38;
	v35 =	vand.u32 $0xFFFFFF80, v39  }
0x4a2: {  	v34 =	vor.u32 v34, v35  }
0x4a3: {  	v34 =	vperm.xlane v34, v32;
	_ =	sdelay $0x1  }
0x4a4: {  	v34 =	vadd.s32 v33, v34;
	_ =	sdelay $0x4  }
0x4a5: {  	[tilespmem:s25], [sflag:$0x2] =	stream.indirect_vreg.gather [hbm4b:s2+s3], $0x80, v34, vm0, $0xb8;
	[tilespmem:$0x18200] =	vst v63  }
0x4a6: {  	s23 =	simm.s32 $0x4A00  }
0x4a7: {  	[tilespmem:s23], [sflag:$0x2] =	stream.indirect_vreg.gather [hbm4b:s6+s3], $0x80, v34, vm0, $0xb8;
	[tilespmem:$0x18200] =	vst v63  }
0x4a8: {  	s23 =	simm.s32 $0x5200  }
0x4a9: {  	[tilespmem:s23], [sflag:$0x2] =	stream.indirect_vreg.gather [hbm4b:s7+s3], $0x80, v34, vm0, $0xb8;
	[tilespmem:$0x18200] =	vst v63  }
0x4aa: {  	s23 =	simm.s32 $0x5A00  }
0x4ab: {  	[tilespmem:s23], [sflag:$0x2] =	stream.indirect_vreg.gather [hbm4b:s8+s3], $0x80, v34, vm0, $0xb8;
	[tilespmem:$0x18200] =	vst v63  }
0x4ac: {  	s23 =	simm.s32 $0x6200  }
0x4ad: {  	[tilespmem:s23], [sflag:$0x2] =	stream.indirect_vreg.gather [hbm4b:s9+s3], $0x80, v34, vm0, $0xb8;
	[tilespmem:$0x18200] =	vst v63  }
0x4ae: {  	s23 =	simm.s32 $0x6A00  }
0x4af: {  	[tilespmem:s23], [sflag:$0x2] =	stream.indirect_vreg.gather [hbm4b:s10+s3], $0x80, v34, vm0, $0xb8;
	[tilespmem:$0x18200] =	vst v63  }
0x4b0: {  	s23 =	simm.s32 $0x7200  }
0x4b1: {  	[tilespmem:s23], [sflag:$0x2] =	stream.indirect_vreg.gather [hbm4b:s11+s3], $0x80, v34, vm0, $0xb8;
	[tilespmem:$0x18200] =	vst v63  }
0x4b2: {  	s23 =	simm.s32 $0x7A00  }
0x4b3: {  	[tilespmem:s23], [sflag:$0x2] =	stream.indirect_vreg.gather [hbm4b:s12+s3], $0x80, v34, vm0, $0xb8;
	[tilespmem:$0x18200] =	vst v63  }
0x4b4: {  	_ =	swait.ge [sflag:s20], $0x4000  }
0x4b5: {  	s23 =	sld [smem:$0x7CB]  }
0x4b6: {  	[sflag:s20] =	ssyncset.done $0x0  }
0x4b7: {  	[sflag:s20] =	ssyncadd.s32 $0xFFFFC000  }
0x4b8: {  	[hbm4b:s23+s3] =	stream.linear.scatter [tilespmem:s28], [sflag:$0xC], $0x4000, $0x38;
	[tilespmem:$0x18200] =	vst v63  }
0x4b9: {  	_ =	swait.ge [sflag:s19], $0x4000  }
0x4ba: {  	[sflag:s19] =	ssyncset.done $0x0  }
0x4bb: {  	[sflag:s19] =	ssyncadd.s32 $0xFFFFC000  }
0x4bc: {  	v40 =	vld.msk [tilespmem:$0x130], $0xff;
	_ =	sdelay $0x4  }
0x4bd: {  	v41 =	vshll.u32 v40, $0x4  }
0x4be: {  	v34 =	vand.u32 $0x7, v40;
	v35 =	vand.u32 $0xFFFFFF80, v41  }
0x4bf: {  	v34 =	vor.u32 v34, v35  }
0x4c0: {  	v34 =	vperm.xlane v34, v32;
	_ =	sdelay $0x1  }
0x4c1: {  	v34 =	vadd.s32 v33, v34;
	_ =	sdelay $0x4  }
0x4c2: {  	[tilespmem:s14], [sflag:$0x3] =	stream.indirect_vreg.gather [hbm4b:s2+s3], $0x80, v34, vm0, $0xb8;
	[tilespmem:$0x18200] =	vst v63  }
0x4c3: {  	s23 =	simm.s32 $0x8A00  }
0x4c4: {  	[tilespmem:s23], [sflag:$0x3] =	stream.indirect_vreg.gather [hbm4b:s6+s3], $0x80, v34, vm0, $0xb8;
	[tilespmem:$0x18200] =	vst v63  }
0x4c5: {  	s23 =	simm.s32 $0x9200  }
0x4c6: {  	[tilespmem:s23], [sflag:$0x3] =	stream.indirect_vreg.gather [hbm4b:s7+s3], $0x80, v34, vm0, $0xb8;
	[tilespmem:$0x18200] =	vst v63  }
0x4c7: {  	s23 =	simm.s32 $0x9A00  }
0x4c8: {  	[tilespmem:s23], [sflag:$0x3] =	stream.indirect_vreg.gather [hbm4b:s8+s3], $0x80, v34, vm0, $0xb8;
	[tilespmem:$0x18200] =	vst v63  }
0x4c9: {  	s23 =	simm.s32 $0xA200  }
0x4ca: {  	[tilespmem:s23], [sflag:$0x3] =	stream.indirect_vreg.gather [hbm4b:s9+s3], $0x80, v34, vm0, $0xb8;
	[tilespmem:$0x18200] =	vst v63  }
0x4cb: {  	s23 =	simm.s32 $0xAA00  }
0x4cc: {  	[tilespmem:s23], [sflag:$0x3] =	stream.indirect_vreg.gather [hbm4b:s10+s3], $0x80, v34, vm0, $0xb8;
	[tilespmem:$0x18200] =	vst v63  }
0x4cd: {  	s23 =	simm.s32 $0xB200  }
0x4ce: {  	[tilespmem:s23], [sflag:$0x3] =	stream.indirect_vreg.gather [hbm4b:s11+s3], $0x80, v34, vm0, $0xb8;
	[tilespmem:$0x18200] =	vst v63  }
0x4cf: {  	s23 =	simm.s32 $0xBA00  }
0x4d0: {  	[tilespmem:s23], [sflag:$0x3] =	stream.indirect_vreg.gather [hbm4b:s12+s3], $0x80, v34, vm0, $0xb8;
	[tilespmem:$0x18200] =	vst v63  }
0x4d1: {  	_ =	swait.ge [sflag:s31], $0x4000  }
0x4d2: {  	s23 =	sld [smem:$0x7CC]  }
0x4d3: {  	[sflag:s31] =	ssyncset.done $0x0  }
0x4d4: {  	[sflag:s31] =	ssyncadd.s32 $0xFFFFC000  }
0x4d5: {  	[hbm4b:s23+s3] =	stream.linear.scatter [tilespmem:s22], [sflag:$0x7], $0x4000, $0x38;
	[tilespmem:$0x18200] =	vst v63  }
0x4d6: {  	_ =	swait.ge [sflag:s0], $0x4000  }
0x4d7: {  	[sflag:s0] =	ssyncset.done $0x0  }
0x4d8: {  	[sflag:s0] =	ssyncadd.s32 $0xFFFFC000  }
0x4d9: {  	v42 =	vld.msk [tilespmem:$0x138], $0xff;
	_ =	sdelay $0x4  }
0x4da: {  	v43 =	vshll.u32 v42, $0x4  }
0x4db: {  	v34 =	vand.u32 $0x7, v42;
	v35 =	vand.u32 $0xFFFFFF80, v43  }
0x4dc: {  	v34 =	vor.u32 v34, v35  }
0x4dd: {  	v34 =	vperm.xlane v34, v32;
	_ =	sdelay $0x1  }
0x4de: {  	v34 =	vadd.s32 v33, v34;
	_ =	sdelay $0x4  }
0x4df: {  	[tilespmem:s5], [sflag:$0x4] =	stream.indirect_vreg.gather [hbm4b:s2+s3], $0x80, v34, vm0, $0xb8;
	[tilespmem:$0x18200] =	vst v63  }
0x4e0: {  	s23 =	simm.s32 $0xCA00  }
0x4e1: {  	[tilespmem:s23], [sflag:$0x4] =	stream.indirect_vreg.gather [hbm4b:s6+s3], $0x80, v34, vm0, $0xb8;
	[tilespmem:$0x18200] =	vst v63  }
0x4e2: {  	s23 =	simm.s32 $0xD200  }
0x4e3: {  	[tilespmem:s23], [sflag:$0x4] =	stream.indirect_vreg.gather [hbm4b:s7+s3], $0x80, v34, vm0, $0xb8;
	[tilespmem:$0x18200] =	vst v63  }
0x4e4: {  	s23 =	simm.s32 $0xDA00  }
0x4e5: {  	[tilespmem:s23], [sflag:$0x4] =	stream.indirect_vreg.gather [hbm4b:s8+s3], $0x80, v34, vm0, $0xb8;
	[tilespmem:$0x18200] =	vst v63  }
0x4e6: {  	s23 =	simm.s32 $0xE200  }
0x4e7: {  	[tilespmem:s23], [sflag:$0x4] =	stream.indirect_vreg.gather [hbm4b:s9+s3], $0x80, v34, vm0, $0xb8;
	[tilespmem:$0x18200] =	vst v63  }
0x4e8: {  	s23 =	simm.s32 $0xEA00  }
0x4e9: {  	[tilespmem:s23], [sflag:$0x4] =	stream.indirect_vreg.gather [hbm4b:s10+s3], $0x80, v34, vm0, $0xb8;
	[tilespmem:$0x18200] =	vst v63  }
0x4ea: {  	s23 =	simm.s32 $0xF200  }
0x4eb: {  	[tilespmem:s23], [sflag:$0x4] =	stream.indirect_vreg.gather [hbm4b:s11+s3], $0x80, v34, vm0, $0xb8;
	[tilespmem:$0x18200] =	vst v63  }
0x4ec: {  	s23 =	simm.s32 $0xFA00  }
0x4ed: {  	[tilespmem:s23], [sflag:$0x4] =	stream.indirect_vreg.gather [hbm4b:s12+s3], $0x80, v34, vm0, $0xb8;
	[tilespmem:$0x18200] =	vst v63  }
0x4ee: {  	_ =	swait.ge [sflag:s1], $0x4000  }
0x4ef: {  	s23 =	sld [smem:$0x7CD]  }
0x4f0: {  	[sflag:s1] =	ssyncset.done $0x0  }
0x4f1: {  	[sflag:s1] =	ssyncadd.s32 $0xFFFFC000  }
0x4f2: {  	[hbm4b:s23+s3] =	stream.linear.scatter [tilespmem:s25], [sflag:$0x8], $0x4000, $0x38;
	[tilespmem:$0x18200] =	vst v63  }
0x4f3: {  	_ =	swait.ge [sflag:s26], $0x4000  }
0x4f4: {  	[sflag:s26] =	ssyncset.done $0x0  }
0x4f5: {  	[sflag:s26] =	ssyncadd.s32 $0xFFFFC000  }
0x4f6: {  	v44 =	vld.msk [tilespmem:$0x140], $0xff;
	_ =	sdelay $0x4  }
0x4f7: {  	v45 =	vshll.u32 v44, $0x4  }
0x4f8: {  	v34 =	vand.u32 $0x7, v44;
	v35 =	vand.u32 $0xFFFFFF80, v45  }
0x4f9: {  	v34 =	vor.u32 v34, v35  }
0x4fa: {  	v34 =	vperm.xlane v34, v32;
	_ =	sdelay $0x1  }
0x4fb: {  	v34 =	vadd.s32 v33, v34;
	_ =	sdelay $0x4  }
0x4fc: {  	[tilespmem:s17], [sflag:$0x5] =	stream.indirect_vreg.gather [hbm4b:s2+s3], $0x80, v34, vm0, $0xb8;
	[tilespmem:$0x18200] =	vst v63  }
0x4fd: {  	s23 =	simm.s32 $0x10A00  }
0x4fe: {  	[tilespmem:s23], [sflag:$0x5] =	stream.indirect_vreg.gather [hbm4b:s6+s3], $0x80, v34, vm0, $0xb8;
	[tilespmem:$0x18200] =	vst v63  }
0x4ff: {  	s21 =	simm.s32 $0x11200  }
0x500: {  	[tilespmem:s21], [sflag:$0x5] =	stream.indirect_vreg.gather [hbm4b:s7+s3], $0x80, v34, vm0, $0xb8;
	[tilespmem:$0x18200] =	vst v63  }
0x501: {  	s23 =	simm.s32 $0x11A00  }
0x502: {  	[tilespmem:s23], [sflag:$0x5] =	stream.indirect_vreg.gather [hbm4b:s8+s3], $0x80, v34, vm0, $0xb8;
	[tilespmem:$0x18200] =	vst v63  }
0x503: {  	s30 =	simm.s32 $0x12200  }
0x504: {  	[tilespmem:s30], [sflag:$0x5] =	stream.indirect_vreg.gather [hbm4b:s9+s3], $0x80, v34, vm0, $0xb8;
	[tilespmem:$0x18200] =	vst v63  }
0x505: {  	s23 =	simm.s32 $0x12A00  }
0x506: {  	[tilespmem:s23], [sflag:$0x5] =	stream.indirect_vreg.gather [hbm4b:s10+s3], $0x80, v34, vm0, $0xb8;
	[tilespmem:$0x18200] =	vst v63  }
0x507: {  	s23 =	simm.s32 $0x13200  }
0x508: {  	[tilespmem:s23], [sflag:$0x5] =	stream.indirect_vreg.gather [hbm4b:s11+s3], $0x80, v34, vm0, $0xb8;
	[tilespmem:$0x18200] =	vst v63  }
0x509: {  	s23 =	simm.s32 $0x13A00  }
0x50a: {  	[tilespmem:s23], [sflag:$0x5] =	stream.indirect_vreg.gather [hbm4b:s12+s3], $0x80, v34, vm0, $0xb8;
	[tilespmem:$0x18200] =	vst v63  }
0x50b: {  	_ =	swait.ge [sflag:s15], $0x4000  }
0x50c: {  	s23 =	sld [smem:$0x7CE]  }
0x50d: {  	[sflag:s15] =	ssyncset.done $0x0  }
0x50e: {  	[sflag:s15] =	ssyncadd.s32 $0xFFFFC000  }
0x50f: {  	[hbm4b:s23+s3] =	stream.linear.scatter [tilespmem:s14], [sflag:$0x9], $0x4000, $0x38;
	[tilespmem:$0x18200] =	vst v63  }
0x510: {  	_ =	swait.ge [sflag:s29], $0x4000  }
0x511: {  	[sflag:s29] =	ssyncset.done $0x0  }
0x512: {  	[sflag:s29] =	ssyncadd.s32 $0xFFFFC000  }
0x513: {  	v46 =	vld.msk [tilespmem:$0x148], $0xff;
	_ =	sdelay $0x4  }
0x514: {  	v47 =	vshll.u32 v46, $0x4  }
0x515: {  	v34 =	vand.u32 $0x7, v46;
	v35 =	vand.u32 $0xFFFFFF80, v47  }
0x516: {  	v34 =	vor.u32 v34, v35  }
0x517: {  	v34 =	vperm.xlane v34, v32;
	_ =	sdelay $0x1  }
0x518: {  	v34 =	vadd.s32 v33, v34;
	_ =	sdelay $0x4  }
0x519: {  	[tilespmem:s28], [sflag:$0x6] =	stream.indirect_vreg.gather [hbm4b:s2+s3], $0x80, v34, vm0, $0xb8;
	[tilespmem:$0x18200] =	vst v63  }
0x51a: {  	s23 =	simm.s32 $0x14A00  }
0x51b: {  	[tilespmem:s23], [sflag:$0x6] =	stream.indirect_vreg.gather [hbm4b:s6+s3], $0x80, v34, vm0, $0xb8;
	[tilespmem:$0x18200] =	vst v63  }
0x51c: {  	s23 =	simm.s32 $0x15200  }
0x51d: {  	[tilespmem:s23], [sflag:$0x6] =	stream.indirect_vreg.gather [hbm4b:s7+s3], $0x80, v34, vm0, $0xb8;
	[tilespmem:$0x18200] =	vst v63  }
0x51e: {  	s24 =	simm.s32 $0x15A00  }
0x51f: {  	[tilespmem:s24], [sflag:$0x6] =	stream.indirect_vreg.gather [hbm4b:s8+s3], $0x80, v34, vm0, $0xb8;
	[tilespmem:$0x18200] =	vst v63  }
0x520: {  	s23 =	simm.s32 $0x16200  }
0x521: {  	[tilespmem:s23], [sflag:$0x6] =	stream.indirect_vreg.gather [hbm4b:s9+s3], $0x80, v34, vm0, $0xb8;
	[tilespmem:$0x18200] =	vst v63  }
0x522: {  	s23 =	simm.s32 $0x16A00  }
0x523: {  	[tilespmem:s23], [sflag:$0x6] =	stream.indirect_vreg.gather [hbm4b:s10+s3], $0x80, v34, vm0, $0xb8;
	[tilespmem:$0x18200] =	vst v63  }
0x524: {  	s23 =	simm.s32 $0x17200  }
0x525: {  	[tilespmem:s23], [sflag:$0x6] =	stream.indirect_vreg.gather [hbm4b:s11+s3], $0x80, v34, vm0, $0xb8;
	[tilespmem:$0x18200] =	vst v63  }
0x526: {  	s23 =	simm.s32 $0x17A00  }
0x527: {  	[tilespmem:s23], [sflag:$0x6] =	stream.indirect_vreg.gather [hbm4b:s12+s3], $0x80, v34, vm0, $0xb8;
	[tilespmem:$0x18200] =	vst v63  }
0x528: {  	_ =	swait.ge [sflag:s4], $0x4000  }
0x529: {  	s23 =	sld [smem:$0x7CF]  }
0x52a: {  	[sflag:s4] =	ssyncset.done $0x0  }
0x52b: {  	[sflag:s4] =	ssyncadd.s32 $0xFFFFC000  }
0x52c: {  	[hbm4b:s23+s3] =	stream.linear.scatter [tilespmem:s5], [sflag:$0xA], $0x4000, $0x38;
	[tilespmem:$0x18200] =	vst v63  }
0x52d: {  	_ =	swait.ge [sflag:s16], $0x4000  }
0x52e: {  	[sflag:s16] =	ssyncset.done $0x0  }
0x52f: {  	[sflag:s16] =	ssyncadd.s32 $0xFFFFC000  }
0x530: {  	v48 =	vld.msk [tilespmem:$0x150], $0xff;
	_ =	sdelay $0x4  }
0x531: {  	v49 =	vshll.u32 v48, $0x4  }
0x532: {  	v34 =	vand.u32 $0x7, v48;
	v35 =	vand.u32 $0xFFFFFF80, v49  }
0x533: {  	v34 =	vor.u32 v34, v35  }
0x534: {  	v34 =	vperm.xlane v34, v32;
	_ =	sdelay $0x1  }
0x535: {  	v34 =	vadd.s32 v33, v34;
	_ =	sdelay $0x4  }
0x536: {  	[tilespmem:s22], [sflag:$0x1] =	stream.indirect_vreg.gather [hbm4b:s2+s3], $0x80, v34, vm0, $0xb8;
	[tilespmem:$0x18200] =	vst v63  }
0x537: {  	s23 =	simm.s32 $0xA00  }
0x538: {  	[tilespmem:s23], [sflag:$0x1] =	stream.indirect_vreg.gather [hbm4b:s6+s3], $0x80, v34, vm0, $0xb8;
	[tilespmem:$0x18200] =	vst v63  }
0x539: {  	s23 =	simm.s32 $0x1200  }
0x53a: {  	[tilespmem:s23], [sflag:$0x1] =	stream.indirect_vreg.gather [hbm4b:s7+s3], $0x80, v34, vm0, $0xb8;
	[tilespmem:$0x18200] =	vst v63  }
0x53b: {  	s23 =	simm.s32 $0x1A00  }
0x53c: {  	[tilespmem:s23], [sflag:$0x1] =	stream.indirect_vreg.gather [hbm4b:s8+s3], $0x80, v34, vm0, $0xb8;
	[tilespmem:$0x18200] =	vst v63  }
0x53d: {  	s23 =	simm.s32 $0x2200  }
0x53e: {  	[tilespmem:s23], [sflag:$0x1] =	stream.indirect_vreg.gather [hbm4b:s9+s3], $0x80, v34, vm0, $0xb8;
	[tilespmem:$0x18200] =	vst v63  }
0x53f: {  	s23 =	simm.s32 $0x2A00  }
0x540: {  	[tilespmem:s23], [sflag:$0x1] =	stream.indirect_vreg.gather [hbm4b:s10+s3], $0x80, v34, vm0, $0xb8;
	[tilespmem:$0x18200] =	vst v63  }
0x541: {  	s23 =	simm.s32 $0x3200  }
0x542: {  	[tilespmem:s23], [sflag:$0x1] =	stream.indirect_vreg.gather [hbm4b:s11+s3], $0x80, v34, vm0, $0xb8;
	[tilespmem:$0x18200] =	vst v63  }
0x543: {  	s23 =	simm.s32 $0x3A00  }
0x544: {  	[tilespmem:s23], [sflag:$0x1] =	stream.indirect_vreg.gather [hbm4b:s12+s3], $0x80, v34, vm0, $0xb8;
	[tilespmem:$0x18200] =	vst v63  }
0x545: {  	_ =	swait.ge [sflag:s13], $0x4000  }
0x546: {  	s23 =	sld [smem:$0x7D0]  }
0x547: {  	[sflag:s13] =	ssyncset.done $0x0  }
0x548: {  	[sflag:s13] =	ssyncadd.s32 $0xFFFFC000  }
0x549: {  	[hbm4b:s23+s3] =	stream.linear.scatter [tilespmem:s17], [sflag:$0xB], $0x4000, $0x38;
	[tilespmem:$0x18200] =	vst v63  }
0x54a: {  	_ =	swait.ge [sflag:s18], $0x4000  }
0x54b: {  	[sflag:s18] =	ssyncset.done $0x0  }
0x54c: {  	[sflag:s18] =	ssyncadd.s32 $0xFFFFC000  }
0x54d: {  	v50 =	vld.msk [tilespmem:$0x158], $0xff;
	_ =	sdelay $0x4  }
0x54e: {  	v51 =	vshll.u32 v50, $0x4  }
0x54f: {  	v34 =	vand.u32 $0x7, v50;
	v35 =	vand.u32 $0xFFFFFF80, v51  }
0x550: {  	v34 =	vor.u32 v34, v35  }
0x551: {  	v34 =	vperm.xlane v34, v32;
	_ =	sdelay $0x1  }
0x552: {  	v34 =	vadd.s32 v33, v34;
	_ =	sdelay $0x4  }
0x553: {  	[tilespmem:s25], [sflag:$0x2] =	stream.indirect_vreg.gather [hbm4b:s2+s3], $0x80, v34, vm0, $0xb8;
	[tilespmem:$0x18200] =	vst v63  }
0x554: {  	s23 =	simm.s32 $0x4A00  }
0x555: {  	[tilespmem:s23], [sflag:$0x2] =	stream.indirect_vreg.gather [hbm4b:s6+s3], $0x80, v34, vm0, $0xb8;
	[tilespmem:$0x18200] =	vst v63  }
0x556: {  	s23 =	simm.s32 $0x5200  }
0x557: {  	[tilespmem:s23], [sflag:$0x2] =	stream.indirect_vreg.gather [hbm4b:s7+s3], $0x80, v34, vm0, $0xb8;
	[tilespmem:$0x18200] =	vst v63  }
0x558: {  	s23 =	simm.s32 $0x5A00  }
0x559: {  	[tilespmem:s23], [sflag:$0x2] =	stream.indirect_vreg.gather [hbm4b:s8+s3], $0x80, v34, vm0, $0xb8;
	[tilespmem:$0x18200] =	vst v63  }
0x55a: {  	s23 =	simm.s32 $0x6200  }
0x55b: {  	[tilespmem:s23], [sflag:$0x2] =	stream.indirect_vreg.gather [hbm4b:s9+s3], $0x80, v34, vm0, $0xb8;
	[tilespmem:$0x18200] =	vst v63  }
0x55c: {  	s23 =	simm.s32 $0x6A00  }
0x55d: {  	[tilespmem:s23], [sflag:$0x2] =	stream.indirect_vreg.gather [hbm4b:s10+s3], $0x80, v34, vm0, $0xb8;
	[tilespmem:$0x18200] =	vst v63  }
0x55e: {  	s23 =	simm.s32 $0x7200  }
0x55f: {  	[tilespmem:s23], [sflag:$0x2] =	stream.indirect_vreg.gather [hbm4b:s11+s3], $0x80, v34, vm0, $0xb8;
	[tilespmem:$0x18200] =	vst v63  }
0x560: {  	s23 =	simm.s32 $0x7A00  }
0x561: {  	[tilespmem:s23], [sflag:$0x2] =	stream.indirect_vreg.gather [hbm4b:s12+s3], $0x80, v34, vm0, $0xb8;
	[tilespmem:$0x18200] =	vst v63  }
0x562: {  	_ =	swait.ge [sflag:s20], $0x4000  }
0x563: {  	s23 =	sld [smem:$0x7D1]  }
0x564: {  	[sflag:s20] =	ssyncset.done $0x0  }
0x565: {  	[sflag:s20] =	ssyncadd.s32 $0xFFFFC000  }
0x566: {  	[hbm4b:s23+s3] =	stream.linear.scatter [tilespmem:s28], [sflag:$0xC], $0x4000, $0x38;
	[tilespmem:$0x18200] =	vst v63  }
0x567: {  	_ =	swait.ge [sflag:s19], $0x4000  }
0x568: {  	[sflag:s19] =	ssyncset.done $0x0  }
0x569: {  	[sflag:s19] =	ssyncadd.s32 $0xFFFFC000  }
0x56a: {  	v52 =	vld.msk [tilespmem:$0x160], $0xff;
	_ =	sdelay $0x4  }
0x56b: {  	v53 =	vshll.u32 v52, $0x4  }
0x56c: {  	v34 =	vand.u32 $0x7, v52;
	v35 =	vand.u32 $0xFFFFFF80, v53  }
0x56d: {  	v34 =	vor.u32 v34, v35  }
0x56e: {  	v34 =	vperm.xlane v34, v32;
	_ =	sdelay $0x1  }
0x56f: {  	v34 =	vadd.s32 v33, v34;
	_ =	sdelay $0x4  }
0x570: {  	[tilespmem:s14], [sflag:$0x3] =	stream.indirect_vreg.gather [hbm4b:s2+s3], $0x80, v34, vm0, $0xb8;
	[tilespmem:$0x18200] =	vst v63  }
0x571: {  	s23 =	simm.s32 $0x8A00  }
0x572: {  	[tilespmem:s23], [sflag:$0x3] =	stream.indirect_vreg.gather [hbm4b:s6+s3], $0x80, v34, vm0, $0xb8;
	[tilespmem:$0x18200] =	vst v63  }
0x573: {  	s23 =	simm.s32 $0x9200  }
0x574: {  	[tilespmem:s23], [sflag:$0x3] =	stream.indirect_vreg.gather [hbm4b:s7+s3], $0x80, v34, vm0, $0xb8;
	[tilespmem:$0x18200] =	vst v63  }
0x575: {  	s23 =	simm.s32 $0x9A00  }
0x576: {  	[tilespmem:s23], [sflag:$0x3] =	stream.indirect_vreg.gather [hbm4b:s8+s3], $0x80, v34, vm0, $0xb8;
	[tilespmem:$0x18200] =	vst v63  }
0x577: {  	s23 =	simm.s32 $0xA200  }
0x578: {  	[tilespmem:s23], [sflag:$0x3] =	stream.indirect_vreg.gather [hbm4b:s9+s3], $0x80, v34, vm0, $0xb8;
	[tilespmem:$0x18200] =	vst v63  }
0x579: {  	s23 =	simm.s32 $0xAA00  }
0x57a: {  	[tilespmem:s23], [sflag:$0x3] =	stream.indirect_vreg.gather [hbm4b:s10+s3], $0x80, v34, vm0, $0xb8;
	[tilespmem:$0x18200] =	vst v63  }
0x57b: {  	s23 =	simm.s32 $0xB200  }
0x57c: {  	[tilespmem:s23], [sflag:$0x3] =	stream.indirect_vreg.gather [hbm4b:s11+s3], $0x80, v34, vm0, $0xb8;
	[tilespmem:$0x18200] =	vst v63  }
0x57d: {  	s23 =	simm.s32 $0xBA00  }
0x57e: {  	[tilespmem:s23], [sflag:$0x3] =	stream.indirect_vreg.gather [hbm4b:s12+s3], $0x80, v34, vm0, $0xb8;
	[tilespmem:$0x18200] =	vst v63  }
0x57f: {  	_ =	swait.ge [sflag:s31], $0x4000  }
0x580: {  	s23 =	sld [smem:$0x7D2]  }
0x581: {  	[sflag:s31] =	ssyncset.done $0x0  }
0x582: {  	[sflag:s31] =	ssyncadd.s32 $0xFFFFC000  }
0x583: {  	[hbm4b:s23+s3] =	stream.linear.scatter [tilespmem:s22], [sflag:$0x7], $0x4000, $0x38;
	[tilespmem:$0x18200] =	vst v63  }
0x584: {  	_ =	swait.ge [sflag:s0], $0x4000  }
0x585: {  	[sflag:s0] =	ssyncset.done $0x0  }
0x586: {  	[sflag:s0] =	ssyncadd.s32 $0xFFFFC000  }
0x587: {  	v54 =	vld.msk [tilespmem:$0x168], $0xff;
	_ =	sdelay $0x4  }
0x588: {  	v55 =	vshll.u32 v54, $0x4  }
0x589: {  	v34 =	vand.u32 $0x7, v54;
	v35 =	vand.u32 $0xFFFFFF80, v55  }
0x58a: {  	v34 =	vor.u32 v34, v35  }
0x58b: {  	v34 =	vperm.xlane v34, v32;
	_ =	sdelay $0x1  }
0x58c: {  	v34 =	vadd.s32 v33, v34;
	_ =	sdelay $0x4  }
0x58d: {  	[tilespmem:s5], [sflag:$0x4] =	stream.indirect_vreg.gather [hbm4b:s2+s3], $0x80, v34, vm0, $0xb8;
	[tilespmem:$0x18200] =	vst v63  }
0x58e: {  	s23 =	simm.s32 $0xCA00  }
0x58f: {  	[tilespmem:s23], [sflag:$0x4] =	stream.indirect_vreg.gather [hbm4b:s6+s3], $0x80, v34, vm0, $0xb8;
	[tilespmem:$0x18200] =	vst v63  }
0x590: {  	s23 =	simm.s32 $0xD200  }
0x591: {  	[tilespmem:s23], [sflag:$0x4] =	stream.indirect_vreg.gather [hbm4b:s7+s3], $0x80, v34, vm0, $0xb8;
	[tilespmem:$0x18200] =	vst v63  }
0x592: {  	s23 =	simm.s32 $0xDA00  }
0x593: {  	[tilespmem:s23], [sflag:$0x4] =	stream.indirect_vreg.gather [hbm4b:s8+s3], $0x80, v34, vm0, $0xb8;
	[tilespmem:$0x18200] =	vst v63  }
0x594: {  	s23 =	simm.s32 $0xE200  }
0x595: {  	[tilespmem:s23], [sflag:$0x4] =	stream.indirect_vreg.gather [hbm4b:s9+s3], $0x80, v34, vm0, $0xb8;
	[tilespmem:$0x18200] =	vst v63  }
0x596: {  	s23 =	simm.s32 $0xEA00  }
0x597: {  	[tilespmem:s23], [sflag:$0x4] =	stream.indirect_vreg.gather [hbm4b:s10+s3], $0x80, v34, vm0, $0xb8;
	[tilespmem:$0x18200] =	vst v63  }
0x598: {  	s23 =	simm.s32 $0xF200  }
0x599: {  	[tilespmem:s23], [sflag:$0x4] =	stream.indirect_vreg.gather [hbm4b:s11+s3], $0x80, v34, vm0, $0xb8;
	[tilespmem:$0x18200] =	vst v63  }
0x59a: {  	s23 =	simm.s32 $0xFA00  }
0x59b: {  	[tilespmem:s23], [sflag:$0x4] =	stream.indirect_vreg.gather [hbm4b:s12+s3], $0x80, v34, vm0, $0xb8;
	[tilespmem:$0x18200] =	vst v63  }
0x59c: {  	_ =	swait.ge [sflag:s1], $0x4000  }
0x59d: {  	s23 =	sld [smem:$0x7D3]  }
0x59e: {  	[sflag:s1] =	ssyncset.done $0x0  }
0x59f: {  	[sflag:s1] =	ssyncadd.s32 $0xFFFFC000  }
0x5a0: {  	[hbm4b:s23+s3] =	stream.linear.scatter [tilespmem:s25], [sflag:$0x8], $0x4000, $0x38;
	[tilespmem:$0x18200] =	vst v63  }
0x5a1: {  	_ =	swait.ge [sflag:s26], $0x4000  }
0x5a2: {  	[sflag:s26] =	ssyncset.done $0x0  }
0x5a3: {  	[sflag:s26] =	ssyncadd.s32 $0xFFFFC000  }
0x5a4: {  	v56 =	vld.msk [tilespmem:$0x170], $0xff;
	_ =	sdelay $0x4  }
0x5a5: {  	v57 =	vshll.u32 v56, $0x4  }
0x5a6: {  	v34 =	vand.u32 $0x7, v56;
	v35 =	vand.u32 $0xFFFFFF80, v57  }
0x5a7: {  	v34 =	vor.u32 v34, v35  }
0x5a8: {  	v34 =	vperm.xlane v34, v32;
	_ =	sdelay $0x1  }
0x5a9: {  	v34 =	vadd.s32 v33, v34;
	_ =	sdelay $0x4  }
0x5aa: {  	[tilespmem:s17], [sflag:$0x5] =	stream.indirect_vreg.gather [hbm4b:s2+s3], $0x80, v34, vm0, $0xb8;
	[tilespmem:$0x18200] =	vst v63  }
0x5ab: {  	s23 =	simm.s32 $0x10A00  }
0x5ac: {  	[tilespmem:s23], [sflag:$0x5] =	stream.indirect_vreg.gather [hbm4b:s6+s3], $0x80, v34, vm0, $0xb8;
	[tilespmem:$0x18200] =	vst v63  }
0x5ad: {  	s21 =	simm.s32 $0x11200  }
0x5ae: {  	[tilespmem:s21], [sflag:$0x5] =	stream.indirect_vreg.gather [hbm4b:s7+s3], $0x80, v34, vm0, $0xb8;
	[tilespmem:$0x18200] =	vst v63  }
0x5af: {  	s23 =	simm.s32 $0x11A00  }
0x5b0: {  	[tilespmem:s23], [sflag:$0x5] =	stream.indirect_vreg.gather [hbm4b:s8+s3], $0x80, v34, vm0, $0xb8;
	[tilespmem:$0x18200] =	vst v63  }
0x5b1: {  	s30 =	simm.s32 $0x12200  }
0x5b2: {  	[tilespmem:s30], [sflag:$0x5] =	stream.indirect_vreg.gather [hbm4b:s9+s3], $0x80, v34, vm0, $0xb8;
	[tilespmem:$0x18200] =	vst v63  }
0x5b3: {  	s30 =	simm.s32 $0x12A00  }
0x5b4: {  	[tilespmem:s30], [sflag:$0x5] =	stream.indirect_vreg.gather [hbm4b:s10+s3], $0x80, v34, vm0, $0xb8;
	[tilespmem:$0x18200] =	vst v63  }
0x5b5: {  	s23 =	simm.s32 $0x13200  }
0x5b6: {  	[tilespmem:s23], [sflag:$0x5] =	stream.indirect_vreg.gather [hbm4b:s11+s3], $0x80, v34, vm0, $0xb8;
	[tilespmem:$0x18200] =	vst v63  }
0x5b7: {  	s30 =	simm.s32 $0x13A00  }
0x5b8: {  	[tilespmem:s30], [sflag:$0x5] =	stream.indirect_vreg.gather [hbm4b:s12+s3], $0x80, v34, vm0, $0xb8;
	[tilespmem:$0x18200] =	vst v63  }
0x5b9: {  	_ =	swait.ge [sflag:s15], $0x4000  }
0x5ba: {  	s21 =	sld [smem:$0x7D4]  }
0x5bb: {  	[sflag:s15] =	ssyncset.done $0x0  }
0x5bc: {  	[sflag:s15] =	ssyncadd.s32 $0xFFFFC000  }
0x5bd: {  	[hbm4b:s21+s3] =	stream.linear.scatter [tilespmem:s14], [sflag:$0x9], $0x4000, $0x38;
	[tilespmem:$0x18200] =	vst v63  }
0x5be: {  	_ =	swait.ge [sflag:s29], $0x4000  }
0x5bf: {  	[sflag:s29] =	ssyncset.done $0x0  }
0x5c0: {  	[sflag:s29] =	ssyncadd.s32 $0xFFFFC000  }
0x5c1: {  	v58 =	vld.msk [tilespmem:$0x178], $0xff;
	_ =	sdelay $0x4  }
0x5c2: {  	v59 =	vshll.u32 v58, $0x4  }
0x5c3: {  	v34 =	vand.u32 $0x7, v58;
	v35 =	vand.u32 $0xFFFFFF80, v59  }
0x5c4: {  	v34 =	vor.u32 v34, v35  }
0x5c5: {  	v34 =	vperm.xlane v34, v32;
	_ =	sdelay $0x1  }
0x5c6: {  	v34 =	vadd.s32 v33, v34;
	_ =	sdelay $0x4  }
0x5c7: {  	[tilespmem:s28], [sflag:$0x6] =	stream.indirect_vreg.gather [hbm4b:s2+s3], $0x80, v34, vm0, $0xb8;
	[tilespmem:$0x18200] =	vst v63  }
0x5c8: {  	s30 =	simm.s32 $0x14A00  }
0x5c9: {  	[tilespmem:s30], [sflag:$0x6] =	stream.indirect_vreg.gather [hbm4b:s6+s3], $0x80, v34, vm0, $0xb8;
	[tilespmem:$0x18200] =	vst v63  }
0x5ca: {  	s23 =	simm.s32 $0x15200  }
0x5cb: {  	[tilespmem:s23], [sflag:$0x6] =	stream.indirect_vreg.gather [hbm4b:s7+s3], $0x80, v34, vm0, $0xb8;
	[tilespmem:$0x18200] =	vst v63  }
0x5cc: {  	s24 =	simm.s32 $0x15A00  }
0x5cd: {  	[tilespmem:s24], [sflag:$0x6] =	stream.indirect_vreg.gather [hbm4b:s8+s3], $0x80, v34, vm0, $0xb8;
	[tilespmem:$0x18200] =	vst v63  }
0x5ce: {  	s30 =	simm.s32 $0x16200  }
0x5cf: {  	[tilespmem:s30], [sflag:$0x6] =	stream.indirect_vreg.gather [hbm4b:s9+s3], $0x80, v34, vm0, $0xb8;
	[tilespmem:$0x18200] =	vst v63  }
0x5d0: {  	s23 =	simm.s32 $0x16A00  }
0x5d1: {  	[tilespmem:s23], [sflag:$0x6] =	stream.indirect_vreg.gather [hbm4b:s10+s3], $0x80, v34, vm0, $0xb8;
	[tilespmem:$0x18200] =	vst v63  }
0x5d2: {  	s24 =	simm.s32 $0x17200  }
0x5d3: {  	[tilespmem:s24], [sflag:$0x6] =	stream.indirect_vreg.gather [hbm4b:s11+s3], $0x80, v34, vm0, $0xb8;
	[tilespmem:$0x18200] =	vst v63  }
0x5d4: {  	s30 =	simm.s32 $0x17A00  }
0x5d5: {  	[tilespmem:s30], [sflag:$0x6] =	stream.indirect_vreg.gather [hbm4b:s12+s3], $0x80, v34, vm0, $0xb8;
	[tilespmem:$0x18200] =	vst v63  }
0x5d6: {  	_ =	swait.ge [sflag:s4], $0x4000  }
0x5d7: {  	s21 =	sld [smem:$0x7D5]  }
0x5d8: {  	[sflag:s4] =	ssyncset.done $0x0  }
0x5d9: {  	[sflag:s4] =	ssyncadd.s32 $0xFFFFC000  }
0x5da: {  	[hbm4b:s21+s3] =	stream.linear.scatter [tilespmem:s5], [sflag:$0xA], $0x4000, $0x38;
	[tilespmem:$0x18200] =	vst v63  }
0x5db: {  	_ =	swait.ge [sflag:s16], $0x4000  }
0x5dc: {  	[sflag:s16] =	ssyncset.done $0x0  }
0x5dd: {  	[sflag:s16] =	ssyncadd.s32 $0xFFFFC000  }
0x5de: {  	v60 =	vld.msk [tilespmem:$0x180], $0xff;
	_ =	sdelay $0x4  }
0x5df: {  	v61 =	vshll.u32 v60, $0x4  }
0x5e0: {  	v34 =	vand.u32 $0x7, v60;
	v35 =	vand.u32 $0xFFFFFF80, v61  }
0x5e1: {  	v34 =	vor.u32 v34, v35  }
0x5e2: {  	v34 =	vperm.xlane v34, v32;
	_ =	sdelay $0x1  }
0x5e3: {  	v34 =	vadd.s32 v33, v34;
	_ =	sdelay $0x4  }
0x5e4: {  	[tilespmem:s22], [sflag:$0x1] =	stream.indirect_vreg.gather [hbm4b:s2+s3], $0x80, v34, vm0, $0xb8;
	[tilespmem:$0x18200] =	vst v63  }
0x5e5: {  	s23 =	simm.s32 $0xA00  }
0x5e6: {  	[tilespmem:s23], [sflag:$0x1] =	stream.indirect_vreg.gather [hbm4b:s6+s3], $0x80, v34, vm0, $0xb8;
	[tilespmem:$0x18200] =	vst v63  }
0x5e7: {  	s24 =	simm.s32 $0x1200  }
0x5e8: {  	[tilespmem:s24], [sflag:$0x1] =	stream.indirect_vreg.gather [hbm4b:s7+s3], $0x80, v34, vm0, $0xb8;
	[tilespmem:$0x18200] =	vst v63  }
0x5e9: {  	s30 =	simm.s32 $0x1A00  }
0x5ea: {  	[tilespmem:s30], [sflag:$0x1] =	stream.indirect_vreg.gather [hbm4b:s8+s3], $0x80, v34, vm0, $0xb8;
	[tilespmem:$0x18200] =	vst v63  }
0x5eb: {  	s23 =	simm.s32 $0x2200  }
0x5ec: {  	[tilespmem:s23], [sflag:$0x1] =	stream.indirect_vreg.gather [hbm4b:s9+s3], $0x80, v34, vm0, $0xb8;
	[tilespmem:$0x18200] =	vst v63  }
0x5ed: {  	s24 =	simm.s32 $0x2A00  }
0x5ee: {  	[tilespmem:s24], [sflag:$0x1] =	stream.indirect_vreg.gather [hbm4b:s10+s3], $0x80, v34, vm0, $0xb8;
	[tilespmem:$0x18200] =	vst v63  }
0x5ef: {  	s30 =	simm.s32 $0x3200  }
0x5f0: {  	[tilespmem:s30], [sflag:$0x1] =	stream.indirect_vreg.gather [hbm4b:s11+s3], $0x80, v34, vm0, $0xb8;
	[tilespmem:$0x18200] =	vst v63  }
0x5f1: {  	s23 =	simm.s32 $0x3A00  }
0x5f2: {  	[tilespmem:s23], [sflag:$0x1] =	stream.indirect_vreg.gather [hbm4b:s12+s3], $0x80, v34, vm0, $0xb8;
	[tilespmem:$0x18200] =	vst v63  }
0x5f3: {  	_ =	swait.ge [sflag:s13], $0x4000  }
0x5f4: {  	s24 =	sld [smem:$0x7D6]  }
0x5f5: {  	[sflag:s13] =	ssyncset.done $0x0  }
0x5f6: {  	[sflag:s13] =	ssyncadd.s32 $0xFFFFC000  }
0x5f7: {  	[hbm4b:s24+s3] =	stream.linear.scatter [tilespmem:s17], [sflag:$0xB], $0x4000, $0x38;
	[tilespmem:$0x18200] =	vst v63  }
0x5f8: {  	_ =	swait.ge [sflag:s18], $0x4000  }
0x5f9: {  	[sflag:s18] =	ssyncset.done $0x0  }
0x5fa: {  	[sflag:s18] =	ssyncadd.s32 $0xFFFFC000  }
0x5fb: {  	v62 =	vld.msk [tilespmem:$0x188], $0xff;
	_ =	sdelay $0x4  }
0x5fc: {  	v63 =	vshll.u32 v62, $0x4  }
0x5fd: {  	v34 =	vand.u32 $0x7, v62;
	v35 =	vand.u32 $0xFFFFFF80, v63  }
0x5fe: {  	v34 =	vor.u32 v34, v35  }
0x5ff: {  	v34 =	vperm.xlane v34, v32;
	_ =	sdelay $0x1  }
0x600: {  	v34 =	vadd.s32 v33, v34;
	_ =	sdelay $0x4  }
0x601: {  	[tilespmem:s25], [sflag:$0x2] =	stream.indirect_vreg.gather [hbm4b:s2+s3], $0x80, v34, vm0, $0xb8;
	[tilespmem:$0x18200] =	vst v63  }
0x602: {  	s30 =	simm.s32 $0x4A00  }
0x603: {  	[tilespmem:s30], [sflag:$0x2] =	stream.indirect_vreg.gather [hbm4b:s6+s3], $0x80, v34, vm0, $0xb8;
	[tilespmem:$0x18200] =	vst v63  }
0x604: {  	s23 =	simm.s32 $0x5200  }
0x605: {  	[tilespmem:s23], [sflag:$0x2] =	stream.indirect_vreg.gather [hbm4b:s7+s3], $0x80, v34, vm0, $0xb8;
	[tilespmem:$0x18200] =	vst v63  }
0x606: {  	s24 =	simm.s32 $0x5A00  }
0x607: {  	[tilespmem:s24], [sflag:$0x2] =	stream.indirect_vreg.gather [hbm4b:s8+s3], $0x80, v34, vm0, $0xb8;
	[tilespmem:$0x18200] =	vst v63  }
0x608: {  	s30 =	simm.s32 $0x6200  }
0x609: {  	[tilespmem:s30], [sflag:$0x2] =	stream.indirect_vreg.gather [hbm4b:s9+s3], $0x80, v34, vm0, $0xb8;
	[tilespmem:$0x18200] =	vst v63  }
0x60a: {  	s23 =	simm.s32 $0x6A00  }
0x60b: {  	[tilespmem:s23], [sflag:$0x2] =	stream.indirect_vreg.gather [hbm4b:s10+s3], $0x80, v34, vm0, $0xb8;
	[tilespmem:$0x18200] =	vst v63  }
0x60c: {  	s24 =	simm.s32 $0x7200  }
0x60d: {  	[tilespmem:s24], [sflag:$0x2] =	stream.indirect_vreg.gather [hbm4b:s11+s3], $0x80, v34, vm0, $0xb8;
	[tilespmem:$0x18200] =	vst v63  }
0x60e: {  	s30 =	simm.s32 $0x7A00  }
0x60f: {  	[tilespmem:s30], [sflag:$0x2] =	stream.indirect_vreg.gather [hbm4b:s12+s3], $0x80, v34, vm0, $0xb8;
	[tilespmem:$0x18200] =	vst v63  }
0x610: {  	_ =	swait.ge [sflag:s20], $0x4000  }
0x611: {  	s21 =	sld [smem:$0x7D7]  }
0x612: {  	[sflag:s20] =	ssyncset.done $0x0  }
0x613: {  	[sflag:s20] =	ssyncadd.s32 $0xFFFFC000  }
0x614: {  	[hbm4b:s21+s3] =	stream.linear.scatter [tilespmem:s28], [sflag:$0xC], $0x4000, $0x38;
	[tilespmem:$0x18200] =	vst v63  }
0x615: {  	_ =	swait.ge [sflag:s19], $0x4000  }
0x616: {  	[sflag:s19] =	ssyncset.done $0x0  }
0x617: {  	[sflag:s19] =	ssyncadd.s32 $0xFFFFC000  }
0x618: {  	v36 =	vld.msk [tilespmem:$0x190], $0xff;
	_ =	sdelay $0x4  }
0x619: {  	v37 =	vshll.u32 v36, $0x4  }
0x61a: {  	v34 =	vand.u32 $0x7, v36;
	v35 =	vand.u32 $0xFFFFFF80, v37  }
0x61b: {  	v34 =	vor.u32 v34, v35  }
0x61c: {  	v34 =	vperm.xlane v34, v32;
	_ =	sdelay $0x1  }
0x61d: {  	v34 =	vadd.s32 v33, v34;
	_ =	sdelay $0x4  }
0x61e: {  	[tilespmem:s14], [sflag:$0x3] =	stream.indirect_vreg.gather [hbm4b:s2+s3], $0x80, v34, vm0, $0xb8;
	[tilespmem:$0x18200] =	vst v63  }
0x61f: {  	s23 =	simm.s32 $0x8A00  }
0x620: {  	[tilespmem:s23], [sflag:$0x3] =	stream.indirect_vreg.gather [hbm4b:s6+s3], $0x80, v34, vm0, $0xb8;
	[tilespmem:$0x18200] =	vst v63  }
0x621: {  	s24 =	simm.s32 $0x9200  }
0x622: {  	[tilespmem:s24], [sflag:$0x3] =	stream.indirect_vreg.gather [hbm4b:s7+s3], $0x80, v34, vm0, $0xb8;
	[tilespmem:$0x18200] =	vst v63  }
0x623: {  	s30 =	simm.s32 $0x9A00  }
0x624: {  	[tilespmem:s30], [sflag:$0x3] =	stream.indirect_vreg.gather [hbm4b:s8+s3], $0x80, v34, vm0, $0xb8;
	[tilespmem:$0x18200] =	vst v63  }
0x625: {  	s23 =	simm.s32 $0xA200  }
0x626: {  	[tilespmem:s23], [sflag:$0x3] =	stream.indirect_vreg.gather [hbm4b:s9+s3], $0x80, v34, vm0, $0xb8;
	[tilespmem:$0x18200] =	vst v63  }
0x627: {  	s24 =	simm.s32 $0xAA00  }
0x628: {  	[tilespmem:s24], [sflag:$0x3] =	stream.indirect_vreg.gather [hbm4b:s10+s3], $0x80, v34, vm0, $0xb8;
	[tilespmem:$0x18200] =	vst v63  }
0x629: {  	s30 =	simm.s32 $0xB200  }
0x62a: {  	[tilespmem:s30], [sflag:$0x3] =	stream.indirect_vreg.gather [hbm4b:s11+s3], $0x80, v34, vm0, $0xb8;
	[tilespmem:$0x18200] =	vst v63  }
0x62b: {  	s23 =	simm.s32 $0xBA00  }
0x62c: {  	[tilespmem:s23], [sflag:$0x3] =	stream.indirect_vreg.gather [hbm4b:s12+s3], $0x80, v34, vm0, $0xb8;
	[tilespmem:$0x18200] =	vst v63  }
0x62d: {  	_ =	swait.ge [sflag:s31], $0x4000  }
0x62e: {  	s24 =	sld [smem:$0x7D8]  }
0x62f: {  	[sflag:s31] =	ssyncset.done $0x0  }
0x630: {  	[sflag:s31] =	ssyncadd.s32 $0xFFFFC000  }
0x631: {  	[hbm4b:s24+s3] =	stream.linear.scatter [tilespmem:s22], [sflag:$0x7], $0x4000, $0x38;
	[tilespmem:$0x18200] =	vst v63  }
0x632: {  	_ =	swait.ge [sflag:s0], $0x4000  }
0x633: {  	[sflag:s0] =	ssyncset.done $0x0  }
0x634: {  	[sflag:s0] =	ssyncadd.s32 $0xFFFFC000  }
0x635: {  	v38 =	vld.msk [tilespmem:$0x198], $0xff;
	_ =	sdelay $0x4  }
0x636: {  	v39 =	vshll.u32 v38, $0x4  }
0x637: {  	v34 =	vand.u32 $0x7, v38;
	v35 =	vand.u32 $0xFFFFFF80, v39  }
0x638: {  	v34 =	vor.u32 v34, v35  }
0x639: {  	v34 =	vperm.xlane v34, v32;
	_ =	sdelay $0x1  }
0x63a: {  	v34 =	vadd.s32 v33, v34;
	_ =	sdelay $0x4  }
0x63b: {  	[tilespmem:s5], [sflag:$0x4] =	stream.indirect_vreg.gather [hbm4b:s2+s3], $0x80, v34, vm0, $0xb8;
	[tilespmem:$0x18200] =	vst v63  }
0x63c: {  	s30 =	simm.s32 $0xCA00  }
0x63d: {  	[tilespmem:s30], [sflag:$0x4] =	stream.indirect_vreg.gather [hbm4b:s6+s3], $0x80, v34, vm0, $0xb8;
	[tilespmem:$0x18200] =	vst v63  }
0x63e: {  	s23 =	simm.s32 $0xD200  }
0x63f: {  	[tilespmem:s23], [sflag:$0x4] =	stream.indirect_vreg.gather [hbm4b:s7+s3], $0x80, v34, vm0, $0xb8;
	[tilespmem:$0x18200] =	vst v63  }
0x640: {  	s24 =	simm.s32 $0xDA00  }
0x641: {  	[tilespmem:s24], [sflag:$0x4] =	stream.indirect_vreg.gather [hbm4b:s8+s3], $0x80, v34, vm0, $0xb8;
	[tilespmem:$0x18200] =	vst v63  }
0x642: {  	s30 =	simm.s32 $0xE200  }
0x643: {  	[tilespmem:s30], [sflag:$0x4] =	stream.indirect_vreg.gather [hbm4b:s9+s3], $0x80, v34, vm0, $0xb8;
	[tilespmem:$0x18200] =	vst v63  }
0x644: {  	s23 =	simm.s32 $0xEA00  }
0x645: {  	[tilespmem:s23], [sflag:$0x4] =	stream.indirect_vreg.gather [hbm4b:s10+s3], $0x80, v34, vm0, $0xb8;
	[tilespmem:$0x18200] =	vst v63  }
0x646: {  	s24 =	simm.s32 $0xF200  }
0x647: {  	[tilespmem:s24], [sflag:$0x4] =	stream.indirect_vreg.gather [hbm4b:s11+s3], $0x80, v34, vm0, $0xb8;
	[tilespmem:$0x18200] =	vst v63  }
0x648: {  	s30 =	simm.s32 $0xFA00  }
0x649: {  	[tilespmem:s30], [sflag:$0x4] =	stream.indirect_vreg.gather [hbm4b:s12+s3], $0x80, v34, vm0, $0xb8;
	[tilespmem:$0x18200] =	vst v63  }
0x64a: {  	_ =	swait.ge [sflag:s1], $0x4000  }
0x64b: {  	s21 =	sld [smem:$0x7D9]  }
0x64c: {  	[sflag:s1] =	ssyncset.done $0x0  }
0x64d: {  	[sflag:s1] =	ssyncadd.s32 $0xFFFFC000  }
0x64e: {  	[hbm4b:s21+s3] =	stream.linear.scatter [tilespmem:s25], [sflag:$0x8], $0x4000, $0x38;
	[tilespmem:$0x18200] =	vst v63  }
0x64f: {  	_ =	swait.ge [sflag:s26], $0x4000  }
0x650: {  	[sflag:s26] =	ssyncset.done $0x0  }
0x651: {  	[sflag:s26] =	ssyncadd.s32 $0xFFFFC000  }
0x652: {  	v40 =	vld.msk [tilespmem:$0x1A0], $0xff;
	_ =	sdelay $0x4  }
0x653: {  	v41 =	vshll.u32 v40, $0x4  }
0x654: {  	v34 =	vand.u32 $0x7, v40;
	v35 =	vand.u32 $0xFFFFFF80, v41  }
0x655: {  	v34 =	vor.u32 v34, v35  }
0x656: {  	v34 =	vperm.xlane v34, v32;
	_ =	sdelay $0x1  }
0x657: {  	v34 =	vadd.s32 v33, v34;
	_ =	sdelay $0x4  }
0x658: {  	[tilespmem:s17], [sflag:$0x5] =	stream.indirect_vreg.gather [hbm4b:s2+s3], $0x80, v34, vm0, $0xb8;
	[tilespmem:$0x18200] =	vst v63  }
0x659: {  	s23 =	simm.s32 $0x10A00  }
0x65a: {  	[tilespmem:s23], [sflag:$0x5] =	stream.indirect_vreg.gather [hbm4b:s6+s3], $0x80, v34, vm0, $0xb8;
	[tilespmem:$0x18200] =	vst v63  }
0x65b: {  	s24 =	simm.s32 $0x11200  }
0x65c: {  	[tilespmem:s24], [sflag:$0x5] =	stream.indirect_vreg.gather [hbm4b:s7+s3], $0x80, v34, vm0, $0xb8;
	[tilespmem:$0x18200] =	vst v63  }
0x65d: {  	s30 =	simm.s32 $0x11A00  }
0x65e: {  	[tilespmem:s30], [sflag:$0x5] =	stream.indirect_vreg.gather [hbm4b:s8+s3], $0x80, v34, vm0, $0xb8;
	[tilespmem:$0x18200] =	vst v63  }
0x65f: {  	s23 =	simm.s32 $0x12200  }
0x660: {  	[tilespmem:s23], [sflag:$0x5] =	stream.indirect_vreg.gather [hbm4b:s9+s3], $0x80, v34, vm0, $0xb8;
	[tilespmem:$0x18200] =	vst v63  }
0x661: {  	s23 =	simm.s32 $0x12A00  }
0x662: {  	[tilespmem:s23], [sflag:$0x5] =	stream.indirect_vreg.gather [hbm4b:s10+s3], $0x80, v34, vm0, $0xb8;
	[tilespmem:$0x18200] =	vst v63  }
0x663: {  	s23 =	simm.s32 $0x13200  }
0x664: {  	[tilespmem:s23], [sflag:$0x5] =	stream.indirect_vreg.gather [hbm4b:s11+s3], $0x80, v34, vm0, $0xb8;
	[tilespmem:$0x18200] =	vst v63  }
0x665: {  	s23 =	simm.s32 $0x13A00  }
0x666: {  	[tilespmem:s23], [sflag:$0x5] =	stream.indirect_vreg.gather [hbm4b:s12+s3], $0x80, v34, vm0, $0xb8;
	[tilespmem:$0x18200] =	vst v63  }
0x667: {  	_ =	swait.ge [sflag:s15], $0x4000  }
0x668: {  	s23 =	sld [smem:$0x7DA]  }
0x669: {  	[sflag:s15] =	ssyncset.done $0x0  }
0x66a: {  	[sflag:s15] =	ssyncadd.s32 $0xFFFFC000  }
0x66b: {  	[hbm4b:s23+s3] =	stream.linear.scatter [tilespmem:s14], [sflag:$0x9], $0x4000, $0x38;
	[tilespmem:$0x18200] =	vst v63  }
0x66c: {  	_ =	swait.ge [sflag:s29], $0x4000  }
0x66d: {  	[sflag:s29] =	ssyncset.done $0x0  }
0x66e: {  	[sflag:s29] =	ssyncadd.s32 $0xFFFFC000  }
0x66f: {  	v42 =	vld.msk [tilespmem:$0x1A8], $0xff;
	_ =	sdelay $0x4  }
0x670: {  	v43 =	vshll.u32 v42, $0x4  }
0x671: {  	v34 =	vand.u32 $0x7, v42;
	v35 =	vand.u32 $0xFFFFFF80, v43  }
0x672: {  	v34 =	vor.u32 v34, v35  }
0x673: {  	v34 =	vperm.xlane v34, v32;
	_ =	sdelay $0x1  }
0x674: {  	v34 =	vadd.s32 v33, v34;
	_ =	sdelay $0x4  }
0x675: {  	[tilespmem:s28], [sflag:$0x6] =	stream.indirect_vreg.gather [hbm4b:s2+s3], $0x80, v34, vm0, $0xb8;
	[tilespmem:$0x18200] =	vst v63  }
0x676: {  	s23 =	simm.s32 $0x14A00  }
0x677: {  	[tilespmem:s23], [sflag:$0x6] =	stream.indirect_vreg.gather [hbm4b:s6+s3], $0x80, v34, vm0, $0xb8;
	[tilespmem:$0x18200] =	vst v63  }
0x678: {  	s23 =	simm.s32 $0x15200  }
0x679: {  	[tilespmem:s23], [sflag:$0x6] =	stream.indirect_vreg.gather [hbm4b:s7+s3], $0x80, v34, vm0, $0xb8;
	[tilespmem:$0x18200] =	vst v63  }
0x67a: {  	s23 =	simm.s32 $0x15A00  }
0x67b: {  	[tilespmem:s23], [sflag:$0x6] =	stream.indirect_vreg.gather [hbm4b:s8+s3], $0x80, v34, vm0, $0xb8;
	[tilespmem:$0x18200] =	vst v63  }
0x67c: {  	s23 =	simm.s32 $0x16200  }
0x67d: {  	[tilespmem:s23], [sflag:$0x6] =	stream.indirect_vreg.gather [hbm4b:s9+s3], $0x80, v34, vm0, $0xb8;
	[tilespmem:$0x18200] =	vst v63  }
0x67e: {  	s23 =	simm.s32 $0x16A00  }
0x67f: {  	[tilespmem:s23], [sflag:$0x6] =	stream.indirect_vreg.gather [hbm4b:s10+s3], $0x80, v34, vm0, $0xb8;
	[tilespmem:$0x18200] =	vst v63  }
0x680: {  	s23 =	simm.s32 $0x17200  }
0x681: {  	[tilespmem:s23], [sflag:$0x6] =	stream.indirect_vreg.gather [hbm4b:s11+s3], $0x80, v34, vm0, $0xb8;
	[tilespmem:$0x18200] =	vst v63  }
0x682: {  	s23 =	simm.s32 $0x17A00  }
0x683: {  	[tilespmem:s23], [sflag:$0x6] =	stream.indirect_vreg.gather [hbm4b:s12+s3], $0x80, v34, vm0, $0xb8;
	[tilespmem:$0x18200] =	vst v63  }
0x684: {  	_ =	swait.ge [sflag:s4], $0x4000  }
0x685: {  	s23 =	sld [smem:$0x7DB]  }
0x686: {  	[sflag:s4] =	ssyncset.done $0x0  }
0x687: {  	[sflag:s4] =	ssyncadd.s32 $0xFFFFC000  }
0x688: {  	[hbm4b:s23+s3] =	stream.linear.scatter [tilespmem:s5], [sflag:$0xA], $0x4000, $0x38;
	[tilespmem:$0x18200] =	vst v63  }
0x689: {  	_ =	swait.ge [sflag:s16], $0x4000  }
0x68a: {  	[sflag:s16] =	ssyncset.done $0x0  }
0x68b: {  	[sflag:s16] =	ssyncadd.s32 $0xFFFFC000  }
0x68c: {  	v44 =	vld.msk [tilespmem:$0x1B0], $0xff;
	_ =	sdelay $0x4  }
0x68d: {  	v45 =	vshll.u32 v44, $0x4  }
0x68e: {  	v34 =	vand.u32 $0x7, v44;
	v35 =	vand.u32 $0xFFFFFF80, v45  }
0x68f: {  	v34 =	vor.u32 v34, v35  }
0x690: {  	v34 =	vperm.xlane v34, v32;
	_ =	sdelay $0x1  }
0x691: {  	v34 =	vadd.s32 v33, v34;
	_ =	sdelay $0x4  }
0x692: {  	[tilespmem:s22], [sflag:$0x1] =	stream.indirect_vreg.gather [hbm4b:s2+s3], $0x80, v34, vm0, $0xb8;
	[tilespmem:$0x18200] =	vst v63  }
0x693: {  	s23 =	simm.s32 $0xA00  }
0x694: {  	[tilespmem:s23], [sflag:$0x1] =	stream.indirect_vreg.gather [hbm4b:s6+s3], $0x80, v34, vm0, $0xb8;
	[tilespmem:$0x18200] =	vst v63  }
0x695: {  	s23 =	simm.s32 $0x1200  }
0x696: {  	[tilespmem:s23], [sflag:$0x1] =	stream.indirect_vreg.gather [hbm4b:s7+s3], $0x80, v34, vm0, $0xb8;
	[tilespmem:$0x18200] =	vst v63  }
0x697: {  	s23 =	simm.s32 $0x1A00  }
0x698: {  	[tilespmem:s23], [sflag:$0x1] =	stream.indirect_vreg.gather [hbm4b:s8+s3], $0x80, v34, vm0, $0xb8;
	[tilespmem:$0x18200] =	vst v63  }
0x699: {  	s23 =	simm.s32 $0x2200  }
0x69a: {  	[tilespmem:s23], [sflag:$0x1] =	stream.indirect_vreg.gather [hbm4b:s9+s3], $0x80, v34, vm0, $0xb8;
	[tilespmem:$0x18200] =	vst v63  }
0x69b: {  	s23 =	simm.s32 $0x2A00  }
0x69c: {  	[tilespmem:s23], [sflag:$0x1] =	stream.indirect_vreg.gather [hbm4b:s10+s3], $0x80, v34, vm0, $0xb8;
	[tilespmem:$0x18200] =	vst v63  }
0x69d: {  	s23 =	simm.s32 $0x3200  }
0x69e: {  	[tilespmem:s23], [sflag:$0x1] =	stream.indirect_vreg.gather [hbm4b:s11+s3], $0x80, v34, vm0, $0xb8;
	[tilespmem:$0x18200] =	vst v63  }
0x69f: {  	s23 =	simm.s32 $0x3A00  }
0x6a0: {  	[tilespmem:s23], [sflag:$0x1] =	stream.indirect_vreg.gather [hbm4b:s12+s3], $0x80, v34, vm0, $0xb8;
	[tilespmem:$0x18200] =	vst v63  }
0x6a1: {  	_ =	swait.ge [sflag:s13], $0x4000  }
0x6a2: {  	s23 =	sld [smem:$0x7DC]  }
0x6a3: {  	[sflag:s13] =	ssyncset.done $0x0  }
0x6a4: {  	[sflag:s13] =	ssyncadd.s32 $0xFFFFC000  }
0x6a5: {  	[hbm4b:s23+s3] =	stream.linear.scatter [tilespmem:s17], [sflag:$0xB], $0x4000, $0x38;
	[tilespmem:$0x18200] =	vst v63  }
0x6a6: {  	_ =	swait.ge [sflag:s18], $0x4000  }
0x6a7: {  	[sflag:s18] =	ssyncset.done $0x0  }
0x6a8: {  	[sflag:s18] =	ssyncadd.s32 $0xFFFFC000  }
0x6a9: {  	v46 =	vld.msk [tilespmem:$0x1B8], $0xff;
	_ =	sdelay $0x4  }
0x6aa: {  	v47 =	vshll.u32 v46, $0x4  }
0x6ab: {  	v34 =	vand.u32 $0x7, v46;
	v35 =	vand.u32 $0xFFFFFF80, v47  }
0x6ac: {  	v34 =	vor.u32 v34, v35  }
0x6ad: {  	v34 =	vperm.xlane v34, v32;
	_ =	sdelay $0x1  }
0x6ae: {  	v34 =	vadd.s32 v33, v34;
	_ =	sdelay $0x4  }
0x6af: {  	[tilespmem:s25], [sflag:$0x2] =	stream.indirect_vreg.gather [hbm4b:s2+s3], $0x80, v34, vm0, $0xb8;
	[tilespmem:$0x18200] =	vst v63  }
0x6b0: {  	s23 =	simm.s32 $0x4A00  }
0x6b1: {  	[tilespmem:s23], [sflag:$0x2] =	stream.indirect_vreg.gather [hbm4b:s6+s3], $0x80, v34, vm0, $0xb8;
	[tilespmem:$0x18200] =	vst v63  }
0x6b2: {  	s23 =	simm.s32 $0x5200  }
0x6b3: {  	[tilespmem:s23], [sflag:$0x2] =	stream.indirect_vreg.gather [hbm4b:s7+s3], $0x80, v34, vm0, $0xb8;
	[tilespmem:$0x18200] =	vst v63  }
0x6b4: {  	s23 =	simm.s32 $0x5A00  }
0x6b5: {  	[tilespmem:s23], [sflag:$0x2] =	stream.indirect_vreg.gather [hbm4b:s8+s3], $0x80, v34, vm0, $0xb8;
	[tilespmem:$0x18200] =	vst v63  }
0x6b6: {  	s23 =	simm.s32 $0x6200  }
0x6b7: {  	[tilespmem:s23], [sflag:$0x2] =	stream.indirect_vreg.gather [hbm4b:s9+s3], $0x80, v34, vm0, $0xb8;
	[tilespmem:$0x18200] =	vst v63  }
0x6b8: {  	s23 =	simm.s32 $0x6A00  }
0x6b9: {  	[tilespmem:s23], [sflag:$0x2] =	stream.indirect_vreg.gather [hbm4b:s10+s3], $0x80, v34, vm0, $0xb8;
	[tilespmem:$0x18200] =	vst v63  }
0x6ba: {  	s23 =	simm.s32 $0x7200  }
0x6bb: {  	[tilespmem:s23], [sflag:$0x2] =	stream.indirect_vreg.gather [hbm4b:s11+s3], $0x80, v34, vm0, $0xb8;
	[tilespmem:$0x18200] =	vst v63  }
0x6bc: {  	s23 =	simm.s32 $0x7A00  }
0x6bd: {  	[tilespmem:s23], [sflag:$0x2] =	stream.indirect_vreg.gather [hbm4b:s12+s3], $0x80, v34, vm0, $0xb8;
	[tilespmem:$0x18200] =	vst v63  }
0x6be: {  	_ =	swait.ge [sflag:s20], $0x4000  }
0x6bf: {  	s23 =	sld [smem:$0x7DD]  }
0x6c0: {  	[sflag:s20] =	ssyncset.done $0x0  }
0x6c1: {  	[sflag:s20] =	ssyncadd.s32 $0xFFFFC000  }
0x6c2: {  	[hbm4b:s23+s3] =	stream.linear.scatter [tilespmem:s28], [sflag:$0xC], $0x4000, $0x38;
	[tilespmem:$0x18200] =	vst v63  }
0x6c3: {  	_ =	swait.ge [sflag:s19], $0x4000  }
0x6c4: {  	[sflag:s19] =	ssyncset.done $0x0  }
0x6c5: {  	[sflag:s19] =	ssyncadd.s32 $0xFFFFC000  }
0x6c6: {  	v48 =	vld.msk [tilespmem:$0x1C0], $0xff;
	_ =	sdelay $0x4  }
0x6c7: {  	v49 =	vshll.u32 v48, $0x4  }
0x6c8: {  	v34 =	vand.u32 $0x7, v48;
	v35 =	vand.u32 $0xFFFFFF80, v49  }
0x6c9: {  	v34 =	vor.u32 v34, v35  }
0x6ca: {  	v34 =	vperm.xlane v34, v32;
	_ =	sdelay $0x1  }
0x6cb: {  	v34 =	vadd.s32 v33, v34;
	_ =	sdelay $0x4  }
0x6cc: {  	[tilespmem:s14], [sflag:$0x3] =	stream.indirect_vreg.gather [hbm4b:s2+s3], $0x80, v34, vm0, $0xb8;
	[tilespmem:$0x18200] =	vst v63  }
0x6cd: {  	s23 =	simm.s32 $0x8A00  }
0x6ce: {  	[tilespmem:s23], [sflag:$0x3] =	stream.indirect_vreg.gather [hbm4b:s6+s3], $0x80, v34, vm0, $0xb8;
	[tilespmem:$0x18200] =	vst v63  }
0x6cf: {  	s23 =	simm.s32 $0x9200  }
0x6d0: {  	[tilespmem:s23], [sflag:$0x3] =	stream.indirect_vreg.gather [hbm4b:s7+s3], $0x80, v34, vm0, $0xb8;
	[tilespmem:$0x18200] =	vst v63  }
0x6d1: {  	s23 =	simm.s32 $0x9A00  }
0x6d2: {  	[tilespmem:s23], [sflag:$0x3] =	stream.indirect_vreg.gather [hbm4b:s8+s3], $0x80, v34, vm0, $0xb8;
	[tilespmem:$0x18200] =	vst v63  }
0x6d3: {  	s23 =	simm.s32 $0xA200  }
0x6d4: {  	[tilespmem:s23], [sflag:$0x3] =	stream.indirect_vreg.gather [hbm4b:s9+s3], $0x80, v34, vm0, $0xb8;
	[tilespmem:$0x18200] =	vst v63  }
0x6d5: {  	s23 =	simm.s32 $0xAA00  }
0x6d6: {  	[tilespmem:s23], [sflag:$0x3] =	stream.indirect_vreg.gather [hbm4b:s10+s3], $0x80, v34, vm0, $0xb8;
	[tilespmem:$0x18200] =	vst v63  }
0x6d7: {  	s23 =	simm.s32 $0xB200  }
0x6d8: {  	[tilespmem:s23], [sflag:$0x3] =	stream.indirect_vreg.gather [hbm4b:s11+s3], $0x80, v34, vm0, $0xb8;
	[tilespmem:$0x18200] =	vst v63  }
0x6d9: {  	s23 =	simm.s32 $0xBA00  }
0x6da: {  	[tilespmem:s23], [sflag:$0x3] =	stream.indirect_vreg.gather [hbm4b:s12+s3], $0x80, v34, vm0, $0xb8;
	[tilespmem:$0x18200] =	vst v63  }
0x6db: {  	_ =	swait.ge [sflag:s31], $0x4000  }
0x6dc: {  	s23 =	sld [smem:$0x7DE]  }
0x6dd: {  	[sflag:s31] =	ssyncset.done $0x0  }
0x6de: {  	[sflag:s31] =	ssyncadd.s32 $0xFFFFC000  }
0x6df: {  	[hbm4b:s23+s3] =	stream.linear.scatter [tilespmem:s22], [sflag:$0x7], $0x4000, $0x38;
	[tilespmem:$0x18200] =	vst v63  }
0x6e0: {  	_ =	swait.ge [sflag:s0], $0x4000  }
0x6e1: {  	[sflag:s0] =	ssyncset.done $0x0  }
0x6e2: {  	[sflag:s0] =	ssyncadd.s32 $0xFFFFC000  }
0x6e3: {  	v50 =	vld.msk [tilespmem:$0x1C8], $0xff;
	_ =	sdelay $0x4  }
0x6e4: {  	v51 =	vshll.u32 v50, $0x4  }
0x6e5: {  	v34 =	vand.u32 $0x7, v50;
	v35 =	vand.u32 $0xFFFFFF80, v51  }
0x6e6: {  	v34 =	vor.u32 v34, v35  }
0x6e7: {  	v34 =	vperm.xlane v34, v32;
	_ =	sdelay $0x1  }
0x6e8: {  	v34 =	vadd.s32 v33, v34;
	_ =	sdelay $0x4  }
0x6e9: {  	[tilespmem:s5], [sflag:$0x4] =	stream.indirect_vreg.gather [hbm4b:s2+s3], $0x80, v34, vm0, $0xb8;
	[tilespmem:$0x18200] =	vst v63  }
0x6ea: {  	s23 =	simm.s32 $0xCA00  }
0x6eb: {  	[tilespmem:s23], [sflag:$0x4] =	stream.indirect_vreg.gather [hbm4b:s6+s3], $0x80, v34, vm0, $0xb8;
	[tilespmem:$0x18200] =	vst v63  }
0x6ec: {  	s23 =	simm.s32 $0xD200  }
0x6ed: {  	[tilespmem:s23], [sflag:$0x4] =	stream.indirect_vreg.gather [hbm4b:s7+s3], $0x80, v34, vm0, $0xb8;
	[tilespmem:$0x18200] =	vst v63  }
0x6ee: {  	s23 =	simm.s32 $0xDA00  }
0x6ef: {  	[tilespmem:s23], [sflag:$0x4] =	stream.indirect_vreg.gather [hbm4b:s8+s3], $0x80, v34, vm0, $0xb8;
	[tilespmem:$0x18200] =	vst v63  }
0x6f0: {  	s23 =	simm.s32 $0xE200  }
0x6f1: {  	[tilespmem:s23], [sflag:$0x4] =	stream.indirect_vreg.gather [hbm4b:s9+s3], $0x80, v34, vm0, $0xb8;
	[tilespmem:$0x18200] =	vst v63  }
0x6f2: {  	s23 =	simm.s32 $0xEA00  }
0x6f3: {  	[tilespmem:s23], [sflag:$0x4] =	stream.indirect_vreg.gather [hbm4b:s10+s3], $0x80, v34, vm0, $0xb8;
	[tilespmem:$0x18200] =	vst v63  }
0x6f4: {  	s23 =	simm.s32 $0xF200  }
0x6f5: {  	[tilespmem:s23], [sflag:$0x4] =	stream.indirect_vreg.gather [hbm4b:s11+s3], $0x80, v34, vm0, $0xb8;
	[tilespmem:$0x18200] =	vst v63  }
0x6f6: {  	s23 =	simm.s32 $0xFA00  }
0x6f7: {  	[tilespmem:s23], [sflag:$0x4] =	stream.indirect_vreg.gather [hbm4b:s12+s3], $0x80, v34, vm0, $0xb8;
	[tilespmem:$0x18200] =	vst v63  }
0x6f8: {  	_ =	swait.ge [sflag:s1], $0x4000  }
0x6f9: {  	s23 =	sld [smem:$0x7DF]  }
0x6fa: {  	[sflag:s1] =	ssyncset.done $0x0  }
0x6fb: {  	[sflag:s1] =	ssyncadd.s32 $0xFFFFC000  }
0x6fc: {  	[hbm4b:s23+s3] =	stream.linear.scatter [tilespmem:s25], [sflag:$0x8], $0x4000, $0x38;
	[tilespmem:$0x18200] =	vst v63  }
0x6fd: {  	_ =	swait.ge [sflag:s26], $0x4000  }
0x6fe: {  	[sflag:s26] =	ssyncset.done $0x0  }
0x6ff: {  	[sflag:s26] =	ssyncadd.s32 $0xFFFFC000  }
0x700: {  	v52 =	vld.msk [tilespmem:$0x1D0], $0xff;
	_ =	sdelay $0x4  }
0x701: {  	v53 =	vshll.u32 v52, $0x4  }
0x702: {  	v34 =	vand.u32 $0x7, v52;
	v35 =	vand.u32 $0xFFFFFF80, v53  }
0x703: {  	v34 =	vor.u32 v34, v35  }
0x704: {  	v34 =	vperm.xlane v34, v32;
	_ =	sdelay $0x1  }
0x705: {  	v34 =	vadd.s32 v33, v34;
	_ =	sdelay $0x4  }
0x706: {  	[tilespmem:s17], [sflag:$0x5] =	stream.indirect_vreg.gather [hbm4b:s2+s3], $0x80, v34, vm0, $0xb8;
	[tilespmem:$0x18200] =	vst v63  }
0x707: {  	s21 =	simm.s32 $0x10A00  }
0x708: {  	[tilespmem:s21], [sflag:$0x5] =	stream.indirect_vreg.gather [hbm4b:s6+s3], $0x80, v34, vm0, $0xb8;
	[tilespmem:$0x18200] =	vst v63  }
0x709: {  	s24 =	simm.s32 $0x11200  }
0x70a: {  	[tilespmem:s24], [sflag:$0x5] =	stream.indirect_vreg.gather [hbm4b:s7+s3], $0x80, v34, vm0, $0xb8;
	[tilespmem:$0x18200] =	vst v63  }
0x70b: {  	s30 =	simm.s32 $0x11A00  }
0x70c: {  	[tilespmem:s30], [sflag:$0x5] =	stream.indirect_vreg.gather [hbm4b:s8+s3], $0x80, v34, vm0, $0xb8;
	[tilespmem:$0x18200] =	vst v63  }
0x70d: {  	s30 =	simm.s32 $0x12200  }
0x70e: {  	[tilespmem:s30], [sflag:$0x5] =	stream.indirect_vreg.gather [hbm4b:s9+s3], $0x80, v34, vm0, $0xb8;
	[tilespmem:$0x18200] =	vst v63  }
0x70f: {  	s23 =	simm.s32 $0x12A00  }
0x710: {  	[tilespmem:s23], [sflag:$0x5] =	stream.indirect_vreg.gather [hbm4b:s10+s3], $0x80, v34, vm0, $0xb8;
	[tilespmem:$0x18200] =	vst v63  }
0x711: {  	s24 =	simm.s32 $0x13200  }
0x712: {  	[tilespmem:s24], [sflag:$0x5] =	stream.indirect_vreg.gather [hbm4b:s11+s3], $0x80, v34, vm0, $0xb8;
	[tilespmem:$0x18200] =	vst v63  }
0x713: {  	s30 =	simm.s32 $0x13A00  }
0x714: {  	[tilespmem:s30], [sflag:$0x5] =	stream.indirect_vreg.gather [hbm4b:s12+s3], $0x80, v34, vm0, $0xb8;
	[tilespmem:$0x18200] =	vst v63  }
0x715: {  	_ =	swait.ge [sflag:s15], $0x4000  }
0x716: {  	s21 =	sld [smem:$0x7E0]  }
0x717: {  	[sflag:s15] =	ssyncset.done $0x0  }
0x718: {  	[sflag:s15] =	ssyncadd.s32 $0xFFFFC000  }
0x719: {  	[hbm4b:s21+s3] =	stream.linear.scatter [tilespmem:s14], [sflag:$0x9], $0x4000, $0x38;
	[tilespmem:$0x18200] =	vst v63  }
0x71a: {  	_ =	swait.ge [sflag:s29], $0x4000  }
0x71b: {  	[sflag:s29] =	ssyncset.done $0x0  }
0x71c: {  	[sflag:s29] =	ssyncadd.s32 $0xFFFFC000  }
0x71d: {  	v54 =	vld.msk [tilespmem:$0x1D8], $0xff;
	_ =	sdelay $0x4  }
0x71e: {  	v55 =	vshll.u32 v54, $0x4  }
0x71f: {  	v34 =	vand.u32 $0x7, v54;
	v35 =	vand.u32 $0xFFFFFF80, v55  }
0x720: {  	v34 =	vor.u32 v34, v35  }
0x721: {  	v34 =	vperm.xlane v34, v32;
	_ =	sdelay $0x1  }
0x722: {  	v34 =	vadd.s32 v33, v34;
	_ =	sdelay $0x4  }
0x723: {  	[tilespmem:s28], [sflag:$0x6] =	stream.indirect_vreg.gather [hbm4b:s2+s3], $0x80, v34, vm0, $0xb8;
	[tilespmem:$0x18200] =	vst v63  }
0x724: {  	s24 =	simm.s32 $0x14A00  }
0x725: {  	[tilespmem:s24], [sflag:$0x6] =	stream.indirect_vreg.gather [hbm4b:s6+s3], $0x80, v34, vm0, $0xb8;
	[tilespmem:$0x18200] =	vst v63  }
0x726: {  	s30 =	simm.s32 $0x15200  }
0x727: {  	[tilespmem:s30], [sflag:$0x6] =	stream.indirect_vreg.gather [hbm4b:s7+s3], $0x80, v34, vm0, $0xb8;
	[tilespmem:$0x18200] =	vst v63  }
0x728: {  	s23 =	simm.s32 $0x15A00  }
0x729: {  	[tilespmem:s23], [sflag:$0x6] =	stream.indirect_vreg.gather [hbm4b:s8+s3], $0x80, v34, vm0, $0xb8;
	[tilespmem:$0x18200] =	vst v63  }
0x72a: {  	s24 =	simm.s32 $0x16200  }
0x72b: {  	[tilespmem:s24], [sflag:$0x6] =	stream.indirect_vreg.gather [hbm4b:s9+s3], $0x80, v34, vm0, $0xb8;
	[tilespmem:$0x18200] =	vst v63  }
0x72c: {  	s30 =	simm.s32 $0x16A00  }
0x72d: {  	[tilespmem:s30], [sflag:$0x6] =	stream.indirect_vreg.gather [hbm4b:s10+s3], $0x80, v34, vm0, $0xb8;
	[tilespmem:$0x18200] =	vst v63  }
0x72e: {  	s23 =	simm.s32 $0x17200  }
0x72f: {  	[tilespmem:s23], [sflag:$0x6] =	stream.indirect_vreg.gather [hbm4b:s11+s3], $0x80, v34, vm0, $0xb8;
	[tilespmem:$0x18200] =	vst v63  }
0x730: {  	s24 =	simm.s32 $0x17A00  }
0x731: {  	[tilespmem:s24], [sflag:$0x6] =	stream.indirect_vreg.gather [hbm4b:s12+s3], $0x80, v34, vm0, $0xb8;
	[tilespmem:$0x18200] =	vst v63  }
0x732: {  	_ =	swait.ge [sflag:s4], $0x4000  }
0x733: {  	s30 =	sld [smem:$0x7E1]  }
0x734: {  	[sflag:s4] =	ssyncset.done $0x0  }
0x735: {  	[sflag:s4] =	ssyncadd.s32 $0xFFFFC000  }
0x736: {  	[hbm4b:s30+s3] =	stream.linear.scatter [tilespmem:s5], [sflag:$0xA], $0x4000, $0x38;
	[tilespmem:$0x18200] =	vst v63  }
0x737: {  	_ =	swait.ge [sflag:s16], $0x4000  }
0x738: {  	[sflag:s16] =	ssyncset.done $0x0  }
0x739: {  	[sflag:s16] =	ssyncadd.s32 $0xFFFFC000  }
0x73a: {  	v56 =	vld.msk [tilespmem:$0x1E0], $0xff;
	_ =	sdelay $0x4  }
0x73b: {  	v57 =	vshll.u32 v56, $0x4  }
0x73c: {  	v34 =	vand.u32 $0x7, v56;
	v35 =	vand.u32 $0xFFFFFF80, v57  }
0x73d: {  	v34 =	vor.u32 v34, v35  }
0x73e: {  	v34 =	vperm.xlane v34, v32;
	_ =	sdelay $0x1  }
0x73f: {  	v34 =	vadd.s32 v33, v34;
	_ =	sdelay $0x4  }
0x740: {  	[tilespmem:s22], [sflag:$0x1] =	stream.indirect_vreg.gather [hbm4b:s2+s3], $0x80, v34, vm0, $0xb8;
	[tilespmem:$0x18200] =	vst v63  }
0x741: {  	s21 =	simm.s32 $0xA00  }
0x742: {  	[tilespmem:s21], [sflag:$0x1] =	stream.indirect_vreg.gather [hbm4b:s6+s3], $0x80, v34, vm0, $0xb8;
	[tilespmem:$0x18200] =	vst v63  }
0x743: {  	s23 =	simm.s32 $0x1200  }
0x744: {  	[tilespmem:s23], [sflag:$0x1] =	stream.indirect_vreg.gather [hbm4b:s7+s3], $0x80, v34, vm0, $0xb8;
	[tilespmem:$0x18200] =	vst v63  }
0x745: {  	s24 =	simm.s32 $0x1A00  }
0x746: {  	[tilespmem:s24], [sflag:$0x1] =	stream.indirect_vreg.gather [hbm4b:s8+s3], $0x80, v34, vm0, $0xb8;
	[tilespmem:$0x18200] =	vst v63  }
0x747: {  	s30 =	simm.s32 $0x2200  }
0x748: {  	[tilespmem:s30], [sflag:$0x1] =	stream.indirect_vreg.gather [hbm4b:s9+s3], $0x80, v34, vm0, $0xb8;
	[tilespmem:$0x18200] =	vst v63  }
0x749: {  	s23 =	simm.s32 $0x2A00  }
0x74a: {  	[tilespmem:s23], [sflag:$0x1] =	stream.indirect_vreg.gather [hbm4b:s10+s3], $0x80, v34, vm0, $0xb8;
	[tilespmem:$0x18200] =	vst v63  }
0x74b: {  	s24 =	simm.s32 $0x3200  }
0x74c: {  	[tilespmem:s24], [sflag:$0x1] =	stream.indirect_vreg.gather [hbm4b:s11+s3], $0x80, v34, vm0, $0xb8;
	[tilespmem:$0x18200] =	vst v63  }
0x74d: {  	s30 =	simm.s32 $0x3A00  }
0x74e: {  	[tilespmem:s30], [sflag:$0x1] =	stream.indirect_vreg.gather [hbm4b:s12+s3], $0x80, v34, vm0, $0xb8;
	[tilespmem:$0x18200] =	vst v63  }
0x74f: {  	s5 =	sld [smem:$0x7C5];
	_ =	swait.ge [sflag:s13], $0x4000  }
0x750: {  	s21 =	sld [smem:$0x7E2]  }
0x751: {  	[sflag:s13] =	ssyncset.done $0x0  }
0x752: {  	[sflag:s13] =	ssyncadd.s32 $0xFFFFC000  }
0x753: {  	[hbm4b:s21+s3] =	stream.linear.scatter [tilespmem:s17], [sflag:$0xB], $0x4000, $0x38;
	[tilespmem:$0x18200] =	vst v63  }
0x754: {  	_ =	swait.ge [sflag:s18], $0x4000  }
0x755: {  	[sflag:s18] =	ssyncset.done $0x0  }
0x756: {  	[sflag:s18] =	ssyncadd.s32 $0xFFFFC000  }
0x757: {  	v58 =	vld.msk [tilespmem:$0x1E8], $0xff;
	_ =	sdelay $0x4  }
0x758: {  	v59 =	vshll.u32 v58, $0x4  }
0x759: {  	v34 =	vand.u32 $0x7, v58;
	v35 =	vand.u32 $0xFFFFFF80, v59  }
0x75a: {  	v34 =	vor.u32 v34, v35  }
0x75b: {  	v34 =	vperm.xlane v34, v32;
	_ =	sdelay $0x1  }
0x75c: {  	v34 =	vadd.s32 v33, v34;
	_ =	sdelay $0x4  }
0x75d: {  	[tilespmem:s25], [sflag:$0x2] =	stream.indirect_vreg.gather [hbm4b:s2+s3], $0x80, v34, vm0, $0xb8;
	[tilespmem:$0x18200] =	vst v63  }
0x75e: {  	s24 =	simm.s32 $0x4A00  }
0x75f: {  	[tilespmem:s24], [sflag:$0x2] =	stream.indirect_vreg.gather [hbm4b:s6+s3], $0x80, v34, vm0, $0xb8;
	[tilespmem:$0x18200] =	vst v63  }
0x760: {  	s30 =	simm.s32 $0x5200  }
0x761: {  	[tilespmem:s30], [sflag:$0x2] =	stream.indirect_vreg.gather [hbm4b:s7+s3], $0x80, v34, vm0, $0xb8;
	[tilespmem:$0x18200] =	vst v63  }
0x762: {  	s17 =	simm.s32 $0x5A00  }
0x763: {  	[tilespmem:s17], [sflag:$0x2] =	stream.indirect_vreg.gather [hbm4b:s8+s3], $0x80, v34, vm0, $0xb8;
	[tilespmem:$0x18200] =	vst v63  }
0x764: {  	s21 =	simm.s32 $0x6200  }
0x765: {  	[tilespmem:s21], [sflag:$0x2] =	stream.indirect_vreg.gather [hbm4b:s9+s3], $0x80, v34, vm0, $0xb8;
	[tilespmem:$0x18200] =	vst v63  }
0x766: {  	s23 =	simm.s32 $0x6A00  }
0x767: {  	[tilespmem:s23], [sflag:$0x2] =	stream.indirect_vreg.gather [hbm4b:s10+s3], $0x80, v34, vm0, $0xb8;
	[tilespmem:$0x18200] =	vst v63  }
0x768: {  	s24 =	simm.s32 $0x7200  }
0x769: {  	[tilespmem:s24], [sflag:$0x2] =	stream.indirect_vreg.gather [hbm4b:s11+s3], $0x80, v34, vm0, $0xb8;
	[tilespmem:$0x18200] =	vst v63  }
0x76a: {  	s30 =	simm.s32 $0x7A00  }
0x76b: {  	[tilespmem:s30], [sflag:$0x2] =	stream.indirect_vreg.gather [hbm4b:s12+s3], $0x80, v34, vm0, $0xb8;
	[tilespmem:$0x18200] =	vst v63  }
0x76c: {  	_ =	swait.ge [sflag:s20], $0x4000  }
0x76d: {  	s17 =	sld [smem:$0x7E3]  }
0x76e: {  	[sflag:s20] =	ssyncset.done $0x0  }
0x76f: {  	[sflag:s20] =	ssyncadd.s32 $0xFFFFC000  }
0x770: {  	[hbm4b:s17+s3] =	stream.linear.scatter [tilespmem:s28], [sflag:$0xC], $0x4000, $0x38;
	[tilespmem:$0x18200] =	vst v63  }
0x771: {  	_ =	swait.ge [sflag:s19], $0x4000  }
0x772: {  	[sflag:s19] =	ssyncset.done $0x0  }
0x773: {  	[sflag:s19] =	ssyncadd.s32 $0xFFFFC000  }
0x774: {  	v60 =	vld.msk [tilespmem:$0x1F0], $0xff;
	_ =	sdelay $0x4  }
0x775: {  	v61 =	vshll.u32 v60, $0x4  }
0x776: {  	v34 =	vand.u32 $0x7, v60;
	v35 =	vand.u32 $0xFFFFFF80, v61  }
0x777: {  	v34 =	vor.u32 v34, v35  }
0x778: {  	v34 =	vperm.xlane v34, v32;
	_ =	sdelay $0x1  }
0x779: {  	v34 =	vadd.s32 v33, v34;
	_ =	sdelay $0x4  }
0x77a: {  	[tilespmem:s14], [sflag:$0x3] =	stream.indirect_vreg.gather [hbm4b:s2+s3], $0x80, v34, vm0, $0xb8;
	[tilespmem:$0x18200] =	vst v63  }
0x77b: {  	s21 =	simm.s32 $0x8A00  }
0x77c: {  	[tilespmem:s21], [sflag:$0x3] =	stream.indirect_vreg.gather [hbm4b:s6+s3], $0x80, v34, vm0, $0xb8;
	[tilespmem:$0x18200] =	vst v63  }
0x77d: {  	s23 =	simm.s32 $0x9200  }
0x77e: {  	[tilespmem:s23], [sflag:$0x3] =	stream.indirect_vreg.gather [hbm4b:s7+s3], $0x80, v34, vm0, $0xb8;
	[tilespmem:$0x18200] =	vst v63  }
0x77f: {  	s24 =	simm.s32 $0x9A00  }
0x780: {  	[tilespmem:s24], [sflag:$0x3] =	stream.indirect_vreg.gather [hbm4b:s8+s3], $0x80, v34, vm0, $0xb8;
	[tilespmem:$0x18200] =	vst v63  }
0x781: {  	s28 =	simm.s32 $0xA200  }
0x782: {  	[tilespmem:s28], [sflag:$0x3] =	stream.indirect_vreg.gather [hbm4b:s9+s3], $0x80, v34, vm0, $0xb8;
	[tilespmem:$0x18200] =	vst v63  }
0x783: {  	s30 =	simm.s32 $0xAA00  }
0x784: {  	[tilespmem:s30], [sflag:$0x3] =	stream.indirect_vreg.gather [hbm4b:s10+s3], $0x80, v34, vm0, $0xb8;
	[tilespmem:$0x18200] =	vst v63  }
0x785: {  	s17 =	simm.s32 $0xB200  }
0x786: {  	[tilespmem:s17], [sflag:$0x3] =	stream.indirect_vreg.gather [hbm4b:s11+s3], $0x80, v34, vm0, $0xb8;
	[tilespmem:$0x18200] =	vst v63  }
0x787: {  	s20 =	simm.s32 $0xBA00  }
0x788: {  	[tilespmem:s20], [sflag:$0x3] =	stream.indirect_vreg.gather [hbm4b:s12+s3], $0x80, v34, vm0, $0xb8;
	[tilespmem:$0x18200] =	vst v63  }
0x789: {  	_ =	swait.ge [sflag:s31], $0x4000  }
0x78a: {  	s21 =	sld [smem:$0x7E4]  }
0x78b: {  	[sflag:s31] =	ssyncset.done $0x0  }
0x78c: {  	[sflag:s31] =	ssyncadd.s32 $0xFFFFC000  }
0x78d: {  	[hbm4b:s21+s3] =	stream.linear.scatter [tilespmem:s22], [sflag:$0x7], $0x4000, $0x38;
	[tilespmem:$0x18200] =	vst v63  }
0x78e: {  	_ =	swait.ge [sflag:s0], $0x4000  }
0x78f: {  	[sflag:s0] =	ssyncset.done $0x0  }
0x790: {  	[sflag:s0] =	ssyncadd.s32 $0xFFFFC000  }
0x791: {  	v62 =	vld.msk [tilespmem:$0x1F8], $0xff;
	_ =	sdelay $0x4  }
0x792: {  	v63 =	vshll.u32 v62, $0x4  }
0x793: {  	v34 =	vand.u32 $0x7, v62;
	v35 =	vand.u32 $0xFFFFFF80, v63  }
0x794: {  	v34 =	vor.u32 v34, v35  }
0x795: {  	v34 =	vperm.xlane v34, v32;
	_ =	sdelay $0x1  }
0x796: {  	v34 =	vadd.s32 v33, v34;
	_ =	sdelay $0x3  }
0x797: {  	s13 =	simm.s32 $0xC200  }
0x798: {  	[tilespmem:s13], [sflag:$0x4] =	stream.indirect_vreg.gather [hbm4b:s2+s3], $0x80, v34, vm0, $0xb8;
	[tilespmem:$0x18200] =	vst v63  }
0x799: {  	s24 =	simm.s32 $0xCA00  }
0x79a: {  	[tilespmem:s24], [sflag:$0x4] =	stream.indirect_vreg.gather [hbm4b:s6+s3], $0x80, v34, vm0, $0xb8;
	[tilespmem:$0x18200] =	vst v63  }
0x79b: {  	s28 =	simm.s32 $0xD200  }
0x79c: {  	[tilespmem:s28], [sflag:$0x4] =	stream.indirect_vreg.gather [hbm4b:s7+s3], $0x80, v34, vm0, $0xb8;
	[tilespmem:$0x18200] =	vst v63  }
0x79d: {  	s30 =	simm.s32 $0xDA00  }
0x79e: {  	[tilespmem:s30], [sflag:$0x4] =	stream.indirect_vreg.gather [hbm4b:s8+s3], $0x80, v34, vm0, $0xb8;
	[tilespmem:$0x18200] =	vst v63  }
0x79f: {  	s20 =	simm.s32 $0xE200  }
0x7a0: {  	[tilespmem:s20], [sflag:$0x4] =	stream.indirect_vreg.gather [hbm4b:s9+s3], $0x80, v34, vm0, $0xb8;
	[tilespmem:$0x18200] =	vst v63  }
0x7a1: {  	s21 =	simm.s32 $0xEA00  }
0x7a2: {  	[tilespmem:s21], [sflag:$0x4] =	stream.indirect_vreg.gather [hbm4b:s10+s3], $0x80, v34, vm0, $0xb8;
	[tilespmem:$0x18200] =	vst v63  }
0x7a3: {  	s22 =	simm.s32 $0xF200  }
0x7a4: {  	[tilespmem:s22], [sflag:$0x4] =	stream.indirect_vreg.gather [hbm4b:s11+s3], $0x80, v34, vm0, $0xb8;
	[tilespmem:$0x18200] =	vst v63  }
0x7a5: {  	s23 =	simm.s32 $0xFA00  }
0x7a6: {  	[tilespmem:s23], [sflag:$0x4] =	stream.indirect_vreg.gather [hbm4b:s12+s3], $0x80, v34, vm0, $0xb8;
	[tilespmem:$0x18200] =	vst v63  }
0x7a7: {  	_ =	swait.ge [sflag:s1], $0x4000  }
0x7a8: {  	s24 =	sld [smem:$0x7E5]  }
0x7a9: {  	[sflag:s1] =	ssyncset.done $0x0  }
0x7aa: {  	[sflag:s1] =	ssyncadd.s32 $0xFFFFC000  }
0x7ab: {  	[hbm4b:s24+s3] =	stream.linear.scatter [tilespmem:s25], [sflag:$0x8], $0x4000, $0x38;
	[tilespmem:$0x18200] =	vst v63  }
0x7ac: {  	_ =	swait.ge [sflag:s15], $0x4000  }
0x7ad: {  	s28 =	sld [smem:$0x7E6]  }
0x7ae: {  	[sflag:s15] =	ssyncset.done $0x0  }
0x7af: {  	[sflag:s15] =	ssyncadd.s32 $0xFFFFC000  }
0x7b0: {  	[hbm4b:s28+s3] =	stream.linear.scatter [tilespmem:s14], [sflag:$0x9], $0x4000, $0x38;
	[tilespmem:$0x18200] =	vst v63  }
0x7b1: {  	_ =	swait.ge [sflag:s4], $0x4000  }
0x7b2: {  	s30 =	sld [smem:$0x7E8]  }
0x7b3: {  	[sflag:s4] =	ssyncset.done $0x0  }
0x7b4: {  	[sflag:s4] =	ssyncadd.s32 $0xFFFFC000  }
0x7b5: {  	[hbm4b:s30+s3] =	stream.linear.scatter [tilespmem:s13], [sflag:$0xA], $0x4000, $0x38;
	[tilespmem:$0x18200] =	vst v63  }
0x7b6: {  	_ =	swait.ge [sflag:s26], $0x4000  }
0x7b7: {  	[sflag:s26] =	ssyncset.done $0x0  }
0x7b8: {  	[sflag:s26] =	ssyncadd.s32 $0xFFFFC000  }
0x7b9: {  	_ =	swait.ge [sflag:s29], $0x4000  }
0x7ba: {  	[sflag:s29] =	ssyncset.done $0x0  }
0x7bb: {  	[sflag:s29] =	ssyncadd.s32 $0xFFFFC000  }
0x7bc: {  	_ =	swait.ge [sflag:s16], $0x4000  }
0x7bd: {  	[sflag:s16] =	ssyncset.done $0x0  }
0x7be: {  	[sflag:s16] =	ssyncadd.s32 $0xFFFFC000  }
0x7bf: {  	_ =	swait.ge [sflag:s18], $0x4000  }
0x7c0: {  	[sflag:s18] =	ssyncset.done $0x0  }
0x7c1: {  	[sflag:s18] =	ssyncadd.s32 $0xFFFFC000  }
0x7c2: {  	p0 =	sne.s32 s5, $0x1;
	_ =	swait.ge [sflag:s19], $0x4000  }
.Ltmp0:
0x7c3: {  	[sflag:s19] =	ssyncset.done $0x0;
	(pc) =	sbr.rel @p0 .LBB2_1-.Ltmp0, $4  }
0x7c4: {  	[sflag:s19] =	ssyncadd.s32 $0xFFFFC000  }
0x7c5: {  	_ =	swait.ge [sflag:s0], $0x4000  }
0x7c6: {  	[sflag:s0] =	ssyncset.done $0x0  }
0x7c7: {  	s5 =	sadd.s32 $0xFFFFFFFF, s5;
	[sflag:s0] =	ssyncadd.s32 $0xFFFFC000  }
0x7c8: {  	_ =	sfence.sel $0x180000  }
0x7c9: {  	[bflag:$0x0] =	sbarrier.arrive $0xFFFF  }
0x7ca: {  	_ =	strace $0x90000047  }
0x7cb: {  	s0 =	stileid.u32;
	[bflag:$0x2] =	sbarrier.arrive $0xFFFF  }
0x7cc: {  	p0 =	sne.s32 s0, $0x0;
	s0 =	rddreg [dreg:$0x2]  }
0x7cd: {  	s0 =	sadd.s32 @!p0 $0x100000, s0  }
0x7ce: {  	[sflag:s0] =	ssyncadd.tile.s32 @!p0 $0x1;
	_ =	shalt  }
.Lfunc_end2:
_tile_overlayer_lowered:
.L_overlay_start_2:
0x7cf: {  	(tag) =	ssettag $0x2  }
0x7d0: {  	s0 =	rddreg [dreg:$0x0];
	s2 =	stileid.u32  }
0x7d1: {  	s1 =	rddreg [dreg:$0x1];
	p0 =	sne.s32 s2, $0x0  }
0x7d2: {  	s3 =	rddreg [dreg:$0x2];
	[bflag:$0x3] =	sbarrier.arrive $0xFFFF;
	s2 =	simm.s32 @!p0 $0x1C0D  }
0x7d3: {  	[timem:s3], [sflag:s2] =	dma.local @!p0 [hbm:s0], s1  }
0x7d4: {  	s0 =	simm.s32 @!p0 $0xD  }
0x7d5: {  	_ =	swait.ge @!p0 [sflag:s0], s1  }
0x7d6: {  	s1 =	ssub.s32 @!p0 $0x0, s1;
	[sflag:s0] =	ssyncset.done @!p0 $0x0  }
0x7d7: {  	[sflag:s0] =	ssyncadd.s32 @!p0 s1  }
0x7d8: {  	[bflag:$0x3] =	sbarrier.arrive $0xFFFF  }
0x7d9: {  	_ =	shalt  }

</sc_bundles>
